<compile_context>
chip_gen: v7x
topology: tpu7x:2x2x1
jax: 0.10.2.dev20260603
libtpu: 0.0.44.dev20260713+nightly
codegen_flags: <defaults>
</compile_context>

<pallas_src>
import jax
import jax.numpy as jnp
from jax import lax
from jax.experimental import pallas as pl
from jax.experimental.pallas import tpu as pltpu
from jax.experimental.pallas import tpu_sc as plsc

NC = 2
NS = 16
NW = NC * NS
LANES = 16

C = 2000
VITERS = C // LANES

_MAGIC = 0x5F3759DF


def _rsqrt(x):
    xi = lax.bitcast_convert_type(x, jnp.int32)
    y = lax.bitcast_convert_type(
        jnp.int32(_MAGIC) - lax.shift_right_logical(xi, 1), jnp.float32)
    for _ in range(3):
        y = y * (1.5 - 0.5 * x * y * y)
    return y


def _beam_body(*refs):
    (tdx, tdy, tth, tcx, tcz, na1, nb1, p_e, p_a, p_i, z1) = refs[:11]
    outs_o = refs[11:32]
    (p0x_o, p0y_o, p0z_o, p1x_o, p1y_o, p1z_o) = refs[32:38]
    scr = refs[38:]
    ins = [list(scr[s * 15:(s + 1) * 15]) for s in range(2)]
    outs = list(scr[30:49])
    accx, accy, accz = scr[49:52]
    sem_lin, sem_gat, sem_out, sem_sc = scr[52:56]

    core = lax.axis_index("c")
    sub = lax.axis_index("s")
    wid = sub * NC + core
    n_edges = outs_o[0].shape[0]
    cpw = n_edges // (NW * C)
    assert cpw % 2 == 1 and cpw >= 3

    tables = (tdx, tdy, tth, tcx, tcz)

    def lin_pairs(ck, s):
        sl = pl.ds((wid * cpw + ck) * C, C)
        bufs = ins[s]
        return [(na1.at[sl], bufs[0]), (nb1.at[sl], bufs[1]),
                (p_e.at[sl], bufs[2]), (p_a.at[sl], bufs[3]),
                (p_i.at[sl], bufs[4])]

    def gat_pairs(s):
        bufs = ins[s]
        prs = [(tab.at[bufs[0]], bufs[5 + t]) for t, tab in enumerate(tables)]
        prs += [(tab.at[bufs[1]], bufs[10 + t]) for t, tab in enumerate(tables)]
        return prs

    def out_pairs(ck, s):
        sl = pl.ds((wid * cpw + ck) * C, C)
        prs = [(buf, ref.at[sl]) for buf, ref in zip(outs, (
            outs_o[0], outs_o[1], outs_o[2], outs_o[3], outs_o[4], outs_o[5],
            outs_o[6], outs_o[7], outs_o[8], outs_o[9],
            outs_o[10], outs_o[11], outs_o[13], outs_o[14],
            outs_o[16], outs_o[17], outs_o[18], outs_o[19], outs_o[20]))]
        prs += [(ins[s][7], outs_o[12].at[sl]),
                (ins[s][12], outs_o[15].at[sl])]
        return prs

    def sc_pairs(s):
        ia, ib = ins[s][0], ins[s][1]
        return [(outs[6], accx.at[ia]), (outs[7], accy.at[ia]),
                (outs[2], accz.at[ia]), (outs[8], accx.at[ib]),
                (outs[9], accy.at[ib]), (outs[5], accz.at[ib])]

    def issue(pairs, sem, add=False):
        for src, dst in pairs:
            pltpu.async_copy(src, dst, sem, add=add)

    def drain(pairs, sem):
        for src, dst in pairs:
            pltpu.make_async_copy(src, dst, sem).wait()

    def compute(s):
        bufs = ins[s]
        (f0_v, f1_v, f2_v, f3_v, f4_v, f5_v, g0_v, g1_v, g3_v, g4_v,
         ua_v, wa_v, ub_v, wb_v, ul_v, phi_v, l0_v, cc_v, ss_v) = outs

        def vec(i, _):
            sl = pl.ds(i * LANES, LANES)
            d_ax = bufs[5][sl]
            d_ay = bufs[6][sl]
            ta = bufs[7][sl]
            cax = bufs[8][sl]
            caz = bufs[9][sl]
            d_bx = bufs[10][sl]
            d_by = bufs[11][sl]
            tb = bufs[12][sl]
            cbx = bufs[13][sl]
            cbz = bufs[14][sl]
            pe = bufs[2][sl]
            pa = bufs[3][sl]
            pi = bufs[4][sl]

            dx0 = cbx - cax
            dz0 = cbz - caz
            x = dx0 * dx0 + dz0 * dz0
            rl = _rsqrt(x)
            l0 = x * rl
            cv = dx0 * rl
            sv = dz0 * rl
            ea = pe * pa
            ei = pe * pi
            ua = cv * d_ax + sv * d_ay
            wa = cv * d_ay - sv * d_ax
            ub = cv * d_bx + sv * d_by
            wb = cv * d_by - sv * d_bx
            rl2 = rl * rl
            rl3 = rl2 * rl
            f0 = ea * rl * (ua - ub)
            wab = wa - wb
            eil3 = ei * rl3
            eil2 = ei * rl2
            eil = ei * rl
            f1 = 12.0 * eil3 * wab + 6.0 * eil2 * (ta + tb)
            f2 = 6.0 * eil2 * wab + eil * (4.0 * ta + 2.0 * tb)
            f5 = 6.0 * eil2 * wab + eil * (2.0 * ta + 4.0 * tb)
            f3 = -f0
            f4 = -f1
            g0 = cv * f0 - sv * f1
            g1 = sv * f0 + cv * f1
            g3 = -g0
            g4 = -g1

            f0_v[sl] = f0
            f1_v[sl] = f1
            f2_v[sl] = f2
            f3_v[sl] = f3
            f4_v[sl] = f4
            f5_v[sl] = f5
            g0_v[sl] = g0
            g1_v[sl] = g1
            g3_v[sl] = g3
            g4_v[sl] = g4
            ua_v[sl] = ua
            wa_v[sl] = wa
            ub_v[sl] = ub
            wb_v[sl] = wb
            ul_v[sl] = ub - ua
            phi_v[sl] = (wb - wa) * rl
            l0_v[sl] = l0
            cc_v[sl] = cv
            ss_v[sl] = sv
            return 0

        lax.fori_loop(0, VITERS, vec, 0)

    @pl.when(sub == 0)
    def _zero():
        pltpu.sync_copy(z1, accx)
        pltpu.sync_copy(z1, accy)
        pltpu.sync_copy(z1, accz)

    plsc.subcore_barrier()

    issue(lin_pairs(0, 0), sem_lin)
    drain(lin_pairs(0, 0), sem_lin)
    issue(gat_pairs(0), sem_gat)
    issue(lin_pairs(1, 1), sem_lin)
    drain(gat_pairs(0), sem_gat)
    compute(0)
    issue(out_pairs(0, 0), sem_out)
    issue(sc_pairs(0), sem_sc, add=True)
    drain(lin_pairs(1, 1), sem_lin)
    issue(gat_pairs(1), sem_gat)

    def body(k, _):
        j1 = 2 * k + 1
        j2 = 2 * k + 2
        drain(out_pairs(j1 - 1, 0), sem_out)
        drain(sc_pairs(0), sem_sc)
        issue(lin_pairs(j2, 0), sem_lin)
        drain(gat_pairs(1), sem_gat)
        compute(1)
        issue(out_pairs(j1, 1), sem_out)
        issue(sc_pairs(1), sem_sc, add=True)
        drain(lin_pairs(j2, 0), sem_lin)
        issue(gat_pairs(0), sem_gat)
        drain(out_pairs(j1, 1), sem_out)
        drain(sc_pairs(1), sem_sc)

        @pl.when(k < (cpw - 3) // 2)
        def _pref():
            issue(lin_pairs(j2 + 1, 1), sem_lin)

        drain(gat_pairs(0), sem_gat)
        compute(0)
        issue(out_pairs(j2, 0), sem_out)
        issue(sc_pairs(0), sem_sc, add=True)

        @pl.when(k < (cpw - 3) // 2)
        def _gat():
            drain(lin_pairs(j2 + 1, 1), sem_lin)
            issue(gat_pairs(1), sem_gat)

        return 0

    lax.fori_loop(0, (cpw - 1) // 2, body, 0)
    drain(out_pairs(cpw - 1, 0), sem_out)
    drain(sc_pairs(0), sem_sc)

    plsc.subcore_barrier()

    @pl.when(jnp.logical_and(sub == 0, core == 0))
    def _out0():
        pltpu.sync_copy(accx, p0x_o)
        pltpu.sync_copy(accy, p0y_o)
        pltpu.sync_copy(accz, p0z_o)

    @pl.when(jnp.logical_and(sub == 0, core == 1))
    def _out1():
        pltpu.sync_copy(accx, p1x_o)
        pltpu.sync_copy(accy, p1y_o)
        pltpu.sync_copy(accz, p1z_o)


def kernel(pred_disp, coords, prop_E, prop_A, prop_I22, connectivity):
    n_nodes = pred_disp.shape[0]
    n_edges = connectivity.shape[0]
    assert n_edges % (NW * C) == 0

    f32 = jnp.float32
    tdx = pred_disp[:, 0].astype(f32)
    tdy = pred_disp[:, 1].astype(f32)
    tth = pred_disp[:, 2].astype(f32)
    tcx = coords[:, 0].astype(f32)
    tcz = coords[:, 2].astype(f32)
    na1 = connectivity[:, 0].astype(jnp.int32)
    nb1 = connectivity[:, 1].astype(jnp.int32)
    z1 = jnp.zeros((n_nodes,), f32)

    e1 = jax.ShapeDtypeStruct((n_edges,), f32)
    n1 = jax.ShapeDtypeStruct((n_nodes,), f32)
    out_type = (e1,) * 21 + (n1,) * 6

    set_bufs = ([pltpu.VMEM((C,), jnp.int32)] * 2 +
                [pltpu.VMEM((C,), f32)] * 3 +
                [pltpu.VMEM((C,), f32)] * 10)
    scratch = (
        set_bufs + set_bufs +
        [pltpu.VMEM((C,), f32)] * 19 +
        [pltpu.VMEM_SHARED((n_nodes,), f32)] * 3 +
        [pltpu.SemaphoreType.DMA] * 4
    )

    mesh = plsc.VectorSubcoreMesh(core_axis_name="c", subcore_axis_name="s",
                                  num_cores=NC, num_subcores=NS)
    run = pl.kernel(_beam_body, out_type=out_type, mesh=mesh,
                    scratch_types=scratch,
                    compiler_params=pltpu.CompilerParams(
                        needs_layout_passes=False))
    (f0, f1, f2, f3, f4, f5, g0, g1, g3, g4,
     ua, wa, ta, ub, wb, tb, u_l, phi, l0, cc, ss,
     p0x, p0y, p0z, p1x, p1y, p1z) = run(
         tdx, tdy, tth, tcx, tcz, na1, nb1,
         prop_E.astype(f32), prop_A.astype(f32), prop_I22.astype(f32), z1)

    f_local = jnp.stack([f0, f1, f2, f3, f4, f5], axis=1)
    f_global = jnp.stack([g0, g1, f2, g3, g4, f5], axis=1)
    d_local = jnp.stack([ua, wa, ta, ub, wb, tb], axis=1)
    f_ga = jnp.stack([g0, g1, f2], axis=1)
    f_gb = jnp.stack([g3, g4, f5], axis=1)
    nodal_forces = jnp.stack([p0x + p1x, p0y + p1y, p0z + p1z], axis=1)
    return (f3, f2, f5, f4, f_ga, f_gb, nodal_forces,
            f_local, f_global, d_local, u_l, ta, tb,
            phi, l0, cc, ss)

# --- scband reference (transcript-rebuilt; emitter-appended) ---
"""Pipeline reference for scband-corotational-beam2-d-12146167513813 (READ-ONLY COPY).

The authoritative reference and input builder live on the scoring server;
editing this copy changes nothing except your own understanding.
"""

import jax, jax.numpy as jnp
import numpy as np

N_NODES = 100000
N_EDGES = 1600000

def setup_inputs(seed: int = 0) -> dict:
    key = jax.random.key(seed)
    k1, k2, k3, k4, k5, k6, k7 = jax.random.split(key, 7)
    pred_disp = jax.random.normal(k1, (N_NODES, 3), dtype=jnp.float32) * 0.01
    coords = jax.random.uniform(k2, (N_NODES, 3), dtype=jnp.float32) * 100.0
    nA = jax.random.randint(k3, (N_EDGES,), 0, N_NODES)
    off = jax.random.randint(k4, (N_EDGES,), 0, N_NODES - 1)
    nB = (nA + 1 + off) % N_NODES  # guarantees nA != nB so l0 > 0
    connectivity = jnp.stack([nA, nB], axis=1)
    prop_E = jax.random.uniform(k5, (N_EDGES,), dtype=jnp.float32, minval=0.5, maxval=1.5) * 2.1e2
    prop_A = jax.random.uniform(k6, (N_EDGES,), dtype=jnp.float32, minval=0.5, maxval=1.5) * 1e-2
    prop_I22 = jax.random.uniform(k7, (N_EDGES,), dtype=jnp.float32, minval=0.5, maxval=1.5) * 1e-4
    return {"pred_disp": pred_disp, "coords": coords, "prop_E": prop_E,
            "prop_A": prop_A, "prop_I22": prop_I22, "connectivity": connectivity}

def reference(pred_disp, coords, prop_E, prop_A, prop_I22, connectivity):
    nA = connectivity[:, 0]
    nB = connectivity[:, 1]
    dx0 = coords[nB, 0] - coords[nA, 0]
    dz0 = coords[nB, 2] - coords[nA, 2]
    l0 = jnp.sqrt(dx0 ** 2 + dz0 ** 2)
    c = dx0 / l0
    s = dz0 / l0
    EA = prop_E * prop_A
    EI = prop_E * prop_I22
    dA = jnp.take(pred_disp, nA, axis=0)
    dB = jnp.take(pred_disp, nB, axis=0)
    d_global = jnp.concatenate([dA, dB], axis=1)
    ua = c * d_global[:, 0] + s * d_global[:, 1]
    wa = -s * d_global[:, 0] + c * d_global[:, 1]
    ta = d_global[:, 2]
    ub = c * d_global[:, 3] + s * d_global[:, 4]
    wb = -s * d_global[:, 3] + c * d_global[:, 4]
    tb = d_global[:, 5]
    d_local = jnp.stack([ua, wa, ta, ub, wb, tb], axis=1)
    L = l0
    L2 = l0 * l0
    L3 = L2 * l0
    f0 = EA / L * (ua - ub)
    f1 = 12 * EI / L3 * (wa - wb) + 6 * EI / L2 * (ta + tb)
    f2 = 6 * EI / L2 * (wa - wb) + EI / L * (4 * ta + 2 * tb)
    f3 = EA / L * (ub - ua)
    f4 = 12 * EI / L3 * (wb - wa) - 6 * EI / L2 * (ta + tb)
    f5 = 6 * EI / L2 * (wa - wb) + EI / L * (2 * ta + 4 * tb)
    f_local = jnp.stack([f0, f1, f2, f3, f4, f5], axis=1)
    g0 = c * f0 - s * f1
    g1 = s * f0 + c * f1
    g2 = f2
    g3 = c * f3 - s * f4
    g4 = s * f3 + c * f4
    g5 = f5
    f_global = jnp.stack([g0, g1, g2, g3, g4, g5], axis=1)
    F_global_A = f_global[:, 0:3]
    F_global_B = f_global[:, 3:6]
    N_count = pred_disp.shape[0]
    nodal_forces = jnp.zeros((N_count, 3), dtype=pred_disp.dtype)
    nodal_forces = nodal_forces.at[nA].add(F_global_A)
    nodal_forces = nodal_forces.at[nB].add(F_global_B)
    N_e = f3
    V_e = f4
    M1_e = f2
    M2_e = f5
    u_l = ub - ua
    theta1_l = ta
    theta2_l = tb
    phi = (wb - wa) / l0
    return (N_e, M1_e, M2_e, V_e, F_global_A, F_global_B, nodal_forces,
            f_local, f_global, d_local, u_l, theta1_l, theta2_l, phi, l0, c, s)

if __name__ == "__main__":
    import jax
    _d = setup_inputs()
    print(jax.jit(kernel)(*tuple(_d.values())))

</pallas_src>

<mosaic_0001>
#map = affine_map<(d0, d1) -> (0)>
module attributes {stable_mosaic.version = 14 : i64} {
  func.func @_beam_body(%arg0: i32, %arg1: i32, %arg2: memref<100000xf32, #tpu.memory_space<hbm>>, %arg3: memref<100000xf32, #tpu.memory_space<hbm>>, %arg4: memref<100000xf32, #tpu.memory_space<hbm>>, %arg5: memref<100000xf32, #tpu.memory_space<hbm>>, %arg6: memref<100000xf32, #tpu.memory_space<hbm>>, %arg7: memref<1600000xi32, #tpu.memory_space<hbm>>, %arg8: memref<1600000xi32, #tpu.memory_space<hbm>>, %arg9: memref<1600000xf32, #tpu.memory_space<hbm>>, %arg10: memref<1600000xf32, #tpu.memory_space<hbm>>, %arg11: memref<1600000xf32, #tpu.memory_space<hbm>>, %arg12: memref<100000xf32, #tpu.memory_space<hbm>>, %arg13: memref<1600000xf32, #tpu.memory_space<hbm>>, %arg14: memref<1600000xf32, #tpu.memory_space<hbm>>, %arg15: memref<1600000xf32, #tpu.memory_space<hbm>>, %arg16: memref<1600000xf32, #tpu.memory_space<hbm>>, %arg17: memref<1600000xf32, #tpu.memory_space<hbm>>, %arg18: memref<1600000xf32, #tpu.memory_space<hbm>>, %arg19: memref<1600000xf32, #tpu.memory_space<hbm>>, %arg20: memref<1600000xf32, #tpu.memory_space<hbm>>, %arg21: memref<1600000xf32, #tpu.memory_space<hbm>>, %arg22: memref<1600000xf32, #tpu.memory_space<hbm>>, %arg23: memref<1600000xf32, #tpu.memory_space<hbm>>, %arg24: memref<1600000xf32, #tpu.memory_space<hbm>>, %arg25: memref<1600000xf32, #tpu.memory_space<hbm>>, %arg26: memref<1600000xf32, #tpu.memory_space<hbm>>, %arg27: memref<1600000xf32, #tpu.memory_space<hbm>>, %arg28: memref<1600000xf32, #tpu.memory_space<hbm>>, %arg29: memref<1600000xf32, #tpu.memory_space<hbm>>, %arg30: memref<1600000xf32, #tpu.memory_space<hbm>>, %arg31: memref<1600000xf32, #tpu.memory_space<hbm>>, %arg32: memref<1600000xf32, #tpu.memory_space<hbm>>, %arg33: memref<1600000xf32, #tpu.memory_space<hbm>>, %arg34: memref<100000xf32, #tpu.memory_space<hbm>>, %arg35: memref<100000xf32, #tpu.memory_space<hbm>>, %arg36: memref<100000xf32, #tpu.memory_space<hbm>>, %arg37: memref<100000xf32, #tpu.memory_space<hbm>>, %arg38: memref<100000xf32, #tpu.memory_space<hbm>>, %arg39: memref<100000xf32, #tpu.memory_space<hbm>>, %arg40: memref<2000xi32, #tpu.memory_space<vmem>>, %arg41: memref<2000xi32, #tpu.memory_space<vmem>>, %arg42: memref<2000xf32, #tpu.memory_space<vmem>>, %arg43: memref<2000xf32, #tpu.memory_space<vmem>>, %arg44: memref<2000xf32, #tpu.memory_space<vmem>>, %arg45: memref<2000xf32, #tpu.memory_space<vmem>>, %arg46: memref<2000xf32, #tpu.memory_space<vmem>>, %arg47: memref<2000xf32, #tpu.memory_space<vmem>>, %arg48: memref<2000xf32, #tpu.memory_space<vmem>>, %arg49: memref<2000xf32, #tpu.memory_space<vmem>>, %arg50: memref<2000xf32, #tpu.memory_space<vmem>>, %arg51: memref<2000xf32, #tpu.memory_space<vmem>>, %arg52: memref<2000xf32, #tpu.memory_space<vmem>>, %arg53: memref<2000xf32, #tpu.memory_space<vmem>>, %arg54: memref<2000xf32, #tpu.memory_space<vmem>>, %arg55: memref<2000xi32, #tpu.memory_space<vmem>>, %arg56: memref<2000xi32, #tpu.memory_space<vmem>>, %arg57: memref<2000xf32, #tpu.memory_space<vmem>>, %arg58: memref<2000xf32, #tpu.memory_space<vmem>>, %arg59: memref<2000xf32, #tpu.memory_space<vmem>>, %arg60: memref<2000xf32, #tpu.memory_space<vmem>>, %arg61: memref<2000xf32, #tpu.memory_space<vmem>>, %arg62: memref<2000xf32, #tpu.memory_space<vmem>>, %arg63: memref<2000xf32, #tpu.memory_space<vmem>>, %arg64: memref<2000xf32, #tpu.memory_space<vmem>>, %arg65: memref<2000xf32, #tpu.memory_space<vmem>>, %arg66: memref<2000xf32, #tpu.memory_space<vmem>>, %arg67: memref<2000xf32, #tpu.memory_space<vmem>>, %arg68: memref<2000xf32, #tpu.memory_space<vmem>>, %arg69: memref<2000xf32, #tpu.memory_space<vmem>>, %arg70: memref<2000xf32, #tpu.memory_space<vmem>>, %arg71: memref<2000xf32, #tpu.memory_space<vmem>>, %arg72: memref<2000xf32, #tpu.memory_space<vmem>>, %arg73: memref<2000xf32, #tpu.memory_space<vmem>>, %arg74: memref<2000xf32, #tpu.memory_space<vmem>>, %arg75: memref<2000xf32, #tpu.memory_space<vmem>>, %arg76: memref<2000xf32, #tpu.memory_space<vmem>>, %arg77: memref<2000xf32, #tpu.memory_space<vmem>>, %arg78: memref<2000xf32, #tpu.memory_space<vmem>>, %arg79: memref<2000xf32, #tpu.memory_space<vmem>>, %arg80: memref<2000xf32, #tpu.memory_space<vmem>>, %arg81: memref<2000xf32, #tpu.memory_space<vmem>>, %arg82: memref<2000xf32, #tpu.memory_space<vmem>>, %arg83: memref<2000xf32, #tpu.memory_space<vmem>>, %arg84: memref<2000xf32, #tpu.memory_space<vmem>>, %arg85: memref<2000xf32, #tpu.memory_space<vmem>>, %arg86: memref<2000xf32, #tpu.memory_space<vmem>>, %arg87: memref<2000xf32, #tpu.memory_space<vmem>>, %arg88: memref<2000xf32, #tpu.memory_space<vmem>>, %arg89: memref<100000xf32, #tpu.memory_space<vmem_shared>>, %arg90: memref<100000xf32, #tpu.memory_space<vmem_shared>>, %arg91: memref<100000xf32, #tpu.memory_space<vmem_shared>>, %arg92: memref<!tpu.dma_semaphore, #tpu.memory_space<semaphore_mem>>, %arg93: memref<!tpu.dma_semaphore, #tpu.memory_space<semaphore_mem>>, %arg94: memref<!tpu.dma_semaphore, #tpu.memory_space<semaphore_mem>>, %arg95: memref<!tpu.dma_semaphore, #tpu.memory_space<semaphore_mem>>) attributes {dimension_semantics = [#tpu.dimension_semantics<core_parallel>, #tpu.dimension_semantics<subcore_parallel>], iteration_bounds = array<i64: 2, 16>, scalar_prefetch = 0 : i64, scratch_operands = 56 : i64, tpu.core_type = #tpu.core_type<sc_vector_subcore>, window_params = [{transform_indices = #map}, {transform_indices = #map}, {transform_indices = #map}, {transform_indices = #map}, {transform_indices = #map}, {transform_indices = #map}, {transform_indices = #map}, {transform_indices = #map}, {transform_indices = #map}, {transform_indices = #map}, {transform_indices = #map}, {transform_indices = #map}, {transform_indices = #map}, {transform_indices = #map}, {transform_indices = #map}, {transform_indices = #map}, {transform_indices = #map}, {transform_indices = #map}, {transform_indices = #map}, {transform_indices = #map}, {transform_indices = #map}, {transform_indices = #map}, {transform_indices = #map}, {transform_indices = #map}, {transform_indices = #map}, {transform_indices = #map}, {transform_indices = #map}, {transform_indices = #map}, {transform_indices = #map}, {transform_indices = #map}, {transform_indices = #map}, {transform_indices = #map}, {transform_indices = #map}, {transform_indices = #map}, {transform_indices = #map}, {transform_indices = #map}, {transform_indices = #map}, {transform_indices = #map}]} {
    %mul3A = arith.constant 2 : i32
    %mul3A_0 = arith.muli %arg1, %mul3A : i32
    %add3A = arith.addi %mul3A_0, %arg0 : i32
    %eq3A = arith.constant 0 : i32
    %eq3A_1 = arith.cmpi eq, %arg1, %eq3A : i32
    %convert_element_type3A = arith.extui %eq3A_1 : i1 to i32
    %cond3A = arith.constant 0 : i32
    %cond3A_2 = arith.cmpi ne, %convert_element_type3A, %cond3A : i32
    scf.if %cond3A_2 {
      "tpu.region"() ({
        %run_scoped3A = tpu.sem_alloc : memref<!tpu.dma_semaphore, #tpu.memory_space<semaphore_mem>>
        tpu.enqueue_dma source(%arg12 : memref<100000xf32, #tpu.memory_space<hbm>>) target(%arg89 : memref<100000xf32, #tpu.memory_space<vmem_shared>>) target_semaphore(%run_scoped3A : memref<!tpu.dma_semaphore, #tpu.memory_space<semaphore_mem>>)
        tpu.wait_dma2 semaphore(%run_scoped3A : memref<!tpu.dma_semaphore, #tpu.memory_space<semaphore_mem>>) src(%arg12 : memref<100000xf32, #tpu.memory_space<hbm>>) dst(%arg89 : memref<100000xf32, #tpu.memory_space<vmem_shared>>)
        tpu.yield
      }) : () -> ()
      "tpu.region"() ({
        %run_scoped3A = tpu.sem_alloc : memref<!tpu.dma_semaphore, #tpu.memory_space<semaphore_mem>>
        tpu.enqueue_dma source(%arg12 : memref<100000xf32, #tpu.memory_space<hbm>>) target(%arg90 : memref<100000xf32, #tpu.memory_space<vmem_shared>>) target_semaphore(%run_scoped3A : memref<!tpu.dma_semaphore, #tpu.memory_space<semaphore_mem>>)
        tpu.wait_dma2 semaphore(%run_scoped3A : memref<!tpu.dma_semaphore, #tpu.memory_space<semaphore_mem>>) src(%arg12 : memref<100000xf32, #tpu.memory_space<hbm>>) dst(%arg90 : memref<100000xf32, #tpu.memory_space<vmem_shared>>)
        tpu.yield
      }) : () -> ()
      "tpu.region"() ({
        %run_scoped3A = tpu.sem_alloc : memref<!tpu.dma_semaphore, #tpu.memory_space<semaphore_mem>>
        tpu.enqueue_dma source(%arg12 : memref<100000xf32, #tpu.memory_space<hbm>>) target(%arg91 : memref<100000xf32, #tpu.memory_space<vmem_shared>>) target_semaphore(%run_scoped3A : memref<!tpu.dma_semaphore, #tpu.memory_space<semaphore_mem>>)
        tpu.wait_dma2 semaphore(%run_scoped3A : memref<!tpu.dma_semaphore, #tpu.memory_space<semaphore_mem>>) src(%arg12 : memref<100000xf32, #tpu.memory_space<hbm>>) dst(%arg91 : memref<100000xf32, #tpu.memory_space<vmem_shared>>)
        tpu.yield
      }) : () -> ()
    } else {
    }
    %barrier3A = arith.constant 0 : index
    tpu.barrier barrier_id(%barrier3A)
    %mul3A_3 = arith.constant 25 : i32
    %mul3A_4 = arith.muli %add3A, %mul3A_3 : i32
    %add3A_5 = arith.constant 0 : i32
    %add3A_6 = arith.addi %mul3A_4, %add3A_5 : i32
    %mul3A_7 = arith.constant 2000 : i32
    %mul3A_8 = arith.muli %add3A_6, %mul3A_7 : i32
    %dma_start3A = tpu.memref_slice %arg7[%mul3A_8] : memref<1600000xi32, #tpu.memory_space<hbm>> -> memref<2000xi32, #tpu.memory_space<hbm>>
    %dma_start3A_9 = tpu.memref_slice %arg7[%mul3A_8] : memref<1600000xi32, #tpu.memory_space<hbm>> -> memref<2000xi32, #tpu.memory_space<hbm>>
    tpu.enqueue_dma source(%dma_start3A_9 : memref<2000xi32, #tpu.memory_space<hbm>>) target(%arg40 : memref<2000xi32, #tpu.memory_space<vmem>>) target_semaphore(%arg92 : memref<!tpu.dma_semaphore, #tpu.memory_space<semaphore_mem>>)
    %dma_start3A_10 = tpu.memref_slice %arg8[%mul3A_8] : memref<1600000xi32, #tpu.memory_space<hbm>> -> memref<2000xi32, #tpu.memory_space<hbm>>
    %dma_start3A_11 = tpu.memref_slice %arg8[%mul3A_8] : memref<1600000xi32, #tpu.memory_space<hbm>> -> memref<2000xi32, #tpu.memory_space<hbm>>
    tpu.enqueue_dma source(%dma_start3A_11 : memref<2000xi32, #tpu.memory_space<hbm>>) target(%arg41 : memref<2000xi32, #tpu.memory_space<vmem>>) target_semaphore(%arg92 : memref<!tpu.dma_semaphore, #tpu.memory_space<semaphore_mem>>)
    %dma_start3A_12 = tpu.memref_slice %arg9[%mul3A_8] : memref<1600000xf32, #tpu.memory_space<hbm>> -> memref<2000xf32, #tpu.memory_space<hbm>>
    %dma_start3A_13 = tpu.memref_slice %arg9[%mul3A_8] : memref<1600000xf32, #tpu.memory_space<hbm>> -> memref<2000xf32, #tpu.memory_space<hbm>>
    tpu.enqueue_dma source(%dma_start3A_13 : memref<2000xf32, #tpu.memory_space<hbm>>) target(%arg42 : memref<2000xf32, #tpu.memory_space<vmem>>) target_semaphore(%arg92 : memref<!tpu.dma_semaphore, #tpu.memory_space<semaphore_mem>>)
    %dma_start3A_14 = tpu.memref_slice %arg10[%mul3A_8] : memref<1600000xf32, #tpu.memory_space<hbm>> -> memref<2000xf32, #tpu.memory_space<hbm>>
    %dma_start3A_15 = tpu.memref_slice %arg10[%mul3A_8] : memref<1600000xf32, #tpu.memory_space<hbm>> -> memref<2000xf32, #tpu.memory_space<hbm>>
    tpu.enqueue_dma source(%dma_start3A_15 : memref<2000xf32, #tpu.memory_space<hbm>>) target(%arg43 : memref<2000xf32, #tpu.memory_space<vmem>>) target_semaphore(%arg92 : memref<!tpu.dma_semaphore, #tpu.memory_space<semaphore_mem>>)
    %dma_start3A_16 = tpu.memref_slice %arg11[%mul3A_8] : memref<1600000xf32, #tpu.memory_space<hbm>> -> memref<2000xf32, #tpu.memory_space<hbm>>
    %dma_start3A_17 = tpu.memref_slice %arg11[%mul3A_8] : memref<1600000xf32, #tpu.memory_space<hbm>> -> memref<2000xf32, #tpu.memory_space<hbm>>
    tpu.enqueue_dma source(%dma_start3A_17 : memref<2000xf32, #tpu.memory_space<hbm>>) target(%arg44 : memref<2000xf32, #tpu.memory_space<vmem>>) target_semaphore(%arg92 : memref<!tpu.dma_semaphore, #tpu.memory_space<semaphore_mem>>)
    %mul3A_18 = arith.constant 25 : i32
    %mul3A_19 = arith.muli %add3A, %mul3A_18 : i32
    %add3A_20 = arith.constant 0 : i32
    %add3A_21 = arith.addi %mul3A_19, %add3A_20 : i32
    %mul3A_22 = arith.constant 2000 : i32
    %mul3A_23 = arith.muli %add3A_21, %mul3A_22 : i32
    %dma_wait3A = tpu.memref_slice %arg7[%mul3A_23] : memref<1600000xi32, #tpu.memory_space<hbm>> -> memref<2000xi32, #tpu.memory_space<hbm>>
    %dma_wait3A_24 = tpu.memref_slice %arg7[%mul3A_23] : memref<1600000xi32, #tpu.memory_space<hbm>> -> memref<2000xi32, #tpu.memory_space<hbm>>
    tpu.wait_dma2 semaphore(%arg92 : memref<!tpu.dma_semaphore, #tpu.memory_space<semaphore_mem>>) src(%dma_wait3A_24 : memref<2000xi32, #tpu.memory_space<hbm>>) dst(%arg40 : memref<2000xi32, #tpu.memory_space<vmem>>)
    %dma_wait3A_25 = tpu.memref_slice %arg8[%mul3A_23] : memref<1600000xi32, #tpu.memory_space<hbm>> -> memref<2000xi32, #tpu.memory_space<hbm>>
    %dma_wait3A_26 = tpu.memref_slice %arg8[%mul3A_23] : memref<1600000xi32, #tpu.memory_space<hbm>> -> memref<2000xi32, #tpu.memory_space<hbm>>
    tpu.wait_dma2 semaphore(%arg92 : memref<!tpu.dma_semaphore, #tpu.memory_space<semaphore_mem>>) src(%dma_wait3A_26 : memref<2000xi32, #tpu.memory_space<hbm>>) dst(%arg41 : memref<2000xi32, #tpu.memory_space<vmem>>)
    %dma_wait3A_27 = tpu.memref_slice %arg9[%mul3A_23] : memref<1600000xf32, #tpu.memory_space<hbm>> -> memref<2000xf32, #tpu.memory_space<hbm>>
    %dma_wait3A_28 = tpu.memref_slice %arg9[%mul3A_23] : memref<1600000xf32, #tpu.memory_space<hbm>> -> memref<2000xf32, #tpu.memory_space<hbm>>
    tpu.wait_dma2 semaphore(%arg92 : memref<!tpu.dma_semaphore, #tpu.memory_space<semaphore_mem>>) src(%dma_wait3A_28 : memref<2000xf32, #tpu.memory_space<hbm>>) dst(%arg42 : memref<2000xf32, #tpu.memory_space<vmem>>)
    %dma_wait3A_29 = tpu.memref_slice %arg10[%mul3A_23] : memref<1600000xf32, #tpu.memory_space<hbm>> -> memref<2000xf32, #tpu.memory_space<hbm>>
    %dma_wait3A_30 = tpu.memref_slice %arg10[%mul3A_23] : memref<1600000xf32, #tpu.memory_space<hbm>> -> memref<2000xf32, #tpu.memory_space<hbm>>
    tpu.wait_dma2 semaphore(%arg92 : memref<!tpu.dma_semaphore, #tpu.memory_space<semaphore_mem>>) src(%dma_wait3A_30 : memref<2000xf32, #tpu.memory_space<hbm>>) dst(%arg43 : memref<2000xf32, #tpu.memory_space<vmem>>)
    %dma_wait3A_31 = tpu.memref_slice %arg11[%mul3A_23] : memref<1600000xf32, #tpu.memory_space<hbm>> -> memref<2000xf32, #tpu.memory_space<hbm>>
    %dma_wait3A_32 = tpu.memref_slice %arg11[%mul3A_23] : memref<1600000xf32, #tpu.memory_space<hbm>> -> memref<2000xf32, #tpu.memory_space<hbm>>
    tpu.wait_dma2 semaphore(%arg92 : memref<!tpu.dma_semaphore, #tpu.memory_space<semaphore_mem>>) src(%dma_wait3A_32 : memref<2000xf32, #tpu.memory_space<hbm>>) dst(%arg44 : memref<2000xf32, #tpu.memory_space<vmem>>)
    %dma_start3A_33 = arith.constant 0 : i32
    %dma_start3A_34 = tpu.memref_slice %arg2[%dma_start3A_33] : memref<100000xf32, #tpu.memory_space<hbm>> -> memref<100000xf32, #tpu.memory_space<hbm>>
    tpu.enqueue_indirect_dma source(%dma_start3A_34 : memref<100000xf32, #tpu.memory_space<hbm>>) target(%arg45 : memref<2000xf32, #tpu.memory_space<vmem>>) offsets(%arg40 : memref<2000xi32, #tpu.memory_space<vmem>>) semaphore(%arg93 : memref<!tpu.dma_semaphore, #tpu.memory_space<semaphore_mem>>)
    %dma_start3A_35 = arith.constant 0 : i32
    %dma_start3A_36 = tpu.memref_slice %arg3[%dma_start3A_35] : memref<100000xf32, #tpu.memory_space<hbm>> -> memref<100000xf32, #tpu.memory_space<hbm>>
    tpu.enqueue_indirect_dma source(%dma_start3A_36 : memref<100000xf32, #tpu.memory_space<hbm>>) target(%arg46 : memref<2000xf32, #tpu.memory_space<vmem>>) offsets(%arg40 : memref<2000xi32, #tpu.memory_space<vmem>>) semaphore(%arg93 : memref<!tpu.dma_semaphore, #tpu.memory_space<semaphore_mem>>)
    %dma_start3A_37 = arith.constant 0 : i32
    %dma_start3A_38 = tpu.memref_slice %arg4[%dma_start3A_37] : memref<100000xf32, #tpu.memory_space<hbm>> -> memref<100000xf32, #tpu.memory_space<hbm>>
    tpu.enqueue_indirect_dma source(%dma_start3A_38 : memref<100000xf32, #tpu.memory_space<hbm>>) target(%arg47 : memref<2000xf32, #tpu.memory_space<vmem>>) offsets(%arg40 : memref<2000xi32, #tpu.memory_space<vmem>>) semaphore(%arg93 : memref<!tpu.dma_semaphore, #tpu.memory_space<semaphore_mem>>)
    %dma_start3A_39 = arith.constant 0 : i32
    %dma_start3A_40 = tpu.memref_slice %arg5[%dma_start3A_39] : memref<100000xf32, #tpu.memory_space<hbm>> -> memref<100000xf32, #tpu.memory_space<hbm>>
    tpu.enqueue_indirect_dma source(%dma_start3A_40 : memref<100000xf32, #tpu.memory_space<hbm>>) target(%arg48 : memref<2000xf32, #tpu.memory_space<vmem>>) offsets(%arg40 : memref<2000xi32, #tpu.memory_space<vmem>>) semaphore(%arg93 : memref<!tpu.dma_semaphore, #tpu.memory_space<semaphore_mem>>)
    %dma_start3A_41 = arith.constant 0 : i32
    %dma_start3A_42 = tpu.memref_slice %arg6[%dma_start3A_41] : memref<100000xf32, #tpu.memory_space<hbm>> -> memref<100000xf32, #tpu.memory_space<hbm>>
    tpu.enqueue_indirect_dma source(%dma_start3A_42 : memref<100000xf32, #tpu.memory_space<hbm>>) target(%arg49 : memref<2000xf32, #tpu.memory_space<vmem>>) offsets(%arg40 : memref<2000xi32, #tpu.memory_space<vmem>>) semaphore(%arg93 : memref<!tpu.dma_semaphore, #tpu.memory_space<semaphore_mem>>)
    %dma_start3A_43 = arith.constant 0 : i32
    %dma_start3A_44 = tpu.memref_slice %arg2[%dma_start3A_43] : memref<100000xf32, #tpu.memory_space<hbm>> -> memref<100000xf32, #tpu.memory_space<hbm>>
    tpu.enqueue_indirect_dma source(%dma_start3A_44 : memref<100000xf32, #tpu.memory_space<hbm>>) target(%arg50 : memref<2000xf32, #tpu.memory_space<vmem>>) offsets(%arg41 : memref<2000xi32, #tpu.memory_space<vmem>>) semaphore(%arg93 : memref<!tpu.dma_semaphore, #tpu.memory_space<semaphore_mem>>)
    %dma_start3A_45 = arith.constant 0 : i32
    %dma_start3A_46 = tpu.memref_slice %arg3[%dma_start3A_45] : memref<100000xf32, #tpu.memory_space<hbm>> -> memref<100000xf32, #tpu.memory_space<hbm>>
    tpu.enqueue_indirect_dma source(%dma_start3A_46 : memref<100000xf32, #tpu.memory_space<hbm>>) target(%arg51 : memref<2000xf32, #tpu.memory_space<vmem>>) offsets(%arg41 : memref<2000xi32, #tpu.memory_space<vmem>>) semaphore(%arg93 : memref<!tpu.dma_semaphore, #tpu.memory_space<semaphore_mem>>)
    %dma_start3A_47 = arith.constant 0 : i32
    %dma_start3A_48 = tpu.memref_slice %arg4[%dma_start3A_47] : memref<100000xf32, #tpu.memory_space<hbm>> -> memref<100000xf32, #tpu.memory_space<hbm>>
    tpu.enqueue_indirect_dma source(%dma_start3A_48 : memref<100000xf32, #tpu.memory_space<hbm>>) target(%arg52 : memref<2000xf32, #tpu.memory_space<vmem>>) offsets(%arg41 : memref<2000xi32, #tpu.memory_space<vmem>>) semaphore(%arg93 : memref<!tpu.dma_semaphore, #tpu.memory_space<semaphore_mem>>)
    %dma_start3A_49 = arith.constant 0 : i32
    %dma_start3A_50 = tpu.memref_slice %arg5[%dma_start3A_49] : memref<100000xf32, #tpu.memory_space<hbm>> -> memref<100000xf32, #tpu.memory_space<hbm>>
    tpu.enqueue_indirect_dma source(%dma_start3A_50 : memref<100000xf32, #tpu.memory_space<hbm>>) target(%arg53 : memref<2000xf32, #tpu.memory_space<vmem>>) offsets(%arg41 : memref<2000xi32, #tpu.memory_space<vmem>>) semaphore(%arg93 : memref<!tpu.dma_semaphore, #tpu.memory_space<semaphore_mem>>)
    %dma_start3A_51 = arith.constant 0 : i32
    %dma_start3A_52 = tpu.memref_slice %arg6[%dma_start3A_51] : memref<100000xf32, #tpu.memory_space<hbm>> -> memref<100000xf32, #tpu.memory_space<hbm>>
    tpu.enqueue_indirect_dma source(%dma_start3A_52 : memref<100000xf32, #tpu.memory_space<hbm>>) target(%arg54 : memref<2000xf32, #tpu.memory_space<vmem>>) offsets(%arg41 : memref<2000xi32, #tpu.memory_space<vmem>>) semaphore(%arg93 : memref<!tpu.dma_semaphore, #tpu.memory_space<semaphore_mem>>)
    %mul3A_53 = arith.constant 25 : i32
    %mul3A_54 = arith.muli %add3A, %mul3A_53 : i32
    %add3A_55 = arith.constant 1 : i32
    %add3A_56 = arith.addi %mul3A_54, %add3A_55 : i32
    %mul3A_57 = arith.constant 2000 : i32
    %mul3A_58 = arith.muli %add3A_56, %mul3A_57 : i32
    %dma_start3A_59 = tpu.memref_slice %arg7[%mul3A_58] : memref<1600000xi32, #tpu.memory_space<hbm>> -> memref<2000xi32, #tpu.memory_space<hbm>>
    %dma_start3A_60 = tpu.memref_slice %arg7[%mul3A_58] : memref<1600000xi32, #tpu.memory_space<hbm>> -> memref<2000xi32, #tpu.memory_space<hbm>>
    tpu.enqueue_dma source(%dma_start3A_60 : memref<2000xi32, #tpu.memory_space<hbm>>) target(%arg55 : memref<2000xi32, #tpu.memory_space<vmem>>) target_semaphore(%arg92 : memref<!tpu.dma_semaphore, #tpu.memory_space<semaphore_mem>>)
    %dma_start3A_61 = tpu.memref_slice %arg8[%mul3A_58] : memref<1600000xi32, #tpu.memory_space<hbm>> -> memref<2000xi32, #tpu.memory_space<hbm>>
    %dma_start3A_62 = tpu.memref_slice %arg8[%mul3A_58] : memref<1600000xi32, #tpu.memory_space<hbm>> -> memref<2000xi32, #tpu.memory_space<hbm>>
    tpu.enqueue_dma source(%dma_start3A_62 : memref<2000xi32, #tpu.memory_space<hbm>>) target(%arg56 : memref<2000xi32, #tpu.memory_space<vmem>>) target_semaphore(%arg92 : memref<!tpu.dma_semaphore, #tpu.memory_space<semaphore_mem>>)
    %dma_start3A_63 = tpu.memref_slice %arg9[%mul3A_58] : memref<1600000xf32, #tpu.memory_space<hbm>> -> memref<2000xf32, #tpu.memory_space<hbm>>
    %dma_start3A_64 = tpu.memref_slice %arg9[%mul3A_58] : memref<1600000xf32, #tpu.memory_space<hbm>> -> memref<2000xf32, #tpu.memory_space<hbm>>
    tpu.enqueue_dma source(%dma_start3A_64 : memref<2000xf32, #tpu.memory_space<hbm>>) target(%arg57 : memref<2000xf32, #tpu.memory_space<vmem>>) target_semaphore(%arg92 : memref<!tpu.dma_semaphore, #tpu.memory_space<semaphore_mem>>)
    %dma_start3A_65 = tpu.memref_slice %arg10[%mul3A_58] : memref<1600000xf32, #tpu.memory_space<hbm>> -> memref<2000xf32, #tpu.memory_space<hbm>>
    %dma_start3A_66 = tpu.memref_slice %arg10[%mul3A_58] : memref<1600000xf32, #tpu.memory_space<hbm>> -> memref<2000xf32, #tpu.memory_space<hbm>>
    tpu.enqueue_dma source(%dma_start3A_66 : memref<2000xf32, #tpu.memory_space<hbm>>) target(%arg58 : memref<2000xf32, #tpu.memory_space<vmem>>) target_semaphore(%arg92 : memref<!tpu.dma_semaphore, #tpu.memory_space<semaphore_mem>>)
    %dma_start3A_67 = tpu.memref_slice %arg11[%mul3A_58] : memref<1600000xf32, #tpu.memory_space<hbm>> -> memref<2000xf32, #tpu.memory_space<hbm>>
    %dma_start3A_68 = tpu.memref_slice %arg11[%mul3A_58] : memref<1600000xf32, #tpu.memory_space<hbm>> -> memref<2000xf32, #tpu.memory_space<hbm>>
    tpu.enqueue_dma source(%dma_start3A_68 : memref<2000xf32, #tpu.memory_space<hbm>>) target(%arg59 : memref<2000xf32, #tpu.memory_space<vmem>>) target_semaphore(%arg92 : memref<!tpu.dma_semaphore, #tpu.memory_space<semaphore_mem>>)
    %dma_wait3A_69 = arith.constant 0 : i32
    %dma_wait3A_70 = tpu.memref_slice %arg2[%dma_wait3A_69] : memref<100000xf32, #tpu.memory_space<hbm>> -> memref<100000xf32, #tpu.memory_space<hbm>>
    tpu.wait_indirect_dma semaphore(%arg93 : memref<!tpu.dma_semaphore, #tpu.memory_space<semaphore_mem>>) src(%dma_wait3A_70 : memref<100000xf32, #tpu.memory_space<hbm>>) dst(%arg45 : memref<2000xf32, #tpu.memory_space<vmem>>)
    %dma_wait3A_71 = arith.constant 0 : i32
    %dma_wait3A_72 = tpu.memref_slice %arg3[%dma_wait3A_71] : memref<100000xf32, #tpu.memory_space<hbm>> -> memref<100000xf32, #tpu.memory_space<hbm>>
    tpu.wait_indirect_dma semaphore(%arg93 : memref<!tpu.dma_semaphore, #tpu.memory_space<semaphore_mem>>) src(%dma_wait3A_72 : memref<100000xf32, #tpu.memory_space<hbm>>) dst(%arg46 : memref<2000xf32, #tpu.memory_space<vmem>>)
    %dma_wait3A_73 = arith.constant 0 : i32
    %dma_wait3A_74 = tpu.memref_slice %arg4[%dma_wait3A_73] : memref<100000xf32, #tpu.memory_space<hbm>> -> memref<100000xf32, #tpu.memory_space<hbm>>
    tpu.wait_indirect_dma semaphore(%arg93 : memref<!tpu.dma_semaphore, #tpu.memory_space<semaphore_mem>>) src(%dma_wait3A_74 : memref<100000xf32, #tpu.memory_space<hbm>>) dst(%arg47 : memref<2000xf32, #tpu.memory_space<vmem>>)
    %dma_wait3A_75 = arith.constant 0 : i32
    %dma_wait3A_76 = tpu.memref_slice %arg5[%dma_wait3A_75] : memref<100000xf32, #tpu.memory_space<hbm>> -> memref<100000xf32, #tpu.memory_space<hbm>>
    tpu.wait_indirect_dma semaphore(%arg93 : memref<!tpu.dma_semaphore, #tpu.memory_space<semaphore_mem>>) src(%dma_wait3A_76 : memref<100000xf32, #tpu.memory_space<hbm>>) dst(%arg48 : memref<2000xf32, #tpu.memory_space<vmem>>)
    %dma_wait3A_77 = arith.constant 0 : i32
    %dma_wait3A_78 = tpu.memref_slice %arg6[%dma_wait3A_77] : memref<100000xf32, #tpu.memory_space<hbm>> -> memref<100000xf32, #tpu.memory_space<hbm>>
    tpu.wait_indirect_dma semaphore(%arg93 : memref<!tpu.dma_semaphore, #tpu.memory_space<semaphore_mem>>) src(%dma_wait3A_78 : memref<100000xf32, #tpu.memory_space<hbm>>) dst(%arg49 : memref<2000xf32, #tpu.memory_space<vmem>>)
    %dma_wait3A_79 = arith.constant 0 : i32
    %dma_wait3A_80 = tpu.memref_slice %arg2[%dma_wait3A_79] : memref<100000xf32, #tpu.memory_space<hbm>> -> memref<100000xf32, #tpu.memory_space<hbm>>
    tpu.wait_indirect_dma semaphore(%arg93 : memref<!tpu.dma_semaphore, #tpu.memory_space<semaphore_mem>>) src(%dma_wait3A_80 : memref<100000xf32, #tpu.memory_space<hbm>>) dst(%arg50 : memref<2000xf32, #tpu.memory_space<vmem>>)
    %dma_wait3A_81 = arith.constant 0 : i32
    %dma_wait3A_82 = tpu.memref_slice %arg3[%dma_wait3A_81] : memref<100000xf32, #tpu.memory_space<hbm>> -> memref<100000xf32, #tpu.memory_space<hbm>>
    tpu.wait_indirect_dma semaphore(%arg93 : memref<!tpu.dma_semaphore, #tpu.memory_space<semaphore_mem>>) src(%dma_wait3A_82 : memref<100000xf32, #tpu.memory_space<hbm>>) dst(%arg51 : memref<2000xf32, #tpu.memory_space<vmem>>)
    %dma_wait3A_83 = arith.constant 0 : i32
    %dma_wait3A_84 = tpu.memref_slice %arg4[%dma_wait3A_83] : memref<100000xf32, #tpu.memory_space<hbm>> -> memref<100000xf32, #tpu.memory_space<hbm>>
    tpu.wait_indirect_dma semaphore(%arg93 : memref<!tpu.dma_semaphore, #tpu.memory_space<semaphore_mem>>) src(%dma_wait3A_84 : memref<100000xf32, #tpu.memory_space<hbm>>) dst(%arg52 : memref<2000xf32, #tpu.memory_space<vmem>>)
    %dma_wait3A_85 = arith.constant 0 : i32
    %dma_wait3A_86 = tpu.memref_slice %arg5[%dma_wait3A_85] : memref<100000xf32, #tpu.memory_space<hbm>> -> memref<100000xf32, #tpu.memory_space<hbm>>
    tpu.wait_indirect_dma semaphore(%arg93 : memref<!tpu.dma_semaphore, #tpu.memory_space<semaphore_mem>>) src(%dma_wait3A_86 : memref<100000xf32, #tpu.memory_space<hbm>>) dst(%arg53 : memref<2000xf32, #tpu.memory_space<vmem>>)
    %dma_wait3A_87 = arith.constant 0 : i32
    %dma_wait3A_88 = tpu.memref_slice %arg6[%dma_wait3A_87] : memref<100000xf32, #tpu.memory_space<hbm>> -> memref<100000xf32, #tpu.memory_space<hbm>>
    tpu.wait_indirect_dma semaphore(%arg93 : memref<!tpu.dma_semaphore, #tpu.memory_space<semaphore_mem>>) src(%dma_wait3A_88 : memref<100000xf32, #tpu.memory_space<hbm>>) dst(%arg54 : memref<2000xf32, #tpu.memory_space<vmem>>)
    %scan3A = arith.constant 0 : i32
    %scan3A_89 = arith.constant 0 : i32
    %scan3A_90 = arith.constant 125 : i32
    %scan3A_91 = arith.addi %scan3A_89, %scan3A_90 : i32
    %scan3A_92 = arith.constant 1 : i32
    %scan3A_93 = scf.for %scan3A_274 = %scan3A_89 to %scan3A_91 step %scan3A_92 iter_args(%scan3A_275 = %scan3A) -> (i32)  : i32 {
      %mul3A_276 = arith.constant 16 : i32
      %mul3A_277 = arith.muli %scan3A_274, %mul3A_276 : i32
      %get3A = arith.index_cast %mul3A_277 : i32 to index
      %get3A_278 = tpu.vector_load %arg45[%get3A] {strides = array<i32>} : memref<2000xf32, #tpu.memory_space<vmem>>, vector<16xf32>,
      %get3A_279 = arith.index_cast %mul3A_277 : i32 to index
      %get3A_280 = tpu.vector_load %arg46[%get3A_279] {strides = array<i32>} : memref<2000xf32, #tpu.memory_space<vmem>>, vector<16xf32>,
      %get3A_281 = arith.index_cast %mul3A_277 : i32 to index
      %get3A_282 = tpu.vector_load %arg47[%get3A_281] {strides = array<i32>} : memref<2000xf32, #tpu.memory_space<vmem>>, vector<16xf32>,
      %get3A_283 = arith.index_cast %mul3A_277 : i32 to index
      %get3A_284 = tpu.vector_load %arg48[%get3A_283] {strides = array<i32>} : memref<2000xf32, #tpu.memory_space<vmem>>, vector<16xf32>,
      %get3A_285 = arith.index_cast %mul3A_277 : i32 to index
      %get3A_286 = tpu.vector_load %arg49[%get3A_285] {strides = array<i32>} : memref<2000xf32, #tpu.memory_space<vmem>>, vector<16xf32>,
      %get3A_287 = arith.index_cast %mul3A_277 : i32 to index
      %get3A_288 = tpu.vector_load %arg50[%get3A_287] {strides = array<i32>} : memref<2000xf32, #tpu.memory_space<vmem>>, vector<16xf32>,
      %get3A_289 = arith.index_cast %mul3A_277 : i32 to index
      %get3A_290 = tpu.vector_load %arg51[%get3A_289] {strides = array<i32>} : memref<2000xf32, #tpu.memory_space<vmem>>, vector<16xf32>,
      %get3A_291 = arith.index_cast %mul3A_277 : i32 to index
      %get3A_292 = tpu.vector_load %arg52[%get3A_291] {strides = array<i32>} : memref<2000xf32, #tpu.memory_space<vmem>>, vector<16xf32>,
      %get3A_293 = arith.index_cast %mul3A_277 : i32 to index
      %get3A_294 = tpu.vector_load %arg53[%get3A_293] {strides = array<i32>} : memref<2000xf32, #tpu.memory_space<vmem>>, vector<16xf32>,
      %get3A_295 = arith.index_cast %mul3A_277 : i32 to index
      %get3A_296 = tpu.vector_load %arg54[%get3A_295] {strides = array<i32>} : memref<2000xf32, #tpu.memory_space<vmem>>, vector<16xf32>,
      %get3A_297 = arith.index_cast %mul3A_277 : i32 to index
      %get3A_298 = tpu.vector_load %arg42[%get3A_297] {strides = array<i32>} : memref<2000xf32, #tpu.memory_space<vmem>>, vector<16xf32>,
      %get3A_299 = arith.index_cast %mul3A_277 : i32 to index
      %get3A_300 = tpu.vector_load %arg43[%get3A_299] {strides = array<i32>} : memref<2000xf32, #tpu.memory_space<vmem>>, vector<16xf32>,
      %get3A_301 = arith.index_cast %mul3A_277 : i32 to index
      %get3A_302 = tpu.vector_load %arg44[%get3A_301] {strides = array<i32>} : memref<2000xf32, #tpu.memory_space<vmem>>, vector<16xf32>,
      %sub3A = arith.subf %get3A_294, %get3A_284 : vector<16xf32>
      %sub3A_303 = arith.subf %get3A_296, %get3A_286 : vector<16xf32>
      %mul3A_304 = arith.mulf %sub3A, %sub3A : vector<16xf32>
      %mul3A_305 = arith.mulf %sub3A_303, %sub3A_303 : vector<16xf32>
      %add3A_306 = arith.addf %mul3A_304, %mul3A_305 : vector<16xf32>
      %bitcast_convert_type3A = tpu.bitcast %add3A_306 : vector<16xf32> -> vector<16xi32>
      %shift_right_logical3A = arith.constant 1 : i32
      %shift_right_logical3A_307 = vector.broadcast %shift_right_logical3A : i32 to vector<16xi32>
      %shift_right_logical3A_308 = arith.shrui %bitcast_convert_type3A, %shift_right_logical3A_307 : vector<16xi32>
      %sub3A_309 = arith.constant 1597463007 : i32
      %sub3A_310 = vector.broadcast %sub3A_309 : i32 to vector<16xi32>
      %sub3A_311 = arith.subi %sub3A_310, %shift_right_logical3A_308 : vector<16xi32>
      %bitcast_convert_type3A_312 = tpu.bitcast %sub3A_311 : vector<16xi32> -> vector<16xf32>
      %mul3A_313 = arith.constant 5.000000e-01 : f32
      %mul3A_314 = vector.broadcast %mul3A_313 : f32 to vector<16xf32>
      %mul3A_315 = arith.mulf %mul3A_314, %add3A_306 : vector<16xf32>
      %mul3A_316 = arith.mulf %mul3A_315, %bitcast_convert_type3A_312 : vector<16xf32>
      %mul3A_317 = arith.mulf %mul3A_316, %bitcast_convert_type3A_312 : vector<16xf32>
      %sub3A_318 = arith.constant 1.500000e+00 : f32
      %sub3A_319 = vector.broadcast %sub3A_318 : f32 to vector<16xf32>
      %sub3A_320 = arith.subf %sub3A_319, %mul3A_317 : vector<16xf32>
      %mul3A_321 = arith.mulf %bitcast_convert_type3A_312, %sub3A_320 : vector<16xf32>
      %mul3A_322 = arith.constant 5.000000e-01 : f32
      %mul3A_323 = vector.broadcast %mul3A_322 : f32 to vector<16xf32>
      %mul3A_324 = arith.mulf %mul3A_323, %add3A_306 : vector<16xf32>
      %mul3A_325 = arith.mulf %mul3A_324, %mul3A_321 : vector<16xf32>
      %mul3A_326 = arith.mulf %mul3A_325, %mul3A_321 : vector<16xf32>
      %sub3A_327 = arith.constant 1.500000e+00 : f32
      %sub3A_328 = vector.broadcast %sub3A_327 : f32 to vector<16xf32>
      %sub3A_329 = arith.subf %sub3A_328, %mul3A_326 : vector<16xf32>
      %mul3A_330 = arith.mulf %mul3A_321, %sub3A_329 : vector<16xf32>
      %mul3A_331 = arith.constant 5.000000e-01 : f32
      %mul3A_332 = vector.broadcast %mul3A_331 : f32 to vector<16xf32>
      %mul3A_333 = arith.mulf %mul3A_332, %add3A_306 : vector<16xf32>
      %mul3A_334 = arith.mulf %mul3A_333, %mul3A_330 : vector<16xf32>
      %mul3A_335 = arith.mulf %mul3A_334, %mul3A_330 : vector<16xf32>
      %sub3A_336 = arith.constant 1.500000e+00 : f32
      %sub3A_337 = vector.broadcast %sub3A_336 : f32 to vector<16xf32>
      %sub3A_338 = arith.subf %sub3A_337, %mul3A_335 : vector<16xf32>
      %mul3A_339 = arith.mulf %mul3A_330, %sub3A_338 : vector<16xf32>
      %mul3A_340 = arith.mulf %add3A_306, %mul3A_339 : vector<16xf32>
      %mul3A_341 = arith.mulf %sub3A, %mul3A_339 : vector<16xf32>
      %mul3A_342 = arith.mulf %sub3A_303, %mul3A_339 : vector<16xf32>
      %mul3A_343 = arith.mulf %get3A_298, %get3A_300 : vector<16xf32>
      %mul3A_344 = arith.mulf %get3A_298, %get3A_302 : vector<16xf32>
      %mul3A_345 = arith.mulf %mul3A_341, %get3A_278 : vector<16xf32>
      %mul3A_346 = arith.mulf %mul3A_342, %get3A_280 : vector<16xf32>
      %add3A_347 = arith.addf %mul3A_345, %mul3A_346 : vector<16xf32>
      %mul3A_348 = arith.mulf %mul3A_341, %get3A_280 : vector<16xf32>
      %mul3A_349 = arith.mulf %mul3A_342, %get3A_278 : vector<16xf32>
      %sub3A_350 = arith.subf %mul3A_348, %mul3A_349 : vector<16xf32>
      %mul3A_351 = arith.mulf %mul3A_341, %get3A_288 : vector<16xf32>
      %mul3A_352 = arith.mulf %mul3A_342, %get3A_290 : vector<16xf32>
      %add3A_353 = arith.addf %mul3A_351, %mul3A_352 : vector<16xf32>
      %mul3A_354 = arith.mulf %mul3A_341, %get3A_290 : vector<16xf32>
      %mul3A_355 = arith.mulf %mul3A_342, %get3A_288 : vector<16xf32>
      %sub3A_356 = arith.subf %mul3A_354, %mul3A_355 : vector<16xf32>
      %mul3A_357 = arith.mulf %mul3A_339, %mul3A_339 : vector<16xf32>
      %mul3A_358 = arith.mulf %mul3A_357, %mul3A_339 : vector<16xf32>
      %mul3A_359 = arith.mulf %mul3A_343, %mul3A_339 : vector<16xf32>
      %sub3A_360 = arith.subf %add3A_347, %add3A_353 : vector<16xf32>
      %mul3A_361 = arith.mulf %mul3A_359, %sub3A_360 : vector<16xf32>
      %sub3A_362 = arith.subf %sub3A_350, %sub3A_356 : vector<16xf32>
      %mul3A_363 = arith.mulf %mul3A_344, %mul3A_358 : vector<16xf32>
      %mul3A_364 = arith.mulf %mul3A_344, %mul3A_357 : vector<16xf32>
      %mul3A_365 = arith.mulf %mul3A_344, %mul3A_339 : vector<16xf32>
      %mul3A_366 = arith.constant 1.200000e+01 : f32
      %mul3A_367 = vector.broadcast %mul3A_366 : f32 to vector<16xf32>
      %mul3A_368 = arith.mulf %mul3A_367, %mul3A_363 : vector<16xf32>
      %mul3A_369 = arith.mulf %mul3A_368, %sub3A_362 : vector<16xf32>
      %mul3A_370 = arith.constant 6.000000e+00 : f32
      %mul3A_371 = vector.broadcast %mul3A_370 : f32 to vector<16xf32>
      %mul3A_372 = arith.mulf %mul3A_371, %mul3A_364 : vector<16xf32>
      %add3A_373 = arith.addf %get3A_282, %get3A_292 : vector<16xf32>
      %mul3A_374 = arith.mulf %mul3A_372, %add3A_373 : vector<16xf32>
      %add3A_375 = arith.addf %mul3A_369, %mul3A_374 : vector<16xf32>
      %mul3A_376 = arith.constant 6.000000e+00 : f32
      %mul3A_377 = vector.broadcast %mul3A_376 : f32 to vector<16xf32>
      %mul3A_378 = arith.mulf %mul3A_377, %mul3A_364 : vector<16xf32>
      %mul3A_379 = arith.mulf %mul3A_378, %sub3A_362 : vector<16xf32>
      %mul3A_380 = arith.constant 4.000000e+00 : f32
      %mul3A_381 = vector.broadcast %mul3A_380 : f32 to vector<16xf32>
      %mul3A_382 = arith.mulf %mul3A_381, %get3A_282 : vector<16xf32>
      %mul3A_383 = arith.constant 2.000000e+00 : f32
      %mul3A_384 = vector.broadcast %mul3A_383 : f32 to vector<16xf32>
      %mul3A_385 = arith.mulf %mul3A_384, %get3A_292 : vector<16xf32>
      %add3A_386 = arith.addf %mul3A_382, %mul3A_385 : vector<16xf32>
      %mul3A_387 = arith.mulf %mul3A_365, %add3A_386 : vector<16xf32>
      %add3A_388 = arith.addf %mul3A_379, %mul3A_387 : vector<16xf32>
      %mul3A_389 = arith.constant 6.000000e+00 : f32
      %mul3A_390 = vector.broadcast %mul3A_389 : f32 to vector<16xf32>
      %mul3A_391 = arith.mulf %mul3A_390, %mul3A_364 : vector<16xf32>
      %mul3A_392 = arith.mulf %mul3A_391, %sub3A_362 : vector<16xf32>
      %mul3A_393 = arith.constant 2.000000e+00 : f32
      %mul3A_394 = vector.broadcast %mul3A_393 : f32 to vector<16xf32>
      %mul3A_395 = arith.mulf %mul3A_394, %get3A_282 : vector<16xf32>
      %mul3A_396 = arith.constant 4.000000e+00 : f32
      %mul3A_397 = vector.broadcast %mul3A_396 : f32 to vector<16xf32>
      %mul3A_398 = arith.mulf %mul3A_397, %get3A_292 : vector<16xf32>
      %add3A_399 = arith.addf %mul3A_395, %mul3A_398 : vector<16xf32>
      %mul3A_400 = arith.mulf %mul3A_365, %add3A_399 : vector<16xf32>
      %add3A_401 = arith.addf %mul3A_392, %mul3A_400 : vector<16xf32>
      %neg3A = arith.constant 0.000000e+00 : f32
      %neg3A_402 = vector.broadcast %neg3A : f32 to vector<16xf32>
      %neg3A_403 = arith.subf %neg3A_402, %mul3A_361 : vector<16xf32>
      %neg3A_404 = arith.constant 0.000000e+00 : f32
      %neg3A_405 = vector.broadcast %neg3A_404 : f32 to vector<16xf32>
      %neg3A_406 = arith.subf %neg3A_405, %add3A_375 : vector<16xf32>
      %mul3A_407 = arith.mulf %mul3A_341, %mul3A_361 : vector<16xf32>
      %mul3A_408 = arith.mulf %mul3A_342, %add3A_375 : vector<16xf32>
      %sub3A_409 = arith.subf %mul3A_407, %mul3A_408 : vector<16xf32>
      %mul3A_410 = arith.mulf %mul3A_342, %mul3A_361 : vector<16xf32>
      %mul3A_411 = arith.mulf %mul3A_341, %add3A_375 : vector<16xf32>
      %add3A_412 = arith.addf %mul3A_410, %mul3A_411 : vector<16xf32>
      %neg3A_413 = arith.constant 0.000000e+00 : f32
      %neg3A_414 = vector.broadcast %neg3A_413 : f32 to vector<16xf32>
      %neg3A_415 = arith.subf %neg3A_414, %sub3A_409 : vector<16xf32>
      %neg3A_416 = arith.constant 0.000000e+00 : f32
      %neg3A_417 = vector.broadcast %neg3A_416 : f32 to vector<16xf32>
      %neg3A_418 = arith.subf %neg3A_417, %add3A_412 : vector<16xf32>
      %swap3A = arith.index_cast %mul3A_277 : i32 to index
      %swap3A_419 = tpu.vector_load %arg70[%swap3A] {strides = array<i32>} : memref<2000xf32, #tpu.memory_space<vmem>>, vector<16xf32>,
      tpu.vector_store %arg70[%swap3A], %mul3A_361 {strides = array<i32>} : memref<2000xf32, #tpu.memory_space<vmem>>, vector<16xf32>,
      %swap3A_420 = arith.index_cast %mul3A_277 : i32 to index
      %swap3A_421 = tpu.vector_load %arg71[%swap3A_420] {strides = array<i32>} : memref<2000xf32, #tpu.memory_space<vmem>>, vector<16xf32>,
      tpu.vector_store %arg71[%swap3A_420], %add3A_375 {strides = array<i32>} : memref<2000xf32, #tpu.memory_space<vmem>>, vector<16xf32>,
      %swap3A_422 = arith.index_cast %mul3A_277 : i32 to index
      %swap3A_423 = tpu.vector_load %arg72[%swap3A_422] {strides = array<i32>} : memref<2000xf32, #tpu.memory_space<vmem>>, vector<16xf32>,
      tpu.vector_store %arg72[%swap3A_422], %add3A_388 {strides = array<i32>} : memref<2000xf32, #tpu.memory_space<vmem>>, vector<16xf32>,
      %swap3A_424 = arith.index_cast %mul3A_277 : i32 to index
      %swap3A_425 = tpu.vector_load %arg73[%swap3A_424] {strides = array<i32>} : memref<2000xf32, #tpu.memory_space<vmem>>, vector<16xf32>,
      tpu.vector_store %arg73[%swap3A_424], %neg3A_403 {strides = array<i32>} : memref<2000xf32, #tpu.memory_space<vmem>>, vector<16xf32>,
      %swap3A_426 = arith.index_cast %mul3A_277 : i32 to index
      %swap3A_427 = tpu.vector_load %arg74[%swap3A_426] {strides = array<i32>} : memref<2000xf32, #tpu.memory_space<vmem>>, vector<16xf32>,
      tpu.vector_store %arg74[%swap3A_426], %neg3A_406 {strides = array<i32>} : memref<2000xf32, #tpu.memory_space<vmem>>, vector<16xf32>,
      %swap3A_428 = arith.index_cast %mul3A_277 : i32 to index
      %swap3A_429 = tpu.vector_load %arg75[%swap3A_428] {strides = array<i32>} : memref<2000xf32, #tpu.memory_space<vmem>>, vector<16xf32>,
      tpu.vector_store %arg75[%swap3A_428], %add3A_401 {strides = array<i32>} : memref<2000xf32, #tpu.memory_space<vmem>>, vector<16xf32>,
      %swap3A_430 = arith.index_cast %mul3A_277 : i32 to index
      %swap3A_431 = tpu.vector_load %arg76[%swap3A_430] {strides = array<i32>} : memref<2000xf32, #tpu.memory_space<vmem>>, vector<16xf32>,
      tpu.vector_store %arg76[%swap3A_430], %sub3A_409 {strides = array<i32>} : memref<2000xf32, #tpu.memory_space<vmem>>, vector<16xf32>,
      %swap3A_432 = arith.index_cast %mul3A_277 : i32 to index
      %swap3A_433 = tpu.vector_load %arg77[%swap3A_432] {strides = array<i32>} : memref<2000xf32, #tpu.memory_space<vmem>>, vector<16xf32>,
      tpu.vector_store %arg77[%swap3A_432], %add3A_412 {strides = array<i32>} : memref<2000xf32, #tpu.memory_space<vmem>>, vector<16xf32>,
      %swap3A_434 = arith.index_cast %mul3A_277 : i32 to index
      %swap3A_435 = tpu.vector_load %arg78[%swap3A_434] {strides = array<i32>} : memref<2000xf32, #tpu.memory_space<vmem>>, vector<16xf32>,
      tpu.vector_store %arg78[%swap3A_434], %neg3A_415 {strides = array<i32>} : memref<2000xf32, #tpu.memory_space<vmem>>, vector<16xf32>,
      %swap3A_436 = arith.index_cast %mul3A_277 : i32 to index
      %swap3A_437 = tpu.vector_load %arg79[%swap3A_436] {strides = array<i32>} : memref<2000xf32, #tpu.memory_space<vmem>>, vector<16xf32>,
      tpu.vector_store %arg79[%swap3A_436], %neg3A_418 {strides = array<i32>} : memref<2000xf32, #tpu.memory_space<vmem>>, vector<16xf32>,
      %swap3A_438 = arith.index_cast %mul3A_277 : i32 to index
      %swap3A_439 = tpu.vector_load %arg80[%swap3A_438] {strides = array<i32>} : memref<2000xf32, #tpu.memory_space<vmem>>, vector<16xf32>,
      tpu.vector_store %arg80[%swap3A_438], %add3A_347 {strides = array<i32>} : memref<2000xf32, #tpu.memory_space<vmem>>, vector<16xf32>,
      %swap3A_440 = arith.index_cast %mul3A_277 : i32 to index
      %swap3A_441 = tpu.vector_load %arg81[%swap3A_440] {strides = array<i32>} : memref<2000xf32, #tpu.memory_space<vmem>>, vector<16xf32>,
      tpu.vector_store %arg81[%swap3A_440], %sub3A_350 {strides = array<i32>} : memref<2000xf32, #tpu.memory_space<vmem>>, vector<16xf32>,
      %swap3A_442 = arith.index_cast %mul3A_277 : i32 to index
      %swap3A_443 = tpu.vector_load %arg82[%swap3A_442] {strides = array<i32>} : memref<2000xf32, #tpu.memory_space<vmem>>, vector<16xf32>,
      tpu.vector_store %arg82[%swap3A_442], %add3A_353 {strides = array<i32>} : memref<2000xf32, #tpu.memory_space<vmem>>, vector<16xf32>,
      %swap3A_444 = arith.index_cast %mul3A_277 : i32 to index
      %swap3A_445 = tpu.vector_load %arg83[%swap3A_444] {strides = array<i32>} : memref<2000xf32, #tpu.memory_space<vmem>>, vector<16xf32>,
      tpu.vector_store %arg83[%swap3A_444], %sub3A_356 {strides = array<i32>} : memref<2000xf32, #tpu.memory_space<vmem>>, vector<16xf32>,
      %sub3A_446 = arith.subf %add3A_353, %add3A_347 : vector<16xf32>
      %swap3A_447 = arith.index_cast %mul3A_277 : i32 to index
      %swap3A_448 = tpu.vector_load %arg84[%swap3A_447] {strides = array<i32>} : memref<2000xf32, #tpu.memory_space<vmem>>, vector<16xf32>,
      tpu.vector_store %arg84[%swap3A_447], %sub3A_446 {strides = array<i32>} : memref<2000xf32, #tpu.memory_space<vmem>>, vector<16xf32>,
      %sub3A_449 = arith.subf %sub3A_356, %sub3A_350 : vector<16xf32>
      %mul3A_450 = arith.mulf %sub3A_449, %mul3A_339 : vector<16xf32>
      %swap3A_451 = arith.index_cast %mul3A_277 : i32 to index
      %swap3A_452 = tpu.vector_load %arg85[%swap3A_451] {strides = array<i32>} : memref<2000xf32, #tpu.memory_space<vmem>>, vector<16xf32>,
      tpu.vector_store %arg85[%swap3A_451], %mul3A_450 {strides = array<i32>} : memref<2000xf32, #tpu.memory_space<vmem>>, vector<16xf32>,
      %swap3A_453 = arith.index_cast %mul3A_277 : i32 to index
      %swap3A_454 = tpu.vector_load %arg86[%swap3A_453] {strides = array<i32>} : memref<2000xf32, #tpu.memory_space<vmem>>, vector<16xf32>,
      tpu.vector_store %arg86[%swap3A_453], %mul3A_340 {strides = array<i32>} : memref<2000xf32, #tpu.memory_space<vmem>>, vector<16xf32>,
      %swap3A_455 = arith.index_cast %mul3A_277 : i32 to index
      %swap3A_456 = tpu.vector_load %arg87[%swap3A_455] {strides = array<i32>} : memref<2000xf32, #tpu.memory_space<vmem>>, vector<16xf32>,
      tpu.vector_store %arg87[%swap3A_455], %mul3A_341 {strides = array<i32>} : memref<2000xf32, #tpu.memory_space<vmem>>, vector<16xf32>,
      %swap3A_457 = arith.index_cast %mul3A_277 : i32 to index
      %swap3A_458 = tpu.vector_load %arg88[%swap3A_457] {strides = array<i32>} : memref<2000xf32, #tpu.memory_space<vmem>>, vector<16xf32>,
      tpu.vector_store %arg88[%swap3A_457], %mul3A_342 {strides = array<i32>} : memref<2000xf32, #tpu.memory_space<vmem>>, vector<16xf32>,
      %scan3A_459 = arith.constant 0 : i32
      scf.yield %scan3A_459 : i32
    }
    %scan3A_94 = arith.constant 125 : i32
    %mul3A_95 = arith.constant 25 : i32
    %mul3A_96 = arith.muli %add3A, %mul3A_95 : i32
    %add3A_97 = arith.constant 0 : i32
    %add3A_98 = arith.addi %mul3A_96, %add3A_97 : i32
    %mul3A_99 = arith.constant 2000 : i32
    %mul3A_100 = arith.muli %add3A_98, %mul3A_99 : i32
    %dma_start3A_101 = tpu.memref_slice %arg13[%mul3A_100] : memref<1600000xf32, #tpu.memory_space<hbm>> -> memref<2000xf32, #tpu.memory_space<hbm>>
    %dma_start3A_102 = tpu.memref_slice %arg13[%mul3A_100] : memref<1600000xf32, #tpu.memory_space<hbm>> -> memref<2000xf32, #tpu.memory_space<hbm>>
    tpu.enqueue_dma source(%arg70 : memref<2000xf32, #tpu.memory_space<vmem>>) target(%dma_start3A_102 : memref<2000xf32, #tpu.memory_space<hbm>>) target_semaphore(%arg94 : memref<!tpu.dma_semaphore, #tpu.memory_space<semaphore_mem>>)
    %dma_start3A_103 = tpu.memref_slice %arg14[%mul3A_100] : memref<1600000xf32, #tpu.memory_space<hbm>> -> memref<2000xf32, #tpu.memory_space<hbm>>
    %dma_start3A_104 = tpu.memref_slice %arg14[%mul3A_100] : memref<1600000xf32, #tpu.memory_space<hbm>> -> memref<2000xf32, #tpu.memory_space<hbm>>
    tpu.enqueue_dma source(%arg71 : memref<2000xf32, #tpu.memory_space<vmem>>) target(%dma_start3A_104 : memref<2000xf32, #tpu.memory_space<hbm>>) target_semaphore(%arg94 : memref<!tpu.dma_semaphore, #tpu.memory_space<semaphore_mem>>)
    %dma_start3A_105 = tpu.memref_slice %arg15[%mul3A_100] : memref<1600000xf32, #tpu.memory_space<hbm>> -> memref<2000xf32, #tpu.memory_space<hbm>>
    %dma_start3A_106 = tpu.memref_slice %arg15[%mul3A_100] : memref<1600000xf32, #tpu.memory_space<hbm>> -> memref<2000xf32, #tpu.memory_space<hbm>>
    tpu.enqueue_dma source(%arg72 : memref<2000xf32, #tpu.memory_space<vmem>>) target(%dma_start3A_106 : memref<2000xf32, #tpu.memory_space<hbm>>) target_semaphore(%arg94 : memref<!tpu.dma_semaphore, #tpu.memory_space<semaphore_mem>>)
    %dma_start3A_107 = tpu.memref_slice %arg16[%mul3A_100] : memref<1600000xf32, #tpu.memory_space<hbm>> -> memref<2000xf32, #tpu.memory_space<hbm>>
    %dma_start3A_108 = tpu.memref_slice %arg16[%mul3A_100] : memref<1600000xf32, #tpu.memory_space<hbm>> -> memref<2000xf32, #tpu.memory_space<hbm>>
    tpu.enqueue_dma source(%arg73 : memref<2000xf32, #tpu.memory_space<vmem>>) target(%dma_start3A_108 : memref<2000xf32, #tpu.memory_space<hbm>>) target_semaphore(%arg94 : memref<!tpu.dma_semaphore, #tpu.memory_space<semaphore_mem>>)
    %dma_start3A_109 = tpu.memref_slice %arg17[%mul3A_100] : memref<1600000xf32, #tpu.memory_space<hbm>> -> memref<2000xf32, #tpu.memory_space<hbm>>
    %dma_start3A_110 = tpu.memref_slice %arg17[%mul3A_100] : memref<1600000xf32, #tpu.memory_space<hbm>> -> memref<2000xf32, #tpu.memory_space<hbm>>
    tpu.enqueue_dma source(%arg74 : memref<2000xf32, #tpu.memory_space<vmem>>) target(%dma_start3A_110 : memref<2000xf32, #tpu.memory_space<hbm>>) target_semaphore(%arg94 : memref<!tpu.dma_semaphore, #tpu.memory_space<semaphore_mem>>)
    %dma_start3A_111 = tpu.memref_slice %arg18[%mul3A_100] : memref<1600000xf32, #tpu.memory_space<hbm>> -> memref<2000xf32, #tpu.memory_space<hbm>>
    %dma_start3A_112 = tpu.memref_slice %arg18[%mul3A_100] : memref<1600000xf32, #tpu.memory_space<hbm>> -> memref<2000xf32, #tpu.memory_space<hbm>>
    tpu.enqueue_dma source(%arg75 : memref<2000xf32, #tpu.memory_space<vmem>>) target(%dma_start3A_112 : memref<2000xf32, #tpu.memory_space<hbm>>) target_semaphore(%arg94 : memref<!tpu.dma_semaphore, #tpu.memory_space<semaphore_mem>>)
    %dma_start3A_113 = tpu.memref_slice %arg19[%mul3A_100] : memref<1600000xf32, #tpu.memory_space<hbm>> -> memref<2000xf32, #tpu.memory_space<hbm>>
    %dma_start3A_114 = tpu.memref_slice %arg19[%mul3A_100] : memref<1600000xf32, #tpu.memory_space<hbm>> -> memref<2000xf32, #tpu.memory_space<hbm>>
    tpu.enqueue_dma source(%arg76 : memref<2000xf32, #tpu.memory_space<vmem>>) target(%dma_start3A_114 : memref<2000xf32, #tpu.memory_space<hbm>>) target_semaphore(%arg94 : memref<!tpu.dma_semaphore, #tpu.memory_space<semaphore_mem>>)
    %dma_start3A_115 = tpu.memref_slice %arg20[%mul3A_100] : memref<1600000xf32, #tpu.memory_space<hbm>> -> memref<2000xf32, #tpu.memory_space<hbm>>
    %dma_start3A_116 = tpu.memref_slice %arg20[%mul3A_100] : memref<1600000xf32, #tpu.memory_space<hbm>> -> memref<2000xf32, #tpu.memory_space<hbm>>
    tpu.enqueue_dma source(%arg77 : memref<2000xf32, #tpu.memory_space<vmem>>) target(%dma_start3A_116 : memref<2000xf32, #tpu.memory_space<hbm>>) target_semaphore(%arg94 : memref<!tpu.dma_semaphore, #tpu.memory_space<semaphore_mem>>)
    %dma_start3A_117 = tpu.memref_slice %arg21[%mul3A_100] : memref<1600000xf32, #tpu.memory_space<hbm>> -> memref<2000xf32, #tpu.memory_space<hbm>>
    %dma_start3A_118 = tpu.memref_slice %arg21[%mul3A_100] : memref<1600000xf32, #tpu.memory_space<hbm>> -> memref<2000xf32, #tpu.memory_space<hbm>>
    tpu.enqueue_dma source(%arg78 : memref<2000xf32, #tpu.memory_space<vmem>>) target(%dma_start3A_118 : memref<2000xf32, #tpu.memory_space<hbm>>) target_semaphore(%arg94 : memref<!tpu.dma_semaphore, #tpu.memory_space<semaphore_mem>>)
    %dma_start3A_119 = tpu.memref_slice %arg22[%mul3A_100] : memref<1600000xf32, #tpu.memory_space<hbm>> -> memref<2000xf32, #tpu.memory_space<hbm>>
    %dma_start3A_120 = tpu.memref_slice %arg22[%mul3A_100] : memref<1600000xf32, #tpu.memory_space<hbm>> -> memref<2000xf32, #tpu.memory_space<hbm>>
    tpu.enqueue_dma source(%arg79 : memref<2000xf32, #tpu.memory_space<vmem>>) target(%dma_start3A_120 : memref<2000xf32, #tpu.memory_space<hbm>>) target_semaphore(%arg94 : memref<!tpu.dma_semaphore, #tpu.memory_space<semaphore_mem>>)
    %dma_start3A_121 = tpu.memref_slice %arg23[%mul3A_100] : memref<1600000xf32, #tpu.memory_space<hbm>> -> memref<2000xf32, #tpu.memory_space<hbm>>
    %dma_start3A_122 = tpu.memref_slice %arg23[%mul3A_100] : memref<1600000xf32, #tpu.memory_space<hbm>> -> memref<2000xf32, #tpu.memory_space<hbm>>
    tpu.enqueue_dma source(%arg80 : memref<2000xf32, #tpu.memory_space<vmem>>) target(%dma_start3A_122 : memref<2000xf32, #tpu.memory_space<hbm>>) target_semaphore(%arg94 : memref<!tpu.dma_semaphore, #tpu.memory_space<semaphore_mem>>)
    %dma_start3A_123 = tpu.memref_slice %arg24[%mul3A_100] : memref<1600000xf32, #tpu.memory_space<hbm>> -> memref<2000xf32, #tpu.memory_space<hbm>>
    %dma_start3A_124 = tpu.memref_slice %arg24[%mul3A_100] : memref<1600000xf32, #tpu.memory_space<hbm>> -> memref<2000xf32, #tpu.memory_space<hbm>>
    tpu.enqueue_dma source(%arg81 : memref<2000xf32, #tpu.memory_space<vmem>>) target(%dma_start3A_124 : memref<2000xf32, #tpu.memory_space<hbm>>) target_semaphore(%arg94 : memref<!tpu.dma_semaphore, #tpu.memory_space<semaphore_mem>>)
    %dma_start3A_125 = tpu.memref_slice %arg26[%mul3A_100] : memref<1600000xf32, #tpu.memory_space<hbm>> -> memref<2000xf32, #tpu.memory_space<hbm>>
    %dma_start3A_126 = tpu.memref_slice %arg26[%mul3A_100] : memref<1600000xf32, #tpu.memory_space<hbm>> -> memref<2000xf32, #tpu.memory_space<hbm>>
    tpu.enqueue_dma source(%arg82 : memref<2000xf32, #tpu.memory_space<vmem>>) target(%dma_start3A_126 : memref<2000xf32, #tpu.memory_space<hbm>>) target_semaphore(%arg94 : memref<!tpu.dma_semaphore, #tpu.memory_space<semaphore_mem>>)
    %dma_start3A_127 = tpu.memref_slice %arg27[%mul3A_100] : memref<1600000xf32, #tpu.memory_space<hbm>> -> memref<2000xf32, #tpu.memory_space<hbm>>
    %dma_start3A_128 = tpu.memref_slice %arg27[%mul3A_100] : memref<1600000xf32, #tpu.memory_space<hbm>> -> memref<2000xf32, #tpu.memory_space<hbm>>
    tpu.enqueue_dma source(%arg83 : memref<2000xf32, #tpu.memory_space<vmem>>) target(%dma_start3A_128 : memref<2000xf32, #tpu.memory_space<hbm>>) target_semaphore(%arg94 : memref<!tpu.dma_semaphore, #tpu.memory_space<semaphore_mem>>)
    %dma_start3A_129 = tpu.memref_slice %arg29[%mul3A_100] : memref<1600000xf32, #tpu.memory_space<hbm>> -> memref<2000xf32, #tpu.memory_space<hbm>>
    %dma_start3A_130 = tpu.memref_slice %arg29[%mul3A_100] : memref<1600000xf32, #tpu.memory_space<hbm>> -> memref<2000xf32, #tpu.memory_space<hbm>>
    tpu.enqueue_dma source(%arg84 : memref<2000xf32, #tpu.memory_space<vmem>>) target(%dma_start3A_130 : memref<2000xf32, #tpu.memory_space<hbm>>) target_semaphore(%arg94 : memref<!tpu.dma_semaphore, #tpu.memory_space<semaphore_mem>>)
    %dma_start3A_131 = tpu.memref_slice %arg30[%mul3A_100] : memref<1600000xf32, #tpu.memory_space<hbm>> -> memref<2000xf32, #tpu.memory_space<hbm>>
    %dma_start3A_132 = tpu.memref_slice %arg30[%mul3A_100] : memref<1600000xf32, #tpu.memory_space<hbm>> -> memref<2000xf32, #tpu.memory_space<hbm>>
    tpu.enqueue_dma source(%arg85 : memref<2000xf32, #tpu.memory_space<vmem>>) target(%dma_start3A_132 : memref<2000xf32, #tpu.memory_space<hbm>>) target_semaphore(%arg94 : memref<!tpu.dma_semaphore, #tpu.memory_space<semaphore_mem>>)
    %dma_start3A_133 = tpu.memref_slice %arg31[%mul3A_100] : memref<1600000xf32, #tpu.memory_space<hbm>> -> memref<2000xf32, #tpu.memory_space<hbm>>
    %dma_start3A_134 = tpu.memref_slice %arg31[%mul3A_100] : memref<1600000xf32, #tpu.memory_space<hbm>> -> memref<2000xf32, #tpu.memory_space<hbm>>
    tpu.enqueue_dma source(%arg86 : memref<2000xf32, #tpu.memory_space<vmem>>) target(%dma_start3A_134 : memref<2000xf32, #tpu.memory_space<hbm>>) target_semaphore(%arg94 : memref<!tpu.dma_semaphore, #tpu.memory_space<semaphore_mem>>)
    %dma_start3A_135 = tpu.memref_slice %arg32[%mul3A_100] : memref<1600000xf32, #tpu.memory_space<hbm>> -> memref<2000xf32, #tpu.memory_space<hbm>>
    %dma_start3A_136 = tpu.memref_slice %arg32[%mul3A_100] : memref<1600000xf32, #tpu.memory_space<hbm>> -> memref<2000xf32, #tpu.memory_space<hbm>>
    tpu.enqueue_dma source(%arg87 : memref<2000xf32, #tpu.memory_space<vmem>>) target(%dma_start3A_136 : memref<2000xf32, #tpu.memory_space<hbm>>) target_semaphore(%arg94 : memref<!tpu.dma_semaphore, #tpu.memory_space<semaphore_mem>>)
    %dma_start3A_137 = tpu.memref_slice %arg33[%mul3A_100] : memref<1600000xf32, #tpu.memory_space<hbm>> -> memref<2000xf32, #tpu.memory_space<hbm>>
    %dma_start3A_138 = tpu.memref_slice %arg33[%mul3A_100] : memref<1600000xf32, #tpu.memory_space<hbm>> -> memref<2000xf32, #tpu.memory_space<hbm>>
    tpu.enqueue_dma source(%arg88 : memref<2000xf32, #tpu.memory_space<vmem>>) target(%dma_start3A_138 : memref<2000xf32, #tpu.memory_space<hbm>>) target_semaphore(%arg94 : memref<!tpu.dma_semaphore, #tpu.memory_space<semaphore_mem>>)
    %dma_start3A_139 = tpu.memref_slice %arg25[%mul3A_100] : memref<1600000xf32, #tpu.memory_space<hbm>> -> memref<2000xf32, #tpu.memory_space<hbm>>
    %dma_start3A_140 = tpu.memref_slice %arg25[%mul3A_100] : memref<1600000xf32, #tpu.memory_space<hbm>> -> memref<2000xf32, #tpu.memory_space<hbm>>
    tpu.enqueue_dma source(%arg47 : memref<2000xf32, #tpu.memory_space<vmem>>) target(%dma_start3A_140 : memref<2000xf32, #tpu.memory_space<hbm>>) target_semaphore(%arg94 : memref<!tpu.dma_semaphore, #tpu.memory_space<semaphore_mem>>)
    %dma_start3A_141 = tpu.memref_slice %arg28[%mul3A_100] : memref<1600000xf32, #tpu.memory_space<hbm>> -> memref<2000xf32, #tpu.memory_space<hbm>>
    %dma_start3A_142 = tpu.memref_slice %arg28[%mul3A_100] : memref<1600000xf32, #tpu.memory_space<hbm>> -> memref<2000xf32, #tpu.memory_space<hbm>>
    tpu.enqueue_dma source(%arg52 : memref<2000xf32, #tpu.memory_space<vmem>>) target(%dma_start3A_142 : memref<2000xf32, #tpu.memory_space<hbm>>) target_semaphore(%arg94 : memref<!tpu.dma_semaphore, #tpu.memory_space<semaphore_mem>>)
    %dma_start3A_143 = arith.constant 0 : i32
    %dma_start3A_144 = tpu.memref_slice %arg89[%dma_start3A_143] : memref<100000xf32, #tpu.memory_space<vmem_shared>> -> memref<100000xf32, #tpu.memory_space<vmem_shared>>
    tpu.enqueue_indirect_dma source(%arg76 : memref<2000xf32, #tpu.memory_space<vmem>>) target(%dma_start3A_144 : memref<100000xf32, #tpu.memory_space<vmem_shared>>) offsets(%arg40 : memref<2000xi32, #tpu.memory_space<vmem>>) semaphore(%arg95 : memref<!tpu.dma_semaphore, #tpu.memory_space<semaphore_mem>>) {add = true}
    %dma_start3A_145 = arith.constant 0 : i32
    %dma_start3A_146 = tpu.memref_slice %arg90[%dma_start3A_145] : memref<100000xf32, #tpu.memory_space<vmem_shared>> -> memref<100000xf32, #tpu.memory_space<vmem_shared>>
    tpu.enqueue_indirect_dma source(%arg77 : memref<2000xf32, #tpu.memory_space<vmem>>) target(%dma_start3A_146 : memref<100000xf32, #tpu.memory_space<vmem_shared>>) offsets(%arg40 : memref<2000xi32, #tpu.memory_space<vmem>>) semaphore(%arg95 : memref<!tpu.dma_semaphore, #tpu.memory_space<semaphore_mem>>) {add = true}
    %dma_start3A_147 = arith.constant 0 : i32
    %dma_start3A_148 = tpu.memref_slice %arg91[%dma_start3A_147] : memref<100000xf32, #tpu.memory_space<vmem_shared>> -> memref<100000xf32, #tpu.memory_space<vmem_shared>>
    tpu.enqueue_indirect_dma source(%arg72 : memref<2000xf32, #tpu.memory_space<vmem>>) target(%dma_start3A_148 : memref<100000xf32, #tpu.memory_space<vmem_shared>>) offsets(%arg40 : memref<2000xi32, #tpu.memory_space<vmem>>) semaphore(%arg95 : memref<!tpu.dma_semaphore, #tpu.memory_space<semaphore_mem>>) {add = true}
    %dma_start3A_149 = arith.constant 0 : i32
    %dma_start3A_150 = tpu.memref_slice %arg89[%dma_start3A_149] : memref<100000xf32, #tpu.memory_space<vmem_shared>> -> memref<100000xf32, #tpu.memory_space<vmem_shared>>
    tpu.enqueue_indirect_dma source(%arg78 : memref<2000xf32, #tpu.memory_space<vmem>>) target(%dma_start3A_150 : memref<100000xf32, #tpu.memory_space<vmem_shared>>) offsets(%arg41 : memref<2000xi32, #tpu.memory_space<vmem>>) semaphore(%arg95 : memref<!tpu.dma_semaphore, #tpu.memory_space<semaphore_mem>>) {add = true}
    %dma_start3A_151 = arith.constant 0 : i32
    %dma_start3A_152 = tpu.memref_slice %arg90[%dma_start3A_151] : memref<100000xf32, #tpu.memory_space<vmem_shared>> -> memref<100000xf32, #tpu.memory_space<vmem_shared>>
    tpu.enqueue_indirect_dma source(%arg79 : memref<2000xf32, #tpu.memory_space<vmem>>) target(%dma_start3A_152 : memref<100000xf32, #tpu.memory_space<vmem_shared>>) offsets(%arg41 : memref<2000xi32, #tpu.memory_space<vmem>>) semaphore(%arg95 : memref<!tpu.dma_semaphore, #tpu.memory_space<semaphore_mem>>) {add = true}
    %dma_start3A_153 = arith.constant 0 : i32
    %dma_start3A_154 = tpu.memref_slice %arg91[%dma_start3A_153] : memref<100000xf32, #tpu.memory_space<vmem_shared>> -> memref<100000xf32, #tpu.memory_space<vmem_shared>>
    tpu.enqueue_indirect_dma source(%arg75 : memref<2000xf32, #tpu.memory_space<vmem>>) target(%dma_start3A_154 : memref<100000xf32, #tpu.memory_space<vmem_shared>>) offsets(%arg41 : memref<2000xi32, #tpu.memory_space<vmem>>) semaphore(%arg95 : memref<!tpu.dma_semaphore, #tpu.memory_space<semaphore_mem>>) {add = true}
    %mul3A_155 = arith.constant 25 : i32
    %mul3A_156 = arith.muli %add3A, %mul3A_155 : i32
    %add3A_157 = arith.constant 1 : i32
    %add3A_158 = arith.addi %mul3A_156, %add3A_157 : i32
    %mul3A_159 = arith.constant 2000 : i32
    %mul3A_160 = arith.muli %add3A_158, %mul3A_159 : i32
    %dma_wait3A_161 = tpu.memref_slice %arg7[%mul3A_160] : memref<1600000xi32, #tpu.memory_space<hbm>> -> memref<2000xi32, #tpu.memory_space<hbm>>
    %dma_wait3A_162 = tpu.memref_slice %arg7[%mul3A_160] : memref<1600000xi32, #tpu.memory_space<hbm>> -> memref<2000xi32, #tpu.memory_space<hbm>>
    tpu.wait_dma2 semaphore(%arg92 : memref<!tpu.dma_semaphore, #tpu.memory_space<semaphore_mem>>) src(%dma_wait3A_162 : memref<2000xi32, #tpu.memory_space<hbm>>) dst(%arg55 : memref<2000xi32, #tpu.memory_space<vmem>>)
    %dma_wait3A_163 = tpu.memref_slice %arg8[%mul3A_160] : memref<1600000xi32, #tpu.memory_space<hbm>> -> memref<2000xi32, #tpu.memory_space<hbm>>
    %dma_wait3A_164 = tpu.memref_slice %arg8[%mul3A_160] : memref<1600000xi32, #tpu.memory_space<hbm>> -> memref<2000xi32, #tpu.memory_space<hbm>>
    tpu.wait_dma2 semaphore(%arg92 : memref<!tpu.dma_semaphore, #tpu.memory_space<semaphore_mem>>) src(%dma_wait3A_164 : memref<2000xi32, #tpu.memory_space<hbm>>) dst(%arg56 : memref<2000xi32, #tpu.memory_space<vmem>>)
    %dma_wait3A_165 = tpu.memref_slice %arg9[%mul3A_160] : memref<1600000xf32, #tpu.memory_space<hbm>> -> memref<2000xf32, #tpu.memory_space<hbm>>
    %dma_wait3A_166 = tpu.memref_slice %arg9[%mul3A_160] : memref<1600000xf32, #tpu.memory_space<hbm>> -> memref<2000xf32, #tpu.memory_space<hbm>>
    tpu.wait_dma2 semaphore(%arg92 : memref<!tpu.dma_semaphore, #tpu.memory_space<semaphore_mem>>) src(%dma_wait3A_166 : memref<2000xf32, #tpu.memory_space<hbm>>) dst(%arg57 : memref<2000xf32, #tpu.memory_space<vmem>>)
    %dma_wait3A_167 = tpu.memref_slice %arg10[%mul3A_160] : memref<1600000xf32, #tpu.memory_space<hbm>> -> memref<2000xf32, #tpu.memory_space<hbm>>
    %dma_wait3A_168 = tpu.memref_slice %arg10[%mul3A_160] : memref<1600000xf32, #tpu.memory_space<hbm>> -> memref<2000xf32, #tpu.memory_space<hbm>>
    tpu.wait_dma2 semaphore(%arg92 : memref<!tpu.dma_semaphore, #tpu.memory_space<semaphore_mem>>) src(%dma_wait3A_168 : memref<2000xf32, #tpu.memory_space<hbm>>) dst(%arg58 : memref<2000xf32, #tpu.memory_space<vmem>>)
    %dma_wait3A_169 = tpu.memref_slice %arg11[%mul3A_160] : memref<1600000xf32, #tpu.memory_space<hbm>> -> memref<2000xf32, #tpu.memory_space<hbm>>
    %dma_wait3A_170 = tpu.memref_slice %arg11[%mul3A_160] : memref<1600000xf32, #tpu.memory_space<hbm>> -> memref<2000xf32, #tpu.memory_space<hbm>>
    tpu.wait_dma2 semaphore(%arg92 : memref<!tpu.dma_semaphore, #tpu.memory_space<semaphore_mem>>) src(%dma_wait3A_170 : memref<2000xf32, #tpu.memory_space<hbm>>) dst(%arg59 : memref<2000xf32, #tpu.memory_space<vmem>>)
    %dma_start3A_171 = arith.constant 0 : i32
    %dma_start3A_172 = tpu.memref_slice %arg2[%dma_start3A_171] : memref<100000xf32, #tpu.memory_space<hbm>> -> memref<100000xf32, #tpu.memory_space<hbm>>
    tpu.enqueue_indirect_dma source(%dma_start3A_172 : memref<100000xf32, #tpu.memory_space<hbm>>) target(%arg60 : memref<2000xf32, #tpu.memory_space<vmem>>) offsets(%arg55 : memref<2000xi32, #tpu.memory_space<vmem>>) semaphore(%arg93 : memref<!tpu.dma_semaphore, #tpu.memory_space<semaphore_mem>>)
    %dma_start3A_173 = arith.constant 0 : i32
    %dma_start3A_174 = tpu.memref_slice %arg3[%dma_start3A_173] : memref<100000xf32, #tpu.memory_space<hbm>> -> memref<100000xf32, #tpu.memory_space<hbm>>
    tpu.enqueue_indirect_dma source(%dma_start3A_174 : memref<100000xf32, #tpu.memory_space<hbm>>) target(%arg61 : memref<2000xf32, #tpu.memory_space<vmem>>) offsets(%arg55 : memref<2000xi32, #tpu.memory_space<vmem>>) semaphore(%arg93 : memref<!tpu.dma_semaphore, #tpu.memory_space<semaphore_mem>>)
    %dma_start3A_175 = arith.constant 0 : i32
    %dma_start3A_176 = tpu.memref_slice %arg4[%dma_start3A_175] : memref<100000xf32, #tpu.memory_space<hbm>> -> memref<100000xf32, #tpu.memory_space<hbm>>
    tpu.enqueue_indirect_dma source(%dma_start3A_176 : memref<100000xf32, #tpu.memory_space<hbm>>) target(%arg62 : memref<2000xf32, #tpu.memory_space<vmem>>) offsets(%arg55 : memref<2000xi32, #tpu.memory_space<vmem>>) semaphore(%arg93 : memref<!tpu.dma_semaphore, #tpu.memory_space<semaphore_mem>>)
    %dma_start3A_177 = arith.constant 0 : i32
    %dma_start3A_178 = tpu.memref_slice %arg5[%dma_start3A_177] : memref<100000xf32, #tpu.memory_space<hbm>> -> memref<100000xf32, #tpu.memory_space<hbm>>
    tpu.enqueue_indirect_dma source(%dma_start3A_178 : memref<100000xf32, #tpu.memory_space<hbm>>) target(%arg63 : memref<2000xf32, #tpu.memory_space<vmem>>) offsets(%arg55 : memref<2000xi32, #tpu.memory_space<vmem>>) semaphore(%arg93 : memref<!tpu.dma_semaphore, #tpu.memory_space<semaphore_mem>>)
    %dma_start3A_179 = arith.constant 0 : i32
    %dma_start3A_180 = tpu.memref_slice %arg6[%dma_start3A_179] : memref<100000xf32, #tpu.memory_space<hbm>> -> memref<100000xf32, #tpu.memory_space<hbm>>
    tpu.enqueue_indirect_dma source(%dma_start3A_180 : memref<100000xf32, #tpu.memory_space<hbm>>) target(%arg64 : memref<2000xf32, #tpu.memory_space<vmem>>) offsets(%arg55 : memref<2000xi32, #tpu.memory_space<vmem>>) semaphore(%arg93 : memref<!tpu.dma_semaphore, #tpu.memory_space<semaphore_mem>>)
    %dma_start3A_181 = arith.constant 0 : i32
    %dma_start3A_182 = tpu.memref_slice %arg2[%dma_start3A_181] : memref<100000xf32, #tpu.memory_space<hbm>> -> memref<100000xf32, #tpu.memory_space<hbm>>
    tpu.enqueue_indirect_dma source(%dma_start3A_182 : memref<100000xf32, #tpu.memory_space<hbm>>) target(%arg65 : memref<2000xf32, #tpu.memory_space<vmem>>) offsets(%arg56 : memref<2000xi32, #tpu.memory_space<vmem>>) semaphore(%arg93 : memref<!tpu.dma_semaphore, #tpu.memory_space<semaphore_mem>>)
    %dma_start3A_183 = arith.constant 0 : i32
    %dma_start3A_184 = tpu.memref_slice %arg3[%dma_start3A_183] : memref<100000xf32, #tpu.memory_space<hbm>> -> memref<100000xf32, #tpu.memory_space<hbm>>
    tpu.enqueue_indirect_dma source(%dma_start3A_184 : memref<100000xf32, #tpu.memory_space<hbm>>) target(%arg66 : memref<2000xf32, #tpu.memory_space<vmem>>) offsets(%arg56 : memref<2000xi32, #tpu.memory_space<vmem>>) semaphore(%arg93 : memref<!tpu.dma_semaphore, #tpu.memory_space<semaphore_mem>>)
    %dma_start3A_185 = arith.constant 0 : i32
    %dma_start3A_186 = tpu.memref_slice %arg4[%dma_start3A_185] : memref<100000xf32, #tpu.memory_space<hbm>> -> memref<100000xf32, #tpu.memory_space<hbm>>
    tpu.enqueue_indirect_dma source(%dma_start3A_186 : memref<100000xf32, #tpu.memory_space<hbm>>) target(%arg67 : memref<2000xf32, #tpu.memory_space<vmem>>) offsets(%arg56 : memref<2000xi32, #tpu.memory_space<vmem>>) semaphore(%arg93 : memref<!tpu.dma_semaphore, #tpu.memory_space<semaphore_mem>>)
    %dma_start3A_187 = arith.constant 0 : i32
    %dma_start3A_188 = tpu.memref_slice %arg5[%dma_start3A_187] : memref<100000xf32, #tpu.memory_space<hbm>> -> memref<100000xf32, #tpu.memory_space<hbm>>
    tpu.enqueue_indirect_dma source(%dma_start3A_188 : memref<100000xf32, #tpu.memory_space<hbm>>) target(%arg68 : memref<2000xf32, #tpu.memory_space<vmem>>) offsets(%arg56 : memref<2000xi32, #tpu.memory_space<vmem>>) semaphore(%arg93 : memref<!tpu.dma_semaphore, #tpu.memory_space<semaphore_mem>>)
    %dma_start3A_189 = arith.constant 0 : i32
    %dma_start3A_190 = tpu.memref_slice %arg6[%dma_start3A_189] : memref<100000xf32, #tpu.memory_space<hbm>> -> memref<100000xf32, #tpu.memory_space<hbm>>
    tpu.enqueue_indirect_dma source(%dma_start3A_190 : memref<100000xf32, #tpu.memory_space<hbm>>) target(%arg69 : memref<2000xf32, #tpu.memory_space<vmem>>) offsets(%arg56 : memref<2000xi32, #tpu.memory_space<vmem>>) semaphore(%arg93 : memref<!tpu.dma_semaphore, #tpu.memory_space<semaphore_mem>>)
    %scan3A_191 = arith.constant 0 : i32
    %scan3A_192 = arith.constant 0 : i32
    %scan3A_193 = arith.constant 12 : i32
    %scan3A_194 = arith.addi %scan3A_192, %scan3A_193 : i32
    %scan3A_195 = arith.constant 1 : i32
    %scan3A_196 = scf.for %scan3A_274 = %scan3A_192 to %scan3A_194 step %scan3A_195 iter_args(%scan3A_275 = %scan3A_191) -> (i32)  : i32 {
      %mul3A_276 = arith.constant 2 : i32
      %mul3A_277 = arith.muli %mul3A_276, %scan3A_274 : i32
      %add3A_278 = arith.constant 1 : i32
      %add3A_279 = arith.addi %mul3A_277, %add3A_278 : i32
      %mul3A_280 = arith.constant 2 : i32
      %mul3A_281 = arith.muli %mul3A_280, %scan3A_274 : i32
      %add3A_282 = arith.constant 2 : i32
      %add3A_283 = arith.addi %mul3A_281, %add3A_282 : i32
      %sub3A = arith.constant 1 : i32
      %sub3A_284 = arith.subi %add3A_279, %sub3A : i32
      %mul3A_285 = arith.constant 25 : i32
      %mul3A_286 = arith.muli %add3A, %mul3A_285 : i32
      %add3A_287 = arith.addi %mul3A_286, %sub3A_284 : i32
      %mul3A_288 = arith.constant 2000 : i32
      %mul3A_289 = arith.muli %add3A_287, %mul3A_288 : i32
      %dma_wait3A_290 = tpu.memref_slice %arg13[%mul3A_289] : memref<1600000xf32, #tpu.memory_space<hbm>> -> memref<2000xf32, #tpu.memory_space<hbm>>
      %dma_wait3A_291 = tpu.memref_slice %arg13[%mul3A_289] : memref<1600000xf32, #tpu.memory_space<hbm>> -> memref<2000xf32, #tpu.memory_space<hbm>>
      tpu.wait_dma2 semaphore(%arg94 : memref<!tpu.dma_semaphore, #tpu.memory_space<semaphore_mem>>) src(%arg70 : memref<2000xf32, #tpu.memory_space<vmem>>) dst(%dma_wait3A_291 : memref<2000xf32, #tpu.memory_space<hbm>>)
      %dma_wait3A_292 = tpu.memref_slice %arg14[%mul3A_289] : memref<1600000xf32, #tpu.memory_space<hbm>> -> memref<2000xf32, #tpu.memory_space<hbm>>
      %dma_wait3A_293 = tpu.memref_slice %arg14[%mul3A_289] : memref<1600000xf32, #tpu.memory_space<hbm>> -> memref<2000xf32, #tpu.memory_space<hbm>>
      tpu.wait_dma2 semaphore(%arg94 : memref<!tpu.dma_semaphore, #tpu.memory_space<semaphore_mem>>) src(%arg71 : memref<2000xf32, #tpu.memory_space<vmem>>) dst(%dma_wait3A_293 : memref<2000xf32, #tpu.memory_space<hbm>>)
      %dma_wait3A_294 = tpu.memref_slice %arg15[%mul3A_289] : memref<1600000xf32, #tpu.memory_space<hbm>> -> memref<2000xf32, #tpu.memory_space<hbm>>
      %dma_wait3A_295 = tpu.memref_slice %arg15[%mul3A_289] : memref<1600000xf32, #tpu.memory_space<hbm>> -> memref<2000xf32, #tpu.memory_space<hbm>>
      tpu.wait_dma2 semaphore(%arg94 : memref<!tpu.dma_semaphore, #tpu.memory_space<semaphore_mem>>) src(%arg72 : memref<2000xf32, #tpu.memory_space<vmem>>) dst(%dma_wait3A_295 : memref<2000xf32, #tpu.memory_space<hbm>>)
      %dma_wait3A_296 = tpu.memref_slice %arg16[%mul3A_289] : memref<1600000xf32, #tpu.memory_space<hbm>> -> memref<2000xf32, #tpu.memory_space<hbm>>
      %dma_wait3A_297 = tpu.memref_slice %arg16[%mul3A_289] : memref<1600000xf32, #tpu.memory_space<hbm>> -> memref<2000xf32, #tpu.memory_space<hbm>>
      tpu.wait_dma2 semaphore(%arg94 : memref<!tpu.dma_semaphore, #tpu.memory_space<semaphore_mem>>) src(%arg73 : memref<2000xf32, #tpu.memory_space<vmem>>) dst(%dma_wait3A_297 : memref<2000xf32, #tpu.memory_space<hbm>>)
      %dma_wait3A_298 = tpu.memref_slice %arg17[%mul3A_289] : memref<1600000xf32, #tpu.memory_space<hbm>> -> memref<2000xf32, #tpu.memory_space<hbm>>
      %dma_wait3A_299 = tpu.memref_slice %arg17[%mul3A_289] : memref<1600000xf32, #tpu.memory_space<hbm>> -> memref<2000xf32, #tpu.memory_space<hbm>>
      tpu.wait_dma2 semaphore(%arg94 : memref<!tpu.dma_semaphore, #tpu.memory_space<semaphore_mem>>) src(%arg74 : memref<2000xf32, #tpu.memory_space<vmem>>) dst(%dma_wait3A_299 : memref<2000xf32, #tpu.memory_space<hbm>>)
      %dma_wait3A_300 = tpu.memref_slice %arg18[%mul3A_289] : memref<1600000xf32, #tpu.memory_space<hbm>> -> memref<2000xf32, #tpu.memory_space<hbm>>
      %dma_wait3A_301 = tpu.memref_slice %arg18[%mul3A_289] : memref<1600000xf32, #tpu.memory_space<hbm>> -> memref<2000xf32, #tpu.memory_space<hbm>>
      tpu.wait_dma2 semaphore(%arg94 : memref<!tpu.dma_semaphore, #tpu.memory_space<semaphore_mem>>) src(%arg75 : memref<2000xf32, #tpu.memory_space<vmem>>) dst(%dma_wait3A_301 : memref<2000xf32, #tpu.memory_space<hbm>>)
      %dma_wait3A_302 = tpu.memref_slice %arg19[%mul3A_289] : memref<1600000xf32, #tpu.memory_space<hbm>> -> memref<2000xf32, #tpu.memory_space<hbm>>
      %dma_wait3A_303 = tpu.memref_slice %arg19[%mul3A_289] : memref<1600000xf32, #tpu.memory_space<hbm>> -> memref<2000xf32, #tpu.memory_space<hbm>>
      tpu.wait_dma2 semaphore(%arg94 : memref<!tpu.dma_semaphore, #tpu.memory_space<semaphore_mem>>) src(%arg76 : memref<2000xf32, #tpu.memory_space<vmem>>) dst(%dma_wait3A_303 : memref<2000xf32, #tpu.memory_space<hbm>>)
      %dma_wait3A_304 = tpu.memref_slice %arg20[%mul3A_289] : memref<1600000xf32, #tpu.memory_space<hbm>> -> memref<2000xf32, #tpu.memory_space<hbm>>
      %dma_wait3A_305 = tpu.memref_slice %arg20[%mul3A_289] : memref<1600000xf32, #tpu.memory_space<hbm>> -> memref<2000xf32, #tpu.memory_space<hbm>>
      tpu.wait_dma2 semaphore(%arg94 : memref<!tpu.dma_semaphore, #tpu.memory_space<semaphore_mem>>) src(%arg77 : memref<2000xf32, #tpu.memory_space<vmem>>) dst(%dma_wait3A_305 : memref<2000xf32, #tpu.memory_space<hbm>>)
      %dma_wait3A_306 = tpu.memref_slice %arg21[%mul3A_289] : memref<1600000xf32, #tpu.memory_space<hbm>> -> memref<2000xf32, #tpu.memory_space<hbm>>
      %dma_wait3A_307 = tpu.memref_slice %arg21[%mul3A_289] : memref<1600000xf32, #tpu.memory_space<hbm>> -> memref<2000xf32, #tpu.memory_space<hbm>>
      tpu.wait_dma2 semaphore(%arg94 : memref<!tpu.dma_semaphore, #tpu.memory_space<semaphore_mem>>) src(%arg78 : memref<2000xf32, #tpu.memory_space<vmem>>) dst(%dma_wait3A_307 : memref<2000xf32, #tpu.memory_space<hbm>>)
      %dma_wait3A_308 = tpu.memref_slice %arg22[%mul3A_289] : memref<1600000xf32, #tpu.memory_space<hbm>> -> memref<2000xf32, #tpu.memory_space<hbm>>
      %dma_wait3A_309 = tpu.memref_slice %arg22[%mul3A_289] : memref<1600000xf32, #tpu.memory_space<hbm>> -> memref<2000xf32, #tpu.memory_space<hbm>>
      tpu.wait_dma2 semaphore(%arg94 : memref<!tpu.dma_semaphore, #tpu.memory_space<semaphore_mem>>) src(%arg79 : memref<2000xf32, #tpu.memory_space<vmem>>) dst(%dma_wait3A_309 : memref<2000xf32, #tpu.memory_space<hbm>>)
      %dma_wait3A_310 = tpu.memref_slice %arg23[%mul3A_289] : memref<1600000xf32, #tpu.memory_space<hbm>> -> memref<2000xf32, #tpu.memory_space<hbm>>
      %dma_wait3A_311 = tpu.memref_slice %arg23[%mul3A_289] : memref<1600000xf32, #tpu.memory_space<hbm>> -> memref<2000xf32, #tpu.memory_space<hbm>>
      tpu.wait_dma2 semaphore(%arg94 : memref<!tpu.dma_semaphore, #tpu.memory_space<semaphore_mem>>) src(%arg80 : memref<2000xf32, #tpu.memory_space<vmem>>) dst(%dma_wait3A_311 : memref<2000xf32, #tpu.memory_space<hbm>>)
      %dma_wait3A_312 = tpu.memref_slice %arg24[%mul3A_289] : memref<1600000xf32, #tpu.memory_space<hbm>> -> memref<2000xf32, #tpu.memory_space<hbm>>
      %dma_wait3A_313 = tpu.memref_slice %arg24[%mul3A_289] : memref<1600000xf32, #tpu.memory_space<hbm>> -> memref<2000xf32, #tpu.memory_space<hbm>>
      tpu.wait_dma2 semaphore(%arg94 : memref<!tpu.dma_semaphore, #tpu.memory_space<semaphore_mem>>) src(%arg81 : memref<2000xf32, #tpu.memory_space<vmem>>) dst(%dma_wait3A_313 : memref<2000xf32, #tpu.memory_space<hbm>>)
      %dma_wait3A_314 = tpu.memref_slice %arg26[%mul3A_289] : memref<1600000xf32, #tpu.memory_space<hbm>> -> memref<2000xf32, #tpu.memory_space<hbm>>
      %dma_wait3A_315 = tpu.memref_slice %arg26[%mul3A_289] : memref<1600000xf32, #tpu.memory_space<hbm>> -> memref<2000xf32, #tpu.memory_space<hbm>>
      tpu.wait_dma2 semaphore(%arg94 : memref<!tpu.dma_semaphore, #tpu.memory_space<semaphore_mem>>) src(%arg82 : memref<2000xf32, #tpu.memory_space<vmem>>) dst(%dma_wait3A_315 : memref<2000xf32, #tpu.memory_space<hbm>>)
      %dma_wait3A_316 = tpu.memref_slice %arg27[%mul3A_289] : memref<1600000xf32, #tpu.memory_space<hbm>> -> memref<2000xf32, #tpu.memory_space<hbm>>
      %dma_wait3A_317 = tpu.memref_slice %arg27[%mul3A_289] : memref<1600000xf32, #tpu.memory_space<hbm>> -> memref<2000xf32, #tpu.memory_space<hbm>>
      tpu.wait_dma2 semaphore(%arg94 : memref<!tpu.dma_semaphore, #tpu.memory_space<semaphore_mem>>) src(%arg83 : memref<2000xf32, #tpu.memory_space<vmem>>) dst(%dma_wait3A_317 : memref<2000xf32, #tpu.memory_space<hbm>>)
      %dma_wait3A_318 = tpu.memref_slice %arg29[%mul3A_289] : memref<1600000xf32, #tpu.memory_space<hbm>> -> memref<2000xf32, #tpu.memory_space<hbm>>
      %dma_wait3A_319 = tpu.memref_slice %arg29[%mul3A_289] : memref<1600000xf32, #tpu.memory_space<hbm>> -> memref<2000xf32, #tpu.memory_space<hbm>>
      tpu.wait_dma2 semaphore(%arg94 : memref<!tpu.dma_semaphore, #tpu.memory_space<semaphore_mem>>) src(%arg84 : memref<2000xf32, #tpu.memory_space<vmem>>) dst(%dma_wait3A_319 : memref<2000xf32, #tpu.memory_space<hbm>>)
      %dma_wait3A_320 = tpu.memref_slice %arg30[%mul3A_289] : memref<1600000xf32, #tpu.memory_space<hbm>> -> memref<2000xf32, #tpu.memory_space<hbm>>
      %dma_wait3A_321 = tpu.memref_slice %arg30[%mul3A_289] : memref<1600000xf32, #tpu.memory_space<hbm>> -> memref<2000xf32, #tpu.memory_space<hbm>>
      tpu.wait_dma2 semaphore(%arg94 : memref<!tpu.dma_semaphore, #tpu.memory_space<semaphore_mem>>) src(%arg85 : memref<2000xf32, #tpu.memory_space<vmem>>) dst(%dma_wait3A_321 : memref<2000xf32, #tpu.memory_space<hbm>>)
      %dma_wait3A_322 = tpu.memref_slice %arg31[%mul3A_289] : memref<1600000xf32, #tpu.memory_space<hbm>> -> memref<2000xf32, #tpu.memory_space<hbm>>
      %dma_wait3A_323 = tpu.memref_slice %arg31[%mul3A_289] : memref<1600000xf32, #tpu.memory_space<hbm>> -> memref<2000xf32, #tpu.memory_space<hbm>>
      tpu.wait_dma2 semaphore(%arg94 : memref<!tpu.dma_semaphore, #tpu.memory_space<semaphore_mem>>) src(%arg86 : memref<2000xf32, #tpu.memory_space<vmem>>) dst(%dma_wait3A_323 : memref<2000xf32, #tpu.memory_space<hbm>>)
      %dma_wait3A_324 = tpu.memref_slice %arg32[%mul3A_289] : memref<1600000xf32, #tpu.memory_space<hbm>> -> memref<2000xf32, #tpu.memory_space<hbm>>
      %dma_wait3A_325 = tpu.memref_slice %arg32[%mul3A_289] : memref<1600000xf32, #tpu.memory_space<hbm>> -> memref<2000xf32, #tpu.memory_space<hbm>>
      tpu.wait_dma2 semaphore(%arg94 : memref<!tpu.dma_semaphore, #tpu.memory_space<semaphore_mem>>) src(%arg87 : memref<2000xf32, #tpu.memory_space<vmem>>) dst(%dma_wait3A_325 : memref<2000xf32, #tpu.memory_space<hbm>>)
      %dma_wait3A_326 = tpu.memref_slice %arg33[%mul3A_289] : memref<1600000xf32, #tpu.memory_space<hbm>> -> memref<2000xf32, #tpu.memory_space<hbm>>
      %dma_wait3A_327 = tpu.memref_slice %arg33[%mul3A_289] : memref<1600000xf32, #tpu.memory_space<hbm>> -> memref<2000xf32, #tpu.memory_space<hbm>>
      tpu.wait_dma2 semaphore(%arg94 : memref<!tpu.dma_semaphore, #tpu.memory_space<semaphore_mem>>) src(%arg88 : memref<2000xf32, #tpu.memory_space<vmem>>) dst(%dma_wait3A_327 : memref<2000xf32, #tpu.memory_space<hbm>>)
      %dma_wait3A_328 = tpu.memref_slice %arg25[%mul3A_289] : memref<1600000xf32, #tpu.memory_space<hbm>> -> memref<2000xf32, #tpu.memory_space<hbm>>
      %dma_wait3A_329 = tpu.memref_slice %arg25[%mul3A_289] : memref<1600000xf32, #tpu.memory_space<hbm>> -> memref<2000xf32, #tpu.memory_space<hbm>>
      tpu.wait_dma2 semaphore(%arg94 : memref<!tpu.dma_semaphore, #tpu.memory_space<semaphore_mem>>) src(%arg47 : memref<2000xf32, #tpu.memory_space<vmem>>) dst(%dma_wait3A_329 : memref<2000xf32, #tpu.memory_space<hbm>>)
      %dma_wait3A_330 = tpu.memref_slice %arg28[%mul3A_289] : memref<1600000xf32, #tpu.memory_space<hbm>> -> memref<2000xf32, #tpu.memory_space<hbm>>
      %dma_wait3A_331 = tpu.memref_slice %arg28[%mul3A_289] : memref<1600000xf32, #tpu.memory_space<hbm>> -> memref<2000xf32, #tpu.memory_space<hbm>>
      tpu.wait_dma2 semaphore(%arg94 : memref<!tpu.dma_semaphore, #tpu.memory_space<semaphore_mem>>) src(%arg52 : memref<2000xf32, #tpu.memory_space<vmem>>) dst(%dma_wait3A_331 : memref<2000xf32, #tpu.memory_space<hbm>>)
      %dma_wait3A_332 = arith.constant 0 : i32
      %dma_wait3A_333 = tpu.memref_slice %arg89[%dma_wait3A_332] : memref<100000xf32, #tpu.memory_space<vmem_shared>> -> memref<100000xf32, #tpu.memory_space<vmem_shared>>
      tpu.wait_indirect_dma semaphore(%arg95 : memref<!tpu.dma_semaphore, #tpu.memory_space<semaphore_mem>>) src(%arg76 : memref<2000xf32, #tpu.memory_space<vmem>>) dst(%dma_wait3A_333 : memref<100000xf32, #tpu.memory_space<vmem_shared>>)
      %dma_wait3A_334 = arith.constant 0 : i32
      %dma_wait3A_335 = tpu.memref_slice %arg90[%dma_wait3A_334] : memref<100000xf32, #tpu.memory_space<vmem_shared>> -> memref<100000xf32, #tpu.memory_space<vmem_shared>>
      tpu.wait_indirect_dma semaphore(%arg95 : memref<!tpu.dma_semaphore, #tpu.memory_space<semaphore_mem>>) src(%arg77 : memref<2000xf32, #tpu.memory_space<vmem>>) dst(%dma_wait3A_335 : memref<100000xf32, #tpu.memory_space<vmem_shared>>)
      %dma_wait3A_336 = arith.constant 0 : i32
      %dma_wait3A_337 = tpu.memref_slice %arg91[%dma_wait3A_336] : memref<100000xf32, #tpu.memory_space<vmem_shared>> -> memref<100000xf32, #tpu.memory_space<vmem_shared>>
      tpu.wait_indirect_dma semaphore(%arg95 : memref<!tpu.dma_semaphore, #tpu.memory_space<semaphore_mem>>) src(%arg72 : memref<2000xf32, #tpu.memory_space<vmem>>) dst(%dma_wait3A_337 : memref<100000xf32, #tpu.memory_space<vmem_shared>>)
      %dma_wait3A_338 = arith.constant 0 : i32
      %dma_wait3A_339 = tpu.memref_slice %arg89[%dma_wait3A_338] : memref<100000xf32, #tpu.memory_space<vmem_shared>> -> memref<100000xf32, #tpu.memory_space<vmem_shared>>
      tpu.wait_indirect_dma semaphore(%arg95 : memref<!tpu.dma_semaphore, #tpu.memory_space<semaphore_mem>>) src(%arg78 : memref<2000xf32, #tpu.memory_space<vmem>>) dst(%dma_wait3A_339 : memref<100000xf32, #tpu.memory_space<vmem_shared>>)
      %dma_wait3A_340 = arith.constant 0 : i32
      %dma_wait3A_341 = tpu.memref_slice %arg90[%dma_wait3A_340] : memref<100000xf32, #tpu.memory_space<vmem_shared>> -> memref<100000xf32, #tpu.memory_space<vmem_shared>>
      tpu.wait_indirect_dma semaphore(%arg95 : memref<!tpu.dma_semaphore, #tpu.memory_space<semaphore_mem>>) src(%arg79 : memref<2000xf32, #tpu.memory_space<vmem>>) dst(%dma_wait3A_341 : memref<100000xf32, #tpu.memory_space<vmem_shared>>)
      %dma_wait3A_342 = arith.constant 0 : i32
      %dma_wait3A_343 = tpu.memref_slice %arg91[%dma_wait3A_342] : memref<100000xf32, #tpu.memory_space<vmem_shared>> -> memref<100000xf32, #tpu.memory_space<vmem_shared>>
      tpu.wait_indirect_dma semaphore(%arg95 : memref<!tpu.dma_semaphore, #tpu.memory_space<semaphore_mem>>) src(%arg75 : memref<2000xf32, #tpu.memory_space<vmem>>) dst(%dma_wait3A_343 : memref<100000xf32, #tpu.memory_space<vmem_shared>>)
      %mul3A_344 = arith.constant 25 : i32
      %mul3A_345 = arith.muli %add3A, %mul3A_344 : i32
      %add3A_346 = arith.addi %mul3A_345, %add3A_283 : i32
      %mul3A_347 = arith.constant 2000 : i32
      %mul3A_348 = arith.muli %add3A_346, %mul3A_347 : i32
      %dma_start3A_349 = tpu.memref_slice %arg7[%mul3A_348] : memref<1600000xi32, #tpu.memory_space<hbm>> -> memref<2000xi32, #tpu.memory_space<hbm>>
      %dma_start3A_350 = tpu.memref_slice %arg7[%mul3A_348] : memref<1600000xi32, #tpu.memory_space<hbm>> -> memref<2000xi32, #tpu.memory_space<hbm>>
      tpu.enqueue_dma source(%dma_start3A_350 : memref<2000xi32, #tpu.memory_space<hbm>>) target(%arg40 : memref<2000xi32, #tpu.memory_space<vmem>>) target_semaphore(%arg92 : memref<!tpu.dma_semaphore, #tpu.memory_space<semaphore_mem>>)
      %dma_start3A_351 = tpu.memref_slice %arg8[%mul3A_348] : memref<1600000xi32, #tpu.memory_space<hbm>> -> memref<2000xi32, #tpu.memory_space<hbm>>
      %dma_start3A_352 = tpu.memref_slice %arg8[%mul3A_348] : memref<1600000xi32, #tpu.memory_space<hbm>> -> memref<2000xi32, #tpu.memory_space<hbm>>
      tpu.enqueue_dma source(%dma_start3A_352 : memref<2000xi32, #tpu.memory_space<hbm>>) target(%arg41 : memref<2000xi32, #tpu.memory_space<vmem>>) target_semaphore(%arg92 : memref<!tpu.dma_semaphore, #tpu.memory_space<semaphore_mem>>)
      %dma_start3A_353 = tpu.memref_slice %arg9[%mul3A_348] : memref<1600000xf32, #tpu.memory_space<hbm>> -> memref<2000xf32, #tpu.memory_space<hbm>>
      %dma_start3A_354 = tpu.memref_slice %arg9[%mul3A_348] : memref<1600000xf32, #tpu.memory_space<hbm>> -> memref<2000xf32, #tpu.memory_space<hbm>>
      tpu.enqueue_dma source(%dma_start3A_354 : memref<2000xf32, #tpu.memory_space<hbm>>) target(%arg42 : memref<2000xf32, #tpu.memory_space<vmem>>) target_semaphore(%arg92 : memref<!tpu.dma_semaphore, #tpu.memory_space<semaphore_mem>>)
      %dma_start3A_355 = tpu.memref_slice %arg10[%mul3A_348] : memref<1600000xf32, #tpu.memory_space<hbm>> -> memref<2000xf32, #tpu.memory_space<hbm>>
      %dma_start3A_356 = tpu.memref_slice %arg10[%mul3A_348] : memref<1600000xf32, #tpu.memory_space<hbm>> -> memref<2000xf32, #tpu.memory_space<hbm>>
      tpu.enqueue_dma source(%dma_start3A_356 : memref<2000xf32, #tpu.memory_space<hbm>>) target(%arg43 : memref<2000xf32, #tpu.memory_space<vmem>>) target_semaphore(%arg92 : memref<!tpu.dma_semaphore, #tpu.memory_space<semaphore_mem>>)
      %dma_start3A_357 = tpu.memref_slice %arg11[%mul3A_348] : memref<1600000xf32, #tpu.memory_space<hbm>> -> memref<2000xf32, #tpu.memory_space<hbm>>
      %dma_start3A_358 = tpu.memref_slice %arg11[%mul3A_348] : memref<1600000xf32, #tpu.memory_space<hbm>> -> memref<2000xf32, #tpu.memory_space<hbm>>
      tpu.enqueue_dma source(%dma_start3A_358 : memref<2000xf32, #tpu.memory_space<hbm>>) target(%arg44 : memref<2000xf32, #tpu.memory_space<vmem>>) target_semaphore(%arg92 : memref<!tpu.dma_semaphore, #tpu.memory_space<semaphore_mem>>)
      %dma_wait3A_359 = arith.constant 0 : i32
      %dma_wait3A_360 = tpu.memref_slice %arg2[%dma_wait3A_359] : memref<100000xf32, #tpu.memory_space<hbm>> -> memref<100000xf32, #tpu.memory_space<hbm>>
      tpu.wait_indirect_dma semaphore(%arg93 : memref<!tpu.dma_semaphore, #tpu.memory_space<semaphore_mem>>) src(%dma_wait3A_360 : memref<100000xf32, #tpu.memory_space<hbm>>) dst(%arg60 : memref<2000xf32, #tpu.memory_space<vmem>>)
      %dma_wait3A_361 = arith.constant 0 : i32
      %dma_wait3A_362 = tpu.memref_slice %arg3[%dma_wait3A_361] : memref<100000xf32, #tpu.memory_space<hbm>> -> memref<100000xf32, #tpu.memory_space<hbm>>
      tpu.wait_indirect_dma semaphore(%arg93 : memref<!tpu.dma_semaphore, #tpu.memory_space<semaphore_mem>>) src(%dma_wait3A_362 : memref<100000xf32, #tpu.memory_space<hbm>>) dst(%arg61 : memref<2000xf32, #tpu.memory_space<vmem>>)
      %dma_wait3A_363 = arith.constant 0 : i32
      %dma_wait3A_364 = tpu.memref_slice %arg4[%dma_wait3A_363] : memref<100000xf32, #tpu.memory_space<hbm>> -> memref<100000xf32, #tpu.memory_space<hbm>>
      tpu.wait_indirect_dma semaphore(%arg93 : memref<!tpu.dma_semaphore, #tpu.memory_space<semaphore_mem>>) src(%dma_wait3A_364 : memref<100000xf32, #tpu.memory_space<hbm>>) dst(%arg62 : memref<2000xf32, #tpu.memory_space<vmem>>)
      %dma_wait3A_365 = arith.constant 0 : i32
      %dma_wait3A_366 = tpu.memref_slice %arg5[%dma_wait3A_365] : memref<100000xf32, #tpu.memory_space<hbm>> -> memref<100000xf32, #tpu.memory_space<hbm>>
      tpu.wait_indirect_dma semaphore(%arg93 : memref<!tpu.dma_semaphore, #tpu.memory_space<semaphore_mem>>) src(%dma_wait3A_366 : memref<100000xf32, #tpu.memory_space<hbm>>) dst(%arg63 : memref<2000xf32, #tpu.memory_space<vmem>>)
      %dma_wait3A_367 = arith.constant 0 : i32
      %dma_wait3A_368 = tpu.memref_slice %arg6[%dma_wait3A_367] : memref<100000xf32, #tpu.memory_space<hbm>> -> memref<100000xf32, #tpu.memory_space<hbm>>
      tpu.wait_indirect_dma semaphore(%arg93 : memref<!tpu.dma_semaphore, #tpu.memory_space<semaphore_mem>>) src(%dma_wait3A_368 : memref<100000xf32, #tpu.memory_space<hbm>>) dst(%arg64 : memref<2000xf32, #tpu.memory_space<vmem>>)
      %dma_wait3A_369 = arith.constant 0 : i32
      %dma_wait3A_370 = tpu.memref_slice %arg2[%dma_wait3A_369] : memref<100000xf32, #tpu.memory_space<hbm>> -> memref<100000xf32, #tpu.memory_space<hbm>>
      tpu.wait_indirect_dma semaphore(%arg93 : memref<!tpu.dma_semaphore, #tpu.memory_space<semaphore_mem>>) src(%dma_wait3A_370 : memref<100000xf32, #tpu.memory_space<hbm>>) dst(%arg65 : memref<2000xf32, #tpu.memory_space<vmem>>)
      %dma_wait3A_371 = arith.constant 0 : i32
      %dma_wait3A_372 = tpu.memref_slice %arg3[%dma_wait3A_371] : memref<100000xf32, #tpu.memory_space<hbm>> -> memref<100000xf32, #tpu.memory_space<hbm>>
      tpu.wait_indirect_dma semaphore(%arg93 : memref<!tpu.dma_semaphore, #tpu.memory_space<semaphore_mem>>) src(%dma_wait3A_372 : memref<100000xf32, #tpu.memory_space<hbm>>) dst(%arg66 : memref<2000xf32, #tpu.memory_space<vmem>>)
      %dma_wait3A_373 = arith.constant 0 : i32
      %dma_wait3A_374 = tpu.memref_slice %arg4[%dma_wait3A_373] : memref<100000xf32, #tpu.memory_space<hbm>> -> memref<100000xf32, #tpu.memory_space<hbm>>
      tpu.wait_indirect_dma semaphore(%arg93 : memref<!tpu.dma_semaphore, #tpu.memory_space<semaphore_mem>>) src(%dma_wait3A_374 : memref<100000xf32, #tpu.memory_space<hbm>>) dst(%arg67 : memref<2000xf32, #tpu.memory_space<vmem>>)
      %dma_wait3A_375 = arith.constant 0 : i32
      %dma_wait3A_376 = tpu.memref_slice %arg5[%dma_wait3A_375] : memref<100000xf32, #tpu.memory_space<hbm>> -> memref<100000xf32, #tpu.memory_space<hbm>>
      tpu.wait_indirect_dma semaphore(%arg93 : memref<!tpu.dma_semaphore, #tpu.memory_space<semaphore_mem>>) src(%dma_wait3A_376 : memref<100000xf32, #tpu.memory_space<hbm>>) dst(%arg68 : memref<2000xf32, #tpu.memory_space<vmem>>)
      %dma_wait3A_377 = arith.constant 0 : i32
      %dma_wait3A_378 = tpu.memref_slice %arg6[%dma_wait3A_377] : memref<100000xf32, #tpu.memory_space<hbm>> -> memref<100000xf32, #tpu.memory_space<hbm>>
      tpu.wait_indirect_dma semaphore(%arg93 : memref<!tpu.dma_semaphore, #tpu.memory_space<semaphore_mem>>) src(%dma_wait3A_378 : memref<100000xf32, #tpu.memory_space<hbm>>) dst(%arg69 : memref<2000xf32, #tpu.memory_space<vmem>>)
      %scan3A_379 = arith.constant 0 : i32
      %scan3A_380 = arith.constant 0 : i32
      %scan3A_381 = arith.constant 125 : i32
      %scan3A_382 = arith.addi %scan3A_380, %scan3A_381 : i32
      %scan3A_383 = arith.constant 1 : i32
      %scan3A_384 = scf.for %scan3A_635 = %scan3A_380 to %scan3A_382 step %scan3A_383 iter_args(%scan3A_636 = %scan3A_379) -> (i32)  : i32 {
        %mul3A_637 = arith.constant 16 : i32
        %mul3A_638 = arith.muli %scan3A_635, %mul3A_637 : i32
        %get3A = arith.index_cast %mul3A_638 : i32 to index
        %get3A_639 = tpu.vector_load %arg60[%get3A] {strides = array<i32>} : memref<2000xf32, #tpu.memory_space<vmem>>, vector<16xf32>,
        %get3A_640 = arith.index_cast %mul3A_638 : i32 to index
        %get3A_641 = tpu.vector_load %arg61[%get3A_640] {strides = array<i32>} : memref<2000xf32, #tpu.memory_space<vmem>>, vector<16xf32>,
        %get3A_642 = arith.index_cast %mul3A_638 : i32 to index
        %get3A_643 = tpu.vector_load %arg62[%get3A_642] {strides = array<i32>} : memref<2000xf32, #tpu.memory_space<vmem>>, vector<16xf32>,
        %get3A_644 = arith.index_cast %mul3A_638 : i32 to index
        %get3A_645 = tpu.vector_load %arg63[%get3A_644] {strides = array<i32>} : memref<2000xf32, #tpu.memory_space<vmem>>, vector<16xf32>,
        %get3A_646 = arith.index_cast %mul3A_638 : i32 to index
        %get3A_647 = tpu.vector_load %arg64[%get3A_646] {strides = array<i32>} : memref<2000xf32, #tpu.memory_space<vmem>>, vector<16xf32>,
        %get3A_648 = arith.index_cast %mul3A_638 : i32 to index
        %get3A_649 = tpu.vector_load %arg65[%get3A_648] {strides = array<i32>} : memref<2000xf32, #tpu.memory_space<vmem>>, vector<16xf32>,
        %get3A_650 = arith.index_cast %mul3A_638 : i32 to index
        %get3A_651 = tpu.vector_load %arg66[%get3A_650] {strides = array<i32>} : memref<2000xf32, #tpu.memory_space<vmem>>, vector<16xf32>,
        %get3A_652 = arith.index_cast %mul3A_638 : i32 to index
        %get3A_653 = tpu.vector_load %arg67[%get3A_652] {strides = array<i32>} : memref<2000xf32, #tpu.memory_space<vmem>>, vector<16xf32>,
        %get3A_654 = arith.index_cast %mul3A_638 : i32 to index
        %get3A_655 = tpu.vector_load %arg68[%get3A_654] {strides = array<i32>} : memref<2000xf32, #tpu.memory_space<vmem>>, vector<16xf32>,
        %get3A_656 = arith.index_cast %mul3A_638 : i32 to index
        %get3A_657 = tpu.vector_load %arg69[%get3A_656] {strides = array<i32>} : memref<2000xf32, #tpu.memory_space<vmem>>, vector<16xf32>,
        %get3A_658 = arith.index_cast %mul3A_638 : i32 to index
        %get3A_659 = tpu.vector_load %arg57[%get3A_658] {strides = array<i32>} : memref<2000xf32, #tpu.memory_space<vmem>>, vector<16xf32>,
        %get3A_660 = arith.index_cast %mul3A_638 : i32 to index
        %get3A_661 = tpu.vector_load %arg58[%get3A_660] {strides = array<i32>} : memref<2000xf32, #tpu.memory_space<vmem>>, vector<16xf32>,
        %get3A_662 = arith.index_cast %mul3A_638 : i32 to index
        %get3A_663 = tpu.vector_load %arg59[%get3A_662] {strides = array<i32>} : memref<2000xf32, #tpu.memory_space<vmem>>, vector<16xf32>,
        %sub3A_664 = arith.subf %get3A_655, %get3A_645 : vector<16xf32>
        %sub3A_665 = arith.subf %get3A_657, %get3A_647 : vector<16xf32>
        %mul3A_666 = arith.mulf %sub3A_664, %sub3A_664 : vector<16xf32>
        %mul3A_667 = arith.mulf %sub3A_665, %sub3A_665 : vector<16xf32>
        %add3A_668 = arith.addf %mul3A_666, %mul3A_667 : vector<16xf32>
        %bitcast_convert_type3A = tpu.bitcast %add3A_668 : vector<16xf32> -> vector<16xi32>
        %shift_right_logical3A = arith.constant 1 : i32
        %shift_right_logical3A_669 = vector.broadcast %shift_right_logical3A : i32 to vector<16xi32>
        %shift_right_logical3A_670 = arith.shrui %bitcast_convert_type3A, %shift_right_logical3A_669 : vector<16xi32>
        %sub3A_671 = arith.constant 1597463007 : i32
        %sub3A_672 = vector.broadcast %sub3A_671 : i32 to vector<16xi32>
        %sub3A_673 = arith.subi %sub3A_672, %shift_right_logical3A_670 : vector<16xi32>
        %bitcast_convert_type3A_674 = tpu.bitcast %sub3A_673 : vector<16xi32> -> vector<16xf32>
        %mul3A_675 = arith.constant 5.000000e-01 : f32
        %mul3A_676 = vector.broadcast %mul3A_675 : f32 to vector<16xf32>
        %mul3A_677 = arith.mulf %mul3A_676, %add3A_668 : vector<16xf32>
        %mul3A_678 = arith.mulf %mul3A_677, %bitcast_convert_type3A_674 : vector<16xf32>
        %mul3A_679 = arith.mulf %mul3A_678, %bitcast_convert_type3A_674 : vector<16xf32>
        %sub3A_680 = arith.constant 1.500000e+00 : f32
        %sub3A_681 = vector.broadcast %sub3A_680 : f32 to vector<16xf32>
        %sub3A_682 = arith.subf %sub3A_681, %mul3A_679 : vector<16xf32>
        %mul3A_683 = arith.mulf %bitcast_convert_type3A_674, %sub3A_682 : vector<16xf32>
        %mul3A_684 = arith.constant 5.000000e-01 : f32
        %mul3A_685 = vector.broadcast %mul3A_684 : f32 to vector<16xf32>
        %mul3A_686 = arith.mulf %mul3A_685, %add3A_668 : vector<16xf32>
        %mul3A_687 = arith.mulf %mul3A_686, %mul3A_683 : vector<16xf32>
        %mul3A_688 = arith.mulf %mul3A_687, %mul3A_683 : vector<16xf32>
        %sub3A_689 = arith.constant 1.500000e+00 : f32
        %sub3A_690 = vector.broadcast %sub3A_689 : f32 to vector<16xf32>
        %sub3A_691 = arith.subf %sub3A_690, %mul3A_688 : vector<16xf32>
        %mul3A_692 = arith.mulf %mul3A_683, %sub3A_691 : vector<16xf32>
        %mul3A_693 = arith.constant 5.000000e-01 : f32
        %mul3A_694 = vector.broadcast %mul3A_693 : f32 to vector<16xf32>
        %mul3A_695 = arith.mulf %mul3A_694, %add3A_668 : vector<16xf32>
        %mul3A_696 = arith.mulf %mul3A_695, %mul3A_692 : vector<16xf32>
        %mul3A_697 = arith.mulf %mul3A_696, %mul3A_692 : vector<16xf32>
        %sub3A_698 = arith.constant 1.500000e+00 : f32
        %sub3A_699 = vector.broadcast %sub3A_698 : f32 to vector<16xf32>
        %sub3A_700 = arith.subf %sub3A_699, %mul3A_697 : vector<16xf32>
        %mul3A_701 = arith.mulf %mul3A_692, %sub3A_700 : vector<16xf32>
        %mul3A_702 = arith.mulf %add3A_668, %mul3A_701 : vector<16xf32>
        %mul3A_703 = arith.mulf %sub3A_664, %mul3A_701 : vector<16xf32>
        %mul3A_704 = arith.mulf %sub3A_665, %mul3A_701 : vector<16xf32>
        %mul3A_705 = arith.mulf %get3A_659, %get3A_661 : vector<16xf32>
        %mul3A_706 = arith.mulf %get3A_659, %get3A_663 : vector<16xf32>
        %mul3A_707 = arith.mulf %mul3A_703, %get3A_639 : vector<16xf32>
        %mul3A_708 = arith.mulf %mul3A_704, %get3A_641 : vector<16xf32>
        %add3A_709 = arith.addf %mul3A_707, %mul3A_708 : vector<16xf32>
        %mul3A_710 = arith.mulf %mul3A_703, %get3A_641 : vector<16xf32>
        %mul3A_711 = arith.mulf %mul3A_704, %get3A_639 : vector<16xf32>
        %sub3A_712 = arith.subf %mul3A_710, %mul3A_711 : vector<16xf32>
        %mul3A_713 = arith.mulf %mul3A_703, %get3A_649 : vector<16xf32>
        %mul3A_714 = arith.mulf %mul3A_704, %get3A_651 : vector<16xf32>
        %add3A_715 = arith.addf %mul3A_713, %mul3A_714 : vector<16xf32>
        %mul3A_716 = arith.mulf %mul3A_703, %get3A_651 : vector<16xf32>
        %mul3A_717 = arith.mulf %mul3A_704, %get3A_649 : vector<16xf32>
        %sub3A_718 = arith.subf %mul3A_716, %mul3A_717 : vector<16xf32>
        %mul3A_719 = arith.mulf %mul3A_701, %mul3A_701 : vector<16xf32>
        %mul3A_720 = arith.mulf %mul3A_719, %mul3A_701 : vector<16xf32>
        %mul3A_721 = arith.mulf %mul3A_705, %mul3A_701 : vector<16xf32>
        %sub3A_722 = arith.subf %add3A_709, %add3A_715 : vector<16xf32>
        %mul3A_723 = arith.mulf %mul3A_721, %sub3A_722 : vector<16xf32>
        %sub3A_724 = arith.subf %sub3A_712, %sub3A_718 : vector<16xf32>
        %mul3A_725 = arith.mulf %mul3A_706, %mul3A_720 : vector<16xf32>
        %mul3A_726 = arith.mulf %mul3A_706, %mul3A_719 : vector<16xf32>
        %mul3A_727 = arith.mulf %mul3A_706, %mul3A_701 : vector<16xf32>
        %mul3A_728 = arith.constant 1.200000e+01 : f32
        %mul3A_729 = vector.broadcast %mul3A_728 : f32 to vector<16xf32>
        %mul3A_730 = arith.mulf %mul3A_729, %mul3A_725 : vector<16xf32>
        %mul3A_731 = arith.mulf %mul3A_730, %sub3A_724 : vector<16xf32>
        %mul3A_732 = arith.constant 6.000000e+00 : f32
        %mul3A_733 = vector.broadcast %mul3A_732 : f32 to vector<16xf32>
        %mul3A_734 = arith.mulf %mul3A_733, %mul3A_726 : vector<16xf32>
        %add3A_735 = arith.addf %get3A_643, %get3A_653 : vector<16xf32>
        %mul3A_736 = arith.mulf %mul3A_734, %add3A_735 : vector<16xf32>
        %add3A_737 = arith.addf %mul3A_731, %mul3A_736 : vector<16xf32>
        %mul3A_738 = arith.constant 6.000000e+00 : f32
        %mul3A_739 = vector.broadcast %mul3A_738 : f32 to vector<16xf32>
        %mul3A_740 = arith.mulf %mul3A_739, %mul3A_726 : vector<16xf32>
        %mul3A_741 = arith.mulf %mul3A_740, %sub3A_724 : vector<16xf32>
        %mul3A_742 = arith.constant 4.000000e+00 : f32
        %mul3A_743 = vector.broadcast %mul3A_742 : f32 to vector<16xf32>
        %mul3A_744 = arith.mulf %mul3A_743, %get3A_643 : vector<16xf32>
        %mul3A_745 = arith.constant 2.000000e+00 : f32
        %mul3A_746 = vector.broadcast %mul3A_745 : f32 to vector<16xf32>
        %mul3A_747 = arith.mulf %mul3A_746, %get3A_653 : vector<16xf32>
        %add3A_748 = arith.addf %mul3A_744, %mul3A_747 : vector<16xf32>
        %mul3A_749 = arith.mulf %mul3A_727, %add3A_748 : vector<16xf32>
        %add3A_750 = arith.addf %mul3A_741, %mul3A_749 : vector<16xf32>
        %mul3A_751 = arith.constant 6.000000e+00 : f32
        %mul3A_752 = vector.broadcast %mul3A_751 : f32 to vector<16xf32>
        %mul3A_753 = arith.mulf %mul3A_752, %mul3A_726 : vector<16xf32>
        %mul3A_754 = arith.mulf %mul3A_753, %sub3A_724 : vector<16xf32>
        %mul3A_755 = arith.constant 2.000000e+00 : f32
        %mul3A_756 = vector.broadcast %mul3A_755 : f32 to vector<16xf32>
        %mul3A_757 = arith.mulf %mul3A_756, %get3A_643 : vector<16xf32>
        %mul3A_758 = arith.constant 4.000000e+00 : f32
        %mul3A_759 = vector.broadcast %mul3A_758 : f32 to vector<16xf32>
        %mul3A_760 = arith.mulf %mul3A_759, %get3A_653 : vector<16xf32>
        %add3A_761 = arith.addf %mul3A_757, %mul3A_760 : vector<16xf32>
        %mul3A_762 = arith.mulf %mul3A_727, %add3A_761 : vector<16xf32>
        %add3A_763 = arith.addf %mul3A_754, %mul3A_762 : vector<16xf32>
        %neg3A = arith.constant 0.000000e+00 : f32
        %neg3A_764 = vector.broadcast %neg3A : f32 to vector<16xf32>
        %neg3A_765 = arith.subf %neg3A_764, %mul3A_723 : vector<16xf32>
        %neg3A_766 = arith.constant 0.000000e+00 : f32
        %neg3A_767 = vector.broadcast %neg3A_766 : f32 to vector<16xf32>
        %neg3A_768 = arith.subf %neg3A_767, %add3A_737 : vector<16xf32>
        %mul3A_769 = arith.mulf %mul3A_703, %mul3A_723 : vector<16xf32>
        %mul3A_770 = arith.mulf %mul3A_704, %add3A_737 : vector<16xf32>
        %sub3A_771 = arith.subf %mul3A_769, %mul3A_770 : vector<16xf32>
        %mul3A_772 = arith.mulf %mul3A_704, %mul3A_723 : vector<16xf32>
        %mul3A_773 = arith.mulf %mul3A_703, %add3A_737 : vector<16xf32>
        %add3A_774 = arith.addf %mul3A_772, %mul3A_773 : vector<16xf32>
        %neg3A_775 = arith.constant 0.000000e+00 : f32
        %neg3A_776 = vector.broadcast %neg3A_775 : f32 to vector<16xf32>
        %neg3A_777 = arith.subf %neg3A_776, %sub3A_771 : vector<16xf32>
        %neg3A_778 = arith.constant 0.000000e+00 : f32
        %neg3A_779 = vector.broadcast %neg3A_778 : f32 to vector<16xf32>
        %neg3A_780 = arith.subf %neg3A_779, %add3A_774 : vector<16xf32>
        %swap3A = arith.index_cast %mul3A_638 : i32 to index
        %swap3A_781 = tpu.vector_load %arg70[%swap3A] {strides = array<i32>} : memref<2000xf32, #tpu.memory_space<vmem>>, vector<16xf32>,
        tpu.vector_store %arg70[%swap3A], %mul3A_723 {strides = array<i32>} : memref<2000xf32, #tpu.memory_space<vmem>>, vector<16xf32>,
        %swap3A_782 = arith.index_cast %mul3A_638 : i32 to index
        %swap3A_783 = tpu.vector_load %arg71[%swap3A_782] {strides = array<i32>} : memref<2000xf32, #tpu.memory_space<vmem>>, vector<16xf32>,
        tpu.vector_store %arg71[%swap3A_782], %add3A_737 {strides = array<i32>} : memref<2000xf32, #tpu.memory_space<vmem>>, vector<16xf32>,
        %swap3A_784 = arith.index_cast %mul3A_638 : i32 to index
        %swap3A_785 = tpu.vector_load %arg72[%swap3A_784] {strides = array<i32>} : memref<2000xf32, #tpu.memory_space<vmem>>, vector<16xf32>,
        tpu.vector_store %arg72[%swap3A_784], %add3A_750 {strides = array<i32>} : memref<2000xf32, #tpu.memory_space<vmem>>, vector<16xf32>,
        %swap3A_786 = arith.index_cast %mul3A_638 : i32 to index
        %swap3A_787 = tpu.vector_load %arg73[%swap3A_786] {strides = array<i32>} : memref<2000xf32, #tpu.memory_space<vmem>>, vector<16xf32>,
        tpu.vector_store %arg73[%swap3A_786], %neg3A_765 {strides = array<i32>} : memref<2000xf32, #tpu.memory_space<vmem>>, vector<16xf32>,
        %swap3A_788 = arith.index_cast %mul3A_638 : i32 to index
        %swap3A_789 = tpu.vector_load %arg74[%swap3A_788] {strides = array<i32>} : memref<2000xf32, #tpu.memory_space<vmem>>, vector<16xf32>,
        tpu.vector_store %arg74[%swap3A_788], %neg3A_768 {strides = array<i32>} : memref<2000xf32, #tpu.memory_space<vmem>>, vector<16xf32>,
        %swap3A_790 = arith.index_cast %mul3A_638 : i32 to index
        %swap3A_791 = tpu.vector_load %arg75[%swap3A_790] {strides = array<i32>} : memref<2000xf32, #tpu.memory_space<vmem>>, vector<16xf32>,
        tpu.vector_store %arg75[%swap3A_790], %add3A_763 {strides = array<i32>} : memref<2000xf32, #tpu.memory_space<vmem>>, vector<16xf32>,
        %swap3A_792 = arith.index_cast %mul3A_638 : i32 to index
        %swap3A_793 = tpu.vector_load %arg76[%swap3A_792] {strides = array<i32>} : memref<2000xf32, #tpu.memory_space<vmem>>, vector<16xf32>,
        tpu.vector_store %arg76[%swap3A_792], %sub3A_771 {strides = array<i32>} : memref<2000xf32, #tpu.memory_space<vmem>>, vector<16xf32>,
        %swap3A_794 = arith.index_cast %mul3A_638 : i32 to index
        %swap3A_795 = tpu.vector_load %arg77[%swap3A_794] {strides = array<i32>} : memref<2000xf32, #tpu.memory_space<vmem>>, vector<16xf32>,
        tpu.vector_store %arg77[%swap3A_794], %add3A_774 {strides = array<i32>} : memref<2000xf32, #tpu.memory_space<vmem>>, vector<16xf32>,
        %swap3A_796 = arith.index_cast %mul3A_638 : i32 to index
        %swap3A_797 = tpu.vector_load %arg78[%swap3A_796] {strides = array<i32>} : memref<2000xf32, #tpu.memory_space<vmem>>, vector<16xf32>,
        tpu.vector_store %arg78[%swap3A_796], %neg3A_777 {strides = array<i32>} : memref<2000xf32, #tpu.memory_space<vmem>>, vector<16xf32>,
        %swap3A_798 = arith.index_cast %mul3A_638 : i32 to index
        %swap3A_799 = tpu.vector_load %arg79[%swap3A_798] {strides = array<i32>} : memref<2000xf32, #tpu.memory_space<vmem>>, vector<16xf32>,
        tpu.vector_store %arg79[%swap3A_798], %neg3A_780 {strides = array<i32>} : memref<2000xf32, #tpu.memory_space<vmem>>, vector<16xf32>,
        %swap3A_800 = arith.index_cast %mul3A_638 : i32 to index
        %swap3A_801 = tpu.vector_load %arg80[%swap3A_800] {strides = array<i32>} : memref<2000xf32, #tpu.memory_space<vmem>>, vector<16xf32>,
        tpu.vector_store %arg80[%swap3A_800], %add3A_709 {strides = array<i32>} : memref<2000xf32, #tpu.memory_space<vmem>>, vector<16xf32>,
        %swap3A_802 = arith.index_cast %mul3A_638 : i32 to index
        %swap3A_803 = tpu.vector_load %arg81[%swap3A_802] {strides = array<i32>} : memref<2000xf32, #tpu.memory_space<vmem>>, vector<16xf32>,
        tpu.vector_store %arg81[%swap3A_802], %sub3A_712 {strides = array<i32>} : memref<2000xf32, #tpu.memory_space<vmem>>, vector<16xf32>,
        %swap3A_804 = arith.index_cast %mul3A_638 : i32 to index
        %swap3A_805 = tpu.vector_load %arg82[%swap3A_804] {strides = array<i32>} : memref<2000xf32, #tpu.memory_space<vmem>>, vector<16xf32>,
        tpu.vector_store %arg82[%swap3A_804], %add3A_715 {strides = array<i32>} : memref<2000xf32, #tpu.memory_space<vmem>>, vector<16xf32>,
        %swap3A_806 = arith.index_cast %mul3A_638 : i32 to index
        %swap3A_807 = tpu.vector_load %arg83[%swap3A_806] {strides = array<i32>} : memref<2000xf32, #tpu.memory_space<vmem>>, vector<16xf32>,
        tpu.vector_store %arg83[%swap3A_806], %sub3A_718 {strides = array<i32>} : memref<2000xf32, #tpu.memory_space<vmem>>, vector<16xf32>,
        %sub3A_808 = arith.subf %add3A_715, %add3A_709 : vector<16xf32>
        %swap3A_809 = arith.index_cast %mul3A_638 : i32 to index
        %swap3A_810 = tpu.vector_load %arg84[%swap3A_809] {strides = array<i32>} : memref<2000xf32, #tpu.memory_space<vmem>>, vector<16xf32>,
        tpu.vector_store %arg84[%swap3A_809], %sub3A_808 {strides = array<i32>} : memref<2000xf32, #tpu.memory_space<vmem>>, vector<16xf32>,
        %sub3A_811 = arith.subf %sub3A_718, %sub3A_712 : vector<16xf32>
        %mul3A_812 = arith.mulf %sub3A_811, %mul3A_701 : vector<16xf32>
        %swap3A_813 = arith.index_cast %mul3A_638 : i32 to index
        %swap3A_814 = tpu.vector_load %arg85[%swap3A_813] {strides = array<i32>} : memref<2000xf32, #tpu.memory_space<vmem>>, vector<16xf32>,
        tpu.vector_store %arg85[%swap3A_813], %mul3A_812 {strides = array<i32>} : memref<2000xf32, #tpu.memory_space<vmem>>, vector<16xf32>,
        %swap3A_815 = arith.index_cast %mul3A_638 : i32 to index
        %swap3A_816 = tpu.vector_load %arg86[%swap3A_815] {strides = array<i32>} : memref<2000xf32, #tpu.memory_space<vmem>>, vector<16xf32>,
        tpu.vector_store %arg86[%swap3A_815], %mul3A_702 {strides = array<i32>} : memref<2000xf32, #tpu.memory_space<vmem>>, vector<16xf32>,
        %swap3A_817 = arith.index_cast %mul3A_638 : i32 to index
        %swap3A_818 = tpu.vector_load %arg87[%swap3A_817] {strides = array<i32>} : memref<2000xf32, #tpu.memory_space<vmem>>, vector<16xf32>,
        tpu.vector_store %arg87[%swap3A_817], %mul3A_703 {strides = array<i32>} : memref<2000xf32, #tpu.memory_space<vmem>>, vector<16xf32>,
        %swap3A_819 = arith.index_cast %mul3A_638 : i32 to index
        %swap3A_820 = tpu.vector_load %arg88[%swap3A_819] {strides = array<i32>} : memref<2000xf32, #tpu.memory_space<vmem>>, vector<16xf32>,
        tpu.vector_store %arg88[%swap3A_819], %mul3A_704 {strides = array<i32>} : memref<2000xf32, #tpu.memory_space<vmem>>, vector<16xf32>,
        %scan3A_821 = arith.constant 0 : i32
        scf.yield %scan3A_821 : i32
      }
      %scan3A_385 = arith.constant 125 : i32
      %mul3A_386 = arith.constant 25 : i32
      %mul3A_387 = arith.muli %add3A, %mul3A_386 : i32
      %add3A_388 = arith.addi %mul3A_387, %add3A_279 : i32
      %mul3A_389 = arith.constant 2000 : i32
      %mul3A_390 = arith.muli %add3A_388, %mul3A_389 : i32
      %dma_start3A_391 = tpu.memref_slice %arg13[%mul3A_390] : memref<1600000xf32, #tpu.memory_space<hbm>> -> memref<2000xf32, #tpu.memory_space<hbm>>
      %dma_start3A_392 = tpu.memref_slice %arg13[%mul3A_390] : memref<1600000xf32, #tpu.memory_space<hbm>> -> memref<2000xf32, #tpu.memory_space<hbm>>
      tpu.enqueue_dma source(%arg70 : memref<2000xf32, #tpu.memory_space<vmem>>) target(%dma_start3A_392 : memref<2000xf32, #tpu.memory_space<hbm>>) target_semaphore(%arg94 : memref<!tpu.dma_semaphore, #tpu.memory_space<semaphore_mem>>)
      %dma_start3A_393 = tpu.memref_slice %arg14[%mul3A_390] : memref<1600000xf32, #tpu.memory_space<hbm>> -> memref<2000xf32, #tpu.memory_space<hbm>>
      %dma_start3A_394 = tpu.memref_slice %arg14[%mul3A_390] : memref<1600000xf32, #tpu.memory_space<hbm>> -> memref<2000xf32, #tpu.memory_space<hbm>>
      tpu.enqueue_dma source(%arg71 : memref<2000xf32, #tpu.memory_space<vmem>>) target(%dma_start3A_394 : memref<2000xf32, #tpu.memory_space<hbm>>) target_semaphore(%arg94 : memref<!tpu.dma_semaphore, #tpu.memory_space<semaphore_mem>>)
      %dma_start3A_395 = tpu.memref_slice %arg15[%mul3A_390] : memref<1600000xf32, #tpu.memory_space<hbm>> -> memref<2000xf32, #tpu.memory_space<hbm>>
      %dma_start3A_396 = tpu.memref_slice %arg15[%mul3A_390] : memref<1600000xf32, #tpu.memory_space<hbm>> -> memref<2000xf32, #tpu.memory_space<hbm>>
      tpu.enqueue_dma source(%arg72 : memref<2000xf32, #tpu.memory_space<vmem>>) target(%dma_start3A_396 : memref<2000xf32, #tpu.memory_space<hbm>>) target_semaphore(%arg94 : memref<!tpu.dma_semaphore, #tpu.memory_space<semaphore_mem>>)
      %dma_start3A_397 = tpu.memref_slice %arg16[%mul3A_390] : memref<1600000xf32, #tpu.memory_space<hbm>> -> memref<2000xf32, #tpu.memory_space<hbm>>
      %dma_start3A_398 = tpu.memref_slice %arg16[%mul3A_390] : memref<1600000xf32, #tpu.memory_space<hbm>> -> memref<2000xf32, #tpu.memory_space<hbm>>
      tpu.enqueue_dma source(%arg73 : memref<2000xf32, #tpu.memory_space<vmem>>) target(%dma_start3A_398 : memref<2000xf32, #tpu.memory_space<hbm>>) target_semaphore(%arg94 : memref<!tpu.dma_semaphore, #tpu.memory_space<semaphore_mem>>)
      %dma_start3A_399 = tpu.memref_slice %arg17[%mul3A_390] : memref<1600000xf32, #tpu.memory_space<hbm>> -> memref<2000xf32, #tpu.memory_space<hbm>>
      %dma_start3A_400 = tpu.memref_slice %arg17[%mul3A_390] : memref<1600000xf32, #tpu.memory_space<hbm>> -> memref<2000xf32, #tpu.memory_space<hbm>>
      tpu.enqueue_dma source(%arg74 : memref<2000xf32, #tpu.memory_space<vmem>>) target(%dma_start3A_400 : memref<2000xf32, #tpu.memory_space<hbm>>) target_semaphore(%arg94 : memref<!tpu.dma_semaphore, #tpu.memory_space<semaphore_mem>>)
      %dma_start3A_401 = tpu.memref_slice %arg18[%mul3A_390] : memref<1600000xf32, #tpu.memory_space<hbm>> -> memref<2000xf32, #tpu.memory_space<hbm>>
      %dma_start3A_402 = tpu.memref_slice %arg18[%mul3A_390] : memref<1600000xf32, #tpu.memory_space<hbm>> -> memref<2000xf32, #tpu.memory_space<hbm>>
      tpu.enqueue_dma source(%arg75 : memref<2000xf32, #tpu.memory_space<vmem>>) target(%dma_start3A_402 : memref<2000xf32, #tpu.memory_space<hbm>>) target_semaphore(%arg94 : memref<!tpu.dma_semaphore, #tpu.memory_space<semaphore_mem>>)
      %dma_start3A_403 = tpu.memref_slice %arg19[%mul3A_390] : memref<1600000xf32, #tpu.memory_space<hbm>> -> memref<2000xf32, #tpu.memory_space<hbm>>
      %dma_start3A_404 = tpu.memref_slice %arg19[%mul3A_390] : memref<1600000xf32, #tpu.memory_space<hbm>> -> memref<2000xf32, #tpu.memory_space<hbm>>
      tpu.enqueue_dma source(%arg76 : memref<2000xf32, #tpu.memory_space<vmem>>) target(%dma_start3A_404 : memref<2000xf32, #tpu.memory_space<hbm>>) target_semaphore(%arg94 : memref<!tpu.dma_semaphore, #tpu.memory_space<semaphore_mem>>)
      %dma_start3A_405 = tpu.memref_slice %arg20[%mul3A_390] : memref<1600000xf32, #tpu.memory_space<hbm>> -> memref<2000xf32, #tpu.memory_space<hbm>>
      %dma_start3A_406 = tpu.memref_slice %arg20[%mul3A_390] : memref<1600000xf32, #tpu.memory_space<hbm>> -> memref<2000xf32, #tpu.memory_space<hbm>>
      tpu.enqueue_dma source(%arg77 : memref<2000xf32, #tpu.memory_space<vmem>>) target(%dma_start3A_406 : memref<2000xf32, #tpu.memory_space<hbm>>) target_semaphore(%arg94 : memref<!tpu.dma_semaphore, #tpu.memory_space<semaphore_mem>>)
      %dma_start3A_407 = tpu.memref_slice %arg21[%mul3A_390] : memref<1600000xf32, #tpu.memory_space<hbm>> -> memref<2000xf32, #tpu.memory_space<hbm>>
      %dma_start3A_408 = tpu.memref_slice %arg21[%mul3A_390] : memref<1600000xf32, #tpu.memory_space<hbm>> -> memref<2000xf32, #tpu.memory_space<hbm>>
      tpu.enqueue_dma source(%arg78 : memref<2000xf32, #tpu.memory_space<vmem>>) target(%dma_start3A_408 : memref<2000xf32, #tpu.memory_space<hbm>>) target_semaphore(%arg94 : memref<!tpu.dma_semaphore, #tpu.memory_space<semaphore_mem>>)
      %dma_start3A_409 = tpu.memref_slice %arg22[%mul3A_390] : memref<1600000xf32, #tpu.memory_space<hbm>> -> memref<2000xf32, #tpu.memory_space<hbm>>
      %dma_start3A_410 = tpu.memref_slice %arg22[%mul3A_390] : memref<1600000xf32, #tpu.memory_space<hbm>> -> memref<2000xf32, #tpu.memory_space<hbm>>
      tpu.enqueue_dma source(%arg79 : memref<2000xf32, #tpu.memory_space<vmem>>) target(%dma_start3A_410 : memref<2000xf32, #tpu.memory_space<hbm>>) target_semaphore(%arg94 : memref<!tpu.dma_semaphore, #tpu.memory_space<semaphore_mem>>)
      %dma_start3A_411 = tpu.memref_slice %arg23[%mul3A_390] : memref<1600000xf32, #tpu.memory_space<hbm>> -> memref<2000xf32, #tpu.memory_space<hbm>>
      %dma_start3A_412 = tpu.memref_slice %arg23[%mul3A_390] : memref<1600000xf32, #tpu.memory_space<hbm>> -> memref<2000xf32, #tpu.memory_space<hbm>>
      tpu.enqueue_dma source(%arg80 : memref<2000xf32, #tpu.memory_space<vmem>>) target(%dma_start3A_412 : memref<2000xf32, #tpu.memory_space<hbm>>) target_semaphore(%arg94 : memref<!tpu.dma_semaphore, #tpu.memory_space<semaphore_mem>>)
      %dma_start3A_413 = tpu.memref_slice %arg24[%mul3A_390] : memref<1600000xf32, #tpu.memory_space<hbm>> -> memref<2000xf32, #tpu.memory_space<hbm>>
      %dma_start3A_414 = tpu.memref_slice %arg24[%mul3A_390] : memref<1600000xf32, #tpu.memory_space<hbm>> -> memref<2000xf32, #tpu.memory_space<hbm>>
      tpu.enqueue_dma source(%arg81 : memref<2000xf32, #tpu.memory_space<vmem>>) target(%dma_start3A_414 : memref<2000xf32, #tpu.memory_space<hbm>>) target_semaphore(%arg94 : memref<!tpu.dma_semaphore, #tpu.memory_space<semaphore_mem>>)
      %dma_start3A_415 = tpu.memref_slice %arg26[%mul3A_390] : memref<1600000xf32, #tpu.memory_space<hbm>> -> memref<2000xf32, #tpu.memory_space<hbm>>
      %dma_start3A_416 = tpu.memref_slice %arg26[%mul3A_390] : memref<1600000xf32, #tpu.memory_space<hbm>> -> memref<2000xf32, #tpu.memory_space<hbm>>
      tpu.enqueue_dma source(%arg82 : memref<2000xf32, #tpu.memory_space<vmem>>) target(%dma_start3A_416 : memref<2000xf32, #tpu.memory_space<hbm>>) target_semaphore(%arg94 : memref<!tpu.dma_semaphore, #tpu.memory_space<semaphore_mem>>)
      %dma_start3A_417 = tpu.memref_slice %arg27[%mul3A_390] : memref<1600000xf32, #tpu.memory_space<hbm>> -> memref<2000xf32, #tpu.memory_space<hbm>>
      %dma_start3A_418 = tpu.memref_slice %arg27[%mul3A_390] : memref<1600000xf32, #tpu.memory_space<hbm>> -> memref<2000xf32, #tpu.memory_space<hbm>>
      tpu.enqueue_dma source(%arg83 : memref<2000xf32, #tpu.memory_space<vmem>>) target(%dma_start3A_418 : memref<2000xf32, #tpu.memory_space<hbm>>) target_semaphore(%arg94 : memref<!tpu.dma_semaphore, #tpu.memory_space<semaphore_mem>>)
      %dma_start3A_419 = tpu.memref_slice %arg29[%mul3A_390] : memref<1600000xf32, #tpu.memory_space<hbm>> -> memref<2000xf32, #tpu.memory_space<hbm>>
      %dma_start3A_420 = tpu.memref_slice %arg29[%mul3A_390] : memref<1600000xf32, #tpu.memory_space<hbm>> -> memref<2000xf32, #tpu.memory_space<hbm>>
      tpu.enqueue_dma source(%arg84 : memref<2000xf32, #tpu.memory_space<vmem>>) target(%dma_start3A_420 : memref<2000xf32, #tpu.memory_space<hbm>>) target_semaphore(%arg94 : memref<!tpu.dma_semaphore, #tpu.memory_space<semaphore_mem>>)
      %dma_start3A_421 = tpu.memref_slice %arg30[%mul3A_390] : memref<1600000xf32, #tpu.memory_space<hbm>> -> memref<2000xf32, #tpu.memory_space<hbm>>
      %dma_start3A_422 = tpu.memref_slice %arg30[%mul3A_390] : memref<1600000xf32, #tpu.memory_space<hbm>> -> memref<2000xf32, #tpu.memory_space<hbm>>
      tpu.enqueue_dma source(%arg85 : memref<2000xf32, #tpu.memory_space<vmem>>) target(%dma_start3A_422 : memref<2000xf32, #tpu.memory_space<hbm>>) target_semaphore(%arg94 : memref<!tpu.dma_semaphore, #tpu.memory_space<semaphore_mem>>)
      %dma_start3A_423 = tpu.memref_slice %arg31[%mul3A_390] : memref<1600000xf32, #tpu.memory_space<hbm>> -> memref<2000xf32, #tpu.memory_space<hbm>>
      %dma_start3A_424 = tpu.memref_slice %arg31[%mul3A_390] : memref<1600000xf32, #tpu.memory_space<hbm>> -> memref<2000xf32, #tpu.memory_space<hbm>>
      tpu.enqueue_dma source(%arg86 : memref<2000xf32, #tpu.memory_space<vmem>>) target(%dma_start3A_424 : memref<2000xf32, #tpu.memory_space<hbm>>) target_semaphore(%arg94 : memref<!tpu.dma_semaphore, #tpu.memory_space<semaphore_mem>>)
      %dma_start3A_425 = tpu.memref_slice %arg32[%mul3A_390] : memref<1600000xf32, #tpu.memory_space<hbm>> -> memref<2000xf32, #tpu.memory_space<hbm>>
      %dma_start3A_426 = tpu.memref_slice %arg32[%mul3A_390] : memref<1600000xf32, #tpu.memory_space<hbm>> -> memref<2000xf32, #tpu.memory_space<hbm>>
      tpu.enqueue_dma source(%arg87 : memref<2000xf32, #tpu.memory_space<vmem>>) target(%dma_start3A_426 : memref<2000xf32, #tpu.memory_space<hbm>>) target_semaphore(%arg94 : memref<!tpu.dma_semaphore, #tpu.memory_space<semaphore_mem>>)
      %dma_start3A_427 = tpu.memref_slice %arg33[%mul3A_390] : memref<1600000xf32, #tpu.memory_space<hbm>> -> memref<2000xf32, #tpu.memory_space<hbm>>
      %dma_start3A_428 = tpu.memref_slice %arg33[%mul3A_390] : memref<1600000xf32, #tpu.memory_space<hbm>> -> memref<2000xf32, #tpu.memory_space<hbm>>
      tpu.enqueue_dma source(%arg88 : memref<2000xf32, #tpu.memory_space<vmem>>) target(%dma_start3A_428 : memref<2000xf32, #tpu.memory_space<hbm>>) target_semaphore(%arg94 : memref<!tpu.dma_semaphore, #tpu.memory_space<semaphore_mem>>)
      %dma_start3A_429 = tpu.memref_slice %arg25[%mul3A_390] : memref<1600000xf32, #tpu.memory_space<hbm>> -> memref<2000xf32, #tpu.memory_space<hbm>>
      %dma_start3A_430 = tpu.memref_slice %arg25[%mul3A_390] : memref<1600000xf32, #tpu.memory_space<hbm>> -> memref<2000xf32, #tpu.memory_space<hbm>>
      tpu.enqueue_dma source(%arg62 : memref<2000xf32, #tpu.memory_space<vmem>>) target(%dma_start3A_430 : memref<2000xf32, #tpu.memory_space<hbm>>) target_semaphore(%arg94 : memref<!tpu.dma_semaphore, #tpu.memory_space<semaphore_mem>>)
      %dma_start3A_431 = tpu.memref_slice %arg28[%mul3A_390] : memref<1600000xf32, #tpu.memory_space<hbm>> -> memref<2000xf32, #tpu.memory_space<hbm>>
      %dma_start3A_432 = tpu.memref_slice %arg28[%mul3A_390] : memref<1600000xf32, #tpu.memory_space<hbm>> -> memref<2000xf32, #tpu.memory_space<hbm>>
      tpu.enqueue_dma source(%arg67 : memref<2000xf32, #tpu.memory_space<vmem>>) target(%dma_start3A_432 : memref<2000xf32, #tpu.memory_space<hbm>>) target_semaphore(%arg94 : memref<!tpu.dma_semaphore, #tpu.memory_space<semaphore_mem>>)
      %dma_start3A_433 = arith.constant 0 : i32
      %dma_start3A_434 = tpu.memref_slice %arg89[%dma_start3A_433] : memref<100000xf32, #tpu.memory_space<vmem_shared>> -> memref<100000xf32, #tpu.memory_space<vmem_shared>>
      tpu.enqueue_indirect_dma source(%arg76 : memref<2000xf32, #tpu.memory_space<vmem>>) target(%dma_start3A_434 : memref<100000xf32, #tpu.memory_space<vmem_shared>>) offsets(%arg55 : memref<2000xi32, #tpu.memory_space<vmem>>) semaphore(%arg95 : memref<!tpu.dma_semaphore, #tpu.memory_space<semaphore_mem>>) {add = true}
      %dma_start3A_435 = arith.constant 0 : i32
      %dma_start3A_436 = tpu.memref_slice %arg90[%dma_start3A_435] : memref<100000xf32, #tpu.memory_space<vmem_shared>> -> memref<100000xf32, #tpu.memory_space<vmem_shared>>
      tpu.enqueue_indirect_dma source(%arg77 : memref<2000xf32, #tpu.memory_space<vmem>>) target(%dma_start3A_436 : memref<100000xf32, #tpu.memory_space<vmem_shared>>) offsets(%arg55 : memref<2000xi32, #tpu.memory_space<vmem>>) semaphore(%arg95 : memref<!tpu.dma_semaphore, #tpu.memory_space<semaphore_mem>>) {add = true}
      %dma_start3A_437 = arith.constant 0 : i32
      %dma_start3A_438 = tpu.memref_slice %arg91[%dma_start3A_437] : memref<100000xf32, #tpu.memory_space<vmem_shared>> -> memref<100000xf32, #tpu.memory_space<vmem_shared>>
      tpu.enqueue_indirect_dma source(%arg72 : memref<2000xf32, #tpu.memory_space<vmem>>) target(%dma_start3A_438 : memref<100000xf32, #tpu.memory_space<vmem_shared>>) offsets(%arg55 : memref<2000xi32, #tpu.memory_space<vmem>>) semaphore(%arg95 : memref<!tpu.dma_semaphore, #tpu.memory_space<semaphore_mem>>) {add = true}
      %dma_start3A_439 = arith.constant 0 : i32
      %dma_start3A_440 = tpu.memref_slice %arg89[%dma_start3A_439] : memref<100000xf32, #tpu.memory_space<vmem_shared>> -> memref<100000xf32, #tpu.memory_space<vmem_shared>>
      tpu.enqueue_indirect_dma source(%arg78 : memref<2000xf32, #tpu.memory_space<vmem>>) target(%dma_start3A_440 : memref<100000xf32, #tpu.memory_space<vmem_shared>>) offsets(%arg56 : memref<2000xi32, #tpu.memory_space<vmem>>) semaphore(%arg95 : memref<!tpu.dma_semaphore, #tpu.memory_space<semaphore_mem>>) {add = true}
      %dma_start3A_441 = arith.constant 0 : i32
      %dma_start3A_442 = tpu.memref_slice %arg90[%dma_start3A_441] : memref<100000xf32, #tpu.memory_space<vmem_shared>> -> memref<100000xf32, #tpu.memory_space<vmem_shared>>
      tpu.enqueue_indirect_dma source(%arg79 : memref<2000xf32, #tpu.memory_space<vmem>>) target(%dma_start3A_442 : memref<100000xf32, #tpu.memory_space<vmem_shared>>) offsets(%arg56 : memref<2000xi32, #tpu.memory_space<vmem>>) semaphore(%arg95 : memref<!tpu.dma_semaphore, #tpu.memory_space<semaphore_mem>>) {add = true}
      %dma_start3A_443 = arith.constant 0 : i32
      %dma_start3A_444 = tpu.memref_slice %arg91[%dma_start3A_443] : memref<100000xf32, #tpu.memory_space<vmem_shared>> -> memref<100000xf32, #tpu.memory_space<vmem_shared>>
      tpu.enqueue_indirect_dma source(%arg75 : memref<2000xf32, #tpu.memory_space<vmem>>) target(%dma_start3A_444 : memref<100000xf32, #tpu.memory_space<vmem_shared>>) offsets(%arg56 : memref<2000xi32, #tpu.memory_space<vmem>>) semaphore(%arg95 : memref<!tpu.dma_semaphore, #tpu.memory_space<semaphore_mem>>) {add = true}
      %mul3A_445 = arith.constant 25 : i32
      %mul3A_446 = arith.muli %add3A, %mul3A_445 : i32
      %add3A_447 = arith.addi %mul3A_446, %add3A_283 : i32
      %mul3A_448 = arith.constant 2000 : i32
      %mul3A_449 = arith.muli %add3A_447, %mul3A_448 : i32
      %dma_wait3A_450 = tpu.memref_slice %arg7[%mul3A_449] : memref<1600000xi32, #tpu.memory_space<hbm>> -> memref<2000xi32, #tpu.memory_space<hbm>>
      %dma_wait3A_451 = tpu.memref_slice %arg7[%mul3A_449] : memref<1600000xi32, #tpu.memory_space<hbm>> -> memref<2000xi32, #tpu.memory_space<hbm>>
      tpu.wait_dma2 semaphore(%arg92 : memref<!tpu.dma_semaphore, #tpu.memory_space<semaphore_mem>>) src(%dma_wait3A_451 : memref<2000xi32, #tpu.memory_space<hbm>>) dst(%arg40 : memref<2000xi32, #tpu.memory_space<vmem>>)
      %dma_wait3A_452 = tpu.memref_slice %arg8[%mul3A_449] : memref<1600000xi32, #tpu.memory_space<hbm>> -> memref<2000xi32, #tpu.memory_space<hbm>>
      %dma_wait3A_453 = tpu.memref_slice %arg8[%mul3A_449] : memref<1600000xi32, #tpu.memory_space<hbm>> -> memref<2000xi32, #tpu.memory_space<hbm>>
      tpu.wait_dma2 semaphore(%arg92 : memref<!tpu.dma_semaphore, #tpu.memory_space<semaphore_mem>>) src(%dma_wait3A_453 : memref<2000xi32, #tpu.memory_space<hbm>>) dst(%arg41 : memref<2000xi32, #tpu.memory_space<vmem>>)
      %dma_wait3A_454 = tpu.memref_slice %arg9[%mul3A_449] : memref<1600000xf32, #tpu.memory_space<hbm>> -> memref<2000xf32, #tpu.memory_space<hbm>>
      %dma_wait3A_455 = tpu.memref_slice %arg9[%mul3A_449] : memref<1600000xf32, #tpu.memory_space<hbm>> -> memref<2000xf32, #tpu.memory_space<hbm>>
      tpu.wait_dma2 semaphore(%arg92 : memref<!tpu.dma_semaphore, #tpu.memory_space<semaphore_mem>>) src(%dma_wait3A_455 : memref<2000xf32, #tpu.memory_space<hbm>>) dst(%arg42 : memref<2000xf32, #tpu.memory_space<vmem>>)
      %dma_wait3A_456 = tpu.memref_slice %arg10[%mul3A_449] : memref<1600000xf32, #tpu.memory_space<hbm>> -> memref<2000xf32, #tpu.memory_space<hbm>>
      %dma_wait3A_457 = tpu.memref_slice %arg10[%mul3A_449] : memref<1600000xf32, #tpu.memory_space<hbm>> -> memref<2000xf32, #tpu.memory_space<hbm>>
      tpu.wait_dma2 semaphore(%arg92 : memref<!tpu.dma_semaphore, #tpu.memory_space<semaphore_mem>>) src(%dma_wait3A_457 : memref<2000xf32, #tpu.memory_space<hbm>>) dst(%arg43 : memref<2000xf32, #tpu.memory_space<vmem>>)
      %dma_wait3A_458 = tpu.memref_slice %arg11[%mul3A_449] : memref<1600000xf32, #tpu.memory_space<hbm>> -> memref<2000xf32, #tpu.memory_space<hbm>>
      %dma_wait3A_459 = tpu.memref_slice %arg11[%mul3A_449] : memref<1600000xf32, #tpu.memory_space<hbm>> -> memref<2000xf32, #tpu.memory_space<hbm>>
      tpu.wait_dma2 semaphore(%arg92 : memref<!tpu.dma_semaphore, #tpu.memory_space<semaphore_mem>>) src(%dma_wait3A_459 : memref<2000xf32, #tpu.memory_space<hbm>>) dst(%arg44 : memref<2000xf32, #tpu.memory_space<vmem>>)
      %dma_start3A_460 = arith.constant 0 : i32
      %dma_start3A_461 = tpu.memref_slice %arg2[%dma_start3A_460] : memref<100000xf32, #tpu.memory_space<hbm>> -> memref<100000xf32, #tpu.memory_space<hbm>>
      tpu.enqueue_indirect_dma source(%dma_start3A_461 : memref<100000xf32, #tpu.memory_space<hbm>>) target(%arg45 : memref<2000xf32, #tpu.memory_space<vmem>>) offsets(%arg40 : memref<2000xi32, #tpu.memory_space<vmem>>) semaphore(%arg93 : memref<!tpu.dma_semaphore, #tpu.memory_space<semaphore_mem>>)
      %dma_start3A_462 = arith.constant 0 : i32
      %dma_start3A_463 = tpu.memref_slice %arg3[%dma_start3A_462] : memref<100000xf32, #tpu.memory_space<hbm>> -> memref<100000xf32, #tpu.memory_space<hbm>>
      tpu.enqueue_indirect_dma source(%dma_start3A_463 : memref<100000xf32, #tpu.memory_space<hbm>>) target(%arg46 : memref<2000xf32, #tpu.memory_space<vmem>>) offsets(%arg40 : memref<2000xi32, #tpu.memory_space<vmem>>) semaphore(%arg93 : memref<!tpu.dma_semaphore, #tpu.memory_space<semaphore_mem>>)
      %dma_start3A_464 = arith.constant 0 : i32
      %dma_start3A_465 = tpu.memref_slice %arg4[%dma_start3A_464] : memref<100000xf32, #tpu.memory_space<hbm>> -> memref<100000xf32, #tpu.memory_space<hbm>>
      tpu.enqueue_indirect_dma source(%dma_start3A_465 : memref<100000xf32, #tpu.memory_space<hbm>>) target(%arg47 : memref<2000xf32, #tpu.memory_space<vmem>>) offsets(%arg40 : memref<2000xi32, #tpu.memory_space<vmem>>) semaphore(%arg93 : memref<!tpu.dma_semaphore, #tpu.memory_space<semaphore_mem>>)
      %dma_start3A_466 = arith.constant 0 : i32
      %dma_start3A_467 = tpu.memref_slice %arg5[%dma_start3A_466] : memref<100000xf32, #tpu.memory_space<hbm>> -> memref<100000xf32, #tpu.memory_space<hbm>>
      tpu.enqueue_indirect_dma source(%dma_start3A_467 : memref<100000xf32, #tpu.memory_space<hbm>>) target(%arg48 : memref<2000xf32, #tpu.memory_space<vmem>>) offsets(%arg40 : memref<2000xi32, #tpu.memory_space<vmem>>) semaphore(%arg93 : memref<!tpu.dma_semaphore, #tpu.memory_space<semaphore_mem>>)
      %dma_start3A_468 = arith.constant 0 : i32
      %dma_start3A_469 = tpu.memref_slice %arg6[%dma_start3A_468] : memref<100000xf32, #tpu.memory_space<hbm>> -> memref<100000xf32, #tpu.memory_space<hbm>>
      tpu.enqueue_indirect_dma source(%dma_start3A_469 : memref<100000xf32, #tpu.memory_space<hbm>>) target(%arg49 : memref<2000xf32, #tpu.memory_space<vmem>>) offsets(%arg40 : memref<2000xi32, #tpu.memory_space<vmem>>) semaphore(%arg93 : memref<!tpu.dma_semaphore, #tpu.memory_space<semaphore_mem>>)
      %dma_start3A_470 = arith.constant 0 : i32
      %dma_start3A_471 = tpu.memref_slice %arg2[%dma_start3A_470] : memref<100000xf32, #tpu.memory_space<hbm>> -> memref<100000xf32, #tpu.memory_space<hbm>>
      tpu.enqueue_indirect_dma source(%dma_start3A_471 : memref<100000xf32, #tpu.memory_space<hbm>>) target(%arg50 : memref<2000xf32, #tpu.memory_space<vmem>>) offsets(%arg41 : memref<2000xi32, #tpu.memory_space<vmem>>) semaphore(%arg93 : memref<!tpu.dma_semaphore, #tpu.memory_space<semaphore_mem>>)
      %dma_start3A_472 = arith.constant 0 : i32
      %dma_start3A_473 = tpu.memref_slice %arg3[%dma_start3A_472] : memref<100000xf32, #tpu.memory_space<hbm>> -> memref<100000xf32, #tpu.memory_space<hbm>>
      tpu.enqueue_indirect_dma source(%dma_start3A_473 : memref<100000xf32, #tpu.memory_space<hbm>>) target(%arg51 : memref<2000xf32, #tpu.memory_space<vmem>>) offsets(%arg41 : memref<2000xi32, #tpu.memory_space<vmem>>) semaphore(%arg93 : memref<!tpu.dma_semaphore, #tpu.memory_space<semaphore_mem>>)
      %dma_start3A_474 = arith.constant 0 : i32
      %dma_start3A_475 = tpu.memref_slice %arg4[%dma_start3A_474] : memref<100000xf32, #tpu.memory_space<hbm>> -> memref<100000xf32, #tpu.memory_space<hbm>>
      tpu.enqueue_indirect_dma source(%dma_start3A_475 : memref<100000xf32, #tpu.memory_space<hbm>>) target(%arg52 : memref<2000xf32, #tpu.memory_space<vmem>>) offsets(%arg41 : memref<2000xi32, #tpu.memory_space<vmem>>) semaphore(%arg93 : memref<!tpu.dma_semaphore, #tpu.memory_space<semaphore_mem>>)
      %dma_start3A_476 = arith.constant 0 : i32
      %dma_start3A_477 = tpu.memref_slice %arg5[%dma_start3A_476] : memref<100000xf32, #tpu.memory_space<hbm>> -> memref<100000xf32, #tpu.memory_space<hbm>>
      tpu.enqueue_indirect_dma source(%dma_start3A_477 : memref<100000xf32, #tpu.memory_space<hbm>>) target(%arg53 : memref<2000xf32, #tpu.memory_space<vmem>>) offsets(%arg41 : memref<2000xi32, #tpu.memory_space<vmem>>) semaphore(%arg93 : memref<!tpu.dma_semaphore, #tpu.memory_space<semaphore_mem>>)
      %dma_start3A_478 = arith.constant 0 : i32
      %dma_start3A_479 = tpu.memref_slice %arg6[%dma_start3A_478] : memref<100000xf32, #tpu.memory_space<hbm>> -> memref<100000xf32, #tpu.memory_space<hbm>>
      tpu.enqueue_indirect_dma source(%dma_start3A_479 : memref<100000xf32, #tpu.memory_space<hbm>>) target(%arg54 : memref<2000xf32, #tpu.memory_space<vmem>>) offsets(%arg41 : memref<2000xi32, #tpu.memory_space<vmem>>) semaphore(%arg93 : memref<!tpu.dma_semaphore, #tpu.memory_space<semaphore_mem>>)
      %mul3A_480 = arith.constant 25 : i32
      %mul3A_481 = arith.muli %add3A, %mul3A_480 : i32
      %add3A_482 = arith.addi %mul3A_481, %add3A_279 : i32
      %mul3A_483 = arith.constant 2000 : i32
      %mul3A_484 = arith.muli %add3A_482, %mul3A_483 : i32
      %dma_wait3A_485 = tpu.memref_slice %arg13[%mul3A_484] : memref<1600000xf32, #tpu.memory_space<hbm>> -> memref<2000xf32, #tpu.memory_space<hbm>>
      %dma_wait3A_486 = tpu.memref_slice %arg13[%mul3A_484] : memref<1600000xf32, #tpu.memory_space<hbm>> -> memref<2000xf32, #tpu.memory_space<hbm>>
      tpu.wait_dma2 semaphore(%arg94 : memref<!tpu.dma_semaphore, #tpu.memory_space<semaphore_mem>>) src(%arg70 : memref<2000xf32, #tpu.memory_space<vmem>>) dst(%dma_wait3A_486 : memref<2000xf32, #tpu.memory_space<hbm>>)
      %dma_wait3A_487 = tpu.memref_slice %arg14[%mul3A_484] : memref<1600000xf32, #tpu.memory_space<hbm>> -> memref<2000xf32, #tpu.memory_space<hbm>>
      %dma_wait3A_488 = tpu.memref_slice %arg14[%mul3A_484] : memref<1600000xf32, #tpu.memory_space<hbm>> -> memref<2000xf32, #tpu.memory_space<hbm>>
      tpu.wait_dma2 semaphore(%arg94 : memref<!tpu.dma_semaphore, #tpu.memory_space<semaphore_mem>>) src(%arg71 : memref<2000xf32, #tpu.memory_space<vmem>>) dst(%dma_wait3A_488 : memref<2000xf32, #tpu.memory_space<hbm>>)
      %dma_wait3A_489 = tpu.memref_slice %arg15[%mul3A_484] : memref<1600000xf32, #tpu.memory_space<hbm>> -> memref<2000xf32, #tpu.memory_space<hbm>>
      %dma_wait3A_490 = tpu.memref_slice %arg15[%mul3A_484] : memref<1600000xf32, #tpu.memory_space<hbm>> -> memref<2000xf32, #tpu.memory_space<hbm>>
      tpu.wait_dma2 semaphore(%arg94 : memref<!tpu.dma_semaphore, #tpu.memory_space<semaphore_mem>>) src(%arg72 : memref<2000xf32, #tpu.memory_space<vmem>>) dst(%dma_wait3A_490 : memref<2000xf32, #tpu.memory_space<hbm>>)
      %dma_wait3A_491 = tpu.memref_slice %arg16[%mul3A_484] : memref<1600000xf32, #tpu.memory_space<hbm>> -> memref<2000xf32, #tpu.memory_space<hbm>>
      %dma_wait3A_492 = tpu.memref_slice %arg16[%mul3A_484] : memref<1600000xf32, #tpu.memory_space<hbm>> -> memref<2000xf32, #tpu.memory_space<hbm>>
      tpu.wait_dma2 semaphore(%arg94 : memref<!tpu.dma_semaphore, #tpu.memory_space<semaphore_mem>>) src(%arg73 : memref<2000xf32, #tpu.memory_space<vmem>>) dst(%dma_wait3A_492 : memref<2000xf32, #tpu.memory_space<hbm>>)
      %dma_wait3A_493 = tpu.memref_slice %arg17[%mul3A_484] : memref<1600000xf32, #tpu.memory_space<hbm>> -> memref<2000xf32, #tpu.memory_space<hbm>>
      %dma_wait3A_494 = tpu.memref_slice %arg17[%mul3A_484] : memref<1600000xf32, #tpu.memory_space<hbm>> -> memref<2000xf32, #tpu.memory_space<hbm>>
      tpu.wait_dma2 semaphore(%arg94 : memref<!tpu.dma_semaphore, #tpu.memory_space<semaphore_mem>>) src(%arg74 : memref<2000xf32, #tpu.memory_space<vmem>>) dst(%dma_wait3A_494 : memref<2000xf32, #tpu.memory_space<hbm>>)
      %dma_wait3A_495 = tpu.memref_slice %arg18[%mul3A_484] : memref<1600000xf32, #tpu.memory_space<hbm>> -> memref<2000xf32, #tpu.memory_space<hbm>>
      %dma_wait3A_496 = tpu.memref_slice %arg18[%mul3A_484] : memref<1600000xf32, #tpu.memory_space<hbm>> -> memref<2000xf32, #tpu.memory_space<hbm>>
      tpu.wait_dma2 semaphore(%arg94 : memref<!tpu.dma_semaphore, #tpu.memory_space<semaphore_mem>>) src(%arg75 : memref<2000xf32, #tpu.memory_space<vmem>>) dst(%dma_wait3A_496 : memref<2000xf32, #tpu.memory_space<hbm>>)
      %dma_wait3A_497 = tpu.memref_slice %arg19[%mul3A_484] : memref<1600000xf32, #tpu.memory_space<hbm>> -> memref<2000xf32, #tpu.memory_space<hbm>>
      %dma_wait3A_498 = tpu.memref_slice %arg19[%mul3A_484] : memref<1600000xf32, #tpu.memory_space<hbm>> -> memref<2000xf32, #tpu.memory_space<hbm>>
      tpu.wait_dma2 semaphore(%arg94 : memref<!tpu.dma_semaphore, #tpu.memory_space<semaphore_mem>>) src(%arg76 : memref<2000xf32, #tpu.memory_space<vmem>>) dst(%dma_wait3A_498 : memref<2000xf32, #tpu.memory_space<hbm>>)
      %dma_wait3A_499 = tpu.memref_slice %arg20[%mul3A_484] : memref<1600000xf32, #tpu.memory_space<hbm>> -> memref<2000xf32, #tpu.memory_space<hbm>>
      %dma_wait3A_500 = tpu.memref_slice %arg20[%mul3A_484] : memref<1600000xf32, #tpu.memory_space<hbm>> -> memref<2000xf32, #tpu.memory_space<hbm>>
      tpu.wait_dma2 semaphore(%arg94 : memref<!tpu.dma_semaphore, #tpu.memory_space<semaphore_mem>>) src(%arg77 : memref<2000xf32, #tpu.memory_space<vmem>>) dst(%dma_wait3A_500 : memref<2000xf32, #tpu.memory_space<hbm>>)
      %dma_wait3A_501 = tpu.memref_slice %arg21[%mul3A_484] : memref<1600000xf32, #tpu.memory_space<hbm>> -> memref<2000xf32, #tpu.memory_space<hbm>>
      %dma_wait3A_502 = tpu.memref_slice %arg21[%mul3A_484] : memref<1600000xf32, #tpu.memory_space<hbm>> -> memref<2000xf32, #tpu.memory_space<hbm>>
      tpu.wait_dma2 semaphore(%arg94 : memref<!tpu.dma_semaphore, #tpu.memory_space<semaphore_mem>>) src(%arg78 : memref<2000xf32, #tpu.memory_space<vmem>>) dst(%dma_wait3A_502 : memref<2000xf32, #tpu.memory_space<hbm>>)
      %dma_wait3A_503 = tpu.memref_slice %arg22[%mul3A_484] : memref<1600000xf32, #tpu.memory_space<hbm>> -> memref<2000xf32, #tpu.memory_space<hbm>>
      %dma_wait3A_504 = tpu.memref_slice %arg22[%mul3A_484] : memref<1600000xf32, #tpu.memory_space<hbm>> -> memref<2000xf32, #tpu.memory_space<hbm>>
      tpu.wait_dma2 semaphore(%arg94 : memref<!tpu.dma_semaphore, #tpu.memory_space<semaphore_mem>>) src(%arg79 : memref<2000xf32, #tpu.memory_space<vmem>>) dst(%dma_wait3A_504 : memref<2000xf32, #tpu.memory_space<hbm>>)
      %dma_wait3A_505 = tpu.memref_slice %arg23[%mul3A_484] : memref<1600000xf32, #tpu.memory_space<hbm>> -> memref<2000xf32, #tpu.memory_space<hbm>>
      %dma_wait3A_506 = tpu.memref_slice %arg23[%mul3A_484] : memref<1600000xf32, #tpu.memory_space<hbm>> -> memref<2000xf32, #tpu.memory_space<hbm>>
      tpu.wait_dma2 semaphore(%arg94 : memref<!tpu.dma_semaphore, #tpu.memory_space<semaphore_mem>>) src(%arg80 : memref<2000xf32, #tpu.memory_space<vmem>>) dst(%dma_wait3A_506 : memref<2000xf32, #tpu.memory_space<hbm>>)
      %dma_wait3A_507 = tpu.memref_slice %arg24[%mul3A_484] : memref<1600000xf32, #tpu.memory_space<hbm>> -> memref<2000xf32, #tpu.memory_space<hbm>>
      %dma_wait3A_508 = tpu.memref_slice %arg24[%mul3A_484] : memref<1600000xf32, #tpu.memory_space<hbm>> -> memref<2000xf32, #tpu.memory_space<hbm>>
      tpu.wait_dma2 semaphore(%arg94 : memref<!tpu.dma_semaphore, #tpu.memory_space<semaphore_mem>>) src(%arg81 : memref<2000xf32, #tpu.memory_space<vmem>>) dst(%dma_wait3A_508 : memref<2000xf32, #tpu.memory_space<hbm>>)
      %dma_wait3A_509 = tpu.memref_slice %arg26[%mul3A_484] : memref<1600000xf32, #tpu.memory_space<hbm>> -> memref<2000xf32, #tpu.memory_space<hbm>>
      %dma_wait3A_510 = tpu.memref_slice %arg26[%mul3A_484] : memref<1600000xf32, #tpu.memory_space<hbm>> -> memref<2000xf32, #tpu.memory_space<hbm>>
      tpu.wait_dma2 semaphore(%arg94 : memref<!tpu.dma_semaphore, #tpu.memory_space<semaphore_mem>>) src(%arg82 : memref<2000xf32, #tpu.memory_space<vmem>>) dst(%dma_wait3A_510 : memref<2000xf32, #tpu.memory_space<hbm>>)
      %dma_wait3A_511 = tpu.memref_slice %arg27[%mul3A_484] : memref<1600000xf32, #tpu.memory_space<hbm>> -> memref<2000xf32, #tpu.memory_space<hbm>>
      %dma_wait3A_512 = tpu.memref_slice %arg27[%mul3A_484] : memref<1600000xf32, #tpu.memory_space<hbm>> -> memref<2000xf32, #tpu.memory_space<hbm>>
      tpu.wait_dma2 semaphore(%arg94 : memref<!tpu.dma_semaphore, #tpu.memory_space<semaphore_mem>>) src(%arg83 : memref<2000xf32, #tpu.memory_space<vmem>>) dst(%dma_wait3A_512 : memref<2000xf32, #tpu.memory_space<hbm>>)
      %dma_wait3A_513 = tpu.memref_slice %arg29[%mul3A_484] : memref<1600000xf32, #tpu.memory_space<hbm>> -> memref<2000xf32, #tpu.memory_space<hbm>>
      %dma_wait3A_514 = tpu.memref_slice %arg29[%mul3A_484] : memref<1600000xf32, #tpu.memory_space<hbm>> -> memref<2000xf32, #tpu.memory_space<hbm>>
      tpu.wait_dma2 semaphore(%arg94 : memref<!tpu.dma_semaphore, #tpu.memory_space<semaphore_mem>>) src(%arg84 : memref<2000xf32, #tpu.memory_space<vmem>>) dst(%dma_wait3A_514 : memref<2000xf32, #tpu.memory_space<hbm>>)
      %dma_wait3A_515 = tpu.memref_slice %arg30[%mul3A_484] : memref<1600000xf32, #tpu.memory_space<hbm>> -> memref<2000xf32, #tpu.memory_space<hbm>>
      %dma_wait3A_516 = tpu.memref_slice %arg30[%mul3A_484] : memref<1600000xf32, #tpu.memory_space<hbm>> -> memref<2000xf32, #tpu.memory_space<hbm>>
      tpu.wait_dma2 semaphore(%arg94 : memref<!tpu.dma_semaphore, #tpu.memory_space<semaphore_mem>>) src(%arg85 : memref<2000xf32, #tpu.memory_space<vmem>>) dst(%dma_wait3A_516 : memref<2000xf32, #tpu.memory_space<hbm>>)
      %dma_wait3A_517 = tpu.memref_slice %arg31[%mul3A_484] : memref<1600000xf32, #tpu.memory_space<hbm>> -> memref<2000xf32, #tpu.memory_space<hbm>>
      %dma_wait3A_518 = tpu.memref_slice %arg31[%mul3A_484] : memref<1600000xf32, #tpu.memory_space<hbm>> -> memref<2000xf32, #tpu.memory_space<hbm>>
      tpu.wait_dma2 semaphore(%arg94 : memref<!tpu.dma_semaphore, #tpu.memory_space<semaphore_mem>>) src(%arg86 : memref<2000xf32, #tpu.memory_space<vmem>>) dst(%dma_wait3A_518 : memref<2000xf32, #tpu.memory_space<hbm>>)
      %dma_wait3A_519 = tpu.memref_slice %arg32[%mul3A_484] : memref<1600000xf32, #tpu.memory_space<hbm>> -> memref<2000xf32, #tpu.memory_space<hbm>>
      %dma_wait3A_520 = tpu.memref_slice %arg32[%mul3A_484] : memref<1600000xf32, #tpu.memory_space<hbm>> -> memref<2000xf32, #tpu.memory_space<hbm>>
      tpu.wait_dma2 semaphore(%arg94 : memref<!tpu.dma_semaphore, #tpu.memory_space<semaphore_mem>>) src(%arg87 : memref<2000xf32, #tpu.memory_space<vmem>>) dst(%dma_wait3A_520 : memref<2000xf32, #tpu.memory_space<hbm>>)
      %dma_wait3A_521 = tpu.memref_slice %arg33[%mul3A_484] : memref<1600000xf32, #tpu.memory_space<hbm>> -> memref<2000xf32, #tpu.memory_space<hbm>>
      %dma_wait3A_522 = tpu.memref_slice %arg33[%mul3A_484] : memref<1600000xf32, #tpu.memory_space<hbm>> -> memref<2000xf32, #tpu.memory_space<hbm>>
      tpu.wait_dma2 semaphore(%arg94 : memref<!tpu.dma_semaphore, #tpu.memory_space<semaphore_mem>>) src(%arg88 : memref<2000xf32, #tpu.memory_space<vmem>>) dst(%dma_wait3A_522 : memref<2000xf32, #tpu.memory_space<hbm>>)
      %dma_wait3A_523 = tpu.memref_slice %arg25[%mul3A_484] : memref<1600000xf32, #tpu.memory_space<hbm>> -> memref<2000xf32, #tpu.memory_space<hbm>>
      %dma_wait3A_524 = tpu.memref_slice %arg25[%mul3A_484] : memref<1600000xf32, #tpu.memory_space<hbm>> -> memref<2000xf32, #tpu.memory_space<hbm>>
      tpu.wait_dma2 semaphore(%arg94 : memref<!tpu.dma_semaphore, #tpu.memory_space<semaphore_mem>>) src(%arg62 : memref<2000xf32, #tpu.memory_space<vmem>>) dst(%dma_wait3A_524 : memref<2000xf32, #tpu.memory_space<hbm>>)
      %dma_wait3A_525 = tpu.memref_slice %arg28[%mul3A_484] : memref<1600000xf32, #tpu.memory_space<hbm>> -> memref<2000xf32, #tpu.memory_space<hbm>>
      %dma_wait3A_526 = tpu.memref_slice %arg28[%mul3A_484] : memref<1600000xf32, #tpu.memory_space<hbm>> -> memref<2000xf32, #tpu.memory_space<hbm>>
      tpu.wait_dma2 semaphore(%arg94 : memref<!tpu.dma_semaphore, #tpu.memory_space<semaphore_mem>>) src(%arg67 : memref<2000xf32, #tpu.memory_space<vmem>>) dst(%dma_wait3A_526 : memref<2000xf32, #tpu.memory_space<hbm>>)
      %dma_wait3A_527 = arith.constant 0 : i32
      %dma_wait3A_528 = tpu.memref_slice %arg89[%dma_wait3A_527] : memref<100000xf32, #tpu.memory_space<vmem_shared>> -> memref<100000xf32, #tpu.memory_space<vmem_shared>>
      tpu.wait_indirect_dma semaphore(%arg95 : memref<!tpu.dma_semaphore, #tpu.memory_space<semaphore_mem>>) src(%arg76 : memref<2000xf32, #tpu.memory_space<vmem>>) dst(%dma_wait3A_528 : memref<100000xf32, #tpu.memory_space<vmem_shared>>)
      %dma_wait3A_529 = arith.constant 0 : i32
      %dma_wait3A_530 = tpu.memref_slice %arg90[%dma_wait3A_529] : memref<100000xf32, #tpu.memory_space<vmem_shared>> -> memref<100000xf32, #tpu.memory_space<vmem_shared>>
      tpu.wait_indirect_dma semaphore(%arg95 : memref<!tpu.dma_semaphore, #tpu.memory_space<semaphore_mem>>) src(%arg77 : memref<2000xf32, #tpu.memory_space<vmem>>) dst(%dma_wait3A_530 : memref<100000xf32, #tpu.memory_space<vmem_shared>>)
      %dma_wait3A_531 = arith.constant 0 : i32
      %dma_wait3A_532 = tpu.memref_slice %arg91[%dma_wait3A_531] : memref<100000xf32, #tpu.memory_space<vmem_shared>> -> memref<100000xf32, #tpu.memory_space<vmem_shared>>
      tpu.wait_indirect_dma semaphore(%arg95 : memref<!tpu.dma_semaphore, #tpu.memory_space<semaphore_mem>>) src(%arg72 : memref<2000xf32, #tpu.memory_space<vmem>>) dst(%dma_wait3A_532 : memref<100000xf32, #tpu.memory_space<vmem_shared>>)
      %dma_wait3A_533 = arith.constant 0 : i32
      %dma_wait3A_534 = tpu.memref_slice %arg89[%dma_wait3A_533] : memref<100000xf32, #tpu.memory_space<vmem_shared>> -> memref<100000xf32, #tpu.memory_space<vmem_shared>>
      tpu.wait_indirect_dma semaphore(%arg95 : memref<!tpu.dma_semaphore, #tpu.memory_space<semaphore_mem>>) src(%arg78 : memref<2000xf32, #tpu.memory_space<vmem>>) dst(%dma_wait3A_534 : memref<100000xf32, #tpu.memory_space<vmem_shared>>)
      %dma_wait3A_535 = arith.constant 0 : i32
      %dma_wait3A_536 = tpu.memref_slice %arg90[%dma_wait3A_535] : memref<100000xf32, #tpu.memory_space<vmem_shared>> -> memref<100000xf32, #tpu.memory_space<vmem_shared>>
      tpu.wait_indirect_dma semaphore(%arg95 : memref<!tpu.dma_semaphore, #tpu.memory_space<semaphore_mem>>) src(%arg79 : memref<2000xf32, #tpu.memory_space<vmem>>) dst(%dma_wait3A_536 : memref<100000xf32, #tpu.memory_space<vmem_shared>>)
      %dma_wait3A_537 = arith.constant 0 : i32
      %dma_wait3A_538 = tpu.memref_slice %arg91[%dma_wait3A_537] : memref<100000xf32, #tpu.memory_space<vmem_shared>> -> memref<100000xf32, #tpu.memory_space<vmem_shared>>
      tpu.wait_indirect_dma semaphore(%arg95 : memref<!tpu.dma_semaphore, #tpu.memory_space<semaphore_mem>>) src(%arg75 : memref<2000xf32, #tpu.memory_space<vmem>>) dst(%dma_wait3A_538 : memref<100000xf32, #tpu.memory_space<vmem_shared>>)
      %lt3A = arith.constant 11 : i32
      %lt3A_539 = arith.cmpi slt, %scan3A_274, %lt3A : i32
      %convert_element_type3A_540 = arith.extui %lt3A_539 : i1 to i32
      %cond3A_541 = arith.constant 0 : i32
      %cond3A_542 = arith.cmpi ne, %convert_element_type3A_540, %cond3A_541 : i32
      scf.if %cond3A_542 {
        %add3A_635 = arith.constant 1 : i32
        %add3A_636 = arith.addi %add3A_283, %add3A_635 : i32
        %mul3A_637 = arith.constant 25 : i32
        %mul3A_638 = arith.muli %add3A, %mul3A_637 : i32
        %add3A_639 = arith.addi %mul3A_638, %add3A_636 : i32
        %mul3A_640 = arith.constant 2000 : i32
        %mul3A_641 = arith.muli %add3A_639, %mul3A_640 : i32
        %dma_start3A_642 = tpu.memref_slice %arg7[%mul3A_641] : memref<1600000xi32, #tpu.memory_space<hbm>> -> memref<2000xi32, #tpu.memory_space<hbm>>
        %dma_start3A_643 = tpu.memref_slice %arg7[%mul3A_641] : memref<1600000xi32, #tpu.memory_space<hbm>> -> memref<2000xi32, #tpu.memory_space<hbm>>
        tpu.enqueue_dma source(%dma_start3A_643 : memref<2000xi32, #tpu.memory_space<hbm>>) target(%arg55 : memref<2000xi32, #tpu.memory_space<vmem>>) target_semaphore(%arg92 : memref<!tpu.dma_semaphore, #tpu.memory_space<semaphore_mem>>)
        %dma_start3A_644 = tpu.memref_slice %arg8[%mul3A_641] : memref<1600000xi32, #tpu.memory_space<hbm>> -> memref<2000xi32, #tpu.memory_space<hbm>>
        %dma_start3A_645 = tpu.memref_slice %arg8[%mul3A_641] : memref<1600000xi32, #tpu.memory_space<hbm>> -> memref<2000xi32, #tpu.memory_space<hbm>>
        tpu.enqueue_dma source(%dma_start3A_645 : memref<2000xi32, #tpu.memory_space<hbm>>) target(%arg56 : memref<2000xi32, #tpu.memory_space<vmem>>) target_semaphore(%arg92 : memref<!tpu.dma_semaphore, #tpu.memory_space<semaphore_mem>>)
        %dma_start3A_646 = tpu.memref_slice %arg9[%mul3A_641] : memref<1600000xf32, #tpu.memory_space<hbm>> -> memref<2000xf32, #tpu.memory_space<hbm>>
        %dma_start3A_647 = tpu.memref_slice %arg9[%mul3A_641] : memref<1600000xf32, #tpu.memory_space<hbm>> -> memref<2000xf32, #tpu.memory_space<hbm>>
        tpu.enqueue_dma source(%dma_start3A_647 : memref<2000xf32, #tpu.memory_space<hbm>>) target(%arg57 : memref<2000xf32, #tpu.memory_space<vmem>>) target_semaphore(%arg92 : memref<!tpu.dma_semaphore, #tpu.memory_space<semaphore_mem>>)
        %dma_start3A_648 = tpu.memref_slice %arg10[%mul3A_641] : memref<1600000xf32, #tpu.memory_space<hbm>> -> memref<2000xf32, #tpu.memory_space<hbm>>
        %dma_start3A_649 = tpu.memref_slice %arg10[%mul3A_641] : memref<1600000xf32, #tpu.memory_space<hbm>> -> memref<2000xf32, #tpu.memory_space<hbm>>
        tpu.enqueue_dma source(%dma_start3A_649 : memref<2000xf32, #tpu.memory_space<hbm>>) target(%arg58 : memref<2000xf32, #tpu.memory_space<vmem>>) target_semaphore(%arg92 : memref<!tpu.dma_semaphore, #tpu.memory_space<semaphore_mem>>)
        %dma_start3A_650 = tpu.memref_slice %arg11[%mul3A_641] : memref<1600000xf32, #tpu.memory_space<hbm>> -> memref<2000xf32, #tpu.memory_space<hbm>>
        %dma_start3A_651 = tpu.memref_slice %arg11[%mul3A_641] : memref<1600000xf32, #tpu.memory_space<hbm>> -> memref<2000xf32, #tpu.memory_space<hbm>>
        tpu.enqueue_dma source(%dma_start3A_651 : memref<2000xf32, #tpu.memory_space<hbm>>) target(%arg59 : memref<2000xf32, #tpu.memory_space<vmem>>) target_semaphore(%arg92 : memref<!tpu.dma_semaphore, #tpu.memory_space<semaphore_mem>>)
      } else {
      }
      %dma_wait3A_543 = arith.constant 0 : i32
      %dma_wait3A_544 = tpu.memref_slice %arg2[%dma_wait3A_543] : memref<100000xf32, #tpu.memory_space<hbm>> -> memref<100000xf32, #tpu.memory_space<hbm>>
      tpu.wait_indirect_dma semaphore(%arg93 : memref<!tpu.dma_semaphore, #tpu.memory_space<semaphore_mem>>) src(%dma_wait3A_544 : memref<100000xf32, #tpu.memory_space<hbm>>) dst(%arg45 : memref<2000xf32, #tpu.memory_space<vmem>>)
      %dma_wait3A_545 = arith.constant 0 : i32
      %dma_wait3A_546 = tpu.memref_slice %arg3[%dma_wait3A_545] : memref<100000xf32, #tpu.memory_space<hbm>> -> memref<100000xf32, #tpu.memory_space<hbm>>
      tpu.wait_indirect_dma semaphore(%arg93 : memref<!tpu.dma_semaphore, #tpu.memory_space<semaphore_mem>>) src(%dma_wait3A_546 : memref<100000xf32, #tpu.memory_space<hbm>>) dst(%arg46 : memref<2000xf32, #tpu.memory_space<vmem>>)
      %dma_wait3A_547 = arith.constant 0 : i32
      %dma_wait3A_548 = tpu.memref_slice %arg4[%dma_wait3A_547] : memref<100000xf32, #tpu.memory_space<hbm>> -> memref<100000xf32, #tpu.memory_space<hbm>>
      tpu.wait_indirect_dma semaphore(%arg93 : memref<!tpu.dma_semaphore, #tpu.memory_space<semaphore_mem>>) src(%dma_wait3A_548 : memref<100000xf32, #tpu.memory_space<hbm>>) dst(%arg47 : memref<2000xf32, #tpu.memory_space<vmem>>)
      %dma_wait3A_549 = arith.constant 0 : i32
      %dma_wait3A_550 = tpu.memref_slice %arg5[%dma_wait3A_549] : memref<100000xf32, #tpu.memory_space<hbm>> -> memref<100000xf32, #tpu.memory_space<hbm>>
      tpu.wait_indirect_dma semaphore(%arg93 : memref<!tpu.dma_semaphore, #tpu.memory_space<semaphore_mem>>) src(%dma_wait3A_550 : memref<100000xf32, #tpu.memory_space<hbm>>) dst(%arg48 : memref<2000xf32, #tpu.memory_space<vmem>>)
      %dma_wait3A_551 = arith.constant 0 : i32
      %dma_wait3A_552 = tpu.memref_slice %arg6[%dma_wait3A_551] : memref<100000xf32, #tpu.memory_space<hbm>> -> memref<100000xf32, #tpu.memory_space<hbm>>
      tpu.wait_indirect_dma semaphore(%arg93 : memref<!tpu.dma_semaphore, #tpu.memory_space<semaphore_mem>>) src(%dma_wait3A_552 : memref<100000xf32, #tpu.memory_space<hbm>>) dst(%arg49 : memref<2000xf32, #tpu.memory_space<vmem>>)
      %dma_wait3A_553 = arith.constant 0 : i32
      %dma_wait3A_554 = tpu.memref_slice %arg2[%dma_wait3A_553] : memref<100000xf32, #tpu.memory_space<hbm>> -> memref<100000xf32, #tpu.memory_space<hbm>>
      tpu.wait_indirect_dma semaphore(%arg93 : memref<!tpu.dma_semaphore, #tpu.memory_space<semaphore_mem>>) src(%dma_wait3A_554 : memref<100000xf32, #tpu.memory_space<hbm>>) dst(%arg50 : memref<2000xf32, #tpu.memory_space<vmem>>)
      %dma_wait3A_555 = arith.constant 0 : i32
      %dma_wait3A_556 = tpu.memref_slice %arg3[%dma_wait3A_555] : memref<100000xf32, #tpu.memory_space<hbm>> -> memref<100000xf32, #tpu.memory_space<hbm>>
      tpu.wait_indirect_dma semaphore(%arg93 : memref<!tpu.dma_semaphore, #tpu.memory_space<semaphore_mem>>) src(%dma_wait3A_556 : memref<100000xf32, #tpu.memory_space<hbm>>) dst(%arg51 : memref<2000xf32, #tpu.memory_space<vmem>>)
      %dma_wait3A_557 = arith.constant 0 : i32
      %dma_wait3A_558 = tpu.memref_slice %arg4[%dma_wait3A_557] : memref<100000xf32, #tpu.memory_space<hbm>> -> memref<100000xf32, #tpu.memory_space<hbm>>
      tpu.wait_indirect_dma semaphore(%arg93 : memref<!tpu.dma_semaphore, #tpu.memory_space<semaphore_mem>>) src(%dma_wait3A_558 : memref<100000xf32, #tpu.memory_space<hbm>>) dst(%arg52 : memref<2000xf32, #tpu.memory_space<vmem>>)
      %dma_wait3A_559 = arith.constant 0 : i32
      %dma_wait3A_560 = tpu.memref_slice %arg5[%dma_wait3A_559] : memref<100000xf32, #tpu.memory_space<hbm>> -> memref<100000xf32, #tpu.memory_space<hbm>>
      tpu.wait_indirect_dma semaphore(%arg93 : memref<!tpu.dma_semaphore, #tpu.memory_space<semaphore_mem>>) src(%dma_wait3A_560 : memref<100000xf32, #tpu.memory_space<hbm>>) dst(%arg53 : memref<2000xf32, #tpu.memory_space<vmem>>)
      %dma_wait3A_561 = arith.constant 0 : i32
      %dma_wait3A_562 = tpu.memref_slice %arg6[%dma_wait3A_561] : memref<100000xf32, #tpu.memory_space<hbm>> -> memref<100000xf32, #tpu.memory_space<hbm>>
      tpu.wait_indirect_dma semaphore(%arg93 : memref<!tpu.dma_semaphore, #tpu.memory_space<semaphore_mem>>) src(%dma_wait3A_562 : memref<100000xf32, #tpu.memory_space<hbm>>) dst(%arg54 : memref<2000xf32, #tpu.memory_space<vmem>>)
      %scan3A_563 = arith.constant 0 : i32
      %scan3A_564 = arith.constant 0 : i32
      %scan3A_565 = arith.constant 125 : i32
      %scan3A_566 = arith.addi %scan3A_564, %scan3A_565 : i32
      %scan3A_567 = arith.constant 1 : i32
      %scan3A_568 = scf.for %scan3A_635 = %scan3A_564 to %scan3A_566 step %scan3A_567 iter_args(%scan3A_636 = %scan3A_563) -> (i32)  : i32 {
        %mul3A_637 = arith.constant 16 : i32
        %mul3A_638 = arith.muli %scan3A_635, %mul3A_637 : i32
        %get3A = arith.index_cast %mul3A_638 : i32 to index
        %get3A_639 = tpu.vector_load %arg45[%get3A] {strides = array<i32>} : memref<2000xf32, #tpu.memory_space<vmem>>, vector<16xf32>,
        %get3A_640 = arith.index_cast %mul3A_638 : i32 to index
        %get3A_641 = tpu.vector_load %arg46[%get3A_640] {strides = array<i32>} : memref<2000xf32, #tpu.memory_space<vmem>>, vector<16xf32>,
        %get3A_642 = arith.index_cast %mul3A_638 : i32 to index
        %get3A_643 = tpu.vector_load %arg47[%get3A_642] {strides = array<i32>} : memref<2000xf32, #tpu.memory_space<vmem>>, vector<16xf32>,
        %get3A_644 = arith.index_cast %mul3A_638 : i32 to index
        %get3A_645 = tpu.vector_load %arg48[%get3A_644] {strides = array<i32>} : memref<2000xf32, #tpu.memory_space<vmem>>, vector<16xf32>,
        %get3A_646 = arith.index_cast %mul3A_638 : i32 to index
        %get3A_647 = tpu.vector_load %arg49[%get3A_646] {strides = array<i32>} : memref<2000xf32, #tpu.memory_space<vmem>>, vector<16xf32>,
        %get3A_648 = arith.index_cast %mul3A_638 : i32 to index
        %get3A_649 = tpu.vector_load %arg50[%get3A_648] {strides = array<i32>} : memref<2000xf32, #tpu.memory_space<vmem>>, vector<16xf32>,
        %get3A_650 = arith.index_cast %mul3A_638 : i32 to index
        %get3A_651 = tpu.vector_load %arg51[%get3A_650] {strides = array<i32>} : memref<2000xf32, #tpu.memory_space<vmem>>, vector<16xf32>,
        %get3A_652 = arith.index_cast %mul3A_638 : i32 to index
        %get3A_653 = tpu.vector_load %arg52[%get3A_652] {strides = array<i32>} : memref<2000xf32, #tpu.memory_space<vmem>>, vector<16xf32>,
        %get3A_654 = arith.index_cast %mul3A_638 : i32 to index
        %get3A_655 = tpu.vector_load %arg53[%get3A_654] {strides = array<i32>} : memref<2000xf32, #tpu.memory_space<vmem>>, vector<16xf32>,
        %get3A_656 = arith.index_cast %mul3A_638 : i32 to index
        %get3A_657 = tpu.vector_load %arg54[%get3A_656] {strides = array<i32>} : memref<2000xf32, #tpu.memory_space<vmem>>, vector<16xf32>,
        %get3A_658 = arith.index_cast %mul3A_638 : i32 to index
        %get3A_659 = tpu.vector_load %arg42[%get3A_658] {strides = array<i32>} : memref<2000xf32, #tpu.memory_space<vmem>>, vector<16xf32>,
        %get3A_660 = arith.index_cast %mul3A_638 : i32 to index
        %get3A_661 = tpu.vector_load %arg43[%get3A_660] {strides = array<i32>} : memref<2000xf32, #tpu.memory_space<vmem>>, vector<16xf32>,
        %get3A_662 = arith.index_cast %mul3A_638 : i32 to index
        %get3A_663 = tpu.vector_load %arg44[%get3A_662] {strides = array<i32>} : memref<2000xf32, #tpu.memory_space<vmem>>, vector<16xf32>,
        %sub3A_664 = arith.subf %get3A_655, %get3A_645 : vector<16xf32>
        %sub3A_665 = arith.subf %get3A_657, %get3A_647 : vector<16xf32>
        %mul3A_666 = arith.mulf %sub3A_664, %sub3A_664 : vector<16xf32>
        %mul3A_667 = arith.mulf %sub3A_665, %sub3A_665 : vector<16xf32>
        %add3A_668 = arith.addf %mul3A_666, %mul3A_667 : vector<16xf32>
        %bitcast_convert_type3A = tpu.bitcast %add3A_668 : vector<16xf32> -> vector<16xi32>
        %shift_right_logical3A = arith.constant 1 : i32
        %shift_right_logical3A_669 = vector.broadcast %shift_right_logical3A : i32 to vector<16xi32>
        %shift_right_logical3A_670 = arith.shrui %bitcast_convert_type3A, %shift_right_logical3A_669 : vector<16xi32>
        %sub3A_671 = arith.constant 1597463007 : i32
        %sub3A_672 = vector.broadcast %sub3A_671 : i32 to vector<16xi32>
        %sub3A_673 = arith.subi %sub3A_672, %shift_right_logical3A_670 : vector<16xi32>
        %bitcast_convert_type3A_674 = tpu.bitcast %sub3A_673 : vector<16xi32> -> vector<16xf32>
        %mul3A_675 = arith.constant 5.000000e-01 : f32
        %mul3A_676 = vector.broadcast %mul3A_675 : f32 to vector<16xf32>
        %mul3A_677 = arith.mulf %mul3A_676, %add3A_668 : vector<16xf32>
        %mul3A_678 = arith.mulf %mul3A_677, %bitcast_convert_type3A_674 : vector<16xf32>
        %mul3A_679 = arith.mulf %mul3A_678, %bitcast_convert_type3A_674 : vector<16xf32>
        %sub3A_680 = arith.constant 1.500000e+00 : f32
        %sub3A_681 = vector.broadcast %sub3A_680 : f32 to vector<16xf32>
        %sub3A_682 = arith.subf %sub3A_681, %mul3A_679 : vector<16xf32>
        %mul3A_683 = arith.mulf %bitcast_convert_type3A_674, %sub3A_682 : vector<16xf32>
        %mul3A_684 = arith.constant 5.000000e-01 : f32
        %mul3A_685 = vector.broadcast %mul3A_684 : f32 to vector<16xf32>
        %mul3A_686 = arith.mulf %mul3A_685, %add3A_668 : vector<16xf32>
        %mul3A_687 = arith.mulf %mul3A_686, %mul3A_683 : vector<16xf32>
        %mul3A_688 = arith.mulf %mul3A_687, %mul3A_683 : vector<16xf32>
        %sub3A_689 = arith.constant 1.500000e+00 : f32
        %sub3A_690 = vector.broadcast %sub3A_689 : f32 to vector<16xf32>
        %sub3A_691 = arith.subf %sub3A_690, %mul3A_688 : vector<16xf32>
        %mul3A_692 = arith.mulf %mul3A_683, %sub3A_691 : vector<16xf32>
        %mul3A_693 = arith.constant 5.000000e-01 : f32
        %mul3A_694 = vector.broadcast %mul3A_693 : f32 to vector<16xf32>
        %mul3A_695 = arith.mulf %mul3A_694, %add3A_668 : vector<16xf32>
        %mul3A_696 = arith.mulf %mul3A_695, %mul3A_692 : vector<16xf32>
        %mul3A_697 = arith.mulf %mul3A_696, %mul3A_692 : vector<16xf32>
        %sub3A_698 = arith.constant 1.500000e+00 : f32
        %sub3A_699 = vector.broadcast %sub3A_698 : f32 to vector<16xf32>
        %sub3A_700 = arith.subf %sub3A_699, %mul3A_697 : vector<16xf32>
        %mul3A_701 = arith.mulf %mul3A_692, %sub3A_700 : vector<16xf32>
        %mul3A_702 = arith.mulf %add3A_668, %mul3A_701 : vector<16xf32>
        %mul3A_703 = arith.mulf %sub3A_664, %mul3A_701 : vector<16xf32>
        %mul3A_704 = arith.mulf %sub3A_665, %mul3A_701 : vector<16xf32>
        %mul3A_705 = arith.mulf %get3A_659, %get3A_661 : vector<16xf32>
        %mul3A_706 = arith.mulf %get3A_659, %get3A_663 : vector<16xf32>
        %mul3A_707 = arith.mulf %mul3A_703, %get3A_639 : vector<16xf32>
        %mul3A_708 = arith.mulf %mul3A_704, %get3A_641 : vector<16xf32>
        %add3A_709 = arith.addf %mul3A_707, %mul3A_708 : vector<16xf32>
        %mul3A_710 = arith.mulf %mul3A_703, %get3A_641 : vector<16xf32>
        %mul3A_711 = arith.mulf %mul3A_704, %get3A_639 : vector<16xf32>
        %sub3A_712 = arith.subf %mul3A_710, %mul3A_711 : vector<16xf32>
        %mul3A_713 = arith.mulf %mul3A_703, %get3A_649 : vector<16xf32>
        %mul3A_714 = arith.mulf %mul3A_704, %get3A_651 : vector<16xf32>
        %add3A_715 = arith.addf %mul3A_713, %mul3A_714 : vector<16xf32>
        %mul3A_716 = arith.mulf %mul3A_703, %get3A_651 : vector<16xf32>
        %mul3A_717 = arith.mulf %mul3A_704, %get3A_649 : vector<16xf32>
        %sub3A_718 = arith.subf %mul3A_716, %mul3A_717 : vector<16xf32>
        %mul3A_719 = arith.mulf %mul3A_701, %mul3A_701 : vector<16xf32>
        %mul3A_720 = arith.mulf %mul3A_719, %mul3A_701 : vector<16xf32>
        %mul3A_721 = arith.mulf %mul3A_705, %mul3A_701 : vector<16xf32>
        %sub3A_722 = arith.subf %add3A_709, %add3A_715 : vector<16xf32>
        %mul3A_723 = arith.mulf %mul3A_721, %sub3A_722 : vector<16xf32>
        %sub3A_724 = arith.subf %sub3A_712, %sub3A_718 : vector<16xf32>
        %mul3A_725 = arith.mulf %mul3A_706, %mul3A_720 : vector<16xf32>
        %mul3A_726 = arith.mulf %mul3A_706, %mul3A_719 : vector<16xf32>
        %mul3A_727 = arith.mulf %mul3A_706, %mul3A_701 : vector<16xf32>
        %mul3A_728 = arith.constant 1.200000e+01 : f32
        %mul3A_729 = vector.broadcast %mul3A_728 : f32 to vector<16xf32>
        %mul3A_730 = arith.mulf %mul3A_729, %mul3A_725 : vector<16xf32>
        %mul3A_731 = arith.mulf %mul3A_730, %sub3A_724 : vector<16xf32>
        %mul3A_732 = arith.constant 6.000000e+00 : f32
        %mul3A_733 = vector.broadcast %mul3A_732 : f32 to vector<16xf32>
        %mul3A_734 = arith.mulf %mul3A_733, %mul3A_726 : vector<16xf32>
        %add3A_735 = arith.addf %get3A_643, %get3A_653 : vector<16xf32>
        %mul3A_736 = arith.mulf %mul3A_734, %add3A_735 : vector<16xf32>
        %add3A_737 = arith.addf %mul3A_731, %mul3A_736 : vector<16xf32>
        %mul3A_738 = arith.constant 6.000000e+00 : f32
        %mul3A_739 = vector.broadcast %mul3A_738 : f32 to vector<16xf32>
        %mul3A_740 = arith.mulf %mul3A_739, %mul3A_726 : vector<16xf32>
        %mul3A_741 = arith.mulf %mul3A_740, %sub3A_724 : vector<16xf32>
        %mul3A_742 = arith.constant 4.000000e+00 : f32
        %mul3A_743 = vector.broadcast %mul3A_742 : f32 to vector<16xf32>
        %mul3A_744 = arith.mulf %mul3A_743, %get3A_643 : vector<16xf32>
        %mul3A_745 = arith.constant 2.000000e+00 : f32
        %mul3A_746 = vector.broadcast %mul3A_745 : f32 to vector<16xf32>
        %mul3A_747 = arith.mulf %mul3A_746, %get3A_653 : vector<16xf32>
        %add3A_748 = arith.addf %mul3A_744, %mul3A_747 : vector<16xf32>
        %mul3A_749 = arith.mulf %mul3A_727, %add3A_748 : vector<16xf32>
        %add3A_750 = arith.addf %mul3A_741, %mul3A_749 : vector<16xf32>
        %mul3A_751 = arith.constant 6.000000e+00 : f32
        %mul3A_752 = vector.broadcast %mul3A_751 : f32 to vector<16xf32>
        %mul3A_753 = arith.mulf %mul3A_752, %mul3A_726 : vector<16xf32>
        %mul3A_754 = arith.mulf %mul3A_753, %sub3A_724 : vector<16xf32>
        %mul3A_755 = arith.constant 2.000000e+00 : f32
        %mul3A_756 = vector.broadcast %mul3A_755 : f32 to vector<16xf32>
        %mul3A_757 = arith.mulf %mul3A_756, %get3A_643 : vector<16xf32>
        %mul3A_758 = arith.constant 4.000000e+00 : f32
        %mul3A_759 = vector.broadcast %mul3A_758 : f32 to vector<16xf32>
        %mul3A_760 = arith.mulf %mul3A_759, %get3A_653 : vector<16xf32>
        %add3A_761 = arith.addf %mul3A_757, %mul3A_760 : vector<16xf32>
        %mul3A_762 = arith.mulf %mul3A_727, %add3A_761 : vector<16xf32>
        %add3A_763 = arith.addf %mul3A_754, %mul3A_762 : vector<16xf32>
        %neg3A = arith.constant 0.000000e+00 : f32
        %neg3A_764 = vector.broadcast %neg3A : f32 to vector<16xf32>
        %neg3A_765 = arith.subf %neg3A_764, %mul3A_723 : vector<16xf32>
        %neg3A_766 = arith.constant 0.000000e+00 : f32
        %neg3A_767 = vector.broadcast %neg3A_766 : f32 to vector<16xf32>
        %neg3A_768 = arith.subf %neg3A_767, %add3A_737 : vector<16xf32>
        %mul3A_769 = arith.mulf %mul3A_703, %mul3A_723 : vector<16xf32>
        %mul3A_770 = arith.mulf %mul3A_704, %add3A_737 : vector<16xf32>
        %sub3A_771 = arith.subf %mul3A_769, %mul3A_770 : vector<16xf32>
        %mul3A_772 = arith.mulf %mul3A_704, %mul3A_723 : vector<16xf32>
        %mul3A_773 = arith.mulf %mul3A_703, %add3A_737 : vector<16xf32>
        %add3A_774 = arith.addf %mul3A_772, %mul3A_773 : vector<16xf32>
        %neg3A_775 = arith.constant 0.000000e+00 : f32
        %neg3A_776 = vector.broadcast %neg3A_775 : f32 to vector<16xf32>
        %neg3A_777 = arith.subf %neg3A_776, %sub3A_771 : vector<16xf32>
        %neg3A_778 = arith.constant 0.000000e+00 : f32
        %neg3A_779 = vector.broadcast %neg3A_778 : f32 to vector<16xf32>
        %neg3A_780 = arith.subf %neg3A_779, %add3A_774 : vector<16xf32>
        %swap3A = arith.index_cast %mul3A_638 : i32 to index
        %swap3A_781 = tpu.vector_load %arg70[%swap3A] {strides = array<i32>} : memref<2000xf32, #tpu.memory_space<vmem>>, vector<16xf32>,
        tpu.vector_store %arg70[%swap3A], %mul3A_723 {strides = array<i32>} : memref<2000xf32, #tpu.memory_space<vmem>>, vector<16xf32>,
        %swap3A_782 = arith.index_cast %mul3A_638 : i32 to index
        %swap3A_783 = tpu.vector_load %arg71[%swap3A_782] {strides = array<i32>} : memref<2000xf32, #tpu.memory_space<vmem>>, vector<16xf32>,
        tpu.vector_store %arg71[%swap3A_782], %add3A_737 {strides = array<i32>} : memref<2000xf32, #tpu.memory_space<vmem>>, vector<16xf32>,
        %swap3A_784 = arith.index_cast %mul3A_638 : i32 to index
        %swap3A_785 = tpu.vector_load %arg72[%swap3A_784] {strides = array<i32>} : memref<2000xf32, #tpu.memory_space<vmem>>, vector<16xf32>,
        tpu.vector_store %arg72[%swap3A_784], %add3A_750 {strides = array<i32>} : memref<2000xf32, #tpu.memory_space<vmem>>, vector<16xf32>,
        %swap3A_786 = arith.index_cast %mul3A_638 : i32 to index
        %swap3A_787 = tpu.vector_load %arg73[%swap3A_786] {strides = array<i32>} : memref<2000xf32, #tpu.memory_space<vmem>>, vector<16xf32>,
        tpu.vector_store %arg73[%swap3A_786], %neg3A_765 {strides = array<i32>} : memref<2000xf32, #tpu.memory_space<vmem>>, vector<16xf32>,
        %swap3A_788 = arith.index_cast %mul3A_638 : i32 to index
        %swap3A_789 = tpu.vector_load %arg74[%swap3A_788] {strides = array<i32>} : memref<2000xf32, #tpu.memory_space<vmem>>, vector<16xf32>,
        tpu.vector_store %arg74[%swap3A_788], %neg3A_768 {strides = array<i32>} : memref<2000xf32, #tpu.memory_space<vmem>>, vector<16xf32>,
        %swap3A_790 = arith.index_cast %mul3A_638 : i32 to index
        %swap3A_791 = tpu.vector_load %arg75[%swap3A_790] {strides = array<i32>} : memref<2000xf32, #tpu.memory_space<vmem>>, vector<16xf32>,
        tpu.vector_store %arg75[%swap3A_790], %add3A_763 {strides = array<i32>} : memref<2000xf32, #tpu.memory_space<vmem>>, vector<16xf32>,
        %swap3A_792 = arith.index_cast %mul3A_638 : i32 to index
        %swap3A_793 = tpu.vector_load %arg76[%swap3A_792] {strides = array<i32>} : memref<2000xf32, #tpu.memory_space<vmem>>, vector<16xf32>,
        tpu.vector_store %arg76[%swap3A_792], %sub3A_771 {strides = array<i32>} : memref<2000xf32, #tpu.memory_space<vmem>>, vector<16xf32>,
        %swap3A_794 = arith.index_cast %mul3A_638 : i32 to index
        %swap3A_795 = tpu.vector_load %arg77[%swap3A_794] {strides = array<i32>} : memref<2000xf32, #tpu.memory_space<vmem>>, vector<16xf32>,
        tpu.vector_store %arg77[%swap3A_794], %add3A_774 {strides = array<i32>} : memref<2000xf32, #tpu.memory_space<vmem>>, vector<16xf32>,
        %swap3A_796 = arith.index_cast %mul3A_638 : i32 to index
        %swap3A_797 = tpu.vector_load %arg78[%swap3A_796] {strides = array<i32>} : memref<2000xf32, #tpu.memory_space<vmem>>, vector<16xf32>,
        tpu.vector_store %arg78[%swap3A_796], %neg3A_777 {strides = array<i32>} : memref<2000xf32, #tpu.memory_space<vmem>>, vector<16xf32>,
        %swap3A_798 = arith.index_cast %mul3A_638 : i32 to index
        %swap3A_799 = tpu.vector_load %arg79[%swap3A_798] {strides = array<i32>} : memref<2000xf32, #tpu.memory_space<vmem>>, vector<16xf32>,
        tpu.vector_store %arg79[%swap3A_798], %neg3A_780 {strides = array<i32>} : memref<2000xf32, #tpu.memory_space<vmem>>, vector<16xf32>,
        %swap3A_800 = arith.index_cast %mul3A_638 : i32 to index
        %swap3A_801 = tpu.vector_load %arg80[%swap3A_800] {strides = array<i32>} : memref<2000xf32, #tpu.memory_space<vmem>>, vector<16xf32>,
        tpu.vector_store %arg80[%swap3A_800], %add3A_709 {strides = array<i32>} : memref<2000xf32, #tpu.memory_space<vmem>>, vector<16xf32>,
        %swap3A_802 = arith.index_cast %mul3A_638 : i32 to index
        %swap3A_803 = tpu.vector_load %arg81[%swap3A_802] {strides = array<i32>} : memref<2000xf32, #tpu.memory_space<vmem>>, vector<16xf32>,
        tpu.vector_store %arg81[%swap3A_802], %sub3A_712 {strides = array<i32>} : memref<2000xf32, #tpu.memory_space<vmem>>, vector<16xf32>,
        %swap3A_804 = arith.index_cast %mul3A_638 : i32 to index
        %swap3A_805 = tpu.vector_load %arg82[%swap3A_804] {strides = array<i32>} : memref<2000xf32, #tpu.memory_space<vmem>>, vector<16xf32>,
        tpu.vector_store %arg82[%swap3A_804], %add3A_715 {strides = array<i32>} : memref<2000xf32, #tpu.memory_space<vmem>>, vector<16xf32>,
        %swap3A_806 = arith.index_cast %mul3A_638 : i32 to index
        %swap3A_807 = tpu.vector_load %arg83[%swap3A_806] {strides = array<i32>} : memref<2000xf32, #tpu.memory_space<vmem>>, vector<16xf32>,
        tpu.vector_store %arg83[%swap3A_806], %sub3A_718 {strides = array<i32>} : memref<2000xf32, #tpu.memory_space<vmem>>, vector<16xf32>,
        %sub3A_808 = arith.subf %add3A_715, %add3A_709 : vector<16xf32>
        %swap3A_809 = arith.index_cast %mul3A_638 : i32 to index
        %swap3A_810 = tpu.vector_load %arg84[%swap3A_809] {strides = array<i32>} : memref<2000xf32, #tpu.memory_space<vmem>>, vector<16xf32>,
        tpu.vector_store %arg84[%swap3A_809], %sub3A_808 {strides = array<i32>} : memref<2000xf32, #tpu.memory_space<vmem>>, vector<16xf32>,
        %sub3A_811 = arith.subf %sub3A_718, %sub3A_712 : vector<16xf32>
        %mul3A_812 = arith.mulf %sub3A_811, %mul3A_701 : vector<16xf32>
        %swap3A_813 = arith.index_cast %mul3A_638 : i32 to index
        %swap3A_814 = tpu.vector_load %arg85[%swap3A_813] {strides = array<i32>} : memref<2000xf32, #tpu.memory_space<vmem>>, vector<16xf32>,
        tpu.vector_store %arg85[%swap3A_813], %mul3A_812 {strides = array<i32>} : memref<2000xf32, #tpu.memory_space<vmem>>, vector<16xf32>,
        %swap3A_815 = arith.index_cast %mul3A_638 : i32 to index
        %swap3A_816 = tpu.vector_load %arg86[%swap3A_815] {strides = array<i32>} : memref<2000xf32, #tpu.memory_space<vmem>>, vector<16xf32>,
        tpu.vector_store %arg86[%swap3A_815], %mul3A_702 {strides = array<i32>} : memref<2000xf32, #tpu.memory_space<vmem>>, vector<16xf32>,
        %swap3A_817 = arith.index_cast %mul3A_638 : i32 to index
        %swap3A_818 = tpu.vector_load %arg87[%swap3A_817] {strides = array<i32>} : memref<2000xf32, #tpu.memory_space<vmem>>, vector<16xf32>,
        tpu.vector_store %arg87[%swap3A_817], %mul3A_703 {strides = array<i32>} : memref<2000xf32, #tpu.memory_space<vmem>>, vector<16xf32>,
        %swap3A_819 = arith.index_cast %mul3A_638 : i32 to index
        %swap3A_820 = tpu.vector_load %arg88[%swap3A_819] {strides = array<i32>} : memref<2000xf32, #tpu.memory_space<vmem>>, vector<16xf32>,
        tpu.vector_store %arg88[%swap3A_819], %mul3A_704 {strides = array<i32>} : memref<2000xf32, #tpu.memory_space<vmem>>, vector<16xf32>,
        %scan3A_821 = arith.constant 0 : i32
        scf.yield %scan3A_821 : i32
      }
      %scan3A_569 = arith.constant 125 : i32
      %mul3A_570 = arith.constant 25 : i32
      %mul3A_571 = arith.muli %add3A, %mul3A_570 : i32
      %add3A_572 = arith.addi %mul3A_571, %add3A_283 : i32
      %mul3A_573 = arith.constant 2000 : i32
      %mul3A_574 = arith.muli %add3A_572, %mul3A_573 : i32
      %dma_start3A_575 = tpu.memref_slice %arg13[%mul3A_574] : memref<1600000xf32, #tpu.memory_space<hbm>> -> memref<2000xf32, #tpu.memory_space<hbm>>
      %dma_start3A_576 = tpu.memref_slice %arg13[%mul3A_574] : memref<1600000xf32, #tpu.memory_space<hbm>> -> memref<2000xf32, #tpu.memory_space<hbm>>
      tpu.enqueue_dma source(%arg70 : memref<2000xf32, #tpu.memory_space<vmem>>) target(%dma_start3A_576 : memref<2000xf32, #tpu.memory_space<hbm>>) target_semaphore(%arg94 : memref<!tpu.dma_semaphore, #tpu.memory_space<semaphore_mem>>)
      %dma_start3A_577 = tpu.memref_slice %arg14[%mul3A_574] : memref<1600000xf32, #tpu.memory_space<hbm>> -> memref<2000xf32, #tpu.memory_space<hbm>>
      %dma_start3A_578 = tpu.memref_slice %arg14[%mul3A_574] : memref<1600000xf32, #tpu.memory_space<hbm>> -> memref<2000xf32, #tpu.memory_space<hbm>>
      tpu.enqueue_dma source(%arg71 : memref<2000xf32, #tpu.memory_space<vmem>>) target(%dma_start3A_578 : memref<2000xf32, #tpu.memory_space<hbm>>) target_semaphore(%arg94 : memref<!tpu.dma_semaphore, #tpu.memory_space<semaphore_mem>>)
      %dma_start3A_579 = tpu.memref_slice %arg15[%mul3A_574] : memref<1600000xf32, #tpu.memory_space<hbm>> -> memref<2000xf32, #tpu.memory_space<hbm>>
      %dma_start3A_580 = tpu.memref_slice %arg15[%mul3A_574] : memref<1600000xf32, #tpu.memory_space<hbm>> -> memref<2000xf32, #tpu.memory_space<hbm>>
      tpu.enqueue_dma source(%arg72 : memref<2000xf32, #tpu.memory_space<vmem>>) target(%dma_start3A_580 : memref<2000xf32, #tpu.memory_space<hbm>>) target_semaphore(%arg94 : memref<!tpu.dma_semaphore, #tpu.memory_space<semaphore_mem>>)
      %dma_start3A_581 = tpu.memref_slice %arg16[%mul3A_574] : memref<1600000xf32, #tpu.memory_space<hbm>> -> memref<2000xf32, #tpu.memory_space<hbm>>
      %dma_start3A_582 = tpu.memref_slice %arg16[%mul3A_574] : memref<1600000xf32, #tpu.memory_space<hbm>> -> memref<2000xf32, #tpu.memory_space<hbm>>
      tpu.enqueue_dma source(%arg73 : memref<2000xf32, #tpu.memory_space<vmem>>) target(%dma_start3A_582 : memref<2000xf32, #tpu.memory_space<hbm>>) target_semaphore(%arg94 : memref<!tpu.dma_semaphore, #tpu.memory_space<semaphore_mem>>)
      %dma_start3A_583 = tpu.memref_slice %arg17[%mul3A_574] : memref<1600000xf32, #tpu.memory_space<hbm>> -> memref<2000xf32, #tpu.memory_space<hbm>>
      %dma_start3A_584 = tpu.memref_slice %arg17[%mul3A_574] : memref<1600000xf32, #tpu.memory_space<hbm>> -> memref<2000xf32, #tpu.memory_space<hbm>>
      tpu.enqueue_dma source(%arg74 : memref<2000xf32, #tpu.memory_space<vmem>>) target(%dma_start3A_584 : memref<2000xf32, #tpu.memory_space<hbm>>) target_semaphore(%arg94 : memref<!tpu.dma_semaphore, #tpu.memory_space<semaphore_mem>>)
      %dma_start3A_585 = tpu.memref_slice %arg18[%mul3A_574] : memref<1600000xf32, #tpu.memory_space<hbm>> -> memref<2000xf32, #tpu.memory_space<hbm>>
      %dma_start3A_586 = tpu.memref_slice %arg18[%mul3A_574] : memref<1600000xf32, #tpu.memory_space<hbm>> -> memref<2000xf32, #tpu.memory_space<hbm>>
      tpu.enqueue_dma source(%arg75 : memref<2000xf32, #tpu.memory_space<vmem>>) target(%dma_start3A_586 : memref<2000xf32, #tpu.memory_space<hbm>>) target_semaphore(%arg94 : memref<!tpu.dma_semaphore, #tpu.memory_space<semaphore_mem>>)
      %dma_start3A_587 = tpu.memref_slice %arg19[%mul3A_574] : memref<1600000xf32, #tpu.memory_space<hbm>> -> memref<2000xf32, #tpu.memory_space<hbm>>
      %dma_start3A_588 = tpu.memref_slice %arg19[%mul3A_574] : memref<1600000xf32, #tpu.memory_space<hbm>> -> memref<2000xf32, #tpu.memory_space<hbm>>
      tpu.enqueue_dma source(%arg76 : memref<2000xf32, #tpu.memory_space<vmem>>) target(%dma_start3A_588 : memref<2000xf32, #tpu.memory_space<hbm>>) target_semaphore(%arg94 : memref<!tpu.dma_semaphore, #tpu.memory_space<semaphore_mem>>)
      %dma_start3A_589 = tpu.memref_slice %arg20[%mul3A_574] : memref<1600000xf32, #tpu.memory_space<hbm>> -> memref<2000xf32, #tpu.memory_space<hbm>>
      %dma_start3A_590 = tpu.memref_slice %arg20[%mul3A_574] : memref<1600000xf32, #tpu.memory_space<hbm>> -> memref<2000xf32, #tpu.memory_space<hbm>>
      tpu.enqueue_dma source(%arg77 : memref<2000xf32, #tpu.memory_space<vmem>>) target(%dma_start3A_590 : memref<2000xf32, #tpu.memory_space<hbm>>) target_semaphore(%arg94 : memref<!tpu.dma_semaphore, #tpu.memory_space<semaphore_mem>>)
      %dma_start3A_591 = tpu.memref_slice %arg21[%mul3A_574] : memref<1600000xf32, #tpu.memory_space<hbm>> -> memref<2000xf32, #tpu.memory_space<hbm>>
      %dma_start3A_592 = tpu.memref_slice %arg21[%mul3A_574] : memref<1600000xf32, #tpu.memory_space<hbm>> -> memref<2000xf32, #tpu.memory_space<hbm>>
      tpu.enqueue_dma source(%arg78 : memref<2000xf32, #tpu.memory_space<vmem>>) target(%dma_start3A_592 : memref<2000xf32, #tpu.memory_space<hbm>>) target_semaphore(%arg94 : memref<!tpu.dma_semaphore, #tpu.memory_space<semaphore_mem>>)
      %dma_start3A_593 = tpu.memref_slice %arg22[%mul3A_574] : memref<1600000xf32, #tpu.memory_space<hbm>> -> memref<2000xf32, #tpu.memory_space<hbm>>
      %dma_start3A_594 = tpu.memref_slice %arg22[%mul3A_574] : memref<1600000xf32, #tpu.memory_space<hbm>> -> memref<2000xf32, #tpu.memory_space<hbm>>
      tpu.enqueue_dma source(%arg79 : memref<2000xf32, #tpu.memory_space<vmem>>) target(%dma_start3A_594 : memref<2000xf32, #tpu.memory_space<hbm>>) target_semaphore(%arg94 : memref<!tpu.dma_semaphore, #tpu.memory_space<semaphore_mem>>)
      %dma_start3A_595 = tpu.memref_slice %arg23[%mul3A_574] : memref<1600000xf32, #tpu.memory_space<hbm>> -> memref<2000xf32, #tpu.memory_space<hbm>>
      %dma_start3A_596 = tpu.memref_slice %arg23[%mul3A_574] : memref<1600000xf32, #tpu.memory_space<hbm>> -> memref<2000xf32, #tpu.memory_space<hbm>>
      tpu.enqueue_dma source(%arg80 : memref<2000xf32, #tpu.memory_space<vmem>>) target(%dma_start3A_596 : memref<2000xf32, #tpu.memory_space<hbm>>) target_semaphore(%arg94 : memref<!tpu.dma_semaphore, #tpu.memory_space<semaphore_mem>>)
      %dma_start3A_597 = tpu.memref_slice %arg24[%mul3A_574] : memref<1600000xf32, #tpu.memory_space<hbm>> -> memref<2000xf32, #tpu.memory_space<hbm>>
      %dma_start3A_598 = tpu.memref_slice %arg24[%mul3A_574] : memref<1600000xf32, #tpu.memory_space<hbm>> -> memref<2000xf32, #tpu.memory_space<hbm>>
      tpu.enqueue_dma source(%arg81 : memref<2000xf32, #tpu.memory_space<vmem>>) target(%dma_start3A_598 : memref<2000xf32, #tpu.memory_space<hbm>>) target_semaphore(%arg94 : memref<!tpu.dma_semaphore, #tpu.memory_space<semaphore_mem>>)
      %dma_start3A_599 = tpu.memref_slice %arg26[%mul3A_574] : memref<1600000xf32, #tpu.memory_space<hbm>> -> memref<2000xf32, #tpu.memory_space<hbm>>
      %dma_start3A_600 = tpu.memref_slice %arg26[%mul3A_574] : memref<1600000xf32, #tpu.memory_space<hbm>> -> memref<2000xf32, #tpu.memory_space<hbm>>
      tpu.enqueue_dma source(%arg82 : memref<2000xf32, #tpu.memory_space<vmem>>) target(%dma_start3A_600 : memref<2000xf32, #tpu.memory_space<hbm>>) target_semaphore(%arg94 : memref<!tpu.dma_semaphore, #tpu.memory_space<semaphore_mem>>)
      %dma_start3A_601 = tpu.memref_slice %arg27[%mul3A_574] : memref<1600000xf32, #tpu.memory_space<hbm>> -> memref<2000xf32, #tpu.memory_space<hbm>>
      %dma_start3A_602 = tpu.memref_slice %arg27[%mul3A_574] : memref<1600000xf32, #tpu.memory_space<hbm>> -> memref<2000xf32, #tpu.memory_space<hbm>>
      tpu.enqueue_dma source(%arg83 : memref<2000xf32, #tpu.memory_space<vmem>>) target(%dma_start3A_602 : memref<2000xf32, #tpu.memory_space<hbm>>) target_semaphore(%arg94 : memref<!tpu.dma_semaphore, #tpu.memory_space<semaphore_mem>>)
      %dma_start3A_603 = tpu.memref_slice %arg29[%mul3A_574] : memref<1600000xf32, #tpu.memory_space<hbm>> -> memref<2000xf32, #tpu.memory_space<hbm>>
      %dma_start3A_604 = tpu.memref_slice %arg29[%mul3A_574] : memref<1600000xf32, #tpu.memory_space<hbm>> -> memref<2000xf32, #tpu.memory_space<hbm>>
      tpu.enqueue_dma source(%arg84 : memref<2000xf32, #tpu.memory_space<vmem>>) target(%dma_start3A_604 : memref<2000xf32, #tpu.memory_space<hbm>>) target_semaphore(%arg94 : memref<!tpu.dma_semaphore, #tpu.memory_space<semaphore_mem>>)
      %dma_start3A_605 = tpu.memref_slice %arg30[%mul3A_574] : memref<1600000xf32, #tpu.memory_space<hbm>> -> memref<2000xf32, #tpu.memory_space<hbm>>
      %dma_start3A_606 = tpu.memref_slice %arg30[%mul3A_574] : memref<1600000xf32, #tpu.memory_space<hbm>> -> memref<2000xf32, #tpu.memory_space<hbm>>
      tpu.enqueue_dma source(%arg85 : memref<2000xf32, #tpu.memory_space<vmem>>) target(%dma_start3A_606 : memref<2000xf32, #tpu.memory_space<hbm>>) target_semaphore(%arg94 : memref<!tpu.dma_semaphore, #tpu.memory_space<semaphore_mem>>)
      %dma_start3A_607 = tpu.memref_slice %arg31[%mul3A_574] : memref<1600000xf32, #tpu.memory_space<hbm>> -> memref<2000xf32, #tpu.memory_space<hbm>>
      %dma_start3A_608 = tpu.memref_slice %arg31[%mul3A_574] : memref<1600000xf32, #tpu.memory_space<hbm>> -> memref<2000xf32, #tpu.memory_space<hbm>>
      tpu.enqueue_dma source(%arg86 : memref<2000xf32, #tpu.memory_space<vmem>>) target(%dma_start3A_608 : memref<2000xf32, #tpu.memory_space<hbm>>) target_semaphore(%arg94 : memref<!tpu.dma_semaphore, #tpu.memory_space<semaphore_mem>>)
      %dma_start3A_609 = tpu.memref_slice %arg32[%mul3A_574] : memref<1600000xf32, #tpu.memory_space<hbm>> -> memref<2000xf32, #tpu.memory_space<hbm>>
      %dma_start3A_610 = tpu.memref_slice %arg32[%mul3A_574] : memref<1600000xf32, #tpu.memory_space<hbm>> -> memref<2000xf32, #tpu.memory_space<hbm>>
      tpu.enqueue_dma source(%arg87 : memref<2000xf32, #tpu.memory_space<vmem>>) target(%dma_start3A_610 : memref<2000xf32, #tpu.memory_space<hbm>>) target_semaphore(%arg94 : memref<!tpu.dma_semaphore, #tpu.memory_space<semaphore_mem>>)
      %dma_start3A_611 = tpu.memref_slice %arg33[%mul3A_574] : memref<1600000xf32, #tpu.memory_space<hbm>> -> memref<2000xf32, #tpu.memory_space<hbm>>
      %dma_start3A_612 = tpu.memref_slice %arg33[%mul3A_574] : memref<1600000xf32, #tpu.memory_space<hbm>> -> memref<2000xf32, #tpu.memory_space<hbm>>
      tpu.enqueue_dma source(%arg88 : memref<2000xf32, #tpu.memory_space<vmem>>) target(%dma_start3A_612 : memref<2000xf32, #tpu.memory_space<hbm>>) target_semaphore(%arg94 : memref<!tpu.dma_semaphore, #tpu.memory_space<semaphore_mem>>)
      %dma_start3A_613 = tpu.memref_slice %arg25[%mul3A_574] : memref<1600000xf32, #tpu.memory_space<hbm>> -> memref<2000xf32, #tpu.memory_space<hbm>>
      %dma_start3A_614 = tpu.memref_slice %arg25[%mul3A_574] : memref<1600000xf32, #tpu.memory_space<hbm>> -> memref<2000xf32, #tpu.memory_space<hbm>>
      tpu.enqueue_dma source(%arg47 : memref<2000xf32, #tpu.memory_space<vmem>>) target(%dma_start3A_614 : memref<2000xf32, #tpu.memory_space<hbm>>) target_semaphore(%arg94 : memref<!tpu.dma_semaphore, #tpu.memory_space<semaphore_mem>>)
      %dma_start3A_615 = tpu.memref_slice %arg28[%mul3A_574] : memref<1600000xf32, #tpu.memory_space<hbm>> -> memref<2000xf32, #tpu.memory_space<hbm>>
      %dma_start3A_616 = tpu.memref_slice %arg28[%mul3A_574] : memref<1600000xf32, #tpu.memory_space<hbm>> -> memref<2000xf32, #tpu.memory_space<hbm>>
      tpu.enqueue_dma source(%arg52 : memref<2000xf32, #tpu.memory_space<vmem>>) target(%dma_start3A_616 : memref<2000xf32, #tpu.memory_space<hbm>>) target_semaphore(%arg94 : memref<!tpu.dma_semaphore, #tpu.memory_space<semaphore_mem>>)
      %dma_start3A_617 = arith.constant 0 : i32
      %dma_start3A_618 = tpu.memref_slice %arg89[%dma_start3A_617] : memref<100000xf32, #tpu.memory_space<vmem_shared>> -> memref<100000xf32, #tpu.memory_space<vmem_shared>>
      tpu.enqueue_indirect_dma source(%arg76 : memref<2000xf32, #tpu.memory_space<vmem>>) target(%dma_start3A_618 : memref<100000xf32, #tpu.memory_space<vmem_shared>>) offsets(%arg40 : memref<2000xi32, #tpu.memory_space<vmem>>) semaphore(%arg95 : memref<!tpu.dma_semaphore, #tpu.memory_space<semaphore_mem>>) {add = true}
      %dma_start3A_619 = arith.constant 0 : i32
      %dma_start3A_620 = tpu.memref_slice %arg90[%dma_start3A_619] : memref<100000xf32, #tpu.memory_space<vmem_shared>> -> memref<100000xf32, #tpu.memory_space<vmem_shared>>
      tpu.enqueue_indirect_dma source(%arg77 : memref<2000xf32, #tpu.memory_space<vmem>>) target(%dma_start3A_620 : memref<100000xf32, #tpu.memory_space<vmem_shared>>) offsets(%arg40 : memref<2000xi32, #tpu.memory_space<vmem>>) semaphore(%arg95 : memref<!tpu.dma_semaphore, #tpu.memory_space<semaphore_mem>>) {add = true}
      %dma_start3A_621 = arith.constant 0 : i32
      %dma_start3A_622 = tpu.memref_slice %arg91[%dma_start3A_621] : memref<100000xf32, #tpu.memory_space<vmem_shared>> -> memref<100000xf32, #tpu.memory_space<vmem_shared>>
      tpu.enqueue_indirect_dma source(%arg72 : memref<2000xf32, #tpu.memory_space<vmem>>) target(%dma_start3A_622 : memref<100000xf32, #tpu.memory_space<vmem_shared>>) offsets(%arg40 : memref<2000xi32, #tpu.memory_space<vmem>>) semaphore(%arg95 : memref<!tpu.dma_semaphore, #tpu.memory_space<semaphore_mem>>) {add = true}
      %dma_start3A_623 = arith.constant 0 : i32
      %dma_start3A_624 = tpu.memref_slice %arg89[%dma_start3A_623] : memref<100000xf32, #tpu.memory_space<vmem_shared>> -> memref<100000xf32, #tpu.memory_space<vmem_shared>>
      tpu.enqueue_indirect_dma source(%arg78 : memref<2000xf32, #tpu.memory_space<vmem>>) target(%dma_start3A_624 : memref<100000xf32, #tpu.memory_space<vmem_shared>>) offsets(%arg41 : memref<2000xi32, #tpu.memory_space<vmem>>) semaphore(%arg95 : memref<!tpu.dma_semaphore, #tpu.memory_space<semaphore_mem>>) {add = true}
      %dma_start3A_625 = arith.constant 0 : i32
      %dma_start3A_626 = tpu.memref_slice %arg90[%dma_start3A_625] : memref<100000xf32, #tpu.memory_space<vmem_shared>> -> memref<100000xf32, #tpu.memory_space<vmem_shared>>
      tpu.enqueue_indirect_dma source(%arg79 : memref<2000xf32, #tpu.memory_space<vmem>>) target(%dma_start3A_626 : memref<100000xf32, #tpu.memory_space<vmem_shared>>) offsets(%arg41 : memref<2000xi32, #tpu.memory_space<vmem>>) semaphore(%arg95 : memref<!tpu.dma_semaphore, #tpu.memory_space<semaphore_mem>>) {add = true}
      %dma_start3A_627 = arith.constant 0 : i32
      %dma_start3A_628 = tpu.memref_slice %arg91[%dma_start3A_627] : memref<100000xf32, #tpu.memory_space<vmem_shared>> -> memref<100000xf32, #tpu.memory_space<vmem_shared>>
      tpu.enqueue_indirect_dma source(%arg75 : memref<2000xf32, #tpu.memory_space<vmem>>) target(%dma_start3A_628 : memref<100000xf32, #tpu.memory_space<vmem_shared>>) offsets(%arg41 : memref<2000xi32, #tpu.memory_space<vmem>>) semaphore(%arg95 : memref<!tpu.dma_semaphore, #tpu.memory_space<semaphore_mem>>) {add = true}
      %lt3A_629 = arith.constant 11 : i32
      %lt3A_630 = arith.cmpi slt, %scan3A_274, %lt3A_629 : i32
      %convert_element_type3A_631 = arith.extui %lt3A_630 : i1 to i32
      %cond3A_632 = arith.constant 0 : i32
      %cond3A_633 = arith.cmpi ne, %convert_element_type3A_631, %cond3A_632 : i32
      scf.if %cond3A_633 {
        %add3A_635 = arith.constant 1 : i32
        %add3A_636 = arith.addi %add3A_283, %add3A_635 : i32
        %mul3A_637 = arith.constant 25 : i32
        %mul3A_638 = arith.muli %add3A, %mul3A_637 : i32
        %add3A_639 = arith.addi %mul3A_638, %add3A_636 : i32
        %mul3A_640 = arith.constant 2000 : i32
        %mul3A_641 = arith.muli %add3A_639, %mul3A_640 : i32
        %dma_wait3A_642 = tpu.memref_slice %arg7[%mul3A_641] : memref<1600000xi32, #tpu.memory_space<hbm>> -> memref<2000xi32, #tpu.memory_space<hbm>>
        %dma_wait3A_643 = tpu.memref_slice %arg7[%mul3A_641] : memref<1600000xi32, #tpu.memory_space<hbm>> -> memref<2000xi32, #tpu.memory_space<hbm>>
        tpu.wait_dma2 semaphore(%arg92 : memref<!tpu.dma_semaphore, #tpu.memory_space<semaphore_mem>>) src(%dma_wait3A_643 : memref<2000xi32, #tpu.memory_space<hbm>>) dst(%arg55 : memref<2000xi32, #tpu.memory_space<vmem>>)
        %dma_wait3A_644 = tpu.memref_slice %arg8[%mul3A_641] : memref<1600000xi32, #tpu.memory_space<hbm>> -> memref<2000xi32, #tpu.memory_space<hbm>>
        %dma_wait3A_645 = tpu.memref_slice %arg8[%mul3A_641] : memref<1600000xi32, #tpu.memory_space<hbm>> -> memref<2000xi32, #tpu.memory_space<hbm>>
        tpu.wait_dma2 semaphore(%arg92 : memref<!tpu.dma_semaphore, #tpu.memory_space<semaphore_mem>>) src(%dma_wait3A_645 : memref<2000xi32, #tpu.memory_space<hbm>>) dst(%arg56 : memref<2000xi32, #tpu.memory_space<vmem>>)
        %dma_wait3A_646 = tpu.memref_slice %arg9[%mul3A_641] : memref<1600000xf32, #tpu.memory_space<hbm>> -> memref<2000xf32, #tpu.memory_space<hbm>>
        %dma_wait3A_647 = tpu.memref_slice %arg9[%mul3A_641] : memref<1600000xf32, #tpu.memory_space<hbm>> -> memref<2000xf32, #tpu.memory_space<hbm>>
        tpu.wait_dma2 semaphore(%arg92 : memref<!tpu.dma_semaphore, #tpu.memory_space<semaphore_mem>>) src(%dma_wait3A_647 : memref<2000xf32, #tpu.memory_space<hbm>>) dst(%arg57 : memref<2000xf32, #tpu.memory_space<vmem>>)
        %dma_wait3A_648 = tpu.memref_slice %arg10[%mul3A_641] : memref<1600000xf32, #tpu.memory_space<hbm>> -> memref<2000xf32, #tpu.memory_space<hbm>>
        %dma_wait3A_649 = tpu.memref_slice %arg10[%mul3A_641] : memref<1600000xf32, #tpu.memory_space<hbm>> -> memref<2000xf32, #tpu.memory_space<hbm>>
        tpu.wait_dma2 semaphore(%arg92 : memref<!tpu.dma_semaphore, #tpu.memory_space<semaphore_mem>>) src(%dma_wait3A_649 : memref<2000xf32, #tpu.memory_space<hbm>>) dst(%arg58 : memref<2000xf32, #tpu.memory_space<vmem>>)
        %dma_wait3A_650 = tpu.memref_slice %arg11[%mul3A_641] : memref<1600000xf32, #tpu.memory_space<hbm>> -> memref<2000xf32, #tpu.memory_space<hbm>>
        %dma_wait3A_651 = tpu.memref_slice %arg11[%mul3A_641] : memref<1600000xf32, #tpu.memory_space<hbm>> -> memref<2000xf32, #tpu.memory_space<hbm>>
        tpu.wait_dma2 semaphore(%arg92 : memref<!tpu.dma_semaphore, #tpu.memory_space<semaphore_mem>>) src(%dma_wait3A_651 : memref<2000xf32, #tpu.memory_space<hbm>>) dst(%arg59 : memref<2000xf32, #tpu.memory_space<vmem>>)
        %dma_start3A_652 = arith.constant 0 : i32
        %dma_start3A_653 = tpu.memref_slice %arg2[%dma_start3A_652] : memref<100000xf32, #tpu.memory_space<hbm>> -> memref<100000xf32, #tpu.memory_space<hbm>>
        tpu.enqueue_indirect_dma source(%dma_start3A_653 : memref<100000xf32, #tpu.memory_space<hbm>>) target(%arg60 : memref<2000xf32, #tpu.memory_space<vmem>>) offsets(%arg55 : memref<2000xi32, #tpu.memory_space<vmem>>) semaphore(%arg93 : memref<!tpu.dma_semaphore, #tpu.memory_space<semaphore_mem>>)
        %dma_start3A_654 = arith.constant 0 : i32
        %dma_start3A_655 = tpu.memref_slice %arg3[%dma_start3A_654] : memref<100000xf32, #tpu.memory_space<hbm>> -> memref<100000xf32, #tpu.memory_space<hbm>>
        tpu.enqueue_indirect_dma source(%dma_start3A_655 : memref<100000xf32, #tpu.memory_space<hbm>>) target(%arg61 : memref<2000xf32, #tpu.memory_space<vmem>>) offsets(%arg55 : memref<2000xi32, #tpu.memory_space<vmem>>) semaphore(%arg93 : memref<!tpu.dma_semaphore, #tpu.memory_space<semaphore_mem>>)
        %dma_start3A_656 = arith.constant 0 : i32
        %dma_start3A_657 = tpu.memref_slice %arg4[%dma_start3A_656] : memref<100000xf32, #tpu.memory_space<hbm>> -> memref<100000xf32, #tpu.memory_space<hbm>>
        tpu.enqueue_indirect_dma source(%dma_start3A_657 : memref<100000xf32, #tpu.memory_space<hbm>>) target(%arg62 : memref<2000xf32, #tpu.memory_space<vmem>>) offsets(%arg55 : memref<2000xi32, #tpu.memory_space<vmem>>) semaphore(%arg93 : memref<!tpu.dma_semaphore, #tpu.memory_space<semaphore_mem>>)
        %dma_start3A_658 = arith.constant 0 : i32
        %dma_start3A_659 = tpu.memref_slice %arg5[%dma_start3A_658] : memref<100000xf32, #tpu.memory_space<hbm>> -> memref<100000xf32, #tpu.memory_space<hbm>>
        tpu.enqueue_indirect_dma source(%dma_start3A_659 : memref<100000xf32, #tpu.memory_space<hbm>>) target(%arg63 : memref<2000xf32, #tpu.memory_space<vmem>>) offsets(%arg55 : memref<2000xi32, #tpu.memory_space<vmem>>) semaphore(%arg93 : memref<!tpu.dma_semaphore, #tpu.memory_space<semaphore_mem>>)
        %dma_start3A_660 = arith.constant 0 : i32
        %dma_start3A_661 = tpu.memref_slice %arg6[%dma_start3A_660] : memref<100000xf32, #tpu.memory_space<hbm>> -> memref<100000xf32, #tpu.memory_space<hbm>>
        tpu.enqueue_indirect_dma source(%dma_start3A_661 : memref<100000xf32, #tpu.memory_space<hbm>>) target(%arg64 : memref<2000xf32, #tpu.memory_space<vmem>>) offsets(%arg55 : memref<2000xi32, #tpu.memory_space<vmem>>) semaphore(%arg93 : memref<!tpu.dma_semaphore, #tpu.memory_space<semaphore_mem>>)
        %dma_start3A_662 = arith.constant 0 : i32
        %dma_start3A_663 = tpu.memref_slice %arg2[%dma_start3A_662] : memref<100000xf32, #tpu.memory_space<hbm>> -> memref<100000xf32, #tpu.memory_space<hbm>>
        tpu.enqueue_indirect_dma source(%dma_start3A_663 : memref<100000xf32, #tpu.memory_space<hbm>>) target(%arg65 : memref<2000xf32, #tpu.memory_space<vmem>>) offsets(%arg56 : memref<2000xi32, #tpu.memory_space<vmem>>) semaphore(%arg93 : memref<!tpu.dma_semaphore, #tpu.memory_space<semaphore_mem>>)
        %dma_start3A_664 = arith.constant 0 : i32
        %dma_start3A_665 = tpu.memref_slice %arg3[%dma_start3A_664] : memref<100000xf32, #tpu.memory_space<hbm>> -> memref<100000xf32, #tpu.memory_space<hbm>>
        tpu.enqueue_indirect_dma source(%dma_start3A_665 : memref<100000xf32, #tpu.memory_space<hbm>>) target(%arg66 : memref<2000xf32, #tpu.memory_space<vmem>>) offsets(%arg56 : memref<2000xi32, #tpu.memory_space<vmem>>) semaphore(%arg93 : memref<!tpu.dma_semaphore, #tpu.memory_space<semaphore_mem>>)
        %dma_start3A_666 = arith.constant 0 : i32
        %dma_start3A_667 = tpu.memref_slice %arg4[%dma_start3A_666] : memref<100000xf32, #tpu.memory_space<hbm>> -> memref<100000xf32, #tpu.memory_space<hbm>>
        tpu.enqueue_indirect_dma source(%dma_start3A_667 : memref<100000xf32, #tpu.memory_space<hbm>>) target(%arg67 : memref<2000xf32, #tpu.memory_space<vmem>>) offsets(%arg56 : memref<2000xi32, #tpu.memory_space<vmem>>) semaphore(%arg93 : memref<!tpu.dma_semaphore, #tpu.memory_space<semaphore_mem>>)
        %dma_start3A_668 = arith.constant 0 : i32
        %dma_start3A_669 = tpu.memref_slice %arg5[%dma_start3A_668] : memref<100000xf32, #tpu.memory_space<hbm>> -> memref<100000xf32, #tpu.memory_space<hbm>>
        tpu.enqueue_indirect_dma source(%dma_start3A_669 : memref<100000xf32, #tpu.memory_space<hbm>>) target(%arg68 : memref<2000xf32, #tpu.memory_space<vmem>>) offsets(%arg56 : memref<2000xi32, #tpu.memory_space<vmem>>) semaphore(%arg93 : memref<!tpu.dma_semaphore, #tpu.memory_space<semaphore_mem>>)
        %dma_start3A_670 = arith.constant 0 : i32
        %dma_start3A_671 = tpu.memref_slice %arg6[%dma_start3A_670] : memref<100000xf32, #tpu.memory_space<hbm>> -> memref<100000xf32, #tpu.memory_space<hbm>>
        tpu.enqueue_indirect_dma source(%dma_start3A_671 : memref<100000xf32, #tpu.memory_space<hbm>>) target(%arg69 : memref<2000xf32, #tpu.memory_space<vmem>>) offsets(%arg56 : memref<2000xi32, #tpu.memory_space<vmem>>) semaphore(%arg93 : memref<!tpu.dma_semaphore, #tpu.memory_space<semaphore_mem>>)
      } else {
      }
      %scan3A_634 = arith.constant 0 : i32
      scf.yield %scan3A_634 : i32
    }
    %scan3A_197 = arith.constant 12 : i32
    %mul3A_198 = arith.constant 25 : i32
    %mul3A_199 = arith.muli %add3A, %mul3A_198 : i32
    %add3A_200 = arith.constant 24 : i32
    %add3A_201 = arith.addi %mul3A_199, %add3A_200 : i32
    %mul3A_202 = arith.constant 2000 : i32
    %mul3A_203 = arith.muli %add3A_201, %mul3A_202 : i32
    %dma_wait3A_204 = tpu.memref_slice %arg13[%mul3A_203] : memref<1600000xf32, #tpu.memory_space<hbm>> -> memref<2000xf32, #tpu.memory_space<hbm>>
    %dma_wait3A_205 = tpu.memref_slice %arg13[%mul3A_203] : memref<1600000xf32, #tpu.memory_space<hbm>> -> memref<2000xf32, #tpu.memory_space<hbm>>
    tpu.wait_dma2 semaphore(%arg94 : memref<!tpu.dma_semaphore, #tpu.memory_space<semaphore_mem>>) src(%arg70 : memref<2000xf32, #tpu.memory_space<vmem>>) dst(%dma_wait3A_205 : memref<2000xf32, #tpu.memory_space<hbm>>)
    %dma_wait3A_206 = tpu.memref_slice %arg14[%mul3A_203] : memref<1600000xf32, #tpu.memory_space<hbm>> -> memref<2000xf32, #tpu.memory_space<hbm>>
    %dma_wait3A_207 = tpu.memref_slice %arg14[%mul3A_203] : memref<1600000xf32, #tpu.memory_space<hbm>> -> memref<2000xf32, #tpu.memory_space<hbm>>
    tpu.wait_dma2 semaphore(%arg94 : memref<!tpu.dma_semaphore, #tpu.memory_space<semaphore_mem>>) src(%arg71 : memref<2000xf32, #tpu.memory_space<vmem>>) dst(%dma_wait3A_207 : memref<2000xf32, #tpu.memory_space<hbm>>)
    %dma_wait3A_208 = tpu.memref_slice %arg15[%mul3A_203] : memref<1600000xf32, #tpu.memory_space<hbm>> -> memref<2000xf32, #tpu.memory_space<hbm>>
    %dma_wait3A_209 = tpu.memref_slice %arg15[%mul3A_203] : memref<1600000xf32, #tpu.memory_space<hbm>> -> memref<2000xf32, #tpu.memory_space<hbm>>
    tpu.wait_dma2 semaphore(%arg94 : memref<!tpu.dma_semaphore, #tpu.memory_space<semaphore_mem>>) src(%arg72 : memref<2000xf32, #tpu.memory_space<vmem>>) dst(%dma_wait3A_209 : memref<2000xf32, #tpu.memory_space<hbm>>)
    %dma_wait3A_210 = tpu.memref_slice %arg16[%mul3A_203] : memref<1600000xf32, #tpu.memory_space<hbm>> -> memref<2000xf32, #tpu.memory_space<hbm>>
    %dma_wait3A_211 = tpu.memref_slice %arg16[%mul3A_203] : memref<1600000xf32, #tpu.memory_space<hbm>> -> memref<2000xf32, #tpu.memory_space<hbm>>
    tpu.wait_dma2 semaphore(%arg94 : memref<!tpu.dma_semaphore, #tpu.memory_space<semaphore_mem>>) src(%arg73 : memref<2000xf32, #tpu.memory_space<vmem>>) dst(%dma_wait3A_211 : memref<2000xf32, #tpu.memory_space<hbm>>)
    %dma_wait3A_212 = tpu.memref_slice %arg17[%mul3A_203] : memref<1600000xf32, #tpu.memory_space<hbm>> -> memref<2000xf32, #tpu.memory_space<hbm>>
    %dma_wait3A_213 = tpu.memref_slice %arg17[%mul3A_203] : memref<1600000xf32, #tpu.memory_space<hbm>> -> memref<2000xf32, #tpu.memory_space<hbm>>
    tpu.wait_dma2 semaphore(%arg94 : memref<!tpu.dma_semaphore, #tpu.memory_space<semaphore_mem>>) src(%arg74 : memref<2000xf32, #tpu.memory_space<vmem>>) dst(%dma_wait3A_213 : memref<2000xf32, #tpu.memory_space<hbm>>)
    %dma_wait3A_214 = tpu.memref_slice %arg18[%mul3A_203] : memref<1600000xf32, #tpu.memory_space<hbm>> -> memref<2000xf32, #tpu.memory_space<hbm>>
    %dma_wait3A_215 = tpu.memref_slice %arg18[%mul3A_203] : memref<1600000xf32, #tpu.memory_space<hbm>> -> memref<2000xf32, #tpu.memory_space<hbm>>
    tpu.wait_dma2 semaphore(%arg94 : memref<!tpu.dma_semaphore, #tpu.memory_space<semaphore_mem>>) src(%arg75 : memref<2000xf32, #tpu.memory_space<vmem>>) dst(%dma_wait3A_215 : memref<2000xf32, #tpu.memory_space<hbm>>)
    %dma_wait3A_216 = tpu.memref_slice %arg19[%mul3A_203] : memref<1600000xf32, #tpu.memory_space<hbm>> -> memref<2000xf32, #tpu.memory_space<hbm>>
    %dma_wait3A_217 = tpu.memref_slice %arg19[%mul3A_203] : memref<1600000xf32, #tpu.memory_space<hbm>> -> memref<2000xf32, #tpu.memory_space<hbm>>
    tpu.wait_dma2 semaphore(%arg94 : memref<!tpu.dma_semaphore, #tpu.memory_space<semaphore_mem>>) src(%arg76 : memref<2000xf32, #tpu.memory_space<vmem>>) dst(%dma_wait3A_217 : memref<2000xf32, #tpu.memory_space<hbm>>)
    %dma_wait3A_218 = tpu.memref_slice %arg20[%mul3A_203] : memref<1600000xf32, #tpu.memory_space<hbm>> -> memref<2000xf32, #tpu.memory_space<hbm>>
    %dma_wait3A_219 = tpu.memref_slice %arg20[%mul3A_203] : memref<1600000xf32, #tpu.memory_space<hbm>> -> memref<2000xf32, #tpu.memory_space<hbm>>
    tpu.wait_dma2 semaphore(%arg94 : memref<!tpu.dma_semaphore, #tpu.memory_space<semaphore_mem>>) src(%arg77 : memref<2000xf32, #tpu.memory_space<vmem>>) dst(%dma_wait3A_219 : memref<2000xf32, #tpu.memory_space<hbm>>)
    %dma_wait3A_220 = tpu.memref_slice %arg21[%mul3A_203] : memref<1600000xf32, #tpu.memory_space<hbm>> -> memref<2000xf32, #tpu.memory_space<hbm>>
    %dma_wait3A_221 = tpu.memref_slice %arg21[%mul3A_203] : memref<1600000xf32, #tpu.memory_space<hbm>> -> memref<2000xf32, #tpu.memory_space<hbm>>
    tpu.wait_dma2 semaphore(%arg94 : memref<!tpu.dma_semaphore, #tpu.memory_space<semaphore_mem>>) src(%arg78 : memref<2000xf32, #tpu.memory_space<vmem>>) dst(%dma_wait3A_221 : memref<2000xf32, #tpu.memory_space<hbm>>)
    %dma_wait3A_222 = tpu.memref_slice %arg22[%mul3A_203] : memref<1600000xf32, #tpu.memory_space<hbm>> -> memref<2000xf32, #tpu.memory_space<hbm>>
    %dma_wait3A_223 = tpu.memref_slice %arg22[%mul3A_203] : memref<1600000xf32, #tpu.memory_space<hbm>> -> memref<2000xf32, #tpu.memory_space<hbm>>
    tpu.wait_dma2 semaphore(%arg94 : memref<!tpu.dma_semaphore, #tpu.memory_space<semaphore_mem>>) src(%arg79 : memref<2000xf32, #tpu.memory_space<vmem>>) dst(%dma_wait3A_223 : memref<2000xf32, #tpu.memory_space<hbm>>)
    %dma_wait3A_224 = tpu.memref_slice %arg23[%mul3A_203] : memref<1600000xf32, #tpu.memory_space<hbm>> -> memref<2000xf32, #tpu.memory_space<hbm>>
    %dma_wait3A_225 = tpu.memref_slice %arg23[%mul3A_203] : memref<1600000xf32, #tpu.memory_space<hbm>> -> memref<2000xf32, #tpu.memory_space<hbm>>
    tpu.wait_dma2 semaphore(%arg94 : memref<!tpu.dma_semaphore, #tpu.memory_space<semaphore_mem>>) src(%arg80 : memref<2000xf32, #tpu.memory_space<vmem>>) dst(%dma_wait3A_225 : memref<2000xf32, #tpu.memory_space<hbm>>)
    %dma_wait3A_226 = tpu.memref_slice %arg24[%mul3A_203] : memref<1600000xf32, #tpu.memory_space<hbm>> -> memref<2000xf32, #tpu.memory_space<hbm>>
    %dma_wait3A_227 = tpu.memref_slice %arg24[%mul3A_203] : memref<1600000xf32, #tpu.memory_space<hbm>> -> memref<2000xf32, #tpu.memory_space<hbm>>
    tpu.wait_dma2 semaphore(%arg94 : memref<!tpu.dma_semaphore, #tpu.memory_space<semaphore_mem>>) src(%arg81 : memref<2000xf32, #tpu.memory_space<vmem>>) dst(%dma_wait3A_227 : memref<2000xf32, #tpu.memory_space<hbm>>)
    %dma_wait3A_228 = tpu.memref_slice %arg26[%mul3A_203] : memref<1600000xf32, #tpu.memory_space<hbm>> -> memref<2000xf32, #tpu.memory_space<hbm>>
    %dma_wait3A_229 = tpu.memref_slice %arg26[%mul3A_203] : memref<1600000xf32, #tpu.memory_space<hbm>> -> memref<2000xf32, #tpu.memory_space<hbm>>
    tpu.wait_dma2 semaphore(%arg94 : memref<!tpu.dma_semaphore, #tpu.memory_space<semaphore_mem>>) src(%arg82 : memref<2000xf32, #tpu.memory_space<vmem>>) dst(%dma_wait3A_229 : memref<2000xf32, #tpu.memory_space<hbm>>)
    %dma_wait3A_230 = tpu.memref_slice %arg27[%mul3A_203] : memref<1600000xf32, #tpu.memory_space<hbm>> -> memref<2000xf32, #tpu.memory_space<hbm>>
    %dma_wait3A_231 = tpu.memref_slice %arg27[%mul3A_203] : memref<1600000xf32, #tpu.memory_space<hbm>> -> memref<2000xf32, #tpu.memory_space<hbm>>
    tpu.wait_dma2 semaphore(%arg94 : memref<!tpu.dma_semaphore, #tpu.memory_space<semaphore_mem>>) src(%arg83 : memref<2000xf32, #tpu.memory_space<vmem>>) dst(%dma_wait3A_231 : memref<2000xf32, #tpu.memory_space<hbm>>)
    %dma_wait3A_232 = tpu.memref_slice %arg29[%mul3A_203] : memref<1600000xf32, #tpu.memory_space<hbm>> -> memref<2000xf32, #tpu.memory_space<hbm>>
    %dma_wait3A_233 = tpu.memref_slice %arg29[%mul3A_203] : memref<1600000xf32, #tpu.memory_space<hbm>> -> memref<2000xf32, #tpu.memory_space<hbm>>
    tpu.wait_dma2 semaphore(%arg94 : memref<!tpu.dma_semaphore, #tpu.memory_space<semaphore_mem>>) src(%arg84 : memref<2000xf32, #tpu.memory_space<vmem>>) dst(%dma_wait3A_233 : memref<2000xf32, #tpu.memory_space<hbm>>)
    %dma_wait3A_234 = tpu.memref_slice %arg30[%mul3A_203] : memref<1600000xf32, #tpu.memory_space<hbm>> -> memref<2000xf32, #tpu.memory_space<hbm>>
    %dma_wait3A_235 = tpu.memref_slice %arg30[%mul3A_203] : memref<1600000xf32, #tpu.memory_space<hbm>> -> memref<2000xf32, #tpu.memory_space<hbm>>
    tpu.wait_dma2 semaphore(%arg94 : memref<!tpu.dma_semaphore, #tpu.memory_space<semaphore_mem>>) src(%arg85 : memref<2000xf32, #tpu.memory_space<vmem>>) dst(%dma_wait3A_235 : memref<2000xf32, #tpu.memory_space<hbm>>)
    %dma_wait3A_236 = tpu.memref_slice %arg31[%mul3A_203] : memref<1600000xf32, #tpu.memory_space<hbm>> -> memref<2000xf32, #tpu.memory_space<hbm>>
    %dma_wait3A_237 = tpu.memref_slice %arg31[%mul3A_203] : memref<1600000xf32, #tpu.memory_space<hbm>> -> memref<2000xf32, #tpu.memory_space<hbm>>
    tpu.wait_dma2 semaphore(%arg94 : memref<!tpu.dma_semaphore, #tpu.memory_space<semaphore_mem>>) src(%arg86 : memref<2000xf32, #tpu.memory_space<vmem>>) dst(%dma_wait3A_237 : memref<2000xf32, #tpu.memory_space<hbm>>)
    %dma_wait3A_238 = tpu.memref_slice %arg32[%mul3A_203] : memref<1600000xf32, #tpu.memory_space<hbm>> -> memref<2000xf32, #tpu.memory_space<hbm>>
    %dma_wait3A_239 = tpu.memref_slice %arg32[%mul3A_203] : memref<1600000xf32, #tpu.memory_space<hbm>> -> memref<2000xf32, #tpu.memory_space<hbm>>
    tpu.wait_dma2 semaphore(%arg94 : memref<!tpu.dma_semaphore, #tpu.memory_space<semaphore_mem>>) src(%arg87 : memref<2000xf32, #tpu.memory_space<vmem>>) dst(%dma_wait3A_239 : memref<2000xf32, #tpu.memory_space<hbm>>)
    %dma_wait3A_240 = tpu.memref_slice %arg33[%mul3A_203] : memref<1600000xf32, #tpu.memory_space<hbm>> -> memref<2000xf32, #tpu.memory_space<hbm>>
    %dma_wait3A_241 = tpu.memref_slice %arg33[%mul3A_203] : memref<1600000xf32, #tpu.memory_space<hbm>> -> memref<2000xf32, #tpu.memory_space<hbm>>
    tpu.wait_dma2 semaphore(%arg94 : memref<!tpu.dma_semaphore, #tpu.memory_space<semaphore_mem>>) src(%arg88 : memref<2000xf32, #tpu.memory_space<vmem>>) dst(%dma_wait3A_241 : memref<2000xf32, #tpu.memory_space<hbm>>)
    %dma_wait3A_242 = tpu.memref_slice %arg25[%mul3A_203] : memref<1600000xf32, #tpu.memory_space<hbm>> -> memref<2000xf32, #tpu.memory_space<hbm>>
    %dma_wait3A_243 = tpu.memref_slice %arg25[%mul3A_203] : memref<1600000xf32, #tpu.memory_space<hbm>> -> memref<2000xf32, #tpu.memory_space<hbm>>
    tpu.wait_dma2 semaphore(%arg94 : memref<!tpu.dma_semaphore, #tpu.memory_space<semaphore_mem>>) src(%arg47 : memref<2000xf32, #tpu.memory_space<vmem>>) dst(%dma_wait3A_243 : memref<2000xf32, #tpu.memory_space<hbm>>)
    %dma_wait3A_244 = tpu.memref_slice %arg28[%mul3A_203] : memref<1600000xf32, #tpu.memory_space<hbm>> -> memref<2000xf32, #tpu.memory_space<hbm>>
    %dma_wait3A_245 = tpu.memref_slice %arg28[%mul3A_203] : memref<1600000xf32, #tpu.memory_space<hbm>> -> memref<2000xf32, #tpu.memory_space<hbm>>
    tpu.wait_dma2 semaphore(%arg94 : memref<!tpu.dma_semaphore, #tpu.memory_space<semaphore_mem>>) src(%arg52 : memref<2000xf32, #tpu.memory_space<vmem>>) dst(%dma_wait3A_245 : memref<2000xf32, #tpu.memory_space<hbm>>)
    %dma_wait3A_246 = arith.constant 0 : i32
    %dma_wait3A_247 = tpu.memref_slice %arg89[%dma_wait3A_246] : memref<100000xf32, #tpu.memory_space<vmem_shared>> -> memref<100000xf32, #tpu.memory_space<vmem_shared>>
    tpu.wait_indirect_dma semaphore(%arg95 : memref<!tpu.dma_semaphore, #tpu.memory_space<semaphore_mem>>) src(%arg76 : memref<2000xf32, #tpu.memory_space<vmem>>) dst(%dma_wait3A_247 : memref<100000xf32, #tpu.memory_space<vmem_shared>>)
    %dma_wait3A_248 = arith.constant 0 : i32
    %dma_wait3A_249 = tpu.memref_slice %arg90[%dma_wait3A_248] : memref<100000xf32, #tpu.memory_space<vmem_shared>> -> memref<100000xf32, #tpu.memory_space<vmem_shared>>
    tpu.wait_indirect_dma semaphore(%arg95 : memref<!tpu.dma_semaphore, #tpu.memory_space<semaphore_mem>>) src(%arg77 : memref<2000xf32, #tpu.memory_space<vmem>>) dst(%dma_wait3A_249 : memref<100000xf32, #tpu.memory_space<vmem_shared>>)
    %dma_wait3A_250 = arith.constant 0 : i32
    %dma_wait3A_251 = tpu.memref_slice %arg91[%dma_wait3A_250] : memref<100000xf32, #tpu.memory_space<vmem_shared>> -> memref<100000xf32, #tpu.memory_space<vmem_shared>>
    tpu.wait_indirect_dma semaphore(%arg95 : memref<!tpu.dma_semaphore, #tpu.memory_space<semaphore_mem>>) src(%arg72 : memref<2000xf32, #tpu.memory_space<vmem>>) dst(%dma_wait3A_251 : memref<100000xf32, #tpu.memory_space<vmem_shared>>)
    %dma_wait3A_252 = arith.constant 0 : i32
    %dma_wait3A_253 = tpu.memref_slice %arg89[%dma_wait3A_252] : memref<100000xf32, #tpu.memory_space<vmem_shared>> -> memref<100000xf32, #tpu.memory_space<vmem_shared>>
    tpu.wait_indirect_dma semaphore(%arg95 : memref<!tpu.dma_semaphore, #tpu.memory_space<semaphore_mem>>) src(%arg78 : memref<2000xf32, #tpu.memory_space<vmem>>) dst(%dma_wait3A_253 : memref<100000xf32, #tpu.memory_space<vmem_shared>>)
    %dma_wait3A_254 = arith.constant 0 : i32
    %dma_wait3A_255 = tpu.memref_slice %arg90[%dma_wait3A_254] : memref<100000xf32, #tpu.memory_space<vmem_shared>> -> memref<100000xf32, #tpu.memory_space<vmem_shared>>
    tpu.wait_indirect_dma semaphore(%arg95 : memref<!tpu.dma_semaphore, #tpu.memory_space<semaphore_mem>>) src(%arg79 : memref<2000xf32, #tpu.memory_space<vmem>>) dst(%dma_wait3A_255 : memref<100000xf32, #tpu.memory_space<vmem_shared>>)
    %dma_wait3A_256 = arith.constant 0 : i32
    %dma_wait3A_257 = tpu.memref_slice %arg91[%dma_wait3A_256] : memref<100000xf32, #tpu.memory_space<vmem_shared>> -> memref<100000xf32, #tpu.memory_space<vmem_shared>>
    tpu.wait_indirect_dma semaphore(%arg95 : memref<!tpu.dma_semaphore, #tpu.memory_space<semaphore_mem>>) src(%arg75 : memref<2000xf32, #tpu.memory_space<vmem>>) dst(%dma_wait3A_257 : memref<100000xf32, #tpu.memory_space<vmem_shared>>)
    %barrier3A_258 = arith.constant 0 : index
    tpu.barrier barrier_id(%barrier3A_258)
    %eq3A_259 = arith.constant 0 : i32
    %eq3A_260 = arith.cmpi eq, %arg1, %eq3A_259 : i32
    %eq3A_261 = arith.constant 0 : i32
    %eq3A_262 = arith.cmpi eq, %arg0, %eq3A_261 : i32
    %and3A = arith.andi %eq3A_260, %eq3A_262 : i1
    %convert_element_type3A_263 = arith.extui %and3A : i1 to i32
    %cond3A_264 = arith.constant 0 : i32
    %cond3A_265 = arith.cmpi ne, %convert_element_type3A_263, %cond3A_264 : i32
    scf.if %cond3A_265 {
      "tpu.region"() ({
        %run_scoped3A = tpu.sem_alloc : memref<!tpu.dma_semaphore, #tpu.memory_space<semaphore_mem>>
        tpu.enqueue_dma source(%arg89 : memref<100000xf32, #tpu.memory_space<vmem_shared>>) target(%arg34 : memref<100000xf32, #tpu.memory_space<hbm>>) target_semaphore(%run_scoped3A : memref<!tpu.dma_semaphore, #tpu.memory_space<semaphore_mem>>)
        tpu.wait_dma2 semaphore(%run_scoped3A : memref<!tpu.dma_semaphore, #tpu.memory_space<semaphore_mem>>) src(%arg89 : memref<100000xf32, #tpu.memory_space<vmem_shared>>) dst(%arg34 : memref<100000xf32, #tpu.memory_space<hbm>>)
        tpu.yield
      }) : () -> ()
      "tpu.region"() ({
        %run_scoped3A = tpu.sem_alloc : memref<!tpu.dma_semaphore, #tpu.memory_space<semaphore_mem>>
        tpu.enqueue_dma source(%arg90 : memref<100000xf32, #tpu.memory_space<vmem_shared>>) target(%arg35 : memref<100000xf32, #tpu.memory_space<hbm>>) target_semaphore(%run_scoped3A : memref<!tpu.dma_semaphore, #tpu.memory_space<semaphore_mem>>)
        tpu.wait_dma2 semaphore(%run_scoped3A : memref<!tpu.dma_semaphore, #tpu.memory_space<semaphore_mem>>) src(%arg90 : memref<100000xf32, #tpu.memory_space<vmem_shared>>) dst(%arg35 : memref<100000xf32, #tpu.memory_space<hbm>>)
        tpu.yield
      }) : () -> ()
      "tpu.region"() ({
        %run_scoped3A = tpu.sem_alloc : memref<!tpu.dma_semaphore, #tpu.memory_space<semaphore_mem>>
        tpu.enqueue_dma source(%arg91 : memref<100000xf32, #tpu.memory_space<vmem_shared>>) target(%arg36 : memref<100000xf32, #tpu.memory_space<hbm>>) target_semaphore(%run_scoped3A : memref<!tpu.dma_semaphore, #tpu.memory_space<semaphore_mem>>)
        tpu.wait_dma2 semaphore(%run_scoped3A : memref<!tpu.dma_semaphore, #tpu.memory_space<semaphore_mem>>) src(%arg91 : memref<100000xf32, #tpu.memory_space<vmem_shared>>) dst(%arg36 : memref<100000xf32, #tpu.memory_space<hbm>>)
        tpu.yield
      }) : () -> ()
    } else {
    }
    %eq3A_266 = arith.constant 0 : i32
    %eq3A_267 = arith.cmpi eq, %arg1, %eq3A_266 : i32
    %eq3A_268 = arith.constant 1 : i32
    %eq3A_269 = arith.cmpi eq, %arg0, %eq3A_268 : i32
    %and3A_270 = arith.andi %eq3A_267, %eq3A_269 : i1
    %convert_element_type3A_271 = arith.extui %and3A_270 : i1 to i32
    %cond3A_272 = arith.constant 0 : i32
    %cond3A_273 = arith.cmpi ne, %convert_element_type3A_271, %cond3A_272 : i32
    scf.if %cond3A_273 {
      "tpu.region"() ({
        %run_scoped3A = tpu.sem_alloc : memref<!tpu.dma_semaphore, #tpu.memory_space<semaphore_mem>>
        tpu.enqueue_dma source(%arg89 : memref<100000xf32, #tpu.memory_space<vmem_shared>>) target(%arg37 : memref<100000xf32, #tpu.memory_space<hbm>>) target_semaphore(%run_scoped3A : memref<!tpu.dma_semaphore, #tpu.memory_space<semaphore_mem>>)
        tpu.wait_dma2 semaphore(%run_scoped3A : memref<!tpu.dma_semaphore, #tpu.memory_space<semaphore_mem>>) src(%arg89 : memref<100000xf32, #tpu.memory_space<vmem_shared>>) dst(%arg37 : memref<100000xf32, #tpu.memory_space<hbm>>)
        tpu.yield
      }) : () -> ()
      "tpu.region"() ({
        %run_scoped3A = tpu.sem_alloc : memref<!tpu.dma_semaphore, #tpu.memory_space<semaphore_mem>>
        tpu.enqueue_dma source(%arg90 : memref<100000xf32, #tpu.memory_space<vmem_shared>>) target(%arg38 : memref<100000xf32, #tpu.memory_space<hbm>>) target_semaphore(%run_scoped3A : memref<!tpu.dma_semaphore, #tpu.memory_space<semaphore_mem>>)
        tpu.wait_dma2 semaphore(%run_scoped3A : memref<!tpu.dma_semaphore, #tpu.memory_space<semaphore_mem>>) src(%arg90 : memref<100000xf32, #tpu.memory_space<vmem_shared>>) dst(%arg38 : memref<100000xf32, #tpu.memory_space<hbm>>)
        tpu.yield
      }) : () -> ()
      "tpu.region"() ({
        %run_scoped3A = tpu.sem_alloc : memref<!tpu.dma_semaphore, #tpu.memory_space<semaphore_mem>>
        tpu.enqueue_dma source(%arg91 : memref<100000xf32, #tpu.memory_space<vmem_shared>>) target(%arg39 : memref<100000xf32, #tpu.memory_space<hbm>>) target_semaphore(%run_scoped3A : memref<!tpu.dma_semaphore, #tpu.memory_space<semaphore_mem>>)
        tpu.wait_dma2 semaphore(%run_scoped3A : memref<!tpu.dma_semaphore, #tpu.memory_space<semaphore_mem>>) src(%arg91 : memref<100000xf32, #tpu.memory_space<vmem_shared>>) dst(%arg39 : memref<100000xf32, #tpu.memory_space<hbm>>)
        tpu.yield
      }) : () -> ()
    } else {
    }
    return
  }
}

</mosaic_0001>

<sc_bundles>
// kernel: kernel.3.cloned.1.call-start
scs
__scs_entry_jumppad:
0x0: {  	(pc) =	sbr.rel $0x88, $3  }
0x1: {  	(tag) =	ssettag $0x0;
	lr =	simm.s32 $0x1  }
0x2: {  	[smem:$0x3F9B] =	sst lr;
	_ =	strace $0xD0000000  }
0x3: {  	_ = 	snop  }
0x4: {  	_ = 	snop  }
0x5: {  	_ = 	snop  }
0x6: {  	_ = 	snop  }
0x7: {  	_ = 	snop  }
__scs_overlays_trampoline_lowered:
0x8: {  	[smem:$0x3FAA] =	sst s0  }
0x9: {  	[smem:$0x3FAB] =	sst s1  }
0xa: {  	[smem:$0x3FAC] =	sst s2  }
0xb: {  	[smem:$0x3FAD] =	sst s3  }
0xc: {  	[smem:$0x3FAE] =	sst s4  }
0xd: {  	[smem:$0x3FAF] =	sst s5  }
0xe: {  	[smem:$0x3FB0] =	sst s6  }
0xf: {  	[smem:$0x3FB1] =	sst s7  }
0x10: {  	[smem:$0x3FB2] =	sst s8  }
0x11: {  	[smem:$0x3FB3] =	sst s9;
	s0 =	simm.s32 @!p0 $0x0  }
0x12: {  	s1 =	sld [smem:$0x3F99];
	s0 =	simm.s32 @p0 $0x1  }
0x13: {  	[smem:$0x3FB4] =	sst s0;
	s0 =	simm.s32 @!p1 $0x0  }
0x14: {  	s2 =	sld [smem:$0x3F98];
	s0 =	simm.s32 @p1 $0x1  }
0x15: {  	[smem:$0x3FB5] =	sst s0;
	s0 =	simm.s32 @!p2 $0x0  }
0x16: {  	s3 =	sld [smem:$0x3FDB];
	s0 =	simm.s32 @p2 $0x1  }
0x17: {  	s4 =	simm.s32 $0x1BF5;
	[smem:$0x3FB7] =	sst s0  }
0x18: {  	s0 =	sld [smem:$0x3F9A];
	_ =	swait.ge [sflag:s4], $0x0  }
0x19: {  	s7 =	sld [smem:$0x3F9B]  }
0x1a: {  	s8 =	sadd.s32 $0xFFFFE003, lr  }
0x1b: {  	s9 =	sadd.s32 $0xFFFFFEF7, lr;
	s5 =	simm.s32 $0xFFFFFFFF;
	p2 =	slt.u32 s8, $0xFFFFF086  }
0x1c: {  	p1 =	slt.u32 s9, $0xF7A;
	s5 =	simm.s32 @!p2 $0x0  }
0x1d: {  	s5 =	simm.s32 @p1 $0x1;
	p0 =	seq.s32 s7, s2  }
0x1e: {  	s7 =	smul.u32 @!p0 $0xF7A, s2;
	p2 =	seq.s32 @!p0 s5, $0x0  }
0x1f: {  	s9 =	smul.u32 $0xF7A, s1;
	s8 =	simm.s32 @!p0 $0x1BF5;
	p2 =	por !p2, p0  }
0x20: {  	[sflag:s8] =	ssyncset.s32 @!p0 $0xFFFFF086;
	s6 =	sadd.s32 @!p0 s3, s7;
	s7 =	simm.s32 @!p0 $0x108  }
0x21: {  	s3 =	sadd.s32 s3, s9;
	s6 =	sadd.s32 @!p0 $0x88, s6;
	s7 =	simm.s32 @p2 $0x1082  }
0x22: {  	[simem:s7], [sflag:s8] =	dma.local @!p0 [hbm:s6], $0xF7A  }
0x23: {  	s9 =	sor.u32 $0xD0000000, s2;
	s6 =	simm.s32 $0x108;
	_ =	swait.ge @!p0 [sflag:s8], $0x0  }
0x24: {  	s3 =	sadd.s32 $0x88, s3;
	s6 =	simm.s32 @!p1 $0x1082;
	[sflag:s4] =	ssyncset.s32 $0xFFFFF086  }
0x25: {  	[simem:s6], [sflag:s4] =	dma.local [hbm:s3], $0xF7A  }
0x26: {  	[smem:$0x3F9B] =	sst s1;
	(tag) =	ssettag s2;
	_ =	strace s9  }
0x27: {  	s1 =	sld [smem:$0x3FAB]  }
0x28: {  	s2 =	sld [smem:$0x3FAC]  }
0x29: {  	s4 =	sld [smem:$0x3FAE]  }
0x2a: {  	p0 =	seq.s32 s5, $0x0;
	s5 =	sld [smem:$0x3FAF]  }
0x2b: {  	s6 =	sld [smem:$0x3FB0]  }
0x2c: {  	s7 =	sld [smem:$0x3FB1]  }
0x2d: {  	s3 =	simm.s32 $0x108;
	s8 =	sld [smem:$0x3FB2]  }
0x2e: {  	s3 =	simm.s32 @!p0 $0x1082;
	s9 =	sld [smem:$0x3FB3]  }
0x2f: {  	lr =	sadd.s32 s0, s3;
	s0 =	sld [smem:$0x3FAA]  }
0x30: {  	s3 =	sld [smem:$0x3FAD]  }
0x31: {  	[smem:$0x3FB6] =	sst s10  }
0x32: {  	s10 =	sld [smem:$0x3FB4];
	_ =	sdelay $0x3  }
0x33: {  	p0 =	seq.s32 s10, $0x1;
	s10 =	sld [smem:$0x3FB6];
	_ =	sdelay $0x3  }
0x34: {  	[smem:$0x3FB6] =	sst s10  }
0x35: {  	s10 =	sld [smem:$0x3FB5];
	_ =	sdelay $0x3  }
0x36: {  	p1 =	seq.s32 s10, $0x1;
	s10 =	sld [smem:$0x3FB6];
	_ =	sdelay $0x3  }
0x37: {  	[smem:$0x3FB6] =	sst s10  }
0x38: {  	s10 =	sld [smem:$0x3FB7]  }
0x39: {  	_ = 	snop;
	(pc) =	sbr.ind lr, $3  }
0x3a: {  	_ = 	snop  }
0x3b: {  	_ = 	snop  }
0x3c: {  	p2 =	seq.s32 s10, $0x1;
	s10 =	sld [smem:$0x3FB6]  }
0x3d: {  	_ =	shalt  }
0x3e: {  	_ =	shalt  }
0x3f: {  	_ =	shalt  }
0x40: {  	_ =	shalt  }
0x41: {  	_ =	shalt  }
0x42: {  	_ =	shalt  }
0x43: {  	_ =	shalt  }
0x44: {  	_ =	shalt  }
0x45: {  	_ =	shalt  }
0x46: {  	_ =	shalt  }
0x47: {  	_ =	shalt  }
0x48: {  	_ =	shalt  }
0x49: {  	_ =	shalt  }
0x4a: {  	_ =	shalt  }
0x4b: {  	_ =	shalt  }
0x4c: {  	_ =	shalt  }
0x4d: {  	_ =	shalt  }
0x4e: {  	_ =	shalt  }
0x4f: {  	_ =	shalt  }
0x50: {  	_ =	shalt  }
0x51: {  	_ =	shalt  }
0x52: {  	_ =	shalt  }
0x53: {  	_ =	shalt  }
0x54: {  	_ =	shalt  }
0x55: {  	_ =	shalt  }
0x56: {  	_ =	shalt  }
0x57: {  	_ =	shalt  }
0x58: {  	_ =	shalt  }
0x59: {  	_ =	shalt  }
0x5a: {  	_ =	shalt  }
0x5b: {  	_ =	shalt  }
0x5c: {  	_ =	shalt  }
0x5d: {  	_ =	shalt  }
0x5e: {  	_ =	shalt  }
0x5f: {  	_ =	shalt  }
0x60: {  	_ =	shalt  }
0x61: {  	_ =	shalt  }
0x62: {  	_ =	shalt  }
0x63: {  	_ =	shalt  }
0x64: {  	_ =	shalt  }
0x65: {  	_ =	shalt  }
0x66: {  	_ =	shalt  }
0x67: {  	_ =	shalt  }
0x68: {  	_ =	shalt  }
0x69: {  	_ =	shalt  }
0x6a: {  	_ =	shalt  }
0x6b: {  	_ =	shalt  }
0x6c: {  	_ =	shalt  }
0x6d: {  	_ =	shalt  }
0x6e: {  	_ =	shalt  }
0x6f: {  	_ =	shalt  }
0x70: {  	_ =	shalt  }
0x71: {  	_ =	shalt  }
0x72: {  	_ =	shalt  }
0x73: {  	_ =	shalt  }
0x74: {  	_ =	shalt  }
0x75: {  	_ =	shalt  }
0x76: {  	_ =	shalt  }
0x77: {  	_ =	shalt  }
0x78: {  	_ =	shalt  }
0x79: {  	_ =	shalt  }
0x7a: {  	_ =	shalt  }
0x7b: {  	_ =	shalt  }
0x7c: {  	_ =	shalt  }
0x7d: {  	_ =	shalt  }
0x7e: {  	_ =	shalt  }
0x7f: {  	_ =	shalt  }
0x80: {  	_ =	shalt  }
0x81: {  	_ =	shalt  }
0x82: {  	_ =	shalt  }
0x83: {  	_ =	shalt  }
0x84: {  	_ =	shalt  }
0x85: {  	_ =	shalt  }
0x86: {  	_ =	shalt  }
0x87: {  	_ =	shalt  }
.Lfunc_end0:
.L_simem_size_0:
called_computation_lowered:
.L_overlay_start_0:
0x88: {  	s2 =	sld [smem:$0x3FD9]  }
0x89: {  	s3 =	sld [smem:$0x3FFE];
	_ =	sdelay $0x1  }
0x8a: {  	s1 =	srdreg.scid  }
0x8b: {  	s0 =	sand.u32 $0x1, s1  }
0x8c: {  	s26 =	sshll.u32 s0, $0xA;
	s2 =	sadd.s32 s3, s2  }
0x8d: {  	s2 =	sadd.s32 s2, s26  }
0x8e: {  	[smem:$0x3FC2] =	sst s2  }
0x8f: {  	_ = 	snop  }
0x90: {  	s15 =	sld [smem:$0x3FD0]  }
0x91: {  	s2 =	sld [smem:$0x3FC7]  }
0x92: {  	s3 =	sld [smem:$0x3FC6]  }
0x93: {  	s22 =	simm.s32 $0xA;
	s23 =	simm.s32 $0x10;
	s4 =	sld [smem:$0x3FC5]  }
0x94: {  	[smem:s23], [sflag:s22] =	dma.local [hbm:s15], $0x1  }
0x95: {  	_ =	swait.eq [sflag:s22], $0x1  }
0x96: {  	s5 =	sld [smem:$0x10]  }
0x97: {  	s7 =	sld [smem:$0x11]  }
0x98: {  	s6 =	sld [smem:$0x12]  }
0x99: {  	s8 =	sld [smem:$0x13]  }
0x9a: {  	s11 =	sld [smem:$0x14]  }
0x9b: {  	s12 =	sld [smem:$0x15];
	[sflag:s22] =	ssyncset.done $0x0  }
0x9c: {  	s13 =	sld [smem:$0x16];
	[sflag:s22] =	ssyncadd.s32 $0xFFFFFFFF  }
0x9d: {  	s9 =	sadd.s32 $0x1, s15;
	s10 =	sld [smem:$0x17]  }
0x9e: {  	[smem:s23], [sflag:s22] =	dma.local [hbm:s9], $0x1  }
0x9f: {  	_ =	swait.eq [sflag:s22], $0x1  }
0xa0: {  	s9 =	sld [smem:$0x10]  }
0xa1: {  	s14 =	sld [smem:$0x11]  }
0xa2: {  	s16 =	sld [smem:$0x12]  }
0xa3: {  	s18 =	sld [smem:$0x13]  }
0xa4: {  	s19 =	sld [smem:$0x14]  }
0xa5: {  	s17 =	sld [smem:$0x15];
	[sflag:s22] =	ssyncset.done $0x0  }
0xa6: {  	s20 =	sld [smem:$0x16];
	[sflag:s22] =	ssyncadd.s32 $0xFFFFFFFF  }
0xa7: {  	s15 =	sadd.s32 $0x2, s15;
	s21 =	sld [smem:$0x17]  }
0xa8: {  	[smem:s23], [sflag:s22] =	dma.local [hbm:s15], $0x1  }
0xa9: {  	_ =	swait.eq [sflag:s22], $0x1  }
0xaa: {  	[sflag:s22] =	ssyncset.done $0x0  }
0xab: {  	[sflag:s22] =	ssyncadd.s32 $0xFFFFFFFF  }
0xac: {  	s22 =	sld [smem:$0x10];
	(tm) =	ssettm $0x1  }
0xad: {  	s28 =	sld [smem:$0x3FFB];
	_ =	sdelay $0x3  }
0xae: {  	_ =	strace s28  }
0xaf: {  	s15 =	sld [smem:$0x3FFC];
	_ =	sdelay $0x3  }
0xb0: {  	_ =	strace s15  }
0xb1: {  	s15 =	sld [smem:$0x3FFD];
	_ =	sdelay $0x3  }
0xb2: {  	_ =	strace s15  }
0xb3: {  	_ =	strace $0x8FFFFFFF  }
0xb4: {  	s29 =	sld [smem:$0x3FDB];
	_ =	sdelay $0x1  }
0xb5: {  	s30 =	simm.s32 $_scs_section_size  }
0xb6: {  	s24 =	simm.s32 $_size__tile_task_arg_handler_lowered;
	s25 =	simm.s32 $_tile_task_arg_handler_lowered  }
0xb7: {  	s31 =	sshll.u32 s24, $0x1;
	s26 =	sshll.u32 s25, $0x1;
	s23 =	sadd.s32 s30, s29  }
0xb8: {  	s25 =	simm.s32 $0x1BFF;
	s24 =	sadd.s32 s26, s23;
	s26 =	simm.s32 $0x60  }
0xb9: {  	[timem:s26], [sflag:s25] =	dma.local [hbm:s24], s31  }
0xba: {  	_ =	swait.ge [sflag:s25], s31  }
0xbb: {  	s28 =	simm.s32 $_tile_overlayer_lowered;
	s15 =	ssub.s32 $0x0, s31;
	[sflag:s25] =	ssyncset.done $0x0  }
0xbc: {  	s29 =	simm.s32 $_size__tile_overlayer_lowered;
	s24 =	sshll.u32 s28, $0x1;
	[sflag:s25] =	ssyncadd.s32 s15  }
0xbd: {  	s30 =	sshll.u32 s29, $0x1;
	s24 =	sadd.s32 s24, s23;
	s15 =	simm.s32 $0x0  }
0xbe: {  	[timem:s15], [sflag:s25] =	dma.local [hbm:s24], s30  }
0xbf: {  	_ =	swait.ge [sflag:s25], s30  }
0xc0: {  	s31 =	ssub.s32 $0x0, s30;
	[sflag:s25] =	ssyncset.done $0x0  }
0xc1: {  	[sflag:s25] =	ssyncadd.s32 s31;
	_ =	sdelay $0x1  }
0xc2: {  	s26 =	simm.s32 $0x1B8B  }
0xc3: {  	_ =	swait.ge [sflag:s26], $0x1  }
0xc4: {  	[sflag:s26] =	ssyncset.done $0x0  }
0xc5: {  	s29 =	simm.s32 $0x1B8E;
	s28 =	sld [smem:$0x3FFE];
	[sflag:s26] =	ssyncadd.s32 $0xFFFFFFFF  }
0xc6: {  	s30 =	simm.s32 $execute0_lowered;
	[smem:$0x3FD2] =	sst s29  }
0xc7: {  	s25 =	sshll.u32 s30, $0x1;
	_ =	strace $0x80000046;
	[dreg:$0x1] =	wrdreg $0xFFFFFFFF  }
0xc8: {  	s31 =	simm.s32 $_size_execute0_lowered;
	s23 =	sadd.s32 s23, s25;
	[dreg:$0x0] =	wrdreg $0x0  }
0xc9: {  	s26 =	sshll.u32 s31, $0x1;
	[dreg:$0x2] =	wrdreg s23  }
0xca: {  	[dreg:$0x3] =	wrdreg s26  }
0xcb: {  	[dreg:$0x4] =	wrdreg $0xC0  }
0xcc: {  	_ =	task [dreg:s15], $0x5FFFF  }
0xcd: {  	[dreg:$0x1] =	wrdreg $0xFFFFFFFF  }
0xce: {  	[dreg:$0x0] =	wrdreg $0x30  }
0xcf: {  	[dreg:$0x2] =	wrdreg $0x0  }
0xd0: {  	[dreg:$0x3] =	wrdreg s18  }
0xd1: {  	[dreg:$0x4] =	wrdreg s19  }
0xd2: {  	[dreg:$0x5] =	wrdreg s16  }
0xd3: {  	[dreg:$0x6] =	wrdreg s17  }
0xd4: {  	[dreg:$0x7] =	wrdreg s20  }
0xd5: {  	[dreg:$0x8] =	wrdreg s21  }
0xd6: {  	[dreg:$0x9] =	wrdreg s22  }
0xd7: {  	[dreg:$0xa] =	wrdreg $0x188000  }
0xd8: {  	[dreg:$0xb] =	wrdreg $0x1A0700  }
0xd9: {  	[dreg:$0xc] =	wrdreg $0x1B8E00  }
0xda: {  	[dreg:$0xd] =	wrdreg $0x9  }
0xdb: {  	_ =	task [dreg:s15], $0xEFFFF  }
0xdc: {  	[dreg:$0x1] =	wrdreg $0xFFFFFFFF  }
0xdd: {  	[dreg:$0x0] =	wrdreg $0x60  }
0xde: {  	[dreg:$0x2] =	wrdreg s28  }
0xdf: {  	[dreg:$0x3] =	wrdreg s13  }
0xe0: {  	[dreg:$0x4] =	wrdreg s11  }
0xe1: {  	[dreg:$0x5] =	wrdreg s12  }
0xe2: {  	[dreg:$0x6] =	wrdreg s2  }
0xe3: {  	[dreg:$0x7] =	wrdreg s3  }
0xe4: {  	[dreg:$0x8] =	wrdreg s4  }
0xe5: {  	[dreg:$0x9] =	wrdreg s14  }
0xe6: {  	[dreg:$0xa] =	wrdreg s10  }
0xe7: {  	[dreg:$0xb] =	wrdreg s7  }
0xe8: {  	[dreg:$0xc] =	wrdreg s5  }
0xe9: {  	[dreg:$0xd] =	wrdreg s8  }
0xea: {  	[dreg:$0xe] =	wrdreg s6  }
0xeb: {  	[dreg:$0xf] =	wrdreg s9  }
0xec: {  	_ =	task.clear_ibuf [dreg:s15], $0x10FFFF;
	_ =	strace $0x90000046  }
0xed: {  	s28 =	simm.s32 $0x9;
	_ =	strace $0x80000048  }
0xee: {  	_ =	swait.ge [sflag:s28], $0x1  }
0xef: {  	[sflag:s28] =	ssyncadd.s32 $0xFFFFFFFF  }
0xf0: {  	_ =	strace $0x90000048  }
0xf1: {  	_ =	sfence  }
0xf2: {  	s29 =	sld [smem:$0x0];
	_ =	sdelay $0x2  }
0xf3: {  	s30 =	sshll.u32 s1, $0xD;
	s1 =	sshrl.u32 s1, $0x2  }
0xf4: {  	s31 =	sand.u32 $0x4000, s30;
	s1 =	sadd.s32 s1, s29  }
0xf5: {  	s0 =	sor.u32 s31, s0;
	s1 =	sshll.u32 s1, $0x11  }
0xf6: {  	s0 =	sor.u32 s1, s0  }
0xf7: {  	s0 =	sadd.s32 $0x8F2B, s0  }
0xf8: {  	[sflag:s0] =	ssyncadd.remote.s32 $0x1  }
0xf9: {  	_ =	sfence.sel $0xFFFF  }
0xfa: {  	[dreg:$0x0] =	wrdreg $0xFFFFFFFF;
	(pc) =	sbr.abs _section_cstart, $3  }
0xfb: {  	[dreg:$0x1] =	wrdreg $0xFFFFFFFF  }
0xfc: {  	_ =	task.clear_ibuf [dreg:s15], $0x2FFFF;
	_ =	strace $0x9FFFFFFF  }
0xfd: {  	(tm) =	ssettm $0x7FFFFFFF  }
tec
_tile_task_arg_handler_lowered:
.L_overlay_start_1:
0x0: {  	(tag) =	ssettag $0x1  }
0x1: {  	s0 =	rddreg [dreg:$0x0]  }
0x2: {  	s1 =	rddreg [dreg:$0x1]  }
0x3: {  	s2 =	rddreg [dreg:$0x2]  }
0x4: {  	s3 =	rddreg [dreg:$0x3]  }
0x5: {  	s4 =	rddreg [dreg:$0x4]  }
0x6: {  	s5 =	rddreg [dreg:$0x5]  }
0x7: {  	s6 =	rddreg [dreg:$0x6]  }
0x8: {  	s7 =	rddreg [dreg:$0x7]  }
0x9: {  	s8 =	rddreg [dreg:$0x8]  }
0xa: {  	s9 =	rddreg [dreg:$0x9]  }
0xb: {  	s10 =	rddreg [dreg:$0xa]  }
0xc: {  	s11 =	rddreg [dreg:$0xb]  }
0xd: {  	s12 =	rddreg [dreg:$0xc]  }
0xe: {  	s13 =	rddreg [dreg:$0xd]  }
0xf: {  	[smem:s0] =	sst s1  }
0x10: {  	[smem:s0+$0x1] =	sst s2  }
0x11: {  	[smem:s0+$0x2] =	sst s3  }
0x12: {  	[smem:s0+$0x3] =	sst s4  }
0x13: {  	[smem:s0+$0x4] =	sst s5  }
0x14: {  	[smem:s0+$0x5] =	sst s6  }
0x15: {  	[smem:s0+$0x6] =	sst s7  }
0x16: {  	[smem:s0+$0x7] =	sst s8  }
0x17: {  	[smem:s0+$0x8] =	sst s9  }
0x18: {  	[smem:s0+$0x9] =	sst s10  }
0x19: {  	[smem:s0+$0xA] =	sst s11  }
0x1a: {  	[smem:s0+$0xB] =	sst s12  }
0x1b: {  	[smem:s0+$0xC] =	sst s13;
	_ =	shalt  }
.Lfunc_end2:
execute0_lowered:
.L_overlay_start_2:
0x1c: {  	(tag) =	ssettag $0x2  }
0x1d: {  	s1 =	rddreg [dreg:$0x0]  }
0x1e: {  	s31 =	rddreg [dreg:$0x1]  }
0x1f: {  	s7 =	rddreg [dreg:$0x2]  }
0x20: {  	s5 =	rddreg [dreg:$0x5];
	s13 =	simm.s32 $0x0  }
0x21: {  	[smem:$0x7FF] =	sst s13  }
0x22: {  	s18 =	sld [smem:$0x0]  }
0x23: {  	s19 =	sld [smem:$0x1]  }
0x24: {  	s20 =	sld [smem:$0x2]  }
0x25: {  	s22 =	sld [smem:$0x3]  }
0x26: {  	s25 =	sld [smem:$0x4]  }
0x27: {  	s16 =	sld [smem:$0x5]  }
0x28: {  	s17 =	sld [smem:$0x6]  }
0x29: {  	s0 =	srdreg.scid;
	s21 =	sld [smem:$0x7]  }
0x2a: {  	s2 =	sand.u32 $0x1, s0;
	s3 =	sld [smem:$0xA]  }
0x2b: {  	s23 =	sld [smem:$0x8];
	s0 =	ssub.s32 $0x2, s2  }
0x2c: {  	s24 =	sld [smem:$0x9];
	s6 =	sshrl.u32 s0, $0x1  }
0x2d: {  	s0 =	ssub.s32 s0, s6;
	[dreg:$0x15] =	wrdreg s3  }
0x2e: {  	s15 =	sadd.s32 $0xCC00, s1;
	[smem:$0x7FC] =	sst s0  }
0x2f: {  	s6 =	sadd.s32 $0x166000, s1;
	_ =	strace $0x80000047;
	[dreg:$0x16] =	wrdreg s15  }
0x30: {  	s4 =	stileid.u32;
	s10 =	sadd.s32 $0x40C00, s1;
	[dreg:$0x1e] =	wrdreg s6  }
0x31: {  	s9 =	stileid.u32;
	s11 =	sadd.s32 $0x71A00, s1;
	[dreg:$0x18] =	wrdreg s10  }
0x32: {  	s8 =	sshll.u32 s4, $0x1;
	s12 =	sadd.s32 $0xA2800, s1;
	[dreg:$0x19] =	wrdreg s11  }
0x33: {  	s14 =	sadd.s32 $0xD3600, s1;
	p1 =	seq.s32 s2, $0x1;
	[dreg:$0x1a] =	wrdreg s12  }
0x34: {  	s3 =	sor.u32 s2, s8;
	s8 =	sadd.s32 $0x104400, s1;
	[dreg:$0x1b] =	wrdreg s14  }
0x35: {  	s2 =	sor.u32 s2, s9;
	s9 =	sadd.s32 $0x135200, s1;
	[dreg:$0x1c] =	wrdreg s8  }
0x36: {  	[dreg:$0x1d] =	wrdreg s9  }
0x37: {  	[dreg:$0x10] =	wrdreg s20  }
0x38: {  	[dreg:$0x11] =	wrdreg s22  }
0x39: {  	[dreg:$0x12] =	wrdreg s25  }
0x3a: {  	[dreg:$0x13] =	wrdreg s16  }
0x3b: {  	[dreg:$0x14] =	wrdreg s17  }
0x3c: {  	s26 =	sadd.s32 $0x3600, s1;
	s28 =	sadd.s32 $0x6800, s1;
	[dreg:$0xe] =	wrdreg s18  }
0x3d: {  	s29 =	sadd.s32 $0x9A00, s1;
	s6 =	sadd.s32 $0x16C400, s1;
	[dreg:$0xf] =	wrdreg s19  }
0x3e: {  	s15 =	sadd.s32 $0xFE00, s1;
	p0 =	sne.s32 s2, $0x0;
	[dreg:$0x1f] =	wrdreg s6  }
0x3f: {  	s2 =	smul.u32 $0x186A, s3;
	s6 =	sadd.s32 $0x172800, s1;
	[dreg:$0x17] =	wrdreg s15  }
0x40: {  	s30 =	sadd.s32 $0x400, s1;
	[smem:$0x7D6] =	sst s6;
	s6 =	sadd.s32 $0x169200, s1  }
0x41: {  	s4 =	smul.u32 $0xC350, s3;
	s8 =	sadd.s32 s8, s2;
	[smem:$0x7D7] =	sst s6  }
0x42: {  	s9 =	sadd.s32 s9, s2;
	s6 =	sadd.s32 $0x16F600, s1;
	[smem:$0x7F0] =	sst s8  }
0x43: {  	s4 =	sshrl.u32 s4, $0x3;
	s1 =	sadd.s32 $0x175A00, s1;
	[smem:$0x7F1] =	sst s9  }
0x44: {  	[smem:$0x7D9] =	sst s1;
	s1 =	sadd.s32 $0xFA, s4  }
0x45: {  	[smem:$0x7D8] =	sst s6;
	s6 =	sadd.s32 s7, s1  }
0x46: {  	[smem:$0x7DA] =	sst s6  }
0x47: {  	s0 =	stileid.u32;
	s7 =	sadd.s32 s7, s2;
	s6 =	rddreg [dreg:$0x3]  }
0x48: {  	p2 =	seq.s32 s0, $0x0;
	[smem:$0x7DF] =	sst s7;
	s0 =	sadd.s32 s6, s1  }
0x49: {  	[smem:$0x7DB] =	sst s0  }
0x4a: {  	s6 =	sadd.s32 s6, s2;
	s0 =	rddreg [dreg:$0x4]  }
0x4b: {  	[smem:$0x7E0] =	sst s6;
	s4 =	sadd.s32 s0, s1  }
0x4c: {  	s7 =	sadd.s32 s0, s2;
	[smem:$0x7DC] =	sst s4  }
0x4d: {  	s0 =	sadd.s32 s5, s2;
	[smem:$0x7E1] =	sst s7  }
0x4e: {  	[smem:$0x7E2] =	sst s0  }
0x4f: {  	s4 =	sadd.s32 s5, s1;
	s5 =	rddreg [dreg:$0x7]  }
0x50: {  	s7 =	rddreg [dreg:$0x8]  }
0x51: {  	[smem:$0x7DD] =	sst s4  }
0x52: {  	s4 =	rddreg [dreg:$0x6]  }
0x53: {  	s6 =	sadd.s32 s5, s2;
	s5 =	rddreg [dreg:$0xa]  }
0x54: {  	s0 =	sadd.s32 s7, s2;
	s7 =	rddreg [dreg:$0xb]  }
0x55: {  	[smem:$0x7E4] =	sst s6  }
0x56: {  	s1 =	sadd.s32 s4, s1;
	[smem:$0x7E5] =	sst s0  }
0x57: {  	s4 =	sadd.s32 s4, s2;
	[smem:$0x7DE] =	sst s1  }
0x58: {  	[smem:$0x7E3] =	sst s4  }
0x59: {  	s6 =	sadd.s32 s5, s2;
	s1 =	rddreg [dreg:$0x9]  }
0x5a: {  	s0 =	sadd.s32 s7, s2;
	[smem:$0x7E7] =	sst s6  }
0x5b: {  	[smem:$0x7E8] =	sst s0  }
0x5c: {  	s6 =	rddreg [dreg:$0xd];
	s0 =	sadd.s32 s15, s2  }
0x5d: {  	s3 =	smul.u32 $0x19, s3;
	s15 =	sadd.s32 s17, s2;
	[smem:$0x7EB] =	sst s0  }
0x5e: {  	s17 =	sadd.s32 s19, s2;
	[smem:$0x7F6] =	sst s15  }
0x5f: {  	s19 =	sadd.s32 $0x1, s3;
	[smem:$0x7F8] =	sst s17  }
0x60: {  	p1 =	por !p2, !p1;
	s4 =	sadd.s32 s1, s2;
	[smem:$0x7FA] =	sst s19  }
0x61: {  	p2 =	por !p1, !p1;
	[smem:$0x7E6] =	sst s4  }
0x62: {  	s8 =	simm.s32 $0x800;
	s7 =	sadd.s32 s6, s2;
	s4 =	rddreg [dreg:$0xc]  }
0x63: {  	s9 =	simm.s32 $0x1;
	s6 =	sadd.s32 s12, s2;
	[smem:$0x7EA] =	sst s7  }
0x64: {  	s12 =	sadd.s32 s25, s2;
	s25 =	stileid.u32;
	[smem:$0x7EE] =	sst s6  }
0x65: {  	s15 =	simm.s32 $0x12800;
	s7 =	sadd.s32 s14, s2;
	[smem:$0x7F4] =	sst s12  }
0x66: {  	s17 =	simm.s32 $0x13800;
	s14 =	sadd.s32 s16, s2;
	[smem:$0x7EF] =	sst s7  }
0x67: {  	s19 =	simm.s32 $0x4;
	s16 =	sadd.s32 s18, s2;
	[smem:$0x7F5] =	sst s14  }
0x68: {  	s18 =	sadd.s32 $0x2, s3;
	p1 =	sne.s32 s25, $0x0;
	[smem:$0x7F7] =	sst s16  }
0x69: {  	s6 =	simm.s32 $0x7800;
	s5 =	sadd.s32 s4, s2;
	[smem:$0x7F9] =	sst s18  }
0x6a: {  	s12 =	simm.s32 $0x11800;
	s4 =	sadd.s32 s10, s2;
	[smem:$0x7E9] =	sst s5  }
0x6b: {  	s10 =	sadd.s32 s20, s2;
	s20 =	sadd.s32 $0x3, s3;
	[smem:$0x7EC] =	sst s4  }
0x6c: {  	s7 =	simm.s32 $0x2;
	s5 =	sadd.s32 s11, s2;
	[smem:$0x7F2] =	sst s10  }
.Ltmp0:
0x6d: {  	s11 =	sadd.s32 s22, s2;
	s22 =	sld [smem:$0x7FC];
	(pc) =	sbr.rel .LBB3_1-.Ltmp0, $4  }
0x6e: {  	s14 =	simm.s32 $0x12000;
	s16 =	simm.s32 $0x13000;
	[smem:$0x7FB] =	sst s20  }
0x6f: {  	s18 =	simm.s32 $0x3;
	s10 =	simm.s32 $0x7D0;
	[smem:$0x7ED] =	sst s5  }
0x70: {  	s2 =	simm.s32 $0x0;
	[smem:$0x7F3] =	sst s11;
	s0 =	smax.u32 s22, $0x1  }
0x71: {  	s5 =	simm.s32 $0x8000;
	s11 =	simm.s32 $0x10000;
	[smem:$0x7FD] =	sst s0  }
.LBB3_10:
0x72: {  	_ =	swait.ge [sflag:s18], $0x7D0  }
0x73: {  	[sflag:s18] =	ssyncset.done $0x0  }
0x74: {  	[sflag:s18] =	ssyncadd.s32 $0xFFFFF830  }
0x75: {  	_ =	swait.ge [sflag:s18], $0x7D0  }
0x76: {  	[sflag:s18] =	ssyncset.done $0x0  }
0x77: {  	[sflag:s18] =	ssyncadd.s32 $0xFFFFF830  }
0x78: {  	_ =	swait.ge [sflag:s18], $0x7D0  }
0x79: {  	[sflag:s18] =	ssyncset.done $0x0  }
0x7a: {  	[sflag:s18] =	ssyncadd.s32 $0xFFFFF830  }
0x7b: {  	_ =	swait.ge [sflag:s18], $0x7D0  }
0x7c: {  	[sflag:s18] =	ssyncset.done $0x0  }
0x7d: {  	[sflag:s18] =	ssyncadd.s32 $0xFFFFF830  }
0x7e: {  	_ =	swait.ge [sflag:s18], $0x7D0  }
0x7f: {  	[sflag:s18] =	ssyncset.done $0x0  }
0x80: {  	[sflag:s18] =	ssyncadd.s32 $0xFFFFF830  }
0x81: {  	_ =	swait.ge [sflag:s18], $0x7D0  }
0x82: {  	[sflag:s18] =	ssyncset.done $0x0  }
0x83: {  	[sflag:s18] =	ssyncadd.s32 $0xFFFFF830  }
0x84: {  	_ =	swait.ge [sflag:s18], $0x7D0  }
0x85: {  	[sflag:s18] =	ssyncset.done $0x0  }
0x86: {  	[sflag:s18] =	ssyncadd.s32 $0xFFFFF830  }
0x87: {  	_ =	swait.ge [sflag:s18], $0x7D0  }
0x88: {  	[sflag:s18] =	ssyncset.done $0x0  }
0x89: {  	[sflag:s18] =	ssyncadd.s32 $0xFFFFF830  }
0x8a: {  	_ =	swait.ge [sflag:s18], $0x7D0  }
0x8b: {  	[sflag:s18] =	ssyncset.done $0x0  }
0x8c: {  	[sflag:s18] =	ssyncadd.s32 $0xFFFFF830  }
0x8d: {  	_ =	swait.ge [sflag:s18], $0x7D0  }
0x8e: {  	[sflag:s18] =	ssyncset.done $0x0  }
0x8f: {  	[sflag:s18] =	ssyncadd.s32 $0xFFFFF830  }
0x90: {  	_ =	swait.ge [sflag:s18], $0x7D0  }
0x91: {  	[sflag:s18] =	ssyncset.done $0x0  }
0x92: {  	[sflag:s18] =	ssyncadd.s32 $0xFFFFF830  }
0x93: {  	_ =	swait.ge [sflag:s18], $0x7D0  }
0x94: {  	[sflag:s18] =	ssyncset.done $0x0  }
0x95: {  	[sflag:s18] =	ssyncadd.s32 $0xFFFFF830  }
0x96: {  	_ =	swait.ge [sflag:s18], $0x7D0  }
0x97: {  	[sflag:s18] =	ssyncset.done $0x0  }
0x98: {  	[sflag:s18] =	ssyncadd.s32 $0xFFFFF830  }
0x99: {  	_ =	swait.ge [sflag:s18], $0x7D0  }
0x9a: {  	[sflag:s18] =	ssyncset.done $0x0  }
0x9b: {  	[sflag:s18] =	ssyncadd.s32 $0xFFFFF830  }
0x9c: {  	_ =	swait.ge [sflag:s18], $0x7D0  }
0x9d: {  	[sflag:s18] =	ssyncset.done $0x0  }
0x9e: {  	[sflag:s18] =	ssyncadd.s32 $0xFFFFF830  }
0x9f: {  	_ =	swait.ge [sflag:s18], $0x7D0  }
0xa0: {  	[sflag:s18] =	ssyncset.done $0x0  }
0xa1: {  	[sflag:s18] =	ssyncadd.s32 $0xFFFFF830  }
0xa2: {  	_ =	swait.ge [sflag:s18], $0x7D0  }
0xa3: {  	[sflag:s18] =	ssyncset.done $0x0  }
0xa4: {  	[sflag:s18] =	ssyncadd.s32 $0xFFFFF830  }
0xa5: {  	_ =	swait.ge [sflag:s18], $0x7D0  }
0xa6: {  	[sflag:s18] =	ssyncset.done $0x0  }
0xa7: {  	[sflag:s18] =	ssyncadd.s32 $0xFFFFF830  }
0xa8: {  	_ =	swait.ge [sflag:s18], $0x7D0  }
0xa9: {  	[sflag:s18] =	ssyncset.done $0x0  }
0xaa: {  	[sflag:s18] =	ssyncadd.s32 $0xFFFFF830  }
0xab: {  	_ =	swait.ge [sflag:s18], $0x7D0  }
0xac: {  	[sflag:s18] =	ssyncset.done $0x0  }
0xad: {  	[sflag:s18] =	ssyncadd.s32 $0xFFFFF830  }
0xae: {  	_ =	swait.ge [sflag:s18], $0x7D0  }
0xaf: {  	[sflag:s18] =	ssyncset.done $0x0  }
0xb0: {  	[sflag:s18] =	ssyncadd.s32 $0xFFFFF830  }
0xb1: {  	_ =	swait.ge [sflag:s19], $0x7D0  }
0xb2: {  	[sflag:s19] =	ssyncset.done $0x0  }
0xb3: {  	[sflag:s19] =	ssyncadd.s32 $0xFFFFF830  }
0xb4: {  	_ =	swait.ge [sflag:s19], $0x7D0  }
0xb5: {  	[sflag:s19] =	ssyncset.done $0x0  }
0xb6: {  	[sflag:s19] =	ssyncadd.s32 $0xFFFFF830  }
0xb7: {  	_ =	swait.ge [sflag:s19], $0x7D0  }
0xb8: {  	[sflag:s19] =	ssyncset.done $0x0  }
0xb9: {  	[sflag:s19] =	ssyncadd.s32 $0xFFFFF830  }
0xba: {  	_ =	swait.ge [sflag:s19], $0x7D0  }
0xbb: {  	[sflag:s19] =	ssyncset.done $0x0  }
0xbc: {  	[sflag:s19] =	ssyncadd.s32 $0xFFFFF830  }
0xbd: {  	_ =	swait.ge [sflag:s19], $0x7D0  }
0xbe: {  	[sflag:s19] =	ssyncset.done $0x0  }
0xbf: {  	[sflag:s19] =	ssyncadd.s32 $0xFFFFF830  }
0xc0: {  	_ =	swait.ge [sflag:s19], $0x7D0  }
0xc1: {  	[sflag:s19] =	ssyncset.done $0x0  }
0xc2: {  	s0 =	stileid.u32;
	[sflag:s19] =	ssyncadd.s32 $0xFFFFF830  }
0xc3: {  	s0 =	sshll.u32 @!p0 s0, $0x6;
	[bflag:$0x0] =	sbarrier.arrive $0xFFFF  }
0xc4: {  	s1 =	sshrl.u32 @!p0 s21, $0x3;
	s0 =	sor.u32 @!p0 $0x1C05, s0;
	s2 =	rddreg [dreg:$0x1e]  }
0xc5: {  	[hbm:s2], [sflag:s0] =	dma.local @!p0 [spmem:s1], $0x30E0  }
0xc6: {  	s1 =	simm.s32 @!p0 $0x5  }
0xc7: {  	_ =	swait.ge @!p0 [sflag:s1], $0x30E0  }
0xc8: {  	[sflag:s1] =	ssyncset.done @!p0 $0x0  }
0xc9: {  	s2 =	sshrl.u32 @!p0 s23, $0x3;
	s3 =	rddreg [dreg:$0x1f];
	[sflag:s1] =	ssyncadd.s32 @!p0 $0xFFFFCF20  }
0xca: {  	[hbm:s3], [sflag:s0] =	dma.local @!p0 [spmem:s2], $0x30E0  }
0xcb: {  	_ =	swait.ge @!p0 [sflag:s1], $0x30E0  }
0xcc: {  	s3 =	sld [smem:$0x7D6]  }
0xcd: {  	[sflag:s1] =	ssyncset.done @!p0 $0x0  }
0xce: {  	s2 =	sshrl.u32 @!p0 s24, $0x3;
	[sflag:s1] =	ssyncadd.s32 @!p0 $0xFFFFCF20  }
0xcf: {  	[hbm:s3], [sflag:s0] =	dma.local @!p0 [spmem:s2], $0x30E0  }
0xd0: {  	_ =	swait.ge @!p0 [sflag:s1], $0x30E0  }
0xd1: {  	s2 =	sld [smem:$0x7D7]  }
0xd2: {  	[sflag:s1] =	ssyncset.done @!p0 $0x0  }
0xd3: {  	s0 =	sshrl.u32 @p2 s21, $0x3;
	[sflag:s1] =	ssyncadd.s32 @!p0 $0xFFFFCF20;
	s1 =	simm.s32 @p2 $0x1C05  }
0xd4: {  	[hbm:s2], [sflag:s1] =	dma.local @p2 [spmem:s0], $0x30E0  }
0xd5: {  	s0 =	simm.s32 @p2 $0x5  }
0xd6: {  	_ =	swait.ge @p2 [sflag:s0], $0x30E0  }
0xd7: {  	s3 =	sld [smem:$0x7D8]  }
0xd8: {  	[sflag:s0] =	ssyncset.done @p2 $0x0  }
0xd9: {  	s2 =	sshrl.u32 @p2 s23, $0x3;
	[sflag:s0] =	ssyncadd.s32 @p2 $0xFFFFCF20  }
0xda: {  	[hbm:s3], [sflag:s1] =	dma.local @p2 [spmem:s2], $0x30E0  }
0xdb: {  	_ =	swait.ge @p2 [sflag:s0], $0x30E0  }
0xdc: {  	s3 =	sld [smem:$0x7D9]  }
0xdd: {  	[sflag:s0] =	ssyncset.done @p2 $0x0  }
0xde: {  	s2 =	sshrl.u32 @p2 s24, $0x3;
	[sflag:s0] =	ssyncadd.s32 @p2 $0xFFFFCF20  }
0xdf: {  	[hbm:s3], [sflag:s1] =	dma.local @p2 [spmem:s2], $0x30E0  }
0xe0: {  	_ =	swait.ge @p2 [sflag:s0], $0x30E0  }
0xe1: {  	s22 =	sld [smem:$0x7D5]  }
0xe2: {  	s25 =	sld [smem:$0x7FD];
	_ =	sdelay $0x1  }
0xe3: {  	s2 =	sadd.s32 $0x1, s22  }
0xe4: {  	p3 =	sne.s32 s2, s25  }
.Ltmp1:
0xe5: {  	_ = 	snop;
	(pc) =	sbr.rel @!p3 .LBB3_11-.Ltmp1, $3  }
0xe6: {  	_ =	sdelay $0x1  }
0xe7: {  	[sflag:s0] =	ssyncset.done @p2 $0x0  }
0xe8: {  	[sflag:s0] =	ssyncadd.s32 @p2 $0xFFFFCF20  }
.LBB3_1:
0xe9: {  	[smem:$0x7D5] =	sst s2  }
0xea: {  	s0 =	sshrl.u32 @!p1 s21, $0x3;
	s1 =	simm.s32 @!p1 $0x1C05;
	s3 =	rddreg [dreg:$0x16]  }
0xeb: {  	[spmem:s0], [sflag:s1] =	dma.local @!p1 [hbm:s3], $0x30E0  }
0xec: {  	s0 =	simm.s32 @!p1 $0x5  }
0xed: {  	_ =	swait.ge @!p1 [sflag:s0], $0x30E0  }
0xee: {  	[sflag:s0] =	ssyncset.done @!p1 $0x0  }
0xef: {  	s2 =	sshrl.u32 @!p1 s23, $0x3;
	[sflag:s0] =	ssyncadd.s32 @!p1 $0xFFFFCF20  }
0xf0: {  	[spmem:s2], [sflag:s1] =	dma.local @!p1 [hbm:s3], $0x30E0  }
0xf1: {  	_ =	swait.ge @!p1 [sflag:s0], $0x30E0  }
0xf2: {  	[sflag:s0] =	ssyncset.done @!p1 $0x0  }
0xf3: {  	s2 =	sshrl.u32 @!p1 s24, $0x3;
	[sflag:s0] =	ssyncadd.s32 @!p1 $0xFFFFCF20  }
0xf4: {  	[spmem:s2], [sflag:s1] =	dma.local @!p1 [hbm:s3], $0x30E0  }
0xf5: {  	_ =	swait.ge @!p1 [sflag:s0], $0x30E0  }
0xf6: {  	[sflag:s0] =	ssyncset.done @!p1 $0x0  }
0xf7: {  	[sflag:s0] =	ssyncadd.s32 @!p1 $0xFFFFCF20  }
0xf8: {  	[bflag:$0x0] =	sbarrier.arrive $0xFFFF  }
0xf9: {  	s2 =	sld [smem:$0x7DF];
	_ =	sdelay $0x1  }
0xfa: {  	s3 =	sld [smem:$0x7E0]  }
0xfb: {  	[tilespmem:s13], [sflag:$0x1] =	stream.linear.gather [hbm4b:s2+s13], $0x7D0, $0x38;
	[tilespmem:$0x1D150] =	vst v63  }
0xfc: {  	s4 =	sld [smem:$0x7E1]  }
0xfd: {  	[tilespmem:s8], [sflag:$0x1] =	stream.linear.gather [hbm4b:s3+s13], $0x7D0, $0x38;
	[tilespmem:$0x1D150] =	vst v63  }
0xfe: {  	s20 =	simm.s32 $0x1000;
	s22 =	sld [smem:$0x7E2]  }
0xff: {  	[tilespmem:s20], [sflag:$0x1] =	stream.linear.gather [hbm4b:s4+s13], $0x7D0, $0x38;
	[tilespmem:$0x1D150] =	vst v63  }
0x100: {  	s25 =	simm.s32 $0x1800;
	s2 =	sld [smem:$0x7E3]  }
0x101: {  	[tilespmem:s25], [sflag:$0x1] =	stream.linear.gather [hbm4b:s22+s13], $0x7D0, $0x38;
	[tilespmem:$0x1D150] =	vst v63  }
0x102: {  	s3 =	simm.s32 $0x2000  }
0x103: {  	[tilespmem:s3], [sflag:$0x1] =	stream.linear.gather [hbm4b:s2+s13], $0x7D0, $0x38;
	[tilespmem:$0x1D150] =	vst v63  }
0x104: {  	_ =	swait.ge [sflag:s9], $0x7D0  }
0x105: {  	[sflag:s9] =	ssyncset.done $0x0  }
0x106: {  	[sflag:s9] =	ssyncadd.s32 $0xFFFFF830  }
0x107: {  	_ =	swait.ge [sflag:s9], $0x7D0  }
0x108: {  	[sflag:s9] =	ssyncset.done $0x0  }
0x109: {  	[sflag:s9] =	ssyncadd.s32 $0xFFFFF830  }
0x10a: {  	_ =	swait.ge [sflag:s9], $0x7D0  }
0x10b: {  	[sflag:s9] =	ssyncset.done $0x0  }
0x10c: {  	[sflag:s9] =	ssyncadd.s32 $0xFFFFF830  }
0x10d: {  	_ =	swait.ge [sflag:s9], $0x7D0  }
0x10e: {  	[sflag:s9] =	ssyncset.done $0x0  }
0x10f: {  	[sflag:s9] =	ssyncadd.s32 $0xFFFFF830  }
0x110: {  	_ =	swait.ge [sflag:s9], $0x7D0  }
0x111: {  	[sflag:s9] =	ssyncset.done $0x0  }
0x112: {  	s4 =	simm.s32 $0x2800;
	[sflag:s9] =	ssyncadd.s32 $0xFFFFF830  }
0x113: {  	[tilespmem:s4], [sflag:$0x2] =	stream.indirect.gather [hbm4b:s26+s10], $0x1, s13, s10, $0xb8;
	[tilespmem:$0x1D150] =	vst v63  }
0x114: {  	s20 =	simm.s32 $0x3000  }
0x115: {  	[tilespmem:s20], [sflag:$0x2] =	stream.indirect.gather [hbm4b:s28+s10], $0x1, s13, s10, $0xb8;
	[tilespmem:$0x1D150] =	vst v63  }
0x116: {  	s22 =	simm.s32 $0x3800  }
0x117: {  	[tilespmem:s22], [sflag:$0x2] =	stream.indirect.gather [hbm4b:s29+s10], $0x1, s13, s10, $0xb8;
	[tilespmem:$0x1D150] =	vst v63  }
0x118: {  	s25 =	simm.s32 $0x4000  }
0x119: {  	[tilespmem:s25], [sflag:$0x2] =	stream.indirect.gather [hbm4b:s30+s10], $0x1, s13, s10, $0xb8;
	[tilespmem:$0x1D150] =	vst v63  }
0x11a: {  	s1 =	simm.s32 $0x4800  }
0x11b: {  	[tilespmem:s1], [sflag:$0x2] =	stream.indirect.gather [hbm4b:s31+s10], $0x1, s13, s10, $0xb8;
	[tilespmem:$0x1D150] =	vst v63  }
0x11c: {  	s2 =	simm.s32 $0x5000  }
0x11d: {  	[tilespmem:s2], [sflag:$0x2] =	stream.indirect.gather [hbm4b:s26+s10], $0x1, s8, s10, $0xb8;
	[tilespmem:$0x1D150] =	vst v63  }
0x11e: {  	s3 =	simm.s32 $0x5800  }
0x11f: {  	[tilespmem:s3], [sflag:$0x2] =	stream.indirect.gather [hbm4b:s28+s10], $0x1, s8, s10, $0xb8;
	[tilespmem:$0x1D150] =	vst v63  }
0x120: {  	s4 =	simm.s32 $0x6000  }
0x121: {  	[tilespmem:s4], [sflag:$0x2] =	stream.indirect.gather [hbm4b:s29+s10], $0x1, s8, s10, $0xb8;
	[tilespmem:$0x1D150] =	vst v63  }
0x122: {  	s20 =	simm.s32 $0x6800  }
0x123: {  	[tilespmem:s20], [sflag:$0x2] =	stream.indirect.gather [hbm4b:s30+s10], $0x1, s8, s10, $0xb8;
	[tilespmem:$0x1D150] =	vst v63  }
0x124: {  	s22 =	simm.s32 $0x7000;
	s25 =	sld [smem:$0x7DA]  }
0x125: {  	[tilespmem:s22], [sflag:$0x2] =	stream.indirect.gather [hbm4b:s31+s10], $0x1, s8, s10, $0xb8;
	[tilespmem:$0x1D150] =	vst v63  }
0x126: {  	s1 =	sld [smem:$0x7DB]  }
0x127: {  	[tilespmem:s6], [sflag:$0x1] =	stream.linear.gather [hbm4b:s25+s13], $0x7D0, $0x38;
	[tilespmem:$0x1D150] =	vst v63  }
0x128: {  	s2 =	sld [smem:$0x7DC]  }
0x129: {  	[tilespmem:s5], [sflag:$0x1] =	stream.linear.gather [hbm4b:s1+s13], $0x7D0, $0x38;
	[tilespmem:$0x1D150] =	vst v63  }
0x12a: {  	s3 =	simm.s32 $0x8800;
	s4 =	sld [smem:$0x7DD]  }
0x12b: {  	[tilespmem:s3], [sflag:$0x1] =	stream.linear.gather [hbm4b:s2+s13], $0x7D0, $0x38;
	[tilespmem:$0x1D150] =	vst v63  }
0x12c: {  	s20 =	simm.s32 $0x9000;
	s22 =	sld [smem:$0x7DE]  }
0x12d: {  	[tilespmem:s20], [sflag:$0x1] =	stream.linear.gather [hbm4b:s4+s13], $0x7D0, $0x38;
	[tilespmem:$0x1D150] =	vst v63  }
0x12e: {  	s25 =	simm.s32 $0x9800  }
0x12f: {  	[tilespmem:s25], [sflag:$0x1] =	stream.linear.gather [hbm4b:s22+s13], $0x7D0, $0x38;
	[tilespmem:$0x1D150] =	vst v63  }
0x130: {  	_ =	swait.ge [sflag:s7], $0x7D0  }
0x131: {  	[sflag:s7] =	ssyncset.done $0x0  }
0x132: {  	[sflag:s7] =	ssyncadd.s32 $0xFFFFF830  }
0x133: {  	_ =	swait.ge [sflag:s7], $0x7D0  }
0x134: {  	[sflag:s7] =	ssyncset.done $0x0  }
0x135: {  	[sflag:s7] =	ssyncadd.s32 $0xFFFFF830  }
0x136: {  	_ =	swait.ge [sflag:s7], $0x7D0  }
0x137: {  	[sflag:s7] =	ssyncset.done $0x0  }
0x138: {  	[sflag:s7] =	ssyncadd.s32 $0xFFFFF830  }
0x139: {  	_ =	swait.ge [sflag:s7], $0x7D0  }
0x13a: {  	[sflag:s7] =	ssyncset.done $0x0  }
0x13b: {  	[sflag:s7] =	ssyncadd.s32 $0xFFFFF830  }
0x13c: {  	_ =	swait.ge [sflag:s7], $0x7D0  }
0x13d: {  	[sflag:s7] =	ssyncset.done $0x0  }
0x13e: {  	[sflag:s7] =	ssyncadd.s32 $0xFFFFF830  }
0x13f: {  	_ =	swait.ge [sflag:s7], $0x7D0  }
0x140: {  	[sflag:s7] =	ssyncset.done $0x0  }
0x141: {  	[sflag:s7] =	ssyncadd.s32 $0xFFFFF830  }
0x142: {  	_ =	swait.ge [sflag:s7], $0x7D0  }
0x143: {  	[sflag:s7] =	ssyncset.done $0x0  }
0x144: {  	[sflag:s7] =	ssyncadd.s32 $0xFFFFF830  }
0x145: {  	_ =	swait.ge [sflag:s7], $0x7D0  }
0x146: {  	[sflag:s7] =	ssyncset.done $0x0  }
0x147: {  	[sflag:s7] =	ssyncadd.s32 $0xFFFFF830  }
0x148: {  	_ =	swait.ge [sflag:s7], $0x7D0  }
0x149: {  	[sflag:s7] =	ssyncset.done $0x0  }
0x14a: {  	[sflag:s7] =	ssyncadd.s32 $0xFFFFF830  }
0x14b: {  	_ =	swait.ge [sflag:s7], $0x7D0  }
0x14c: {  	[sflag:s7] =	ssyncset.done $0x0  }
0x14d: {  	s1 =	simm.s32 $0x0;
	[sflag:s7] =	ssyncadd.s32 $0xFFFFF830  }
0x14e: {  	v0 =	vld [tilespmem:s1+$0x7000]  }
0x14f: {  	v1 =	vld [tilespmem:s1+$0x6800]  }
0x150: {  	v2 =	vld [tilespmem:s1+$0x4000]  }
0x151: {  	v3 =	vld [tilespmem:s1+$0x4800];
	_ =	sdelay $0x4  }
0x152: {  	v1 =	vsub.f32 v1, v2;
	v2 =	vsub.f32 v0, v3;
	_ =	sdelay $0x1  }
0x153: {  	v0 =	vmul.f32 v1, v1;
	v3 =	vmul.f32 v2, v2;
	_ =	sdelay $0x1  }
0x154: {  	v23 =	vadd.f32 v3, v0;
	_ =	sdelay $0x1  }
0x155: {  	v0 =	vshrl.u32 v23, $0x1;
	v3 =	vmul.f32 $5.000000000e-01, v23  }
0x156: {  	v0 =	vsub.s32 $0x5F3759DF, v0  }
0x157: {  	v4 =	vmul.f32 v0, v3;
	_ =	sdelay $0x1  }
0x158: {  	v4 =	vmul.f32 v0, v4  }
0x159: {  	s20 =	simm.s32 $0x10  }
0x15a: {  	v5 =	vld [tilespmem:s20+$0x7000];
	v4 =	vsub.f32 $1.500000000e+00, v4  }
0x15b: {  	v6 =	vld [tilespmem:s20+$0x6800]  }
0x15c: {  	v7 =	vld [tilespmem:s20+$0x4000];
	v0 =	vmul.f32 v0, v4  }
0x15d: {  	v8 =	vld [tilespmem:s20+$0x4800]  }
0x15e: {  	v4 =	vmul.f32 v0, v3;
	_ =	sdelay $0x1  }
0x15f: {  	v4 =	vmul.f32 v4, v0  }
0x160: {  	v13 =	vsub.f32 v6, v7  }
0x161: {  	v9 =	vld [tilespmem:s1+$0x6000];
	v16 =	vsub.f32 v5, v8;
	v4 =	vsub.f32 $1.500000000e+00, v4  }
0x162: {  	v22 =	vld [tilespmem:s1+$0x3800];
	v7 =	vmul.f32 v13, v13  }
0x163: {  	v10 =	vld [tilespmem:s1+$0x1800];
	v11 =	vmul.f32 v16, v16;
	v4 =	vmul.f32 v4, v0  }
0x164: {  	v24 =	vld [tilespmem:s1+$0x3000]  }
0x165: {  	v5 =	vld [tilespmem:s20+$0x3800];
	v7 =	vadd.f32 v11, v7;
	v0 =	vmul.f32 v4, v3  }
0x166: {  	v6 =	vld [tilespmem:s1+$0x1000]  }
0x167: {  	v11 =	vld [tilespmem:s1+$0x2000];
	v28 =	vmul.f32 $5.000000000e-01, v7;
	v3 =	vshrl.u32 v7, $0x1;
	v0 =	vmul.f32 v0, v4  }
0x168: {  	v25 =	vld [tilespmem:s1+$0x5800];
	v3 =	vsub.s32 $0x5F3759DF, v3  }
0x169: {  	v27 =	vld [tilespmem:s1+$0x5000];
	v17 =	vmul.f32 $4.000000000e+00, v22;
	v12 =	vmul.f32 v3, v28;
	v14 =	vsub.f32 $1.500000000e+00, v0  }
0x16a: {  	s0 =	simm.s32 $0x20;
	v8 =	vld [tilespmem:s20+$0x6000];
	v31 =	vmul.f32 $4.000000000e+00, v9;
	v18 =	vmul.f32 $4.000000000e+00, v5  }
0x16b: {  	v30 =	vld [tilespmem:s0+$0x6800];
	v15 =	vadd.f32 v9, v9;
	v12 =	vmul.f32 v3, v12;
	v19 =	vmul.f32 v14, v4  }
0x16c: {  	v32 =	vld [tilespmem:s0+$0x7000];
	v29 =	vadd.f32 v9, v22;
	v9 =	vmul.f32 v10, v6;
	v38 =	vmul.f32 v11, v6  }
0x16d: {  	v33 =	vld [tilespmem:s0+$0x4800];
	v12 =	vsub.f32 $1.500000000e+00, v12;
	v20 =	vmul.f32 v19, v1;
	v21 =	vmul.f32 v19, v2  }
0x16e: {  	v59 =	vadd.f32 v22, v22;
	v4 =	vld [tilespmem:s0+$0x4000];
	v34 =	vmul.f32 v19, v19;
	v35 =	vmul.f32 v19, v9  }
0x16f: {  	v10 =	vadd.f32 v8, v8;
	v53 =	vmul.f32 v3, v12;
	v62 =	vmul.f32 v19, v23  }
0x170: {  	v26 =	vld [tilespmem:s1+$0x2800];
	v15 =	vadd.f32 v15, v17;
	v36 =	vmul.f32 v20, v27;
	v37 =	vmul.f32 v21, v25  }
0x171: {  	v10 =	vadd.f32 v10, v18;
	v0 =	vld [tilespmem:s0+$0x6000];
	v6 =	vmul.f32 v34, v19;
	v39 =	vmul.f32 v21, v24  }
0x172: {  	v9 =	vsub.f32 v32, v33;
	v34 =	vmul.f32 v34, v38;
	v54 =	vmul.f32 v20, v25  }
0x173: {  	v27 =	vmul.f32 v21, v27;
	v25 =	vmul.f32 v19, v38;
	v11 =	vsub.f32 v30, v4  }
0x174: {  	v17 =	vld [tilespmem:s20+$0x1000];
	v14 =	vadd.f32 v8, v5;
	v55 =	vmul.f32 v9, v9;
	v24 =	vmul.f32 v20, v24  }
0x175: {  	v1 =	vld [tilespmem:s0+$0x3800];
	v32 =	vadd.f32 v31, v59;
	v56 =	vmul.f32 v53, v28;
	v4 =	vmul.f32 v11, v11  }
0x176: {  	v18 =	vld [tilespmem:s20+$0x1800];
	v2 =	vadd.f32 v0, v0;
	v57 =	vmul.f32 v21, v26;
	v30 =	vmul.f32 v20, v26  }
0x177: {  	v12 =	vld [tilespmem:s0+$0x1800];
	v40 =	vmul.f32 v6, v38;
	v36 =	vadd.f32 v37, v36;
	v4 =	vadd.f32 v55, v4  }
0x178: {  	v6 =	vld [tilespmem:s0+$0x1000];
	[tilespmem:s1+$0x17800] =	vst v20;
	v27 =	vsub.f32 v54, v27;
	v38 =	vmul.f32 v56, v53;
	v60 =	vsub.f32 v24, v57  }
0x179: {  	[tilespmem:s1+$0x18000] =	vst v21;
	v41 =	vmul.f32 $6.000000000e+00, v34;
	v22 =	vshrl.u32 v4, $0x1;
	v26 =	vmul.f32 $5.000000000e-01, v4  }
0x17a: {  	v3 =	vadd.f32 v0, v1;
	v30 =	vadd.f32 v39, v30;
	[tilespmem:s1+$0x15000] =	vst v36;
	v22 =	vsub.s32 $0x5F3759DF, v22  }
0x17b: {  	v58 =	vmul.f32 $1.200000000e+01, v40;
	[tilespmem:s1+$0x15800] =	vst v27;
	v61 =	vsub.f32 $1.500000000e+00, v38;
	v42 =	vmul.f32 v22, v26  }
0x17c: {  	v43 =	vsub.f32 v60, v27;
	v44 =	vmul.f32 v41, v29;
	[tilespmem:s1+$0x14000] =	vst v30;
	v31 =	vsub.f32 v30, v36  }
0x17d: {  	v34 =	vsub.f32 v27, v60;
	v24 =	vld [tilespmem:s20+$0x3000];
	[tilespmem:s1+$0x14800] =	vst v60;
	v33 =	vmul.f32 v61, v53;
	v29 =	vmul.f32 v22, v42  }
0x17e: {  	v38 =	vsub.f32 v36, v30;
	v63 =	vmul.f32 v43, v58;
	v23 =	vld [tilespmem:s20+$0x2800];
	[tilespmem:s1+$0x17000] =	vst v62;
	v37 =	vmul.f32 v31, v35  }
0x17f: {  	v31 =	vmul.f32 v43, v41;
	v30 =	vld [tilespmem:s20+$0x2000];
	v27 =	vsub.f32 $1.500000000e+00, v29;
	v29 =	vmul.f32 v33, v28  }
0x180: {  	s2 =	simm.s32 $0xC0;
	v39 =	vadd.f32 v63, v44;
	v36 =	vmul.f32 v37, v20;
	v35 =	vmul.f32 v37, v21;
	v28 =	vld [tilespmem:s20+$0x5800];
	[tilespmem:s1+$0xF000] =	vst v37  }
.LBB3_2:
0x181: {  	s3 =	sshra.s32 s2, $0x2;
	p3 =	sne.s32 s2, $0x1F00;
	s2 =	sadd.s32 $0x40, s2;
	v40 =	vld [tilespmem:s20+$0x5000];
	v41 =	vmul.f32 v29, v33;
	v37 =	vsub.f32 $0.0e+00, v37;
	[tilespmem:s1+$0x16000] =	vst v38;
	v34 =	vmul.f32 v34, v19;
	v29 =	vmovc v26  }
0x182: {  	v26 =	vld [tilespmem:s3+$0x6000];
	v19 =	vsub.f32 $0.0e+00, v39;
	v21 =	vmul.f32 v39, v21;
	v20 =	vmul.f32 v39, v20;
	[tilespmem:s1+$0xF800] =	vst v39  }
0x183: {  	v42 =	vmul.f32 v25, v15;
	v15 =	vmovc v10;
	v39 =	vmul.f32 $4.000000000e+00, v1;
	v38 =	vld [tilespmem:s3+$0x7000];
	v41 =	vsub.f32 $1.500000000e+00, v41;
	[tilespmem:s1+$0x10800] =	vst v37  }
0x184: {  	v25 =	vmul.f32 v25, v32;
	v37 =	vld [tilespmem:s3+$0x3800];
	v21 =	vsub.f32 v36, v21;
	v32 =	vadd.f32 v20, v35;
	[tilespmem:s1+$0x11000] =	vst v19  }
0x185: {  	v10 =	vadd.f32 v2, v39;
	v35 =	vld [tilespmem:s3+$0x6800];
	v19 =	vmul.f32 v41, v33;
	v33 =	vmul.f32 $4.000000000e+00, v8;
	[tilespmem:s1+$0x16800] =	vst v34;
	v8 =	vmovc v0  }
0x186: {  	v36 =	vmul.f32 v18, v17;
	v18 =	vmovc v12;
	v34 =	vld [tilespmem:s3+$0x4000];
	v39 =	vsub.f32 $0.0e+00, v21;
	v41 =	vsub.f32 $0.0e+00, v32;
	[tilespmem:s1+$0x12000] =	vst v21  }
0x187: {  	v43 =	vld [tilespmem:s3+$0x4800];
	v20 =	vmul.f32 v19, v13;
	v21 =	vmul.f32 v19, v16;
	[tilespmem:s1+$0x12800] =	vst v32;
	v0 =	vmovc v26;
	v13 =	vmov v11  }
0x188: {  	v36 =	vmul.f32 v19, v36;
	v16 =	vld [tilespmem:s3+$0x1000];
	v2 =	vadd.f32 v26, v0;
	v26 =	vmul.f32 v19, v19;
	[tilespmem:s1+$0x13000] =	vst v39  }
0x189: {  	v25 =	vadd.f32 v31, v25;
	v12 =	vld [tilespmem:s3+$0x1800];
	v32 =	vmul.f32 v20, v40;
	v39 =	vmul.f32 v21, v28;
	[tilespmem:s1+$0x13800] =	vst v41  }
0x18a: {  	v31 =	vadd.f32 v31, v42;
	v17 =	vmul.f32 v30, v17;
	v30 =	vmul.f32 v26, v19;
	[tilespmem:s20+$0x17800] =	vst v20  }
0x18b: {  	v11 =	vsub.f32 v35, v34;
	v34 =	vmul.f32 v20, v23;
	v35 =	vmul.f32 v21, v24;
	[tilespmem:s1+$0x11800] =	vst v25  }
0x18c: {  	v26 =	vmul.f32 v26, v17;
	v38 =	vsub.f32 v38, v43;
	v30 =	vmul.f32 v30, v17;
	[tilespmem:s1+$0x10000] =	vst v31;
	s1 =	smov.u32 s20;
	s20 =	smov.u32 s0;
	s0 =	smov.u32 s3  }
0x18d: {  	v39 =	vadd.f32 v39, v32;
	v25 =	vmul.f32 v19, v17;
	v31 =	vmul.f32 v11, v11;
	[tilespmem:s1+$0x18000] =	vst v21  }
0x18e: {  	v41 =	vadd.f32 v0, v37;
	v17 =	vmovc v6;
	v6 =	vmovc v16;
	v32 =	vmul.f32 v38, v38;
	v30 =	vmul.f32 $1.200000000e+01, v30  }
0x18f: {  	v27 =	vmul.f32 v22, v27;
	v24 =	vmul.f32 v20, v24;
	v16 =	vmovc v9;
	v9 =	vmov v38;
	[tilespmem:s1+$0x15000] =	vst v39  }
0x190: {  	v28 =	vmul.f32 v20, v28;
	v31 =	vadd.f32 v32, v31;
	v32 =	vmul.f32 v21, v40  }
0x191: {  	v42 =	vadd.f32 v5, v5;
	v5 =	vmovc v1;
	v1 =	vmovc v37;
	v38 =	vmul.f32 v27, v29;
	v40 =	vmul.f32 $6.000000000e+00, v26  }
0x192: {  	v23 =	vmul.f32 v21, v23;
	v22 =	vshrl.u32 v31, $0x1;
	v26 =	vmul.f32 $5.000000000e-01, v31  }
0x193: {  	v37 =	vmul.f32 v38, v27;
	v28 =	vsub.f32 v28, v32;
	v22 =	vsub.s32 $0x5F3759DF, v22  }
0x194: {  	v43 =	vmul.f32 v19, v7;
	v7 =	vmovc v4;
	v35 =	vadd.f32 v35, v34;
	v23 =	vsub.f32 v24, v23  }
0x195: {  	v34 =	vsub.f32 $1.500000000e+00, v37;
	v32 =	vadd.f32 v33, v42;
	v4 =	vmovc v31;
	v24 =	vmul.f32 v22, v26;
	[tilespmem:s1+$0x15800] =	vst v28  }
.Ltmp2:
0x196: {  	v31 =	vsub.f32 v35, v39;
	v44 =	vmul.f32 v40, v14;
	v42 =	vsub.f32 v23, v28;
	[tilespmem:s1+$0x14000] =	vst v35;
	(pc) =	sbr.rel @p3 .LBB3_2-.Ltmp2, $4  }
0x197: {  	v33 =	vmul.f32 v34, v27;
	v34 =	vsub.f32 v28, v23;
	v45 =	vmul.f32 v22, v24;
	v24 =	vld [tilespmem:s20+$0x3000];
	[tilespmem:s1+$0x14800] =	vst v23  }
0x198: {  	v38 =	vsub.f32 v39, v35;
	v37 =	vmul.f32 v31, v36;
	v36 =	vmul.f32 v42, v30;
	v23 =	vld [tilespmem:s20+$0x2800];
	[tilespmem:s1+$0x17000] =	vst v43  }
0x199: {  	v14 =	vmovc v3;
	v3 =	vmovc v41;
	v29 =	vmul.f32 v33, v29;
	v31 =	vmul.f32 v42, v40;
	v27 =	vsub.f32 $1.500000000e+00, v45;
	v30 =	vld [tilespmem:s20+$0x2000]  }
0x19a: {  	v35 =	vmul.f32 v37, v21;
	v39 =	vadd.f32 v36, v44;
	v36 =	vmul.f32 v37, v20;
	v28 =	vld [tilespmem:s20+$0x5800];
	[tilespmem:s1+$0xF000] =	vst v37  }
0x19b: {  	v29 =	vmul.f32 v29, v33;
	v19 =	vmul.f32 v34, v19  }
0x19c: {  	v15 =	vmul.f32 v25, v15;
	v18 =	vmul.f32 v18, v17  }
0x19d: {  	v40 =	vld [tilespmem:s20+$0x5000];
	v37 =	vsub.f32 $0.0e+00, v37;
	[tilespmem:s1+$0x16000] =	vst v38;
	v22 =	vmul.f32 v22, v27;
	v8 =	vmul.f32 $4.000000000e+00, v8  }
0x19e: {  	v12 =	vmul.f32 v12, v6;
	v21 =	vmul.f32 v39, v21;
	[tilespmem:s1+$0xF800] =	vst v39;
	v29 =	vsub.f32 $1.500000000e+00, v29  }
0x19f: {  	v0 =	vmul.f32 $4.000000000e+00, v0;
	v63 =	vsub.f32 $0.0e+00, v39;
	v20 =	vmul.f32 v39, v20;
	[tilespmem:s1+$0x10800] =	vst v37  }
0x1a0: {  	[tilespmem:s1+$0x16800] =	vst v19;
	v50 =	vmul.f32 v22, v26;
	v21 =	vsub.f32 v36, v21;
	v29 =	vmul.f32 v29, v33  }
0x1a1: {  	v39 =	vmul.f32 v25, v32;
	[tilespmem:s1+$0x11000] =	vst v63;
	v20 =	vadd.f32 v20, v35;
	v49 =	vmul.f32 v30, v17  }
0x1a2: {  	v25 =	vmul.f32 v50, v22;
	v38 =	vsub.f32 $0.0e+00, v21;
	[tilespmem:s1+$0x12000] =	vst v21;
	v13 =	vmul.f32 v29, v13  }
0x1a3: {  	v41 =	vsub.f32 $0.0e+00, v20;
	[tilespmem:s1+$0x12800] =	vst v20;
	v16 =	vmul.f32 v29, v16;
	v42 =	vmul.f32 v29, v29  }
0x1a4: {  	v18 =	vmul.f32 v29, v18;
	[tilespmem:s1+$0x13000] =	vst v38;
	v43 =	vmul.f32 v13, v40  }
0x1a5: {  	v21 =	vadd.f32 v31, v39;
	[tilespmem:s1+$0x13800] =	vst v41;
	v44 =	vmul.f32 v16, v28;
	v45 =	vmul.f32 v13, v28  }
0x1a6: {  	v15 =	vadd.f32 v31, v15;
	[tilespmem:s20+$0x17800] =	vst v13;
	v46 =	vmul.f32 v16, v40;
	v47 =	vmul.f32 v13, v23  }
0x1a7: {  	v25 =	vsub.f32 $1.500000000e+00, v25;
	v48 =	vmul.f32 v16, v24;
	v51 =	vmul.f32 v13, v24;
	[tilespmem:s1+$0x11800] =	vst v21  }
0x1a8: {  	v52 =	vmul.f32 v16, v23;
	v53 =	vmul.f32 v42, v29;
	[tilespmem:s1+$0x10000] =	vst v15;
	v20 =	vadd.f32 v44, v43  }
0x1a9: {  	v7 =	vmul.f32 v29, v7;
	v19 =	vmul.f32 v42, v49;
	[tilespmem:s20+$0x18000] =	vst v16;
	v21 =	vsub.f32 v45, v46  }
0x1aa: {  	v15 =	vadd.f32 v48, v47;
	v23 =	vsub.f32 v51, v52;
	v54 =	vmul.f32 v53, v49;
	[tilespmem:s20+$0x15000] =	vst v20  }
0x1ab: {  	v22 =	vmul.f32 v25, v22;
	v19 =	vmul.f32 $6.000000000e+00, v19;
	[tilespmem:s20+$0x15800] =	vst v21  }
0x1ac: {  	[tilespmem:s20+$0x14000] =	vst v15;
	v24 =	vmul.f32 $1.200000000e+01, v54;
	v28 =	vsub.f32 v15, v20;
	v57 =	vsub.f32 v23, v21  }
0x1ad: {  	v5 =	vadd.f32 v5, v5;
	v60 =	vmul.f32 v22, v26;
	v61 =	vmul.f32 v19, v14;
	v55 =	vld [tilespmem:s0+$0x3000];
	[tilespmem:s20+$0x14800] =	vst v23  }
0x1ae: {  	v21 =	vsub.f32 v21, v23;
	v56 =	vld [tilespmem:s0+$0x2800];
	[tilespmem:s20+$0x17000] =	vst v7;
	v58 =	vmul.f32 v28, v18;
	v62 =	vmul.f32 v57, v24  }
0x1af: {  	v5 =	vadd.f32 v8, v5;
	v17 =	vmul.f32 v29, v49;
	v15 =	vsub.f32 v20, v15;
	v59 =	vld [tilespmem:s0+$0x2000]  }
0x1b0: {  	v28 =	vmul.f32 v60, v22;
	v35 =	vmul.f32 v21, v29;
	v63 =	vld [tilespmem:s0+$0x5800];
	[tilespmem:s20+$0xF000] =	vst v58;
	v8 =	vadd.f32 v62, v61  }
0x1b1: {  	v31 =	vmul.f32 v58, v13;
	v33 =	vmul.f32 v58, v16;
	v32 =	vld [tilespmem:s0+$0x5000];
	[tilespmem:s20+$0x16000] =	vst v15  }
0x1b2: {  	v7 =	vsub.f32 $0.0e+00, v58;
	v34 =	vsub.f32 $1.500000000e+00, v28;
	[tilespmem:s20+$0x16800] =	vst v35;
	v16 =	vmul.f32 v8, v16  }
0x1b3: {  	v10 =	vmul.f32 v17, v10;
	v36 =	vsub.f32 $0.0e+00, v8;
	[tilespmem:s20+$0xF800] =	vst v8;
	v8 =	vmul.f32 v8, v13  }
0x1b4: {  	v5 =	vmul.f32 v17, v5;
	[tilespmem:s20+$0x10800] =	vst v7;
	v37 =	vmul.f32 v34, v22;
	v38 =	vsub.f32 v31, v16  }
0x1b5: {  	v53 =	vmul.f32 $4.000000000e+00, v1;
	v19 =	vmul.f32 v57, v19;
	[tilespmem:s20+$0x11000] =	vst v36;
	v8 =	vadd.f32 v8, v33  }
0x1b6: {  	v11 =	vmul.f32 v37, v11;
	v9 =	vmul.f32 v37, v9;
	v14 =	vsub.f32 $0.0e+00, v38;
	[tilespmem:s20+$0x12000] =	vst v38  }
0x1b7: {  	v39 =	vmul.f32 v37, v37;
	v43 =	vmul.f32 v59, v6;
	v40 =	vsub.f32 $0.0e+00, v8;
	[tilespmem:s20+$0x12800] =	vst v8  }
0x1b8: {  	v12 =	vmul.f32 v37, v12;
	v4 =	vmul.f32 v37, v4;
	[tilespmem:s20+$0x13000] =	vst v14  }
0x1b9: {  	v5 =	vadd.f32 v19, v5;
	v41 =	vmul.f32 v11, v32;
	v42 =	vmul.f32 v9, v63;
	[tilespmem:s20+$0x13800] =	vst v40  }
0x1ba: {  	v10 =	vadd.f32 v19, v10;
	v45 =	vmul.f32 v11, v56;
	v46 =	vmul.f32 v9, v55;
	[tilespmem:s0+$0x17800] =	vst v11  }
0x1bb: {  	v47 =	vmul.f32 v11, v63;
	v48 =	vmul.f32 v9, v32;
	[tilespmem:s20+$0x11800] =	vst v5  }
0x1bc: {  	v44 =	vmul.f32 v39, v37;
	v49 =	vmul.f32 v11, v55;
	v8 =	vadd.f32 v42, v41;
	[tilespmem:s20+$0x10000] =	vst v10  }
0x1bd: {  	v50 =	vmul.f32 v9, v56;
	v51 =	vsub.f32 v47, v48;
	v15 =	vadd.f32 v46, v45;
	[tilespmem:s0+$0x18000] =	vst v9  }
0x1be: {  	v54 =	vadd.f32 v1, v1;
	v13 =	vmul.f32 v39, v43;
	v14 =	vmul.f32 v44, v43;
	[tilespmem:s0+$0x15000] =	vst v8  }
0x1bf: {  	v6 =	vmul.f32 v37, v43;
	v5 =	vsub.f32 v49, v50;
	v16 =	vsub.f32 v15, v8;
	[tilespmem:s0+$0x15800] =	vst v51  }
0x1c0: {  	v0 =	vadd.f32 v0, v54;
	v13 =	vmul.f32 $6.000000000e+00, v13;
	v14 =	vmul.f32 $1.200000000e+01, v14;
	[tilespmem:s0+$0x14000] =	vst v15  }
0x1c1: {  	v8 =	vsub.f32 v8, v15;
	[tilespmem:s0+$0x17000] =	vst v4;
	v52 =	vsub.f32 v5, v51;
	v12 =	vmul.f32 v16, v12  }
0x1c2: {  	v2 =	vadd.f32 v2, v53;
	v0 =	vmul.f32 v6, v0;
	[tilespmem:s0+$0x14800] =	vst v5;
	v55 =	vsub.f32 v51, v5  }
0x1c3: {  	v3 =	vmul.f32 v13, v3;
	[tilespmem:s0+$0x16000] =	vst v8;
	v14 =	vmul.f32 v52, v14;
	v57 =	vsub.f32 $0.0e+00, v12  }
0x1c4: {  	[tilespmem:s0+$0xF000] =	vst v12;
	v4 =	vmul.f32 v55, v37;
	v61 =	vmul.f32 v52, v13  }
0x1c5: {  	v62 =	vmul.f32 v6, v2;
	v3 =	vadd.f32 v14, v3;
	[tilespmem:s0+$0x10800] =	vst v57  }
0x1c6: {  	v56 =	vmul.f32 v12, v11;
	[tilespmem:s0+$0x16800] =	vst v4;
	v0 =	vadd.f32 v61, v0  }
0x1c7: {  	v58 =	vmul.f32 v12, v9;
	v1 =	vadd.f32 v61, v62;
	v9 =	vmul.f32 v3, v9;
	[tilespmem:s0+$0xF800] =	vst v3  }
0x1c8: {  	v59 =	vsub.f32 $0.0e+00, v3;
	v3 =	vmul.f32 v3, v11;
	[tilespmem:s0+$0x11800] =	vst v0  }
0x1c9: {  	[tilespmem:s0+$0x10000] =	vst v1;
	v60 =	vsub.f32 v56, v9  }
0x1ca: {  	[tilespmem:s0+$0x11000] =	vst v59;
	v3 =	vadd.f32 v3, v58  }
0x1cb: {  	v5 =	vsub.f32 $0.0e+00, v60;
	[tilespmem:s0+$0x12000] =	vst v60  }
0x1cc: {  	s3 =	sld [smem:$0x7E4];
	v63 =	vsub.f32 $0.0e+00, v3;
	[tilespmem:s0+$0x12800] =	vst v3  }
0x1cd: {  	[tilespmem:s0+$0x13000] =	vst v5  }
0x1ce: {  	s4 =	simm.s32 $0xF000;
	s22 =	sld [smem:$0x7E5];
	s20 =	simm.s32 $0x0;
	[tilespmem:s0+$0x13800] =	vst v63  }
0x1cf: {  	[hbm4b:s3+s20] =	stream.linear.scatter [tilespmem:s4], [sflag:$0x3], $0x7D0, $0x38;
	[tilespmem:$0x1D150] =	vst v63  }
0x1d0: {  	s25 =	simm.s32 $0xF800;
	s1 =	sld [smem:$0x7E6]  }
0x1d1: {  	[hbm4b:s22+s20] =	stream.linear.scatter [tilespmem:s25], [sflag:$0x3], $0x7D0, $0x38;
	[tilespmem:$0x1D150] =	vst v63  }
0x1d2: {  	s2 =	sld [smem:$0x7E7]  }
0x1d3: {  	[hbm4b:s1+s20] =	stream.linear.scatter [tilespmem:s11], [sflag:$0x3], $0x7D0, $0x38;
	[tilespmem:$0x1D150] =	vst v63  }
0x1d4: {  	s3 =	simm.s32 $0x10800;
	s4 =	sld [smem:$0x7E8]  }
0x1d5: {  	[hbm4b:s2+s20] =	stream.linear.scatter [tilespmem:s3], [sflag:$0x3], $0x7D0, $0x38;
	[tilespmem:$0x1D150] =	vst v63  }
0x1d6: {  	s22 =	simm.s32 $0x11000;
	s25 =	sld [smem:$0x7E9]  }
0x1d7: {  	[hbm4b:s4+s20] =	stream.linear.scatter [tilespmem:s22], [sflag:$0x3], $0x7D0, $0x38;
	[tilespmem:$0x1D150] =	vst v63  }
0x1d8: {  	s1 =	sld [smem:$0x7EA]  }
0x1d9: {  	[hbm4b:s25+s20] =	stream.linear.scatter [tilespmem:s12], [sflag:$0x3], $0x7D0, $0x38;
	[tilespmem:$0x1D150] =	vst v63  }
0x1da: {  	s2 =	sld [smem:$0x7EB]  }
0x1db: {  	[hbm4b:s1+s20] =	stream.linear.scatter [tilespmem:s14], [sflag:$0x3], $0x7D0, $0x38;
	[tilespmem:$0x1D150] =	vst v63  }
0x1dc: {  	s3 =	sld [smem:$0x7EC]  }
0x1dd: {  	[hbm4b:s2+s20] =	stream.linear.scatter [tilespmem:s15], [sflag:$0x3], $0x7D0, $0x38;
	[tilespmem:$0x1D150] =	vst v63  }
0x1de: {  	s4 =	sld [smem:$0x7ED]  }
0x1df: {  	[hbm4b:s3+s20] =	stream.linear.scatter [tilespmem:s16], [sflag:$0x3], $0x7D0, $0x38;
	[tilespmem:$0x1D150] =	vst v63  }
0x1e0: {  	s22 =	sld [smem:$0x7EE]  }
0x1e1: {  	[hbm4b:s4+s20] =	stream.linear.scatter [tilespmem:s17], [sflag:$0x3], $0x7D0, $0x38;
	[tilespmem:$0x1D150] =	vst v63  }
0x1e2: {  	s25 =	simm.s32 $0x14000;
	s1 =	sld [smem:$0x7EF]  }
0x1e3: {  	[hbm4b:s22+s20] =	stream.linear.scatter [tilespmem:s25], [sflag:$0x3], $0x7D0, $0x38;
	[tilespmem:$0x1D150] =	vst v63  }
0x1e4: {  	s2 =	simm.s32 $0x14800;
	s3 =	sld [smem:$0x7F0]  }
0x1e5: {  	[hbm4b:s1+s20] =	stream.linear.scatter [tilespmem:s2], [sflag:$0x3], $0x7D0, $0x38;
	[tilespmem:$0x1D150] =	vst v63  }
0x1e6: {  	s4 =	simm.s32 $0x15000;
	s22 =	sld [smem:$0x7F1]  }
0x1e7: {  	[hbm4b:s3+s20] =	stream.linear.scatter [tilespmem:s4], [sflag:$0x3], $0x7D0, $0x38;
	[tilespmem:$0x1D150] =	vst v63  }
0x1e8: {  	s25 =	simm.s32 $0x15800;
	s1 =	sld [smem:$0x7F2]  }
0x1e9: {  	[hbm4b:s22+s20] =	stream.linear.scatter [tilespmem:s25], [sflag:$0x3], $0x7D0, $0x38;
	[tilespmem:$0x1D150] =	vst v63  }
0x1ea: {  	s2 =	simm.s32 $0x16000;
	s3 =	sld [smem:$0x7F3]  }
0x1eb: {  	[hbm4b:s1+s20] =	stream.linear.scatter [tilespmem:s2], [sflag:$0x3], $0x7D0, $0x38;
	[tilespmem:$0x1D150] =	vst v63  }
0x1ec: {  	s4 =	simm.s32 $0x16800;
	s22 =	sld [smem:$0x7F4]  }
0x1ed: {  	[hbm4b:s3+s20] =	stream.linear.scatter [tilespmem:s4], [sflag:$0x3], $0x7D0, $0x38;
	[tilespmem:$0x1D150] =	vst v63  }
0x1ee: {  	s25 =	simm.s32 $0x17000;
	s1 =	sld [smem:$0x7F5]  }
0x1ef: {  	[hbm4b:s22+s20] =	stream.linear.scatter [tilespmem:s25], [sflag:$0x3], $0x7D0, $0x38;
	[tilespmem:$0x1D150] =	vst v63  }
0x1f0: {  	s2 =	simm.s32 $0x17800;
	s3 =	sld [smem:$0x7F6]  }
0x1f1: {  	[hbm4b:s1+s20] =	stream.linear.scatter [tilespmem:s2], [sflag:$0x3], $0x7D0, $0x38;
	[tilespmem:$0x1D150] =	vst v63  }
0x1f2: {  	s4 =	simm.s32 $0x18000;
	s22 =	sld [smem:$0x7F7]  }
0x1f3: {  	[hbm4b:s3+s20] =	stream.linear.scatter [tilespmem:s4], [sflag:$0x3], $0x7D0, $0x38;
	[tilespmem:$0x1D150] =	vst v63  }
0x1f4: {  	s25 =	simm.s32 $0x3800;
	s1 =	sld [smem:$0x7F8]  }
0x1f5: {  	[hbm4b:s22+s20] =	stream.linear.scatter [tilespmem:s25], [sflag:$0x3], $0x7D0, $0x38;
	[tilespmem:$0x1D150] =	vst v63  }
0x1f6: {  	s2 =	simm.s32 $0x6000  }
0x1f7: {  	[hbm4b:s1+s20] =	stream.linear.scatter [tilespmem:s2], [sflag:$0x3], $0x7D0, $0x38;
	[tilespmem:$0x1D150] =	vst v63  }
0x1f8: {  	_ = 	snop  }
0x1f9: {  	[spmem:s21] =	stream.indirect.scatter.add.f32 [tilespmem:s14], [sflag:$0x4], $0x1, s20, s10, $0xb8;
	[tilespmem:$0x1D150] =	vst v63  }
0x1fa: {  	_ = 	snop  }
0x1fb: {  	[spmem:s23] =	stream.indirect.scatter.add.f32 [tilespmem:s15], [sflag:$0x4], $0x1, s20, s10, $0xb8;
	[tilespmem:$0x1D150] =	vst v63  }
0x1fc: {  	_ = 	snop  }
0x1fd: {  	[spmem:s24] =	stream.indirect.scatter.add.f32 [tilespmem:s11], [sflag:$0x4], $0x1, s20, s10, $0xb8;
	[tilespmem:$0x1D150] =	vst v63  }
0x1fe: {  	_ = 	snop  }
0x1ff: {  	[spmem:s21] =	stream.indirect.scatter.add.f32 [tilespmem:s16], [sflag:$0x4], $0x1, s8, s10, $0xb8;
	[tilespmem:$0x1D150] =	vst v63  }
0x200: {  	_ = 	snop  }
0x201: {  	[spmem:s23] =	stream.indirect.scatter.add.f32 [tilespmem:s17], [sflag:$0x4], $0x1, s8, s10, $0xb8;
	[tilespmem:$0x1D150] =	vst v63  }
0x202: {  	_ = 	snop  }
0x203: {  	[spmem:s24] =	stream.indirect.scatter.add.f32 [tilespmem:s12], [sflag:$0x4], $0x1, s8, s10, $0xb8;
	[tilespmem:$0x1D150] =	vst v63  }
0x204: {  	_ =	swait.ge [sflag:s9], $0x7D0  }
0x205: {  	[sflag:s9] =	ssyncset.done $0x0  }
0x206: {  	[sflag:s9] =	ssyncadd.s32 $0xFFFFF830  }
0x207: {  	_ =	swait.ge [sflag:s9], $0x7D0  }
0x208: {  	[sflag:s9] =	ssyncset.done $0x0  }
0x209: {  	[sflag:s9] =	ssyncadd.s32 $0xFFFFF830  }
0x20a: {  	_ =	swait.ge [sflag:s9], $0x7D0  }
0x20b: {  	[sflag:s9] =	ssyncset.done $0x0  }
0x20c: {  	[sflag:s9] =	ssyncadd.s32 $0xFFFFF830  }
0x20d: {  	_ =	swait.ge [sflag:s9], $0x7D0  }
0x20e: {  	[sflag:s9] =	ssyncset.done $0x0  }
0x20f: {  	[sflag:s9] =	ssyncadd.s32 $0xFFFFF830  }
0x210: {  	_ =	swait.ge [sflag:s9], $0x7D0  }
0x211: {  	[sflag:s9] =	ssyncset.done $0x0  }
0x212: {  	s3 =	simm.s32 $0xA000;
	[sflag:s9] =	ssyncadd.s32 $0xFFFFF830  }
0x213: {  	[tilespmem:s3], [sflag:$0x2] =	stream.indirect.gather [hbm4b:s26+s10], $0x1, s6, s10, $0xb8;
	[tilespmem:$0x1D150] =	vst v63  }
0x214: {  	s4 =	simm.s32 $0xA800  }
0x215: {  	[tilespmem:s4], [sflag:$0x2] =	stream.indirect.gather [hbm4b:s28+s10], $0x1, s6, s10, $0xb8;
	[tilespmem:$0x1D150] =	vst v63  }
0x216: {  	s22 =	simm.s32 $0xB000  }
0x217: {  	[tilespmem:s22], [sflag:$0x2] =	stream.indirect.gather [hbm4b:s29+s10], $0x1, s6, s10, $0xb8;
	[tilespmem:$0x1D150] =	vst v63  }
0x218: {  	s25 =	simm.s32 $0xB800  }
0x219: {  	[tilespmem:s25], [sflag:$0x2] =	stream.indirect.gather [hbm4b:s30+s10], $0x1, s6, s10, $0xb8;
	[tilespmem:$0x1D150] =	vst v63  }
0x21a: {  	s1 =	simm.s32 $0xC000  }
0x21b: {  	[tilespmem:s1], [sflag:$0x2] =	stream.indirect.gather [hbm4b:s31+s10], $0x1, s6, s10, $0xb8;
	[tilespmem:$0x1D150] =	vst v63  }
0x21c: {  	s2 =	simm.s32 $0xC800  }
0x21d: {  	[tilespmem:s2], [sflag:$0x2] =	stream.indirect.gather [hbm4b:s26+s10], $0x1, s5, s10, $0xb8;
	[tilespmem:$0x1D150] =	vst v63  }
0x21e: {  	s3 =	simm.s32 $0xD000  }
0x21f: {  	[tilespmem:s3], [sflag:$0x2] =	stream.indirect.gather [hbm4b:s28+s10], $0x1, s5, s10, $0xb8;
	[tilespmem:$0x1D150] =	vst v63  }
0x220: {  	s4 =	simm.s32 $0xD800  }
0x221: {  	[tilespmem:s4], [sflag:$0x2] =	stream.indirect.gather [hbm4b:s29+s10], $0x1, s5, s10, $0xb8;
	[tilespmem:$0x1D150] =	vst v63  }
0x222: {  	s22 =	simm.s32 $0xE000  }
0x223: {  	[tilespmem:s22], [sflag:$0x2] =	stream.indirect.gather [hbm4b:s30+s10], $0x1, s5, s10, $0xb8;
	[tilespmem:$0x1D150] =	vst v63  }
0x224: {  	s0 =	simm.s32 $0x0;
	s25 =	simm.s32 $0xE800  }
0x225: {  	[tilespmem:s25], [sflag:$0x2] =	stream.indirect.gather [hbm4b:s31+s10], $0x1, s5, s10, $0xb8;
	[tilespmem:$0x1D150] =	vst v63  }
.LBB3_4:
0x226: {  	_ =	swait.ge [sflag:s18], $0x7D0  }
0x227: {  	[sflag:s18] =	ssyncset.done $0x0  }
0x228: {  	[sflag:s18] =	ssyncadd.s32 $0xFFFFF830  }
0x229: {  	_ =	swait.ge [sflag:s18], $0x7D0  }
0x22a: {  	[sflag:s18] =	ssyncset.done $0x0  }
0x22b: {  	[sflag:s18] =	ssyncadd.s32 $0xFFFFF830  }
0x22c: {  	_ =	swait.ge [sflag:s18], $0x7D0  }
0x22d: {  	[sflag:s18] =	ssyncset.done $0x0  }
0x22e: {  	[sflag:s18] =	ssyncadd.s32 $0xFFFFF830  }
0x22f: {  	_ =	swait.ge [sflag:s18], $0x7D0  }
0x230: {  	[sflag:s18] =	ssyncset.done $0x0  }
0x231: {  	[sflag:s18] =	ssyncadd.s32 $0xFFFFF830  }
0x232: {  	_ =	swait.ge [sflag:s18], $0x7D0  }
0x233: {  	[sflag:s18] =	ssyncset.done $0x0  }
0x234: {  	[sflag:s18] =	ssyncadd.s32 $0xFFFFF830  }
0x235: {  	_ =	swait.ge [sflag:s18], $0x7D0  }
0x236: {  	[sflag:s18] =	ssyncset.done $0x0  }
0x237: {  	[sflag:s18] =	ssyncadd.s32 $0xFFFFF830  }
0x238: {  	_ =	swait.ge [sflag:s18], $0x7D0  }
0x239: {  	[sflag:s18] =	ssyncset.done $0x0  }
0x23a: {  	[sflag:s18] =	ssyncadd.s32 $0xFFFFF830  }
0x23b: {  	_ =	swait.ge [sflag:s18], $0x7D0  }
0x23c: {  	[sflag:s18] =	ssyncset.done $0x0  }
0x23d: {  	[sflag:s18] =	ssyncadd.s32 $0xFFFFF830  }
0x23e: {  	_ =	swait.ge [sflag:s18], $0x7D0  }
0x23f: {  	[sflag:s18] =	ssyncset.done $0x0  }
0x240: {  	[sflag:s18] =	ssyncadd.s32 $0xFFFFF830  }
0x241: {  	_ =	swait.ge [sflag:s18], $0x7D0  }
0x242: {  	[sflag:s18] =	ssyncset.done $0x0  }
0x243: {  	[sflag:s18] =	ssyncadd.s32 $0xFFFFF830  }
0x244: {  	_ =	swait.ge [sflag:s18], $0x7D0  }
0x245: {  	[sflag:s18] =	ssyncset.done $0x0  }
0x246: {  	[sflag:s18] =	ssyncadd.s32 $0xFFFFF830  }
0x247: {  	_ =	swait.ge [sflag:s18], $0x7D0  }
0x248: {  	[sflag:s18] =	ssyncset.done $0x0  }
0x249: {  	[sflag:s18] =	ssyncadd.s32 $0xFFFFF830  }
0x24a: {  	_ =	swait.ge [sflag:s18], $0x7D0  }
0x24b: {  	[sflag:s18] =	ssyncset.done $0x0  }
0x24c: {  	[sflag:s18] =	ssyncadd.s32 $0xFFFFF830  }
0x24d: {  	_ =	swait.ge [sflag:s18], $0x7D0  }
0x24e: {  	[sflag:s18] =	ssyncset.done $0x0  }
0x24f: {  	[sflag:s18] =	ssyncadd.s32 $0xFFFFF830  }
0x250: {  	_ =	swait.ge [sflag:s18], $0x7D0  }
0x251: {  	[sflag:s18] =	ssyncset.done $0x0  }
0x252: {  	[sflag:s18] =	ssyncadd.s32 $0xFFFFF830  }
0x253: {  	_ =	swait.ge [sflag:s18], $0x7D0  }
0x254: {  	[sflag:s18] =	ssyncset.done $0x0  }
0x255: {  	[sflag:s18] =	ssyncadd.s32 $0xFFFFF830  }
0x256: {  	_ =	swait.ge [sflag:s18], $0x7D0  }
0x257: {  	[sflag:s18] =	ssyncset.done $0x0  }
0x258: {  	[sflag:s18] =	ssyncadd.s32 $0xFFFFF830  }
0x259: {  	_ =	swait.ge [sflag:s18], $0x7D0  }
0x25a: {  	[sflag:s18] =	ssyncset.done $0x0  }
0x25b: {  	[sflag:s18] =	ssyncadd.s32 $0xFFFFF830  }
0x25c: {  	_ =	swait.ge [sflag:s18], $0x7D0  }
0x25d: {  	[sflag:s18] =	ssyncset.done $0x0  }
0x25e: {  	[sflag:s18] =	ssyncadd.s32 $0xFFFFF830  }
0x25f: {  	_ =	swait.ge [sflag:s18], $0x7D0  }
0x260: {  	[sflag:s18] =	ssyncset.done $0x0  }
0x261: {  	[sflag:s18] =	ssyncadd.s32 $0xFFFFF830  }
0x262: {  	_ =	swait.ge [sflag:s18], $0x7D0  }
0x263: {  	[sflag:s18] =	ssyncset.done $0x0  }
0x264: {  	[sflag:s18] =	ssyncadd.s32 $0xFFFFF830  }
0x265: {  	_ =	swait.ge [sflag:s19], $0x7D0  }
0x266: {  	[sflag:s19] =	ssyncset.done $0x0  }
0x267: {  	[sflag:s19] =	ssyncadd.s32 $0xFFFFF830  }
0x268: {  	_ =	swait.ge [sflag:s19], $0x7D0  }
0x269: {  	[sflag:s19] =	ssyncset.done $0x0  }
0x26a: {  	[sflag:s19] =	ssyncadd.s32 $0xFFFFF830  }
0x26b: {  	_ =	swait.ge [sflag:s19], $0x7D0  }
0x26c: {  	[sflag:s19] =	ssyncset.done $0x0  }
0x26d: {  	[sflag:s19] =	ssyncadd.s32 $0xFFFFF830  }
0x26e: {  	_ =	swait.ge [sflag:s19], $0x7D0  }
0x26f: {  	[sflag:s19] =	ssyncset.done $0x0  }
0x270: {  	[sflag:s19] =	ssyncadd.s32 $0xFFFFF830  }
0x271: {  	_ =	swait.ge [sflag:s19], $0x7D0  }
0x272: {  	[sflag:s19] =	ssyncset.done $0x0;
	s1 =	sld [smem:$0x7F9]  }
0x273: {  	[sflag:s19] =	ssyncadd.s32 $0xFFFFF830  }
0x274: {  	s25 =	sshll.u32 s0, $0x1;
	_ =	swait.ge [sflag:s19], $0x7D0  }
0x275: {  	s1 =	sadd.s32 s25, s1;
	[sflag:s19] =	ssyncset.done $0x0  }
0x276: {  	s22 =	smul.u32 $0xFA, s1;
	[sflag:s19] =	ssyncadd.s32 $0xFFFFF830  }
0x277: {  	s3 =	rddreg [dreg:$0x2]  }
0x278: {  	s4 =	rddreg [dreg:$0x3];
	s1 =	sadd.s32 s3, s22  }
0x279: {  	[tilespmem:s20], [sflag:$0x1] =	stream.linear.gather [hbm4b:s1+s20], $0x7D0, $0x38;
	[tilespmem:$0x1D150] =	vst v63  }
0x27a: {  	s2 =	rddreg [dreg:$0x4];
	s1 =	sadd.s32 s4, s22  }
0x27b: {  	[tilespmem:s8], [sflag:$0x1] =	stream.linear.gather [hbm4b:s1+s20], $0x7D0, $0x38;
	[tilespmem:$0x1D150] =	vst v63  }
0x27c: {  	s3 =	rddreg [dreg:$0x5];
	s1 =	sadd.s32 s2, s22;
	s2 =	simm.s32 $0x1000  }
0x27d: {  	[tilespmem:s2], [sflag:$0x1] =	stream.linear.gather [hbm4b:s1+s20], $0x7D0, $0x38;
	[tilespmem:$0x1D150] =	vst v63  }
0x27e: {  	s4 =	simm.s32 $0x1800;
	s1 =	sadd.s32 s3, s22;
	s3 =	rddreg [dreg:$0x6]  }
0x27f: {  	[tilespmem:s4], [sflag:$0x1] =	stream.linear.gather [hbm4b:s1+s20], $0x7D0, $0x38;
	[tilespmem:$0x1D150] =	vst v63  }
0x280: {  	s1 =	sadd.s32 s3, s22;
	s4 =	simm.s32 $0x2000  }
0x281: {  	[tilespmem:s4], [sflag:$0x1] =	stream.linear.gather [hbm4b:s1+s20], $0x7D0, $0x38;
	[tilespmem:$0x1D150] =	vst v63  }
0x282: {  	_ =	swait.ge [sflag:s7], $0x7D0  }
0x283: {  	[sflag:s7] =	ssyncset.done $0x0  }
0x284: {  	[sflag:s7] =	ssyncadd.s32 $0xFFFFF830  }
0x285: {  	_ =	swait.ge [sflag:s7], $0x7D0  }
0x286: {  	[sflag:s7] =	ssyncset.done $0x0  }
0x287: {  	[sflag:s7] =	ssyncadd.s32 $0xFFFFF830  }
0x288: {  	_ =	swait.ge [sflag:s7], $0x7D0  }
0x289: {  	[sflag:s7] =	ssyncset.done $0x0  }
0x28a: {  	[sflag:s7] =	ssyncadd.s32 $0xFFFFF830  }
0x28b: {  	_ =	swait.ge [sflag:s7], $0x7D0  }
0x28c: {  	[sflag:s7] =	ssyncset.done $0x0  }
0x28d: {  	[sflag:s7] =	ssyncadd.s32 $0xFFFFF830  }
0x28e: {  	_ =	swait.ge [sflag:s7], $0x7D0  }
0x28f: {  	[sflag:s7] =	ssyncset.done $0x0  }
0x290: {  	[sflag:s7] =	ssyncadd.s32 $0xFFFFF830  }
0x291: {  	_ =	swait.ge [sflag:s7], $0x7D0  }
0x292: {  	[sflag:s7] =	ssyncset.done $0x0  }
0x293: {  	[sflag:s7] =	ssyncadd.s32 $0xFFFFF830  }
0x294: {  	_ =	swait.ge [sflag:s7], $0x7D0  }
0x295: {  	[sflag:s7] =	ssyncset.done $0x0  }
0x296: {  	[sflag:s7] =	ssyncadd.s32 $0xFFFFF830  }
0x297: {  	_ =	swait.ge [sflag:s7], $0x7D0  }
0x298: {  	[sflag:s7] =	ssyncset.done $0x0  }
0x299: {  	[sflag:s7] =	ssyncadd.s32 $0xFFFFF830  }
0x29a: {  	_ =	swait.ge [sflag:s7], $0x7D0  }
0x29b: {  	[sflag:s7] =	ssyncset.done $0x0  }
0x29c: {  	[sflag:s7] =	ssyncadd.s32 $0xFFFFF830  }
0x29d: {  	_ =	swait.ge [sflag:s7], $0x7D0  }
0x29e: {  	[sflag:s7] =	ssyncset.done $0x0  }
0x29f: {  	s2 =	simm.s32 $0x0;
	[sflag:s7] =	ssyncadd.s32 $0xFFFFF830  }
0x2a0: {  	v0 =	vld [tilespmem:s2+$0xE800]  }
0x2a1: {  	v1 =	vld [tilespmem:s2+$0xE000]  }
0x2a2: {  	v2 =	vld [tilespmem:s2+$0xB800]  }
0x2a3: {  	v3 =	vld [tilespmem:s2+$0xC000];
	_ =	sdelay $0x4  }
0x2a4: {  	v1 =	vsub.f32 v1, v2;
	v2 =	vsub.f32 v0, v3;
	_ =	sdelay $0x1  }
0x2a5: {  	v0 =	vmul.f32 v1, v1;
	v3 =	vmul.f32 v2, v2;
	_ =	sdelay $0x1  }
0x2a6: {  	v23 =	vadd.f32 v3, v0;
	_ =	sdelay $0x1  }
0x2a7: {  	v0 =	vshrl.u32 v23, $0x1;
	v3 =	vmul.f32 $5.000000000e-01, v23  }
0x2a8: {  	v0 =	vsub.s32 $0x5F3759DF, v0  }
0x2a9: {  	v4 =	vmul.f32 v0, v3;
	_ =	sdelay $0x1  }
0x2aa: {  	v4 =	vmul.f32 v0, v4  }
0x2ab: {  	s1 =	simm.s32 $0x10  }
0x2ac: {  	v5 =	vld [tilespmem:s1+$0xE800];
	v4 =	vsub.f32 $1.500000000e+00, v4  }
0x2ad: {  	v6 =	vld [tilespmem:s1+$0xE000]  }
0x2ae: {  	v7 =	vld [tilespmem:s1+$0xB800];
	v0 =	vmul.f32 v0, v4  }
0x2af: {  	v8 =	vld [tilespmem:s1+$0xC000]  }
0x2b0: {  	v4 =	vmul.f32 v0, v3;
	_ =	sdelay $0x1  }
0x2b1: {  	v4 =	vmul.f32 v4, v0  }
0x2b2: {  	v13 =	vsub.f32 v6, v7  }
0x2b3: {  	v9 =	vld [tilespmem:s2+$0xD800];
	v16 =	vsub.f32 v5, v8;
	v4 =	vsub.f32 $1.500000000e+00, v4  }
0x2b4: {  	v22 =	vld [tilespmem:s2+$0xB000];
	v7 =	vmul.f32 v13, v13  }
0x2b5: {  	v10 =	vld [tilespmem:s2+$0x9000];
	v11 =	vmul.f32 v16, v16;
	v4 =	vmul.f32 v4, v0  }
0x2b6: {  	v24 =	vld [tilespmem:s2+$0xA800]  }
0x2b7: {  	v5 =	vld [tilespmem:s1+$0xB000];
	v7 =	vadd.f32 v11, v7;
	v0 =	vmul.f32 v4, v3  }
0x2b8: {  	v6 =	vld [tilespmem:s2+$0x8800]  }
0x2b9: {  	v11 =	vld [tilespmem:s2+$0x9800];
	v28 =	vmul.f32 $5.000000000e-01, v7;
	v3 =	vshrl.u32 v7, $0x1;
	v0 =	vmul.f32 v0, v4  }
0x2ba: {  	v25 =	vld [tilespmem:s2+$0xD000];
	v3 =	vsub.s32 $0x5F3759DF, v3  }
0x2bb: {  	v27 =	vld [tilespmem:s2+$0xC800];
	v17 =	vmul.f32 $4.000000000e+00, v22;
	v12 =	vmul.f32 v3, v28;
	v14 =	vsub.f32 $1.500000000e+00, v0  }
0x2bc: {  	s31 =	simm.s32 $0x20;
	v8 =	vld [tilespmem:s1+$0xD800];
	v31 =	vmul.f32 $4.000000000e+00, v9;
	v18 =	vmul.f32 $4.000000000e+00, v5  }
0x2bd: {  	v30 =	vld [tilespmem:s31+$0xE000];
	v15 =	vadd.f32 v9, v9;
	v12 =	vmul.f32 v3, v12;
	v19 =	vmul.f32 v14, v4  }
0x2be: {  	v32 =	vld [tilespmem:s31+$0xE800];
	v29 =	vadd.f32 v9, v22;
	v9 =	vmul.f32 v10, v6;
	v38 =	vmul.f32 v11, v6  }
0x2bf: {  	v33 =	vld [tilespmem:s31+$0xC000];
	v12 =	vsub.f32 $1.500000000e+00, v12;
	v20 =	vmul.f32 v19, v1;
	v21 =	vmul.f32 v19, v2  }
0x2c0: {  	v59 =	vadd.f32 v22, v22;
	v4 =	vld [tilespmem:s31+$0xB800];
	v34 =	vmul.f32 v19, v19;
	v35 =	vmul.f32 v19, v9  }
0x2c1: {  	v10 =	vadd.f32 v8, v8;
	v53 =	vmul.f32 v3, v12;
	v62 =	vmul.f32 v19, v23  }
0x2c2: {  	v26 =	vld [tilespmem:s2+$0xA000];
	v15 =	vadd.f32 v15, v17;
	v36 =	vmul.f32 v20, v27;
	v37 =	vmul.f32 v21, v25  }
0x2c3: {  	v10 =	vadd.f32 v10, v18;
	v0 =	vld [tilespmem:s31+$0xD800];
	v6 =	vmul.f32 v34, v19;
	v39 =	vmul.f32 v21, v24  }
0x2c4: {  	v9 =	vsub.f32 v32, v33;
	v34 =	vmul.f32 v34, v38;
	v54 =	vmul.f32 v20, v25  }
0x2c5: {  	v27 =	vmul.f32 v21, v27;
	v25 =	vmul.f32 v19, v38;
	v11 =	vsub.f32 v30, v4  }
0x2c6: {  	v17 =	vld [tilespmem:s1+$0x8800];
	v14 =	vadd.f32 v8, v5;
	v55 =	vmul.f32 v9, v9;
	v24 =	vmul.f32 v20, v24  }
0x2c7: {  	v1 =	vld [tilespmem:s31+$0xB000];
	v32 =	vadd.f32 v31, v59;
	v56 =	vmul.f32 v53, v28;
	v4 =	vmul.f32 v11, v11  }
0x2c8: {  	v18 =	vld [tilespmem:s1+$0x9000];
	v2 =	vadd.f32 v0, v0;
	v57 =	vmul.f32 v21, v26;
	v30 =	vmul.f32 v20, v26  }
0x2c9: {  	v12 =	vld [tilespmem:s31+$0x9000];
	v40 =	vmul.f32 v6, v38;
	v36 =	vadd.f32 v37, v36;
	v4 =	vadd.f32 v55, v4  }
0x2ca: {  	v6 =	vld [tilespmem:s31+$0x8800];
	[tilespmem:s2+$0x17800] =	vst v20;
	v27 =	vsub.f32 v54, v27;
	v38 =	vmul.f32 v56, v53;
	v60 =	vsub.f32 v24, v57  }
0x2cb: {  	[tilespmem:s2+$0x18000] =	vst v21;
	v41 =	vmul.f32 $6.000000000e+00, v34;
	v22 =	vshrl.u32 v4, $0x1;
	v26 =	vmul.f32 $5.000000000e-01, v4  }
0x2cc: {  	v3 =	vadd.f32 v0, v1;
	v30 =	vadd.f32 v39, v30;
	[tilespmem:s2+$0x15000] =	vst v36;
	v22 =	vsub.s32 $0x5F3759DF, v22  }
0x2cd: {  	v58 =	vmul.f32 $1.200000000e+01, v40;
	[tilespmem:s2+$0x15800] =	vst v27;
	v61 =	vsub.f32 $1.500000000e+00, v38;
	v42 =	vmul.f32 v22, v26  }
0x2ce: {  	v43 =	vsub.f32 v60, v27;
	v44 =	vmul.f32 v41, v29;
	[tilespmem:s2+$0x14000] =	vst v30;
	v31 =	vsub.f32 v30, v36  }
0x2cf: {  	v34 =	vsub.f32 v27, v60;
	v24 =	vld [tilespmem:s1+$0xA800];
	[tilespmem:s2+$0x14800] =	vst v60;
	v33 =	vmul.f32 v61, v53;
	v29 =	vmul.f32 v22, v42  }
0x2d0: {  	v38 =	vsub.f32 v36, v30;
	v63 =	vmul.f32 v43, v58;
	v23 =	vld [tilespmem:s1+$0xA000];
	[tilespmem:s2+$0x17000] =	vst v62;
	v37 =	vmul.f32 v31, v35  }
0x2d1: {  	v31 =	vmul.f32 v43, v41;
	v30 =	vld [tilespmem:s1+$0x9800];
	v27 =	vsub.f32 $1.500000000e+00, v29;
	v29 =	vmul.f32 v33, v28  }
0x2d2: {  	s3 =	simm.s32 $0xC0;
	v39 =	vadd.f32 v63, v44;
	v36 =	vmul.f32 v37, v20;
	v35 =	vmul.f32 v37, v21;
	v28 =	vld [tilespmem:s1+$0xD000];
	[tilespmem:s2+$0xF000] =	vst v37  }
.LBB3_5:
0x2d3: {  	s4 =	sshra.s32 s3, $0x2;
	p3 =	sne.s32 s3, $0x1F00;
	s3 =	sadd.s32 $0x40, s3;
	v40 =	vld [tilespmem:s1+$0xC800];
	v41 =	vmul.f32 v29, v33;
	v37 =	vsub.f32 $0.0e+00, v37;
	[tilespmem:s2+$0x16000] =	vst v38;
	v34 =	vmul.f32 v34, v19;
	v29 =	vmovc v26  }
0x2d4: {  	v26 =	vld [tilespmem:s4+$0xD800];
	v19 =	vsub.f32 $0.0e+00, v39;
	v21 =	vmul.f32 v39, v21;
	v20 =	vmul.f32 v39, v20;
	[tilespmem:s2+$0xF800] =	vst v39  }
0x2d5: {  	v42 =	vmul.f32 v25, v15;
	v15 =	vmovc v10;
	v39 =	vmul.f32 $4.000000000e+00, v1;
	v38 =	vld [tilespmem:s4+$0xE800];
	v41 =	vsub.f32 $1.500000000e+00, v41;
	[tilespmem:s2+$0x10800] =	vst v37  }
0x2d6: {  	v25 =	vmul.f32 v25, v32;
	v37 =	vld [tilespmem:s4+$0xB000];
	v21 =	vsub.f32 v36, v21;
	v32 =	vadd.f32 v20, v35;
	[tilespmem:s2+$0x11000] =	vst v19  }
0x2d7: {  	v10 =	vadd.f32 v2, v39;
	v35 =	vld [tilespmem:s4+$0xE000];
	v19 =	vmul.f32 v41, v33;
	v33 =	vmul.f32 $4.000000000e+00, v8;
	[tilespmem:s2+$0x16800] =	vst v34;
	v8 =	vmovc v0  }
0x2d8: {  	v36 =	vmul.f32 v18, v17;
	v18 =	vmovc v12;
	v34 =	vld [tilespmem:s4+$0xB800];
	v39 =	vsub.f32 $0.0e+00, v21;
	v41 =	vsub.f32 $0.0e+00, v32;
	[tilespmem:s2+$0x12000] =	vst v21  }
0x2d9: {  	v43 =	vld [tilespmem:s4+$0xC000];
	v20 =	vmul.f32 v19, v13;
	v21 =	vmul.f32 v19, v16;
	[tilespmem:s2+$0x12800] =	vst v32;
	v0 =	vmovc v26;
	v13 =	vmov v11  }
0x2da: {  	v36 =	vmul.f32 v19, v36;
	v16 =	vld [tilespmem:s4+$0x8800];
	v2 =	vadd.f32 v26, v0;
	v26 =	vmul.f32 v19, v19;
	[tilespmem:s2+$0x13000] =	vst v39  }
0x2db: {  	v25 =	vadd.f32 v31, v25;
	v12 =	vld [tilespmem:s4+$0x9000];
	v32 =	vmul.f32 v20, v40;
	v39 =	vmul.f32 v21, v28;
	[tilespmem:s2+$0x13800] =	vst v41  }
0x2dc: {  	v31 =	vadd.f32 v31, v42;
	v17 =	vmul.f32 v30, v17;
	v30 =	vmul.f32 v26, v19;
	[tilespmem:s1+$0x17800] =	vst v20  }
0x2dd: {  	v11 =	vsub.f32 v35, v34;
	v34 =	vmul.f32 v20, v23;
	v35 =	vmul.f32 v21, v24;
	[tilespmem:s2+$0x11800] =	vst v25  }
0x2de: {  	v26 =	vmul.f32 v26, v17;
	v38 =	vsub.f32 v38, v43;
	v30 =	vmul.f32 v30, v17;
	[tilespmem:s2+$0x10000] =	vst v31;
	s2 =	smov.u32 s1;
	s1 =	smov.u32 s31;
	s31 =	smov.u32 s4  }
0x2df: {  	v39 =	vadd.f32 v39, v32;
	v25 =	vmul.f32 v19, v17;
	v31 =	vmul.f32 v11, v11;
	[tilespmem:s2+$0x18000] =	vst v21  }
0x2e0: {  	v41 =	vadd.f32 v0, v37;
	v17 =	vmovc v6;
	v6 =	vmovc v16;
	v32 =	vmul.f32 v38, v38;
	v30 =	vmul.f32 $1.200000000e+01, v30  }
0x2e1: {  	v27 =	vmul.f32 v22, v27;
	v24 =	vmul.f32 v20, v24;
	v16 =	vmovc v9;
	v9 =	vmov v38;
	[tilespmem:s2+$0x15000] =	vst v39  }
0x2e2: {  	v28 =	vmul.f32 v20, v28;
	v31 =	vadd.f32 v32, v31;
	v32 =	vmul.f32 v21, v40  }
0x2e3: {  	v42 =	vadd.f32 v5, v5;
	v5 =	vmovc v1;
	v1 =	vmovc v37;
	v38 =	vmul.f32 v27, v29;
	v40 =	vmul.f32 $6.000000000e+00, v26  }
0x2e4: {  	v23 =	vmul.f32 v21, v23;
	v22 =	vshrl.u32 v31, $0x1;
	v26 =	vmul.f32 $5.000000000e-01, v31  }
0x2e5: {  	v37 =	vmul.f32 v38, v27;
	v28 =	vsub.f32 v28, v32;
	v22 =	vsub.s32 $0x5F3759DF, v22  }
0x2e6: {  	v43 =	vmul.f32 v19, v7;
	v7 =	vmovc v4;
	v35 =	vadd.f32 v35, v34;
	v23 =	vsub.f32 v24, v23  }
0x2e7: {  	v34 =	vsub.f32 $1.500000000e+00, v37;
	v32 =	vadd.f32 v33, v42;
	v4 =	vmovc v31;
	v24 =	vmul.f32 v22, v26;
	[tilespmem:s2+$0x15800] =	vst v28  }
.Ltmp3:
0x2e8: {  	v31 =	vsub.f32 v35, v39;
	v44 =	vmul.f32 v40, v14;
	v42 =	vsub.f32 v23, v28;
	[tilespmem:s2+$0x14000] =	vst v35;
	(pc) =	sbr.rel @p3 .LBB3_5-.Ltmp3, $4  }
0x2e9: {  	v33 =	vmul.f32 v34, v27;
	v34 =	vsub.f32 v28, v23;
	v45 =	vmul.f32 v22, v24;
	v24 =	vld [tilespmem:s1+$0xA800];
	[tilespmem:s2+$0x14800] =	vst v23  }
0x2ea: {  	v38 =	vsub.f32 v39, v35;
	v37 =	vmul.f32 v31, v36;
	v36 =	vmul.f32 v42, v30;
	v23 =	vld [tilespmem:s1+$0xA000];
	[tilespmem:s2+$0x17000] =	vst v43  }
0x2eb: {  	v14 =	vmovc v3;
	v3 =	vmovc v41;
	v29 =	vmul.f32 v33, v29;
	v31 =	vmul.f32 v42, v40;
	v27 =	vsub.f32 $1.500000000e+00, v45;
	v30 =	vld [tilespmem:s1+$0x9800]  }
0x2ec: {  	v35 =	vmul.f32 v37, v21;
	v39 =	vadd.f32 v36, v44;
	v36 =	vmul.f32 v37, v20;
	v28 =	vld [tilespmem:s1+$0xD000];
	[tilespmem:s2+$0xF000] =	vst v37  }
0x2ed: {  	v40 =	vld [tilespmem:s1+$0xC800];
	v29 =	vmul.f32 v29, v33;
	v37 =	vsub.f32 $0.0e+00, v37;
	[tilespmem:s2+$0x16000] =	vst v38  }
0x2ee: {  	v19 =	vmul.f32 v34, v19;
	v21 =	vmul.f32 v39, v21;
	[tilespmem:s2+$0xF800] =	vst v39  }
0x2ef: {  	v59 =	vsub.f32 $0.0e+00, v39;
	v20 =	vmul.f32 v39, v20;
	v29 =	vsub.f32 $1.500000000e+00, v29;
	[tilespmem:s2+$0x10800] =	vst v37  }
0x2f0: {  	v15 =	vmul.f32 v25, v15;
	v18 =	vmul.f32 v18, v17;
	[tilespmem:s2+$0x16800] =	vst v19;
	v21 =	vsub.f32 v36, v21  }
0x2f1: {  	v22 =	vmul.f32 v22, v27;
	[tilespmem:s2+$0x11000] =	vst v59;
	v20 =	vadd.f32 v20, v35;
	v29 =	vmul.f32 v29, v33  }
0x2f2: {  	v8 =	vmul.f32 $4.000000000e+00, v8;
	v12 =	vmul.f32 v12, v6;
	v19 =	vsub.f32 $0.0e+00, v21;
	[tilespmem:s2+$0x12000] =	vst v21  }
0x2f3: {  	v21 =	vmul.f32 v25, v32;
	v25 =	vsub.f32 $0.0e+00, v20;
	[tilespmem:s2+$0x12800] =	vst v20;
	v13 =	vmul.f32 v29, v13  }
0x2f4: {  	v17 =	vmul.f32 v30, v17;
	v16 =	vmul.f32 v29, v16;
	[tilespmem:s2+$0x13000] =	vst v19  }
0x2f5: {  	v19 =	vmul.f32 v29, v29;
	v21 =	vadd.f32 v31, v21;
	[tilespmem:s2+$0x13800] =	vst v25;
	v20 =	vmul.f32 v13, v40  }
0x2f6: {  	v15 =	vadd.f32 v31, v15;
	v25 =	vmul.f32 v16, v28;
	[tilespmem:s1+$0x17800] =	vst v13;
	v27 =	vmul.f32 v16, v40  }
0x2f7: {  	v31 =	vmul.f32 v16, v24;
	v24 =	vmul.f32 v13, v24;
	[tilespmem:s2+$0x11800] =	vst v21  }
0x2f8: {  	v21 =	vmul.f32 v13, v28;
	[tilespmem:s2+$0x10000] =	vst v15;
	v15 =	vadd.f32 v25, v20;
	v20 =	vmul.f32 v22, v26  }
0x2f9: {  	v5 =	vadd.f32 v5, v5;
	v28 =	vmul.f32 v13, v23;
	v23 =	vmul.f32 v16, v23  }
0x2fa: {  	[tilespmem:s1+$0x18000] =	vst v16;
	v21 =	vsub.f32 v21, v27;
	v27 =	vmul.f32 v19, v29;
	v20 =	vmul.f32 v20, v22  }
0x2fb: {  	v18 =	vmul.f32 v29, v18;
	v25 =	vadd.f32 v31, v28;
	v19 =	vmul.f32 v19, v17;
	[tilespmem:s1+$0x15000] =	vst v15  }
0x2fc: {  	v23 =	vsub.f32 v24, v23;
	[tilespmem:s1+$0x15800] =	vst v21;
	v24 =	vmul.f32 v27, v17;
	v20 =	vsub.f32 $1.500000000e+00, v20  }
0x2fd: {  	v7 =	vmul.f32 v29, v7;
	[tilespmem:s1+$0x14000] =	vst v25;
	v28 =	vsub.f32 v25, v15;
	v19 =	vmul.f32 $6.000000000e+00, v19  }
0x2fe: {  	v30 =	vsub.f32 v23, v21;
	v27 =	vld [tilespmem:s31+$0xA800];
	[tilespmem:s1+$0x14800] =	vst v23;
	v24 =	vmul.f32 $1.200000000e+01, v24;
	v20 =	vmul.f32 v20, v22  }
0x2ff: {  	v5 =	vadd.f32 v8, v5;
	v8 =	vmul.f32 v19, v14;
	v22 =	vld [tilespmem:s31+$0xA000];
	[tilespmem:s1+$0x17000] =	vst v7;
	v7 =	vmul.f32 v28, v18  }
0x300: {  	v21 =	vsub.f32 v21, v23;
	v14 =	vmul.f32 v30, v24;
	v26 =	vmul.f32 v20, v26  }
0x301: {  	v0 =	vmul.f32 $4.000000000e+00, v0;
	v17 =	vmul.f32 v29, v17;
	v15 =	vsub.f32 v15, v25;
	v18 =	vld [tilespmem:s31+$0x9800]  }
0x302: {  	v21 =	vmul.f32 v21, v29;
	v24 =	vld [tilespmem:s31+$0xD000];
	[tilespmem:s1+$0xF000] =	vst v7;
	v8 =	vadd.f32 v14, v8;
	v23 =	vmul.f32 v26, v20  }
0x303: {  	v14 =	vmul.f32 v7, v13;
	v25 =	vld [tilespmem:s31+$0xC800];
	[tilespmem:s1+$0x16000] =	vst v15;
	v26 =	vmul.f32 v7, v16  }
0x304: {  	[tilespmem:s1+$0x16800] =	vst v21;
	v7 =	vsub.f32 $0.0e+00, v7;
	v16 =	vmul.f32 v8, v16;
	v15 =	vsub.f32 $1.500000000e+00, v23  }
0x305: {  	v19 =	vmul.f32 v30, v19;
	[tilespmem:s1+$0xF800] =	vst v8;
	v23 =	vsub.f32 $0.0e+00, v8;
	v8 =	vmul.f32 v8, v13  }
0x306: {  	v10 =	vmul.f32 v17, v10;
	[tilespmem:s1+$0x10800] =	vst v7;
	v13 =	vsub.f32 v14, v16;
	v7 =	vmul.f32 v15, v20  }
0x307: {  	v5 =	vmul.f32 v17, v5;
	v6 =	vmul.f32 v18, v6;
	[tilespmem:s1+$0x11000] =	vst v23;
	v8 =	vadd.f32 v8, v26  }
0x308: {  	v14 =	vsub.f32 $0.0e+00, v13;
	[tilespmem:s1+$0x12000] =	vst v13;
	v11 =	vmul.f32 v7, v11;
	v9 =	vmul.f32 v7, v9  }
0x309: {  	v13 =	vmul.f32 v7, v7;
	v15 =	vsub.f32 $0.0e+00, v8;
	[tilespmem:s1+$0x12800] =	vst v8;
	v4 =	vmul.f32 v7, v4  }
0x30a: {  	[tilespmem:s1+$0x13000] =	vst v14;
	v8 =	vmul.f32 v11, v25;
	v16 =	vmul.f32 v9, v24  }
0x30b: {  	v5 =	vadd.f32 v19, v5;
	v14 =	vmul.f32 v13, v7;
	[tilespmem:s1+$0x13800] =	vst v15;
	v15 =	vmul.f32 v11, v22  }
0x30c: {  	v10 =	vadd.f32 v19, v10;
	v17 =	vmul.f32 v9, v27;
	v18 =	vmul.f32 v11, v24;
	[tilespmem:s31+$0x17800] =	vst v11  }
0x30d: {  	v19 =	vmul.f32 v9, v25;
	v20 =	vmul.f32 v9, v22;
	[tilespmem:s1+$0x11800] =	vst v5  }
0x30e: {  	v5 =	vmul.f32 v11, v27;
	[tilespmem:s1+$0x10000] =	vst v10;
	v8 =	vadd.f32 v16, v8;
	v15 =	vadd.f32 v17, v15  }
0x30f: {  	v13 =	vmul.f32 v13, v6;
	v10 =	vsub.f32 v18, v19;
	v14 =	vmul.f32 v14, v6;
	[tilespmem:s31+$0x18000] =	vst v9  }
0x310: {  	v12 =	vmul.f32 v7, v12;
	[tilespmem:s31+$0x17000] =	vst v4;
	v5 =	vsub.f32 v5, v20;
	v16 =	vsub.f32 v15, v8  }
0x311: {  	v13 =	vmul.f32 $6.000000000e+00, v13;
	[tilespmem:s31+$0x15000] =	vst v8;
	v14 =	vmul.f32 $1.200000000e+01, v14  }
0x312: {  	[tilespmem:s31+$0x15800] =	vst v10;
	v8 =	vsub.f32 v8, v15;
	v17 =	vsub.f32 v5, v10;
	v12 =	vmul.f32 v16, v12  }
0x313: {  	[tilespmem:s31+$0x14000] =	vst v15;
	v16 =	vmul.f32 $4.000000000e+00, v1;
	v1 =	vadd.f32 v1, v1;
	v4 =	vsub.f32 v10, v5  }
0x314: {  	v3 =	vmul.f32 v13, v3;
	[tilespmem:s31+$0x14800] =	vst v5;
	v14 =	vmul.f32 v17, v14  }
0x315: {  	v6 =	vmul.f32 v7, v6;
	[tilespmem:s31+$0x16000] =	vst v8;
	v4 =	vmul.f32 v4, v7;
	v0 =	vadd.f32 v0, v1  }
0x316: {  	[tilespmem:s31+$0xF000] =	vst v12;
	v5 =	vmul.f32 v12, v11;
	v10 =	vsub.f32 $0.0e+00, v12;
	v3 =	vadd.f32 v14, v3  }
0x317: {  	[tilespmem:s31+$0x16800] =	vst v4;
	v4 =	vmul.f32 v17, v13;
	v0 =	vmul.f32 v6, v0  }
0x318: {  	v8 =	vmul.f32 v12, v9;
	[tilespmem:s31+$0x10800] =	vst v10;
	v12 =	vsub.f32 $0.0e+00, v3;
	v9 =	vmul.f32 v3, v9  }
0x319: {  	[tilespmem:s31+$0xF800] =	vst v3;
	v3 =	vmul.f32 v3, v11;
	v0 =	vadd.f32 v4, v0  }
0x31a: {  	s3 =	sld [smem:$0x7FA];
	v2 =	vadd.f32 v2, v16;
	v1 =	vsub.f32 v5, v9;
	[tilespmem:s31+$0x11000] =	vst v12  }
0x31b: {  	v3 =	vadd.f32 v3, v8;
	[tilespmem:s31+$0x11800] =	vst v0  }
0x31c: {  	v5 =	vsub.f32 $0.0e+00, v1;
	[tilespmem:s31+$0x12000] =	vst v1;
	v1 =	vmul.f32 v6, v2  }
0x31d: {  	s1 =	sadd.s32 s25, s3;
	v2 =	vsub.f32 $0.0e+00, v3;
	[tilespmem:s31+$0x12800] =	vst v3  }
0x31e: {  	s1 =	smul.u32 $0xFA, s1;
	[tilespmem:s31+$0x13000] =	vst v5;
	v1 =	vadd.f32 v4, v1  }
0x31f: {  	s4 =	rddreg [dreg:$0x7];
	[tilespmem:s31+$0x13800] =	vst v2  }
0x320: {  	s3 =	simm.s32 $0xF000;
	s2 =	sadd.s32 s4, s1;
	[tilespmem:s31+$0x10000] =	vst v1  }
0x321: {  	[hbm4b:s2+s13] =	stream.linear.scatter [tilespmem:s3], [sflag:$0x3], $0x7D0, $0x38;
	[tilespmem:$0x1D150] =	vst v63  }
0x322: {  	s3 =	rddreg [dreg:$0x8]  }
0x323: {  	s4 =	simm.s32 $0xF800;
	s2 =	sadd.s32 s3, s1  }
0x324: {  	[hbm4b:s2+s13] =	stream.linear.scatter [tilespmem:s4], [sflag:$0x3], $0x7D0, $0x38;
	[tilespmem:$0x1D150] =	vst v63  }
0x325: {  	s4 =	rddreg [dreg:$0x9]  }
0x326: {  	s3 =	rddreg [dreg:$0xa];
	s2 =	sadd.s32 s4, s1  }
0x327: {  	[hbm4b:s2+s13] =	stream.linear.scatter [tilespmem:s11], [sflag:$0x3], $0x7D0, $0x38;
	[tilespmem:$0x1D150] =	vst v63  }
0x328: {  	s4 =	simm.s32 $0x10800;
	s2 =	sadd.s32 s3, s1;
	s3 =	rddreg [dreg:$0xb]  }
0x329: {  	[hbm4b:s2+s13] =	stream.linear.scatter [tilespmem:s4], [sflag:$0x3], $0x7D0, $0x38;
	[tilespmem:$0x1D150] =	vst v63  }
0x32a: {  	s2 =	sadd.s32 s3, s1;
	s4 =	simm.s32 $0x11000  }
0x32b: {  	[hbm4b:s2+s13] =	stream.linear.scatter [tilespmem:s4], [sflag:$0x3], $0x7D0, $0x38;
	[tilespmem:$0x1D150] =	vst v63  }
0x32c: {  	s4 =	rddreg [dreg:$0xc]  }
0x32d: {  	s3 =	rddreg [dreg:$0xd];
	s2 =	sadd.s32 s4, s1  }
0x32e: {  	[hbm4b:s2+s13] =	stream.linear.scatter [tilespmem:s12], [sflag:$0x3], $0x7D0, $0x38;
	[tilespmem:$0x1D150] =	vst v63  }
0x32f: {  	s4 =	rddreg [dreg:$0x17];
	s2 =	sadd.s32 s3, s1  }
0x330: {  	[hbm4b:s2+s13] =	stream.linear.scatter [tilespmem:s14], [sflag:$0x3], $0x7D0, $0x38;
	[tilespmem:$0x1D150] =	vst v63  }
0x331: {  	s3 =	rddreg [dreg:$0x18];
	s2 =	sadd.s32 s4, s1  }
0x332: {  	[hbm4b:s2+s13] =	stream.linear.scatter [tilespmem:s15], [sflag:$0x3], $0x7D0, $0x38;
	[tilespmem:$0x1D150] =	vst v63  }
0x333: {  	s4 =	rddreg [dreg:$0x19];
	s2 =	sadd.s32 s3, s1  }
0x334: {  	[hbm4b:s2+s13] =	stream.linear.scatter [tilespmem:s16], [sflag:$0x3], $0x7D0, $0x38;
	[tilespmem:$0x1D150] =	vst v63  }
0x335: {  	s3 =	rddreg [dreg:$0x1a];
	s2 =	sadd.s32 s4, s1  }
0x336: {  	[hbm4b:s2+s13] =	stream.linear.scatter [tilespmem:s17], [sflag:$0x3], $0x7D0, $0x38;
	[tilespmem:$0x1D150] =	vst v63  }
0x337: {  	s4 =	simm.s32 $0x14000;
	s2 =	sadd.s32 s3, s1;
	s3 =	rddreg [dreg:$0x1b]  }
0x338: {  	[hbm4b:s2+s13] =	stream.linear.scatter [tilespmem:s4], [sflag:$0x3], $0x7D0, $0x38;
	[tilespmem:$0x1D150] =	vst v63  }
0x339: {  	s2 =	sadd.s32 s3, s1;
	s4 =	simm.s32 $0x14800;
	s3 =	rddreg [dreg:$0x1c]  }
0x33a: {  	[hbm4b:s2+s13] =	stream.linear.scatter [tilespmem:s4], [sflag:$0x3], $0x7D0, $0x38;
	[tilespmem:$0x1D150] =	vst v63  }
0x33b: {  	s2 =	sadd.s32 s3, s1;
	s4 =	simm.s32 $0x15000;
	s3 =	rddreg [dreg:$0x1d]  }
0x33c: {  	[hbm4b:s2+s13] =	stream.linear.scatter [tilespmem:s4], [sflag:$0x3], $0x7D0, $0x38;
	[tilespmem:$0x1D150] =	vst v63  }
0x33d: {  	s2 =	sadd.s32 s3, s1;
	s4 =	simm.s32 $0x15800;
	s3 =	rddreg [dreg:$0x10]  }
0x33e: {  	[hbm4b:s2+s13] =	stream.linear.scatter [tilespmem:s4], [sflag:$0x3], $0x7D0, $0x38;
	[tilespmem:$0x1D150] =	vst v63  }
0x33f: {  	s2 =	sadd.s32 s3, s1;
	s4 =	simm.s32 $0x16000;
	s3 =	rddreg [dreg:$0x11]  }
0x340: {  	[hbm4b:s2+s13] =	stream.linear.scatter [tilespmem:s4], [sflag:$0x3], $0x7D0, $0x38;
	[tilespmem:$0x1D150] =	vst v63  }
0x341: {  	s2 =	sadd.s32 s3, s1;
	s4 =	simm.s32 $0x16800;
	s3 =	rddreg [dreg:$0x12]  }
0x342: {  	[hbm4b:s2+s13] =	stream.linear.scatter [tilespmem:s4], [sflag:$0x3], $0x7D0, $0x38;
	[tilespmem:$0x1D150] =	vst v63  }
0x343: {  	s2 =	sadd.s32 s3, s1;
	s4 =	simm.s32 $0x17000;
	s3 =	rddreg [dreg:$0x13]  }
0x344: {  	[hbm4b:s2+s13] =	stream.linear.scatter [tilespmem:s4], [sflag:$0x3], $0x7D0, $0x38;
	[tilespmem:$0x1D150] =	vst v63  }
0x345: {  	s2 =	sadd.s32 s3, s1;
	s4 =	simm.s32 $0x17800;
	s3 =	rddreg [dreg:$0x14]  }
0x346: {  	[hbm4b:s2+s13] =	stream.linear.scatter [tilespmem:s4], [sflag:$0x3], $0x7D0, $0x38;
	[tilespmem:$0x1D150] =	vst v63  }
0x347: {  	s2 =	sadd.s32 s3, s1;
	s4 =	simm.s32 $0x18000;
	s3 =	rddreg [dreg:$0xe]  }
0x348: {  	[hbm4b:s2+s13] =	stream.linear.scatter [tilespmem:s4], [sflag:$0x3], $0x7D0, $0x38;
	[tilespmem:$0x1D150] =	vst v63  }
0x349: {  	s2 =	sadd.s32 s3, s1;
	s4 =	simm.s32 $0xB000  }
0x34a: {  	[hbm4b:s2+s13] =	stream.linear.scatter [tilespmem:s4], [sflag:$0x3], $0x7D0, $0x38;
	[tilespmem:$0x1D150] =	vst v63  }
0x34b: {  	s4 =	rddreg [dreg:$0xf]  }
0x34c: {  	s3 =	simm.s32 $0xD800;
	s1 =	sadd.s32 s4, s1  }
0x34d: {  	[hbm4b:s1+s13] =	stream.linear.scatter [tilespmem:s3], [sflag:$0x3], $0x7D0, $0x38;
	[tilespmem:$0x1D150] =	vst v63  }
0x34e: {  	_ = 	snop  }
0x34f: {  	[spmem:s21] =	stream.indirect.scatter.add.f32 [tilespmem:s14], [sflag:$0x4], $0x1, s6, s10, $0xb8;
	[tilespmem:$0x1D150] =	vst v63  }
0x350: {  	_ = 	snop  }
0x351: {  	[spmem:s23] =	stream.indirect.scatter.add.f32 [tilespmem:s15], [sflag:$0x4], $0x1, s6, s10, $0xb8;
	[tilespmem:$0x1D150] =	vst v63  }
0x352: {  	_ = 	snop  }
0x353: {  	[spmem:s24] =	stream.indirect.scatter.add.f32 [tilespmem:s11], [sflag:$0x4], $0x1, s6, s10, $0xb8;
	[tilespmem:$0x1D150] =	vst v63  }
0x354: {  	_ = 	snop  }
0x355: {  	[spmem:s21] =	stream.indirect.scatter.add.f32 [tilespmem:s16], [sflag:$0x4], $0x1, s5, s10, $0xb8;
	[tilespmem:$0x1D150] =	vst v63  }
0x356: {  	_ = 	snop  }
0x357: {  	[spmem:s23] =	stream.indirect.scatter.add.f32 [tilespmem:s17], [sflag:$0x4], $0x1, s5, s10, $0xb8;
	[tilespmem:$0x1D150] =	vst v63  }
0x358: {  	_ = 	snop  }
0x359: {  	[spmem:s24] =	stream.indirect.scatter.add.f32 [tilespmem:s12], [sflag:$0x4], $0x1, s5, s10, $0xb8;
	[tilespmem:$0x1D150] =	vst v63  }
0x35a: {  	_ =	swait.ge [sflag:s9], $0x7D0  }
0x35b: {  	[sflag:s9] =	ssyncset.done $0x0  }
0x35c: {  	[sflag:s9] =	ssyncadd.s32 $0xFFFFF830  }
0x35d: {  	_ =	swait.ge [sflag:s9], $0x7D0  }
0x35e: {  	[sflag:s9] =	ssyncset.done $0x0  }
0x35f: {  	[sflag:s9] =	ssyncadd.s32 $0xFFFFF830  }
0x360: {  	_ =	swait.ge [sflag:s9], $0x7D0  }
0x361: {  	[sflag:s9] =	ssyncset.done $0x0  }
0x362: {  	[sflag:s9] =	ssyncadd.s32 $0xFFFFF830  }
0x363: {  	_ =	swait.ge [sflag:s9], $0x7D0  }
0x364: {  	[sflag:s9] =	ssyncset.done $0x0  }
0x365: {  	[sflag:s9] =	ssyncadd.s32 $0xFFFFF830  }
0x366: {  	_ =	swait.ge [sflag:s9], $0x7D0  }
0x367: {  	[sflag:s9] =	ssyncset.done $0x0  }
0x368: {  	s4 =	simm.s32 $0x2800;
	[sflag:s9] =	ssyncadd.s32 $0xFFFFF830  }
0x369: {  	[tilespmem:s4], [sflag:$0x2] =	stream.indirect.gather [hbm4b:s26+s10], $0x1, s13, s10, $0xb8;
	[tilespmem:$0x1D150] =	vst v63  }
0x36a: {  	s2 =	simm.s32 $0x3000  }
0x36b: {  	[tilespmem:s2], [sflag:$0x2] =	stream.indirect.gather [hbm4b:s28+s10], $0x1, s13, s10, $0xb8;
	[tilespmem:$0x1D150] =	vst v63  }
0x36c: {  	s3 =	simm.s32 $0x3800  }
0x36d: {  	[tilespmem:s3], [sflag:$0x2] =	stream.indirect.gather [hbm4b:s29+s10], $0x1, s13, s10, $0xb8;
	[tilespmem:$0x1D150] =	vst v63  }
0x36e: {  	s4 =	simm.s32 $0x4000  }
0x36f: {  	[tilespmem:s4], [sflag:$0x2] =	stream.indirect.gather [hbm4b:s30+s10], $0x1, s13, s10, $0xb8;
	[tilespmem:$0x1D150] =	vst v63  }
0x370: {  	s31 =	rddreg [dreg:$0x1];
	s2 =	simm.s32 $0x4800  }
0x371: {  	[tilespmem:s2], [sflag:$0x2] =	stream.indirect.gather [hbm4b:s31+s10], $0x1, s13, s10, $0xb8;
	[tilespmem:$0x1D150] =	vst v63  }
0x372: {  	s3 =	simm.s32 $0x5000  }
0x373: {  	[tilespmem:s3], [sflag:$0x2] =	stream.indirect.gather [hbm4b:s26+s10], $0x1, s8, s10, $0xb8;
	[tilespmem:$0x1D150] =	vst v63  }
0x374: {  	s4 =	simm.s32 $0x5800  }
0x375: {  	[tilespmem:s4], [sflag:$0x2] =	stream.indirect.gather [hbm4b:s28+s10], $0x1, s8, s10, $0xb8;
	[tilespmem:$0x1D150] =	vst v63  }
0x376: {  	s2 =	simm.s32 $0x6000  }
0x377: {  	[tilespmem:s2], [sflag:$0x2] =	stream.indirect.gather [hbm4b:s29+s10], $0x1, s8, s10, $0xb8;
	[tilespmem:$0x1D150] =	vst v63  }
0x378: {  	s3 =	simm.s32 $0x6800  }
0x379: {  	[tilespmem:s3], [sflag:$0x2] =	stream.indirect.gather [hbm4b:s30+s10], $0x1, s8, s10, $0xb8;
	[tilespmem:$0x1D150] =	vst v63  }
0x37a: {  	s4 =	simm.s32 $0x7000  }
0x37b: {  	[tilespmem:s4], [sflag:$0x2] =	stream.indirect.gather [hbm4b:s31+s10], $0x1, s8, s10, $0xb8;
	[tilespmem:$0x1D150] =	vst v63  }
0x37c: {  	_ =	swait.ge [sflag:s18], $0x7D0  }
0x37d: {  	[sflag:s18] =	ssyncset.done $0x0  }
0x37e: {  	[sflag:s18] =	ssyncadd.s32 $0xFFFFF830  }
0x37f: {  	_ =	swait.ge [sflag:s18], $0x7D0  }
0x380: {  	[sflag:s18] =	ssyncset.done $0x0  }
0x381: {  	[sflag:s18] =	ssyncadd.s32 $0xFFFFF830  }
0x382: {  	_ =	swait.ge [sflag:s18], $0x7D0  }
0x383: {  	[sflag:s18] =	ssyncset.done $0x0  }
0x384: {  	[sflag:s18] =	ssyncadd.s32 $0xFFFFF830  }
0x385: {  	_ =	swait.ge [sflag:s18], $0x7D0  }
0x386: {  	[sflag:s18] =	ssyncset.done $0x0  }
0x387: {  	[sflag:s18] =	ssyncadd.s32 $0xFFFFF830  }
0x388: {  	_ =	swait.ge [sflag:s18], $0x7D0  }
0x389: {  	[sflag:s18] =	ssyncset.done $0x0  }
0x38a: {  	[sflag:s18] =	ssyncadd.s32 $0xFFFFF830  }
0x38b: {  	_ =	swait.ge [sflag:s18], $0x7D0  }
0x38c: {  	[sflag:s18] =	ssyncset.done $0x0  }
0x38d: {  	[sflag:s18] =	ssyncadd.s32 $0xFFFFF830  }
0x38e: {  	_ =	swait.ge [sflag:s18], $0x7D0  }
0x38f: {  	[sflag:s18] =	ssyncset.done $0x0  }
0x390: {  	[sflag:s18] =	ssyncadd.s32 $0xFFFFF830  }
0x391: {  	_ =	swait.ge [sflag:s18], $0x7D0  }
0x392: {  	[sflag:s18] =	ssyncset.done $0x0  }
0x393: {  	[sflag:s18] =	ssyncadd.s32 $0xFFFFF830  }
0x394: {  	_ =	swait.ge [sflag:s18], $0x7D0  }
0x395: {  	[sflag:s18] =	ssyncset.done $0x0  }
0x396: {  	[sflag:s18] =	ssyncadd.s32 $0xFFFFF830  }
0x397: {  	_ =	swait.ge [sflag:s18], $0x7D0  }
0x398: {  	[sflag:s18] =	ssyncset.done $0x0  }
0x399: {  	[sflag:s18] =	ssyncadd.s32 $0xFFFFF830  }
0x39a: {  	_ =	swait.ge [sflag:s18], $0x7D0  }
0x39b: {  	[sflag:s18] =	ssyncset.done $0x0  }
0x39c: {  	[sflag:s18] =	ssyncadd.s32 $0xFFFFF830  }
0x39d: {  	_ =	swait.ge [sflag:s18], $0x7D0  }
0x39e: {  	[sflag:s18] =	ssyncset.done $0x0  }
0x39f: {  	[sflag:s18] =	ssyncadd.s32 $0xFFFFF830  }
0x3a0: {  	_ =	swait.ge [sflag:s18], $0x7D0  }
0x3a1: {  	[sflag:s18] =	ssyncset.done $0x0  }
0x3a2: {  	[sflag:s18] =	ssyncadd.s32 $0xFFFFF830  }
0x3a3: {  	_ =	swait.ge [sflag:s18], $0x7D0  }
0x3a4: {  	[sflag:s18] =	ssyncset.done $0x0  }
0x3a5: {  	[sflag:s18] =	ssyncadd.s32 $0xFFFFF830  }
0x3a6: {  	_ =	swait.ge [sflag:s18], $0x7D0  }
0x3a7: {  	[sflag:s18] =	ssyncset.done $0x0  }
0x3a8: {  	[sflag:s18] =	ssyncadd.s32 $0xFFFFF830  }
0x3a9: {  	_ =	swait.ge [sflag:s18], $0x7D0  }
0x3aa: {  	[sflag:s18] =	ssyncset.done $0x0  }
0x3ab: {  	[sflag:s18] =	ssyncadd.s32 $0xFFFFF830  }
0x3ac: {  	_ =	swait.ge [sflag:s18], $0x7D0  }
0x3ad: {  	[sflag:s18] =	ssyncset.done $0x0  }
0x3ae: {  	[sflag:s18] =	ssyncadd.s32 $0xFFFFF830  }
0x3af: {  	_ =	swait.ge [sflag:s18], $0x7D0  }
0x3b0: {  	[sflag:s18] =	ssyncset.done $0x0  }
0x3b1: {  	[sflag:s18] =	ssyncadd.s32 $0xFFFFF830  }
0x3b2: {  	_ =	swait.ge [sflag:s18], $0x7D0  }
0x3b3: {  	[sflag:s18] =	ssyncset.done $0x0  }
0x3b4: {  	[sflag:s18] =	ssyncadd.s32 $0xFFFFF830  }
0x3b5: {  	_ =	swait.ge [sflag:s18], $0x7D0  }
0x3b6: {  	[sflag:s18] =	ssyncset.done $0x0  }
0x3b7: {  	[sflag:s18] =	ssyncadd.s32 $0xFFFFF830  }
0x3b8: {  	_ =	swait.ge [sflag:s18], $0x7D0  }
0x3b9: {  	[sflag:s18] =	ssyncset.done $0x0  }
0x3ba: {  	[sflag:s18] =	ssyncadd.s32 $0xFFFFF830  }
0x3bb: {  	_ =	swait.ge [sflag:s19], $0x7D0  }
0x3bc: {  	[sflag:s19] =	ssyncset.done $0x0  }
0x3bd: {  	[sflag:s19] =	ssyncadd.s32 $0xFFFFF830  }
0x3be: {  	_ =	swait.ge [sflag:s19], $0x7D0  }
0x3bf: {  	[sflag:s19] =	ssyncset.done $0x0  }
0x3c0: {  	[sflag:s19] =	ssyncadd.s32 $0xFFFFF830  }
0x3c1: {  	_ =	swait.ge [sflag:s19], $0x7D0  }
0x3c2: {  	[sflag:s19] =	ssyncset.done $0x0  }
0x3c3: {  	[sflag:s19] =	ssyncadd.s32 $0xFFFFF830  }
0x3c4: {  	_ =	swait.ge [sflag:s19], $0x7D0  }
0x3c5: {  	[sflag:s19] =	ssyncset.done $0x0  }
0x3c6: {  	[sflag:s19] =	ssyncadd.s32 $0xFFFFF830  }
0x3c7: {  	_ =	swait.ge [sflag:s19], $0x7D0  }
0x3c8: {  	[sflag:s19] =	ssyncset.done $0x0  }
0x3c9: {  	[sflag:s19] =	ssyncadd.s32 $0xFFFFF830  }
0x3ca: {  	_ =	swait.ge [sflag:s19], $0x7D0  }
0x3cb: {  	s1 =	sld [smem:$0x7FB];
	_ =	sdelay $0x1  }
0x3cc: {  	p3 =	seq.s32 s0, $0xB  }
0x3cd: {  	[sflag:s19] =	ssyncset.done $0x0;
	s1 =	sadd.s32 @!p3 s25, s1  }
0x3ce: {  	[sflag:s19] =	ssyncadd.s32 $0xFFFFF830;
	s1 =	smul.u32 @!p3 $0xFA, s1  }
0x3cf: {  	s2 =	rddreg [dreg:$0x2]  }
0x3d0: {  	s3 =	simm.s32 @!p3 $0x0;
	s4 =	simm.s32 @!p3 $0x7800;
	s2 =	sadd.s32 @!p3 s2, s1  }
0x3d1: {  	[tilespmem:s4], [sflag:$0x1] =	stream.linear.gather @!p3 [hbm4b:s2+s3], $0x7D0, $0x38;
	[tilespmem:$0x1D150] =	vst v63  }
0x3d2: {  	s2 =	rddreg [dreg:$0x3]  }
0x3d3: {  	s4 =	simm.s32 @!p3 $0x8000;
	s2 =	sadd.s32 @!p3 s2, s1  }
0x3d4: {  	[tilespmem:s4], [sflag:$0x1] =	stream.linear.gather @!p3 [hbm4b:s2+s3], $0x7D0, $0x38;
	[tilespmem:$0x1D150] =	vst v63  }
0x3d5: {  	s2 =	rddreg [dreg:$0x4]  }
0x3d6: {  	s4 =	simm.s32 @!p3 $0x8800;
	s2 =	sadd.s32 @!p3 s2, s1  }
0x3d7: {  	[tilespmem:s4], [sflag:$0x1] =	stream.linear.gather @!p3 [hbm4b:s2+s3], $0x7D0, $0x38;
	[tilespmem:$0x1D150] =	vst v63  }
0x3d8: {  	s2 =	rddreg [dreg:$0x5]  }
0x3d9: {  	s4 =	simm.s32 @!p3 $0x9000;
	s2 =	sadd.s32 @!p3 s2, s1  }
0x3da: {  	[tilespmem:s4], [sflag:$0x1] =	stream.linear.gather @!p3 [hbm4b:s2+s3], $0x7D0, $0x38;
	[tilespmem:$0x1D150] =	vst v63  }
0x3db: {  	s2 =	rddreg [dreg:$0x6]  }
0x3dc: {  	s1 =	sadd.s32 @!p3 s2, s1;
	s2 =	simm.s32 @!p3 $0x9800  }
0x3dd: {  	[tilespmem:s2], [sflag:$0x1] =	stream.linear.gather @!p3 [hbm4b:s1+s3], $0x7D0, $0x38;
	[tilespmem:$0x1D150] =	vst v63  }
0x3de: {  	_ =	swait.ge [sflag:s7], $0x7D0  }
0x3df: {  	[sflag:s7] =	ssyncset.done $0x0  }
0x3e0: {  	[sflag:s7] =	ssyncadd.s32 $0xFFFFF830  }
0x3e1: {  	_ =	swait.ge [sflag:s7], $0x7D0  }
0x3e2: {  	[sflag:s7] =	ssyncset.done $0x0  }
0x3e3: {  	[sflag:s7] =	ssyncadd.s32 $0xFFFFF830  }
0x3e4: {  	_ =	swait.ge [sflag:s7], $0x7D0  }
0x3e5: {  	[sflag:s7] =	ssyncset.done $0x0  }
0x3e6: {  	[sflag:s7] =	ssyncadd.s32 $0xFFFFF830  }
0x3e7: {  	_ =	swait.ge [sflag:s7], $0x7D0  }
0x3e8: {  	[sflag:s7] =	ssyncset.done $0x0  }
0x3e9: {  	[sflag:s7] =	ssyncadd.s32 $0xFFFFF830  }
0x3ea: {  	_ =	swait.ge [sflag:s7], $0x7D0  }
0x3eb: {  	[sflag:s7] =	ssyncset.done $0x0  }
0x3ec: {  	[sflag:s7] =	ssyncadd.s32 $0xFFFFF830  }
0x3ed: {  	_ =	swait.ge [sflag:s7], $0x7D0  }
0x3ee: {  	[sflag:s7] =	ssyncset.done $0x0  }
0x3ef: {  	[sflag:s7] =	ssyncadd.s32 $0xFFFFF830  }
0x3f0: {  	_ =	swait.ge [sflag:s7], $0x7D0  }
0x3f1: {  	[sflag:s7] =	ssyncset.done $0x0  }
0x3f2: {  	[sflag:s7] =	ssyncadd.s32 $0xFFFFF830  }
0x3f3: {  	_ =	swait.ge [sflag:s7], $0x7D0  }
0x3f4: {  	[sflag:s7] =	ssyncset.done $0x0  }
0x3f5: {  	[sflag:s7] =	ssyncadd.s32 $0xFFFFF830  }
0x3f6: {  	_ =	swait.ge [sflag:s7], $0x7D0  }
0x3f7: {  	[sflag:s7] =	ssyncset.done $0x0  }
0x3f8: {  	[sflag:s7] =	ssyncadd.s32 $0xFFFFF830  }
0x3f9: {  	_ =	swait.ge [sflag:s7], $0x7D0  }
0x3fa: {  	[sflag:s7] =	ssyncset.done $0x0  }
0x3fb: {  	s2 =	simm.s32 $0x0;
	[sflag:s7] =	ssyncadd.s32 $0xFFFFF830  }
0x3fc: {  	v0 =	vld [tilespmem:s2+$0x7000]  }
0x3fd: {  	v1 =	vld [tilespmem:s2+$0x6800]  }
0x3fe: {  	v2 =	vld [tilespmem:s2+$0x4000]  }
0x3ff: {  	v3 =	vld [tilespmem:s2+$0x4800];
	_ =	sdelay $0x4  }
0x400: {  	v1 =	vsub.f32 v1, v2;
	v2 =	vsub.f32 v0, v3;
	_ =	sdelay $0x1  }
0x401: {  	v0 =	vmul.f32 v1, v1;
	v3 =	vmul.f32 v2, v2;
	_ =	sdelay $0x1  }
0x402: {  	v23 =	vadd.f32 v3, v0;
	_ =	sdelay $0x1  }
0x403: {  	v0 =	vshrl.u32 v23, $0x1;
	v3 =	vmul.f32 $5.000000000e-01, v23  }
0x404: {  	v0 =	vsub.s32 $0x5F3759DF, v0  }
0x405: {  	v4 =	vmul.f32 v0, v3;
	_ =	sdelay $0x1  }
0x406: {  	v4 =	vmul.f32 v0, v4  }
0x407: {  	s1 =	simm.s32 $0x10  }
0x408: {  	v5 =	vld [tilespmem:s1+$0x7000];
	v4 =	vsub.f32 $1.500000000e+00, v4  }
0x409: {  	v6 =	vld [tilespmem:s1+$0x6800]  }
0x40a: {  	v7 =	vld [tilespmem:s1+$0x4000];
	v0 =	vmul.f32 v0, v4  }
0x40b: {  	v8 =	vld [tilespmem:s1+$0x4800]  }
0x40c: {  	v4 =	vmul.f32 v0, v3;
	_ =	sdelay $0x1  }
0x40d: {  	v4 =	vmul.f32 v4, v0  }
0x40e: {  	v13 =	vsub.f32 v6, v7  }
0x40f: {  	v9 =	vld [tilespmem:s2+$0x6000];
	v16 =	vsub.f32 v5, v8;
	v4 =	vsub.f32 $1.500000000e+00, v4  }
0x410: {  	v22 =	vld [tilespmem:s2+$0x3800];
	v7 =	vmul.f32 v13, v13  }
0x411: {  	v10 =	vld [tilespmem:s2+$0x1800];
	v11 =	vmul.f32 v16, v16;
	v4 =	vmul.f32 v4, v0  }
0x412: {  	v24 =	vld [tilespmem:s2+$0x3000]  }
0x413: {  	v5 =	vld [tilespmem:s1+$0x3800];
	v7 =	vadd.f32 v11, v7;
	v0 =	vmul.f32 v4, v3  }
0x414: {  	v6 =	vld [tilespmem:s2+$0x1000]  }
0x415: {  	v11 =	vld [tilespmem:s2+$0x2000];
	v28 =	vmul.f32 $5.000000000e-01, v7;
	v3 =	vshrl.u32 v7, $0x1;
	v0 =	vmul.f32 v0, v4  }
0x416: {  	v25 =	vld [tilespmem:s2+$0x5800];
	v3 =	vsub.s32 $0x5F3759DF, v3  }
0x417: {  	s25 =	simm.s32 $0x20;
	v27 =	vld [tilespmem:s2+$0x5000];
	v17 =	vmul.f32 $4.000000000e+00, v22;
	v12 =	vmul.f32 v3, v28;
	v14 =	vsub.f32 $1.500000000e+00, v0  }
0x418: {  	v30 =	vld [tilespmem:s25+$0x6800];
	v31 =	vmul.f32 $4.000000000e+00, v9;
	v18 =	vmul.f32 $4.000000000e+00, v5  }
0x419: {  	v60 =	vld [tilespmem:s25+$0x7000];
	v15 =	vadd.f32 v9, v9;
	v12 =	vmul.f32 v3, v12;
	v19 =	vmul.f32 v14, v4  }
0x41a: {  	v61 =	vld [tilespmem:s25+$0x4800];
	v29 =	vadd.f32 v9, v22;
	v9 =	vmul.f32 v10, v6;
	v50 =	vmul.f32 v11, v6  }
0x41b: {  	v8 =	vld [tilespmem:s1+$0x6000];
	v12 =	vsub.f32 $1.500000000e+00, v12;
	v20 =	vmul.f32 v19, v1;
	v21 =	vmul.f32 v19, v2  }
0x41c: {  	v59 =	vadd.f32 v22, v22;
	v4 =	vld [tilespmem:s25+$0x4000];
	v62 =	vmul.f32 v19, v19;
	v63 =	vmul.f32 v19, v9  }
0x41d: {  	v15 =	vadd.f32 v15, v17;
	v53 =	vmul.f32 v3, v12;
	v48 =	vmul.f32 v20, v27  }
0x41e: {  	v26 =	vld [tilespmem:s2+$0x2800];
	v32 =	vadd.f32 v31, v59;
	v49 =	vmul.f32 v21, v25;
	v6 =	vmul.f32 v62, v19  }
0x41f: {  	v0 =	vld [tilespmem:s25+$0x6000];
	v9 =	vsub.f32 v60, v61;
	v51 =	vmul.f32 v21, v24;
	v34 =	vmul.f32 v62, v50  }
0x420: {  	v10 =	vadd.f32 v8, v8;
	v54 =	vmul.f32 v20, v25;
	v27 =	vmul.f32 v21, v27  }
0x421: {  	v25 =	vmul.f32 v19, v50;
	v55 =	vmul.f32 v9, v9;
	v11 =	vsub.f32 v30, v4  }
0x422: {  	v17 =	vld [tilespmem:s1+$0x1000];
	v10 =	vadd.f32 v10, v18;
	v24 =	vmul.f32 v20, v24;
	v56 =	vmul.f32 v53, v28  }
0x423: {  	v14 =	vadd.f32 v8, v5;
	v1 =	vld [tilespmem:s25+$0x3800];
	v57 =	vmul.f32 v21, v26;
	v4 =	vmul.f32 v11, v11  }
0x424: {  	v18 =	vld [tilespmem:s1+$0x1800];
	v2 =	vadd.f32 v0, v0;
	v62 =	vmul.f32 v19, v23;
	v30 =	vmul.f32 v20, v26  }
0x425: {  	v12 =	vld [tilespmem:s25+$0x1800];
	v52 =	vmul.f32 v6, v50;
	v36 =	vadd.f32 v49, v48;
	v4 =	vadd.f32 v55, v4  }
0x426: {  	v6 =	vld [tilespmem:s25+$0x1000];
	[tilespmem:s2+$0x17800] =	vst v20;
	v27 =	vsub.f32 v54, v27;
	v38 =	vmul.f32 v56, v53;
	v60 =	vsub.f32 v24, v57  }
0x427: {  	[tilespmem:s2+$0x18000] =	vst v21;
	v41 =	vmul.f32 $6.000000000e+00, v34;
	v22 =	vshrl.u32 v4, $0x1;
	v26 =	vmul.f32 $5.000000000e-01, v4  }
0x428: {  	v3 =	vadd.f32 v0, v1;
	v30 =	vadd.f32 v51, v30;
	[tilespmem:s2+$0x15000] =	vst v36;
	v22 =	vsub.s32 $0x5F3759DF, v22  }
0x429: {  	v58 =	vmul.f32 $1.200000000e+01, v52;
	[tilespmem:s2+$0x15800] =	vst v27;
	v61 =	vsub.f32 $1.500000000e+00, v38;
	v42 =	vmul.f32 v22, v26  }
0x42a: {  	v43 =	vsub.f32 v60, v27;
	v44 =	vmul.f32 v41, v29;
	[tilespmem:s2+$0x14000] =	vst v30;
	v31 =	vsub.f32 v30, v36  }
0x42b: {  	v34 =	vsub.f32 v27, v60;
	v24 =	vld [tilespmem:s1+$0x3000];
	[tilespmem:s2+$0x14800] =	vst v60;
	v33 =	vmul.f32 v61, v53;
	v29 =	vmul.f32 v22, v42  }
0x42c: {  	v38 =	vsub.f32 v36, v30;
	v23 =	vld [tilespmem:s1+$0x2800];
	[tilespmem:s2+$0x17000] =	vst v62;
	v37 =	vmul.f32 v31, v63;
	v63 =	vmul.f32 v43, v58  }
0x42d: {  	v31 =	vmul.f32 v43, v41;
	v30 =	vld [tilespmem:s1+$0x2000];
	v27 =	vsub.f32 $1.500000000e+00, v29;
	v29 =	vmul.f32 v33, v28  }
0x42e: {  	s3 =	simm.s32 $0xC0;
	v39 =	vadd.f32 v63, v44;
	v36 =	vmul.f32 v37, v20;
	v35 =	vmul.f32 v37, v21;
	v28 =	vld [tilespmem:s1+$0x5800];
	[tilespmem:s2+$0xF000] =	vst v37  }
.LBB3_7:
0x42f: {  	s4 =	sshra.s32 s3, $0x2;
	p4 =	sne.s32 s3, $0x1F00;
	s3 =	sadd.s32 $0x40, s3;
	v40 =	vld [tilespmem:s1+$0x5000];
	v41 =	vmul.f32 v29, v33;
	v37 =	vsub.f32 $0.0e+00, v37;
	[tilespmem:s2+$0x16000] =	vst v38;
	v34 =	vmul.f32 v34, v19;
	v29 =	vmovc v26  }
0x430: {  	v26 =	vld [tilespmem:s4+$0x6000];
	v19 =	vsub.f32 $0.0e+00, v39;
	v21 =	vmul.f32 v39, v21;
	v20 =	vmul.f32 v39, v20;
	[tilespmem:s2+$0xF800] =	vst v39  }
0x431: {  	v42 =	vmul.f32 v25, v15;
	v15 =	vmovc v10;
	v39 =	vmul.f32 $4.000000000e+00, v1;
	v38 =	vld [tilespmem:s4+$0x7000];
	v41 =	vsub.f32 $1.500000000e+00, v41;
	[tilespmem:s2+$0x10800] =	vst v37  }
0x432: {  	v25 =	vmul.f32 v25, v32;
	v37 =	vld [tilespmem:s4+$0x3800];
	v21 =	vsub.f32 v36, v21;
	v32 =	vadd.f32 v20, v35;
	[tilespmem:s2+$0x11000] =	vst v19  }
0x433: {  	v10 =	vadd.f32 v2, v39;
	v35 =	vld [tilespmem:s4+$0x6800];
	v19 =	vmul.f32 v41, v33;
	v33 =	vmul.f32 $4.000000000e+00, v8;
	[tilespmem:s2+$0x16800] =	vst v34;
	v8 =	vmovc v0  }
0x434: {  	v36 =	vmul.f32 v18, v17;
	v18 =	vmovc v12;
	v34 =	vld [tilespmem:s4+$0x4000];
	v39 =	vsub.f32 $0.0e+00, v21;
	v41 =	vsub.f32 $0.0e+00, v32;
	[tilespmem:s2+$0x12000] =	vst v21  }
0x435: {  	v43 =	vld [tilespmem:s4+$0x4800];
	v20 =	vmul.f32 v19, v13;
	v21 =	vmul.f32 v19, v16;
	[tilespmem:s2+$0x12800] =	vst v32;
	v0 =	vmovc v26;
	v13 =	vmov v11  }
0x436: {  	v36 =	vmul.f32 v19, v36;
	v16 =	vld [tilespmem:s4+$0x1000];
	v2 =	vadd.f32 v26, v0;
	v26 =	vmul.f32 v19, v19;
	[tilespmem:s2+$0x13000] =	vst v39  }
0x437: {  	v25 =	vadd.f32 v31, v25;
	v12 =	vld [tilespmem:s4+$0x1800];
	v32 =	vmul.f32 v20, v40;
	v39 =	vmul.f32 v21, v28;
	[tilespmem:s2+$0x13800] =	vst v41  }
0x438: {  	v31 =	vadd.f32 v31, v42;
	v17 =	vmul.f32 v30, v17;
	v30 =	vmul.f32 v26, v19;
	[tilespmem:s1+$0x17800] =	vst v20  }
0x439: {  	v11 =	vsub.f32 v35, v34;
	v34 =	vmul.f32 v20, v23;
	v35 =	vmul.f32 v21, v24;
	[tilespmem:s2+$0x11800] =	vst v25  }
0x43a: {  	v26 =	vmul.f32 v26, v17;
	v38 =	vsub.f32 v38, v43;
	v30 =	vmul.f32 v30, v17;
	[tilespmem:s2+$0x10000] =	vst v31;
	s2 =	smov.u32 s1;
	s1 =	smov.u32 s25;
	s25 =	smov.u32 s4  }
0x43b: {  	v39 =	vadd.f32 v39, v32;
	v25 =	vmul.f32 v19, v17;
	v31 =	vmul.f32 v11, v11;
	[tilespmem:s2+$0x18000] =	vst v21  }
0x43c: {  	v41 =	vadd.f32 v0, v37;
	v17 =	vmovc v6;
	v6 =	vmovc v16;
	v32 =	vmul.f32 v38, v38;
	v30 =	vmul.f32 $1.200000000e+01, v30  }
0x43d: {  	v27 =	vmul.f32 v22, v27;
	v24 =	vmul.f32 v20, v24;
	v16 =	vmovc v9;
	v9 =	vmov v38;
	[tilespmem:s2+$0x15000] =	vst v39  }
0x43e: {  	v28 =	vmul.f32 v20, v28;
	v31 =	vadd.f32 v32, v31;
	v32 =	vmul.f32 v21, v40  }
0x43f: {  	v42 =	vadd.f32 v5, v5;
	v5 =	vmovc v1;
	v1 =	vmovc v37;
	v38 =	vmul.f32 v27, v29;
	v40 =	vmul.f32 $6.000000000e+00, v26  }
0x440: {  	v23 =	vmul.f32 v21, v23;
	v22 =	vshrl.u32 v31, $0x1;
	v26 =	vmul.f32 $5.000000000e-01, v31  }
0x441: {  	v37 =	vmul.f32 v38, v27;
	v28 =	vsub.f32 v28, v32;
	v22 =	vsub.s32 $0x5F3759DF, v22  }
0x442: {  	v43 =	vmul.f32 v19, v7;
	v7 =	vmovc v4;
	v35 =	vadd.f32 v35, v34;
	v23 =	vsub.f32 v24, v23  }
0x443: {  	v34 =	vsub.f32 $1.500000000e+00, v37;
	v32 =	vadd.f32 v33, v42;
	v4 =	vmovc v31;
	v24 =	vmul.f32 v22, v26;
	[tilespmem:s2+$0x15800] =	vst v28  }
.Ltmp4:
0x444: {  	v31 =	vsub.f32 v35, v39;
	v44 =	vmul.f32 v40, v14;
	v42 =	vsub.f32 v23, v28;
	[tilespmem:s2+$0x14000] =	vst v35;
	(pc) =	sbr.rel @p4 .LBB3_7-.Ltmp4, $4  }
0x445: {  	v33 =	vmul.f32 v34, v27;
	v34 =	vsub.f32 v28, v23;
	v45 =	vmul.f32 v22, v24;
	v24 =	vld [tilespmem:s1+$0x3000];
	[tilespmem:s2+$0x14800] =	vst v23  }
0x446: {  	v38 =	vsub.f32 v39, v35;
	v37 =	vmul.f32 v31, v36;
	v36 =	vmul.f32 v42, v30;
	v23 =	vld [tilespmem:s1+$0x2800];
	[tilespmem:s2+$0x17000] =	vst v43  }
0x447: {  	v14 =	vmovc v3;
	v3 =	vmovc v41;
	v29 =	vmul.f32 v33, v29;
	v31 =	vmul.f32 v42, v40;
	v27 =	vsub.f32 $1.500000000e+00, v45;
	v30 =	vld [tilespmem:s1+$0x2000]  }
0x448: {  	v35 =	vmul.f32 v37, v21;
	v39 =	vadd.f32 v36, v44;
	v36 =	vmul.f32 v37, v20;
	v28 =	vld [tilespmem:s1+$0x5800];
	[tilespmem:s2+$0xF000] =	vst v37  }
0x449: {  	v29 =	vmul.f32 v29, v33;
	v19 =	vmul.f32 v34, v19  }
0x44a: {  	v15 =	vmul.f32 v25, v15;
	v18 =	vmul.f32 v18, v17  }
0x44b: {  	v40 =	vld [tilespmem:s1+$0x5000];
	v37 =	vsub.f32 $0.0e+00, v37;
	[tilespmem:s2+$0x16000] =	vst v38;
	v22 =	vmul.f32 v22, v27;
	v8 =	vmul.f32 $4.000000000e+00, v8  }
0x44c: {  	v12 =	vmul.f32 v12, v6;
	v21 =	vmul.f32 v39, v21;
	[tilespmem:s2+$0xF800] =	vst v39;
	v29 =	vsub.f32 $1.500000000e+00, v29  }
0x44d: {  	v0 =	vmul.f32 $4.000000000e+00, v0;
	v63 =	vsub.f32 $0.0e+00, v39;
	v20 =	vmul.f32 v39, v20;
	[tilespmem:s2+$0x10800] =	vst v37  }
0x44e: {  	[tilespmem:s2+$0x16800] =	vst v19;
	v50 =	vmul.f32 v22, v26;
	v21 =	vsub.f32 v36, v21;
	v29 =	vmul.f32 v29, v33  }
0x44f: {  	v39 =	vmul.f32 v25, v32;
	[tilespmem:s2+$0x11000] =	vst v63;
	v20 =	vadd.f32 v20, v35;
	v49 =	vmul.f32 v30, v17  }
0x450: {  	v25 =	vmul.f32 v50, v22;
	v38 =	vsub.f32 $0.0e+00, v21;
	[tilespmem:s2+$0x12000] =	vst v21;
	v13 =	vmul.f32 v29, v13  }
0x451: {  	v41 =	vsub.f32 $0.0e+00, v20;
	[tilespmem:s2+$0x12800] =	vst v20;
	v16 =	vmul.f32 v29, v16;
	v42 =	vmul.f32 v29, v29  }
0x452: {  	v18 =	vmul.f32 v29, v18;
	[tilespmem:s2+$0x13000] =	vst v38;
	v43 =	vmul.f32 v13, v40  }
0x453: {  	v21 =	vadd.f32 v31, v39;
	[tilespmem:s2+$0x13800] =	vst v41;
	v44 =	vmul.f32 v16, v28;
	v45 =	vmul.f32 v13, v28  }
0x454: {  	v15 =	vadd.f32 v31, v15;
	[tilespmem:s1+$0x17800] =	vst v13;
	v46 =	vmul.f32 v16, v40;
	v47 =	vmul.f32 v13, v23  }
0x455: {  	v25 =	vsub.f32 $1.500000000e+00, v25;
	v48 =	vmul.f32 v16, v24;
	v51 =	vmul.f32 v13, v24;
	[tilespmem:s2+$0x11800] =	vst v21  }
0x456: {  	v52 =	vmul.f32 v16, v23;
	v53 =	vmul.f32 v42, v29;
	[tilespmem:s2+$0x10000] =	vst v15;
	v20 =	vadd.f32 v44, v43  }
0x457: {  	v7 =	vmul.f32 v29, v7;
	v19 =	vmul.f32 v42, v49;
	[tilespmem:s1+$0x18000] =	vst v16;
	v21 =	vsub.f32 v45, v46  }
0x458: {  	v15 =	vadd.f32 v48, v47;
	v23 =	vsub.f32 v51, v52;
	v54 =	vmul.f32 v53, v49;
	[tilespmem:s1+$0x15000] =	vst v20  }
0x459: {  	v22 =	vmul.f32 v25, v22;
	v19 =	vmul.f32 $6.000000000e+00, v19;
	[tilespmem:s1+$0x15800] =	vst v21  }
0x45a: {  	[tilespmem:s1+$0x14000] =	vst v15;
	v24 =	vmul.f32 $1.200000000e+01, v54;
	v28 =	vsub.f32 v15, v20;
	v57 =	vsub.f32 v23, v21  }
0x45b: {  	v5 =	vadd.f32 v5, v5;
	v60 =	vmul.f32 v22, v26;
	v61 =	vmul.f32 v19, v14;
	v55 =	vld [tilespmem:s25+$0x3000];
	[tilespmem:s1+$0x14800] =	vst v23  }
0x45c: {  	v21 =	vsub.f32 v21, v23;
	v56 =	vld [tilespmem:s25+$0x2800];
	[tilespmem:s1+$0x17000] =	vst v7;
	v58 =	vmul.f32 v28, v18;
	v62 =	vmul.f32 v57, v24  }
0x45d: {  	v5 =	vadd.f32 v8, v5;
	v17 =	vmul.f32 v29, v49;
	v15 =	vsub.f32 v20, v15;
	v59 =	vld [tilespmem:s25+$0x2000]  }
0x45e: {  	v28 =	vmul.f32 v60, v22;
	v34 =	vmul.f32 v21, v29;
	v63 =	vld [tilespmem:s25+$0x5800];
	[tilespmem:s1+$0xF000] =	vst v58;
	v8 =	vadd.f32 v62, v61  }
0x45f: {  	v30 =	vmul.f32 v58, v13;
	v32 =	vmul.f32 v58, v16;
	v31 =	vld [tilespmem:s25+$0x5000];
	[tilespmem:s1+$0x16000] =	vst v15  }
0x460: {  	v7 =	vsub.f32 $0.0e+00, v58;
	v33 =	vsub.f32 $1.500000000e+00, v28;
	[tilespmem:s1+$0x16800] =	vst v34;
	v16 =	vmul.f32 v8, v16  }
0x461: {  	v10 =	vmul.f32 v17, v10;
	v35 =	vsub.f32 $0.0e+00, v8;
	[tilespmem:s1+$0xF800] =	vst v8;
	v8 =	vmul.f32 v8, v13  }
0x462: {  	v5 =	vmul.f32 v17, v5;
	[tilespmem:s1+$0x10800] =	vst v7;
	v36 =	vmul.f32 v33, v22;
	v37 =	vsub.f32 v30, v16  }
0x463: {  	v53 =	vmul.f32 $4.000000000e+00, v1;
	v19 =	vmul.f32 v57, v19;
	[tilespmem:s1+$0x11000] =	vst v35;
	v8 =	vadd.f32 v8, v32  }
0x464: {  	v11 =	vmul.f32 v36, v11;
	v9 =	vmul.f32 v36, v9;
	v14 =	vsub.f32 $0.0e+00, v37;
	[tilespmem:s1+$0x12000] =	vst v37  }
0x465: {  	v38 =	vmul.f32 v36, v36;
	v42 =	vmul.f32 v59, v6;
	v39 =	vsub.f32 $0.0e+00, v8;
	[tilespmem:s1+$0x12800] =	vst v8  }
0x466: {  	v12 =	vmul.f32 v36, v12;
	v4 =	vmul.f32 v36, v4;
	[tilespmem:s1+$0x13000] =	vst v14  }
0x467: {  	v5 =	vadd.f32 v19, v5;
	v40 =	vmul.f32 v11, v31;
	v41 =	vmul.f32 v9, v63;
	[tilespmem:s1+$0x13800] =	vst v39  }
0x468: {  	v10 =	vadd.f32 v19, v10;
	v44 =	vmul.f32 v11, v56;
	v45 =	vmul.f32 v9, v55;
	[tilespmem:s25+$0x17800] =	vst v11  }
0x469: {  	v46 =	vmul.f32 v11, v63;
	v47 =	vmul.f32 v9, v31;
	[tilespmem:s1+$0x11800] =	vst v5  }
0x46a: {  	v43 =	vmul.f32 v38, v36;
	v48 =	vmul.f32 v11, v55;
	v8 =	vadd.f32 v41, v40;
	[tilespmem:s1+$0x10000] =	vst v10  }
0x46b: {  	v49 =	vmul.f32 v9, v56;
	v51 =	vsub.f32 v46, v47;
	v15 =	vadd.f32 v45, v44;
	[tilespmem:s25+$0x18000] =	vst v9  }
0x46c: {  	v54 =	vadd.f32 v1, v1;
	v50 =	vmul.f32 v38, v42;
	v14 =	vmul.f32 v43, v42;
	[tilespmem:s25+$0x15000] =	vst v8  }
0x46d: {  	v6 =	vmul.f32 v36, v42;
	v5 =	vsub.f32 v48, v49;
	v16 =	vsub.f32 v15, v8;
	[tilespmem:s25+$0x15800] =	vst v51  }
0x46e: {  	v0 =	vadd.f32 v0, v54;
	v10 =	vmul.f32 $6.000000000e+00, v50;
	v14 =	vmul.f32 $1.200000000e+01, v14;
	[tilespmem:s25+$0x14000] =	vst v15  }
0x46f: {  	v8 =	vsub.f32 v8, v15;
	[tilespmem:s25+$0x17000] =	vst v4;
	v52 =	vsub.f32 v5, v51;
	v12 =	vmul.f32 v16, v12  }
0x470: {  	v2 =	vadd.f32 v2, v53;
	v0 =	vmul.f32 v6, v0;
	[tilespmem:s25+$0x14800] =	vst v5;
	v55 =	vsub.f32 v51, v5  }
0x471: {  	v3 =	vmul.f32 v10, v3;
	[tilespmem:s25+$0x16000] =	vst v8;
	v14 =	vmul.f32 v52, v14;
	v57 =	vsub.f32 $0.0e+00, v12  }
0x472: {  	[tilespmem:s25+$0xF000] =	vst v12;
	v4 =	vmul.f32 v55, v36;
	v61 =	vmul.f32 v52, v10  }
0x473: {  	v62 =	vmul.f32 v6, v2;
	v3 =	vadd.f32 v14, v3;
	[tilespmem:s25+$0x10800] =	vst v57  }
0x474: {  	v56 =	vmul.f32 v12, v11;
	[tilespmem:s25+$0x16800] =	vst v4;
	v0 =	vadd.f32 v61, v0  }
0x475: {  	v58 =	vmul.f32 v12, v9;
	v1 =	vadd.f32 v61, v62;
	v9 =	vmul.f32 v3, v9;
	[tilespmem:s25+$0xF800] =	vst v3  }
0x476: {  	v59 =	vsub.f32 $0.0e+00, v3;
	v3 =	vmul.f32 v3, v11;
	[tilespmem:s25+$0x11800] =	vst v0  }
0x477: {  	[tilespmem:s25+$0x10000] =	vst v1;
	v60 =	vsub.f32 v56, v9  }
0x478: {  	[tilespmem:s25+$0x11000] =	vst v59;
	v3 =	vadd.f32 v3, v58  }
0x479: {  	v5 =	vsub.f32 $0.0e+00, v60;
	[tilespmem:s25+$0x12000] =	vst v60  }
0x47a: {  	v63 =	vsub.f32 $0.0e+00, v3;
	[tilespmem:s25+$0x12800] =	vst v3  }
0x47b: {  	s4 =	rddreg [dreg:$0x7];
	[tilespmem:s25+$0x13000] =	vst v5  }
0x47c: {  	s3 =	rddreg [dreg:$0x8];
	s1 =	sadd.s32 s4, s22;
	[tilespmem:s25+$0x13800] =	vst v63;
	s25 =	simm.s32 $0xF000  }
0x47d: {  	[hbm4b:s1+s13] =	stream.linear.scatter [tilespmem:s25], [sflag:$0x3], $0x7D0, $0x38;
	[tilespmem:$0x1D150] =	vst v63  }
0x47e: {  	s4 =	simm.s32 $0xF800;
	s1 =	sadd.s32 s3, s22;
	s25 =	rddreg [dreg:$0x9]  }
0x47f: {  	[hbm4b:s1+s13] =	stream.linear.scatter [tilespmem:s4], [sflag:$0x3], $0x7D0, $0x38;
	[tilespmem:$0x1D150] =	vst v63  }
0x480: {  	s2 =	rddreg [dreg:$0xa];
	s1 =	sadd.s32 s25, s22  }
0x481: {  	[hbm4b:s1+s13] =	stream.linear.scatter [tilespmem:s11], [sflag:$0x3], $0x7D0, $0x38;
	[tilespmem:$0x1D150] =	vst v63  }
0x482: {  	s3 =	simm.s32 $0x10800;
	s4 =	rddreg [dreg:$0xb];
	s1 =	sadd.s32 s2, s22  }
0x483: {  	[hbm4b:s1+s13] =	stream.linear.scatter [tilespmem:s3], [sflag:$0x3], $0x7D0, $0x38;
	[tilespmem:$0x1D150] =	vst v63  }
0x484: {  	s25 =	simm.s32 $0x11000;
	s1 =	sadd.s32 s4, s22;
	s3 =	rddreg [dreg:$0xc]  }
0x485: {  	[hbm4b:s1+s13] =	stream.linear.scatter [tilespmem:s25], [sflag:$0x3], $0x7D0, $0x38;
	[tilespmem:$0x1D150] =	vst v63  }
0x486: {  	s4 =	rddreg [dreg:$0xd];
	s1 =	sadd.s32 s3, s22  }
0x487: {  	[hbm4b:s1+s13] =	stream.linear.scatter [tilespmem:s12], [sflag:$0x3], $0x7D0, $0x38;
	[tilespmem:$0x1D150] =	vst v63  }
0x488: {  	s25 =	rddreg [dreg:$0x17];
	s1 =	sadd.s32 s4, s22  }
0x489: {  	[hbm4b:s1+s13] =	stream.linear.scatter [tilespmem:s14], [sflag:$0x3], $0x7D0, $0x38;
	[tilespmem:$0x1D150] =	vst v63  }
0x48a: {  	s2 =	rddreg [dreg:$0x18];
	s1 =	sadd.s32 s25, s22  }
0x48b: {  	[hbm4b:s1+s13] =	stream.linear.scatter [tilespmem:s15], [sflag:$0x3], $0x7D0, $0x38;
	[tilespmem:$0x1D150] =	vst v63  }
0x48c: {  	s3 =	rddreg [dreg:$0x19];
	s1 =	sadd.s32 s2, s22  }
0x48d: {  	[hbm4b:s1+s13] =	stream.linear.scatter [tilespmem:s16], [sflag:$0x3], $0x7D0, $0x38;
	[tilespmem:$0x1D150] =	vst v63  }
0x48e: {  	s4 =	rddreg [dreg:$0x1a];
	s1 =	sadd.s32 s3, s22  }
0x48f: {  	[hbm4b:s1+s13] =	stream.linear.scatter [tilespmem:s17], [sflag:$0x3], $0x7D0, $0x38;
	[tilespmem:$0x1D150] =	vst v63  }
0x490: {  	s25 =	simm.s32 $0x14000;
	s2 =	rddreg [dreg:$0x1b];
	s1 =	sadd.s32 s4, s22  }
0x491: {  	[hbm4b:s1+s13] =	stream.linear.scatter [tilespmem:s25], [sflag:$0x3], $0x7D0, $0x38;
	[tilespmem:$0x1D150] =	vst v63  }
0x492: {  	s3 =	simm.s32 $0x14800;
	s4 =	rddreg [dreg:$0x1c];
	s1 =	sadd.s32 s2, s22  }
0x493: {  	[hbm4b:s1+s13] =	stream.linear.scatter [tilespmem:s3], [sflag:$0x3], $0x7D0, $0x38;
	[tilespmem:$0x1D150] =	vst v63  }
0x494: {  	s25 =	simm.s32 $0x15000;
	s2 =	rddreg [dreg:$0x1d];
	s1 =	sadd.s32 s4, s22  }
0x495: {  	[hbm4b:s1+s13] =	stream.linear.scatter [tilespmem:s25], [sflag:$0x3], $0x7D0, $0x38;
	[tilespmem:$0x1D150] =	vst v63  }
0x496: {  	s3 =	simm.s32 $0x15800;
	s4 =	rddreg [dreg:$0x10];
	s1 =	sadd.s32 s2, s22  }
0x497: {  	[hbm4b:s1+s13] =	stream.linear.scatter [tilespmem:s3], [sflag:$0x3], $0x7D0, $0x38;
	[tilespmem:$0x1D150] =	vst v63  }
0x498: {  	s25 =	simm.s32 $0x16000;
	s2 =	rddreg [dreg:$0x11];
	s1 =	sadd.s32 s4, s22  }
0x499: {  	[hbm4b:s1+s13] =	stream.linear.scatter [tilespmem:s25], [sflag:$0x3], $0x7D0, $0x38;
	[tilespmem:$0x1D150] =	vst v63  }
0x49a: {  	s3 =	simm.s32 $0x16800;
	s4 =	rddreg [dreg:$0x12];
	s1 =	sadd.s32 s2, s22  }
0x49b: {  	[hbm4b:s1+s13] =	stream.linear.scatter [tilespmem:s3], [sflag:$0x3], $0x7D0, $0x38;
	[tilespmem:$0x1D150] =	vst v63  }
0x49c: {  	s25 =	simm.s32 $0x17000;
	s2 =	rddreg [dreg:$0x13];
	s1 =	sadd.s32 s4, s22  }
0x49d: {  	[hbm4b:s1+s13] =	stream.linear.scatter [tilespmem:s25], [sflag:$0x3], $0x7D0, $0x38;
	[tilespmem:$0x1D150] =	vst v63  }
0x49e: {  	s3 =	simm.s32 $0x17800;
	s4 =	rddreg [dreg:$0x14];
	s1 =	sadd.s32 s2, s22  }
0x49f: {  	[hbm4b:s1+s13] =	stream.linear.scatter [tilespmem:s3], [sflag:$0x3], $0x7D0, $0x38;
	[tilespmem:$0x1D150] =	vst v63  }
0x4a0: {  	s25 =	simm.s32 $0x18000;
	s2 =	rddreg [dreg:$0xe];
	s1 =	sadd.s32 s4, s22  }
0x4a1: {  	[hbm4b:s1+s13] =	stream.linear.scatter [tilespmem:s25], [sflag:$0x3], $0x7D0, $0x38;
	[tilespmem:$0x1D150] =	vst v63  }
0x4a2: {  	s3 =	simm.s32 $0x3800;
	s4 =	rddreg [dreg:$0xf];
	s1 =	sadd.s32 s2, s22  }
0x4a3: {  	[hbm4b:s1+s13] =	stream.linear.scatter [tilespmem:s3], [sflag:$0x3], $0x7D0, $0x38;
	[tilespmem:$0x1D150] =	vst v63  }
0x4a4: {  	s25 =	simm.s32 $0x6000;
	s1 =	sadd.s32 s4, s22  }
0x4a5: {  	[hbm4b:s1+s13] =	stream.linear.scatter [tilespmem:s25], [sflag:$0x3], $0x7D0, $0x38;
	[tilespmem:$0x1D150] =	vst v63  }
0x4a6: {  	_ = 	snop  }
0x4a7: {  	[spmem:s21] =	stream.indirect.scatter.add.f32 [tilespmem:s14], [sflag:$0x4], $0x1, s13, s10, $0xb8;
	[tilespmem:$0x1D150] =	vst v63  }
0x4a8: {  	_ = 	snop  }
0x4a9: {  	[spmem:s23] =	stream.indirect.scatter.add.f32 [tilespmem:s15], [sflag:$0x4], $0x1, s13, s10, $0xb8;
	[tilespmem:$0x1D150] =	vst v63  }
0x4aa: {  	_ = 	snop  }
0x4ab: {  	[spmem:s24] =	stream.indirect.scatter.add.f32 [tilespmem:s11], [sflag:$0x4], $0x1, s13, s10, $0xb8;
	[tilespmem:$0x1D150] =	vst v63  }
0x4ac: {  	_ = 	snop  }
0x4ad: {  	[spmem:s21] =	stream.indirect.scatter.add.f32 [tilespmem:s16], [sflag:$0x4], $0x1, s8, s10, $0xb8;
	[tilespmem:$0x1D150] =	vst v63  }
.Ltmp5:
0x4ae: {  	_ = 	snop;
	(pc) =	sbr.rel @p3 .LBB3_10-.Ltmp5, $4  }
0x4af: {  	_ = 	snop  }
0x4b0: {  	[spmem:s23] =	stream.indirect.scatter.add.f32 [tilespmem:s17], [sflag:$0x4], $0x1, s8, s10, $0xb8;
	[tilespmem:$0x1D150] =	vst v63  }
0x4b1: {  	_ = 	snop  }
0x4b2: {  	[spmem:s24] =	stream.indirect.scatter.add.f32 [tilespmem:s12], [sflag:$0x4], $0x1, s8, s10, $0xb8;
	[tilespmem:$0x1D150] =	vst v63  }
0x4b3: {  	_ =	swait.ge [sflag:s9], $0x7D0  }
0x4b4: {  	[sflag:s9] =	ssyncset.done $0x0  }
0x4b5: {  	[sflag:s9] =	ssyncadd.s32 $0xFFFFF830  }
0x4b6: {  	_ =	swait.ge [sflag:s9], $0x7D0  }
0x4b7: {  	[sflag:s9] =	ssyncset.done $0x0  }
0x4b8: {  	[sflag:s9] =	ssyncadd.s32 $0xFFFFF830  }
0x4b9: {  	_ =	swait.ge [sflag:s9], $0x7D0  }
0x4ba: {  	[sflag:s9] =	ssyncset.done $0x0  }
0x4bb: {  	[sflag:s9] =	ssyncadd.s32 $0xFFFFF830  }
0x4bc: {  	_ =	swait.ge [sflag:s9], $0x7D0  }
0x4bd: {  	[sflag:s9] =	ssyncset.done $0x0  }
0x4be: {  	[sflag:s9] =	ssyncadd.s32 $0xFFFFF830  }
0x4bf: {  	_ =	swait.ge [sflag:s9], $0x7D0  }
0x4c0: {  	[sflag:s9] =	ssyncset.done $0x0  }
0x4c1: {  	s1 =	simm.s32 $0xA000;
	[sflag:s9] =	ssyncadd.s32 $0xFFFFF830  }
0x4c2: {  	[tilespmem:s1], [sflag:$0x2] =	stream.indirect.gather [hbm4b:s26+s10], $0x1, s6, s10, $0xb8;
	[tilespmem:$0x1D150] =	vst v63  }
0x4c3: {  	s3 =	simm.s32 $0xA800  }
0x4c4: {  	[tilespmem:s3], [sflag:$0x2] =	stream.indirect.gather [hbm4b:s28+s10], $0x1, s6, s10, $0xb8;
	[tilespmem:$0x1D150] =	vst v63  }
0x4c5: {  	s4 =	simm.s32 $0xB000  }
0x4c6: {  	[tilespmem:s4], [sflag:$0x2] =	stream.indirect.gather [hbm4b:s29+s10], $0x1, s6, s10, $0xb8;
	[tilespmem:$0x1D150] =	vst v63  }
0x4c7: {  	s22 =	simm.s32 $0xB800  }
0x4c8: {  	[tilespmem:s22], [sflag:$0x2] =	stream.indirect.gather [hbm4b:s30+s10], $0x1, s6, s10, $0xb8;
	[tilespmem:$0x1D150] =	vst v63  }
0x4c9: {  	s25 =	simm.s32 $0xC000  }
0x4ca: {  	[tilespmem:s25], [sflag:$0x2] =	stream.indirect.gather [hbm4b:s31+s10], $0x1, s6, s10, $0xb8;
	[tilespmem:$0x1D150] =	vst v63  }
0x4cb: {  	s2 =	simm.s32 $0xC800  }
0x4cc: {  	[tilespmem:s2], [sflag:$0x2] =	stream.indirect.gather [hbm4b:s26+s10], $0x1, s5, s10, $0xb8;
	[tilespmem:$0x1D150] =	vst v63  }
0x4cd: {  	s3 =	simm.s32 $0xD000  }
0x4ce: {  	[tilespmem:s3], [sflag:$0x2] =	stream.indirect.gather [hbm4b:s28+s10], $0x1, s5, s10, $0xb8;
	[tilespmem:$0x1D150] =	vst v63  }
0x4cf: {  	s4 =	simm.s32 $0xD800  }
0x4d0: {  	[tilespmem:s4], [sflag:$0x2] =	stream.indirect.gather [hbm4b:s29+s10], $0x1, s5, s10, $0xb8;
	[tilespmem:$0x1D150] =	vst v63  }
.Ltmp6:
0x4d1: {  	_ = 	snop;
	(pc) =	sbr.rel .LBB3_4-.Ltmp6, $4  }
0x4d2: {  	s22 =	simm.s32 $0xE000  }
0x4d3: {  	[tilespmem:s22], [sflag:$0x2] =	stream.indirect.gather [hbm4b:s30+s10], $0x1, s5, s10, $0xb8;
	[tilespmem:$0x1D150] =	vst v63  }
0x4d4: {  	s0 =	sadd.s32 $0x1, s0;
	s25 =	simm.s32 $0xE800  }
0x4d5: {  	[tilespmem:s25], [sflag:$0x2] =	stream.indirect.gather [hbm4b:s31+s10], $0x1, s5, s10, $0xb8;
	[tilespmem:$0x1D150] =	vst v63  }
.LBB3_11:
0x4d6: {  	_ =	sfence.sel $0x180000  }
0x4d7: {  	[bflag:$0x0] =	sbarrier.arrive $0xFFFF  }
0x4d8: {  	_ =	strace $0x90000047  }
0x4d9: {  	[bflag:$0x2] =	sbarrier.arrive $0xFFFF  }
0x4da: {  	s0 =	rddreg [dreg:$0x15]  }
0x4db: {  	s0 =	sadd.s32 @!p1 $0x100000, s0  }
0x4dc: {  	[sflag:s0] =	ssyncadd.tile.s32 @!p1 $0x1;
	_ =	shalt  }
.Lfunc_end3:
_tile_overlayer_lowered:
.L_overlay_start_3:
0x4dd: {  	(tag) =	ssettag $0x3  }
0x4de: {  	s0 =	rddreg [dreg:$0x0];
	s2 =	stileid.u32  }
0x4df: {  	s1 =	rddreg [dreg:$0x1];
	p0 =	sne.s32 s2, $0x0  }
0x4e0: {  	s3 =	rddreg [dreg:$0x2];
	[bflag:$0x3] =	sbarrier.arrive $0xFFFF;
	s2 =	simm.s32 @!p0 $0x1C05  }
0x4e1: {  	[timem:s3], [sflag:s2] =	dma.local @!p0 [hbm:s0], s1  }
0x4e2: {  	s0 =	simm.s32 @!p0 $0x5  }
0x4e3: {  	_ =	swait.ge @!p0 [sflag:s0], s1  }
0x4e4: {  	s1 =	ssub.s32 @!p0 $0x0, s1;
	[sflag:s0] =	ssyncset.done @!p0 $0x0  }
0x4e5: {  	[sflag:s0] =	ssyncadd.s32 @!p0 s1  }
0x4e6: {  	[bflag:$0x3] =	sbarrier.arrive $0xFFFF  }
0x4e7: {  	_ =	shalt  }

</sc_bundles>
